<compile_context>
chip_gen: v7x
topology: tpu7x:2x2x1
jax: 0.10.2.dev20260603
libtpu: 0.0.44.dev20260713+nightly
codegen_flags: <defaults>
</compile_context>

<pallas_src>
import functools

import jax
import jax.numpy as jnp
from jax import lax
from jax.experimental import pallas as pl
from jax.experimental.pallas import tpu as pltpu
from jax.experimental.pallas import tpu_sc as plsc

VOCAB = 1000000
EMBED = 64
BATCH = 16384

NC = 2
NS = 16
L = 16
NW = NC * NS
B_PER_W = BATCH // NW
ROUNDS = B_PER_W // L


def _w2v_dots(idx_hbm, embed_hbm, out_hbm,
              idx_v, tbuf, cbuf, out_v, sem0, sem1):
    wid = lax.axis_index("s") * NC + lax.axis_index("c")
    base = wid * B_PER_W
    sems = (sem0, sem1)
    iota = lax.iota(jnp.int32, L)

    pltpu.sync_copy(idx_hbm.at[wid], idx_v)

    def round_idx(r, row_off):
        return idx_v[row_off + (r >> 3), pl.ds((r & 7) * L, L)]

    def fire(r, buf):
        tid = round_idx(r, 0) >> 3
        cid = round_idx(r, 4) >> 3
        for u in range(L):
            pltpu.async_copy(embed_hbm.at[tid[u]], tbuf.at[buf, u], sems[buf])
            pltpu.async_copy(embed_hbm.at[cid[u]], cbuf.at[buf, u], sems[buf])

    def wait(buf):
        dummy = embed_hbm.at[pl.ds(0, L)]
        pltpu.make_async_copy(dummy, tbuf.at[buf], sems[buf]).wait()
        pltpu.make_async_copy(dummy, cbuf.at[buf], sems[buf]).wait()

    def compute(r, buf):
        tsub = round_idx(r, 0) & 7
        csub = round_idx(r, 4) & 7
        bufv = jnp.full((L,), buf, jnp.int32)
        acc = jnp.zeros((L,), jnp.float32)
        for e in range(EMBED):
            ev = jnp.full((L,), e, jnp.int32)
            t = plsc.load_gather(tbuf, [bufv, iota, tsub, ev])
            c = plsc.load_gather(cbuf, [bufv, iota, csub, ev])
            acc = acc + t * c
        out_v[pl.ds(r * L, L)] = acc

    fire(0, 0)

    def body(i, carry):
        for half in range(2):
            r = 2 * i + half
            wait(half)
            if half == 0:
                fire(r + 1, 1)
            else:
                @pl.when(i < ROUNDS // 2 - 1)
                def _():
                    fire(r + 1, 0)
            compute(r, half)
        return carry

    lax.fori_loop(0, ROUNDS // 2, body, 0)

    pltpu.sync_copy(out_v, out_hbm.at[pl.ds(base, B_PER_W)])


@functools.cache
def _build():
    return pl.kernel(
        _w2v_dots,
        mesh=plsc.VectorSubcoreMesh(core_axis_name="c", subcore_axis_name="s"),
        compiler_params=pltpu.CompilerParams(needs_layout_passes=False),
        out_type=jax.ShapeDtypeStruct((BATCH,), jnp.float32),
        scratch_types=[
            pltpu.VMEM((8, 128), jnp.int32),
            pltpu.VMEM((2, L, 8, EMBED), jnp.float32),
            pltpu.VMEM((2, L, 8, EMBED), jnp.float32),
            pltpu.VMEM((B_PER_W,), jnp.float32),
            pltpu.SemaphoreType.DMA,
            pltpu.SemaphoreType.DMA,
        ],
    )


def kernel(xb, embed):
    idx = xb.astype(jnp.int32).reshape(2, NW, 4, 128)
    idx = jnp.concatenate([idx[0], idx[1]], axis=1)
    return _build()(idx, embed.reshape(VOCAB // 8, 8, EMBED))

# --- scband reference (transcript-rebuilt; emitter-appended) ---
"""Pipeline reference for scband-word2-vec-ns-27693949125158 (READ-ONLY COPY).

The authoritative reference and input builder live on the scoring server;
editing this copy changes nothing except your own understanding.
"""

import jax, jax.numpy as jnp
import numpy as np
import math

VOCAB = 1000000
EMBED = 64
BATCH = 16384


def setup_inputs(seed: int = 0) -> dict:
    key = jax.random.key(seed)
    k1, k2 = jax.random.split(key)
    xb = jax.random.randint(k1, (2, BATCH), 0, VOCAB)
    embed = jax.random.normal(k2, (VOCAB, EMBED), dtype=jnp.float32) / math.sqrt(VOCAB)
    return {"xb": xb, "embed": embed}


def reference(xb, embed):
    # Original torch forward iterates over zip(*xb): for each (target, context)
    # scalar index pair it computes embed[target] @ embed[context].T (a scalar dot
    # product) and concatenates into a length-B vector. Vectorized equivalently:
    targets = xb[0]
    contexts = xb[1]
    t = jnp.take(embed, targets, axis=0)   # [B, E] gather
    c = jnp.take(embed, contexts, axis=0)  # [B, E] gather
    yhb = jnp.sum(t * c, axis=1)           # [B] per-pair dot products
    return yhb

if __name__ == "__main__":
    import jax
    _d = setup_inputs()
    print(jax.jit(kernel)(*tuple(_d.values())))

</pallas_src>

<mosaic_0001>
#map = affine_map<(d0, d1) -> (0, 0, 0)>
#map1 = affine_map<(d0, d1) -> (0)>
module attributes {stable_mosaic.version = 14 : i64} {
  func.func @_w2v_dots(%arg0: i32, %arg1: i32, %arg2: memref<32x8x128xi32, #tpu.memory_space<hbm>>, %arg3: memref<125000x8x64xf32, #tpu.memory_space<hbm>>, %arg4: memref<16384xf32, #tpu.memory_space<hbm>>, %arg5: memref<8x128xi32, #tpu.memory_space<vmem>>, %arg6: memref<2x16x8x64xf32, #tpu.memory_space<vmem>>, %arg7: memref<2x16x8x64xf32, #tpu.memory_space<vmem>>, %arg8: memref<512xf32, #tpu.memory_space<vmem>>, %arg9: memref<!tpu.dma_semaphore, #tpu.memory_space<semaphore_mem>>, %arg10: memref<!tpu.dma_semaphore, #tpu.memory_space<semaphore_mem>>) attributes {dimension_semantics = [#tpu.dimension_semantics<core_parallel>, #tpu.dimension_semantics<subcore_parallel>], iteration_bounds = array<i64: 2, 16>, scalar_prefetch = 0 : i64, scratch_operands = 6 : i64, tpu.core_type = #tpu.core_type<sc_vector_subcore>, window_params = [{transform_indices = #map}, {transform_indices = #map}, {transform_indices = #map1}]} {
    %mul3A = arith.constant 2 : i32
    %mul3A_0 = arith.muli %arg1, %mul3A : i32
    %add3A = arith.addi %mul3A_0, %arg0 : i32
    %mul3A_1 = arith.constant 512 : i32
    %mul3A_2 = arith.muli %add3A, %mul3A_1 : i32
    %iota3A = tpu.iota {dimensions = array<i32: 0>} : vector<16xi32>
    "tpu.region"() ({
      %run_scoped3A = tpu.sem_alloc : memref<!tpu.dma_semaphore, #tpu.memory_space<semaphore_mem>>
      %dma_start3A_657 = arith.constant 0 : i32
      %dma_start3A_658 = arith.constant 0 : i32
      %dma_start3A_659 = tpu.memref_slice %arg2[%add3A, %dma_start3A_657, %dma_start3A_658] : memref<32x8x128xi32, #tpu.memory_space<hbm>> -> memref<1x8x128xi32, #tpu.memory_space<hbm>>
      %dma_start3A_660 = tpu.memref_squeeze %dma_start3A_659 : memref<1x8x128xi32, #tpu.memory_space<hbm>> -> memref<8x128xi32, #tpu.memory_space<hbm>>
      %dma_start3A_661 = arith.constant 0 : i32
      %dma_start3A_662 = arith.constant 0 : i32
      %dma_start3A_663 = tpu.memref_slice %arg2[%add3A, %dma_start3A_661, %dma_start3A_662] : memref<32x8x128xi32, #tpu.memory_space<hbm>> -> memref<1x8x128xi32, #tpu.memory_space<hbm>>
      %dma_start3A_664 = tpu.memref_squeeze %dma_start3A_663 : memref<1x8x128xi32, #tpu.memory_space<hbm>> -> memref<8x128xi32, #tpu.memory_space<hbm>>
      tpu.enqueue_dma source(%dma_start3A_664 : memref<8x128xi32, #tpu.memory_space<hbm>>) target(%arg5 : memref<8x128xi32, #tpu.memory_space<vmem>>) target_semaphore(%run_scoped3A : memref<!tpu.dma_semaphore, #tpu.memory_space<semaphore_mem>>)
      %dma_wait3A = arith.constant 0 : i32
      %dma_wait3A_665 = arith.constant 0 : i32
      %dma_wait3A_666 = tpu.memref_slice %arg2[%add3A, %dma_wait3A, %dma_wait3A_665] : memref<32x8x128xi32, #tpu.memory_space<hbm>> -> memref<1x8x128xi32, #tpu.memory_space<hbm>>
      %dma_wait3A_667 = tpu.memref_squeeze %dma_wait3A_666 : memref<1x8x128xi32, #tpu.memory_space<hbm>> -> memref<8x128xi32, #tpu.memory_space<hbm>>
      %dma_wait3A_668 = arith.constant 0 : i32
      %dma_wait3A_669 = arith.constant 0 : i32
      %dma_wait3A_670 = tpu.memref_slice %arg2[%add3A, %dma_wait3A_668, %dma_wait3A_669] : memref<32x8x128xi32, #tpu.memory_space<hbm>> -> memref<1x8x128xi32, #tpu.memory_space<hbm>>
      %dma_wait3A_671 = tpu.memref_squeeze %dma_wait3A_670 : memref<1x8x128xi32, #tpu.memory_space<hbm>> -> memref<8x128xi32, #tpu.memory_space<hbm>>
      tpu.wait_dma2 semaphore(%run_scoped3A : memref<!tpu.dma_semaphore, #tpu.memory_space<semaphore_mem>>) src(%dma_wait3A_671 : memref<8x128xi32, #tpu.memory_space<hbm>>) dst(%arg5 : memref<8x128xi32, #tpu.memory_space<vmem>>)
      tpu.yield
    }) : () -> ()
    %get3A = arith.constant 0 : i32
    %get3A_3 = arith.index_cast %get3A : i32 to index
    %get3A_4 = arith.constant 0 : index
    %get3A_5 = tpu.vector_load %arg5[%get3A_3, %get3A_4] {strides = array<i32>} : memref<8x128xi32, #tpu.memory_space<vmem>>, vector<16xi32>,
    %shift_right_arithmetic3A = arith.constant 3 : i32
    %shift_right_arithmetic3A_6 = vector.broadcast %shift_right_arithmetic3A : i32 to vector<16xi32>
    %shift_right_arithmetic3A_7 = arith.shrsi %get3A_5, %shift_right_arithmetic3A_6 : vector<16xi32>
    %get3A_8 = arith.constant 4 : i32
    %get3A_9 = arith.index_cast %get3A_8 : i32 to index
    %get3A_10 = arith.constant 0 : index
    %get3A_11 = tpu.vector_load %arg5[%get3A_9, %get3A_10] {strides = array<i32>} : memref<8x128xi32, #tpu.memory_space<vmem>>, vector<16xi32>,
    %shift_right_arithmetic3A_12 = arith.constant 3 : i32
    %shift_right_arithmetic3A_13 = vector.broadcast %shift_right_arithmetic3A_12 : i32 to vector<16xi32>
    %shift_right_arithmetic3A_14 = arith.shrsi %get3A_11, %shift_right_arithmetic3A_13 : vector<16xi32>
    %slice3A = vector.extract_strided_slice %shift_right_arithmetic3A_7 {offsets = [0], sizes = [1], strides = [1]} : vector<16xi32> to vector<1xi32>
    %squeeze3A = vector.extract %slice3A[0] : i32 from vector<1xi32>
    %dma_start3A = arith.constant 0 : i32
    %dma_start3A_15 = arith.constant 0 : i32
    %dma_start3A_16 = arith.constant 0 : i32
    %dma_start3A_17 = arith.constant 0 : i32
    %dma_start3A_18 = tpu.memref_slice %arg6[%dma_start3A, %dma_start3A_15, %dma_start3A_16, %dma_start3A_17] : memref<2x16x8x64xf32, #tpu.memory_space<vmem>> -> memref<1x1x8x64xf32, #tpu.memory_space<vmem>>
    %dma_start3A_19 = tpu.memref_squeeze %dma_start3A_18 : memref<1x1x8x64xf32, #tpu.memory_space<vmem>> -> memref<8x64xf32, #tpu.memory_space<vmem>>
    %dma_start3A_20 = arith.constant 0 : i32
    %dma_start3A_21 = arith.constant 0 : i32
    %dma_start3A_22 = tpu.memref_slice %arg3[%squeeze3A, %dma_start3A_20, %dma_start3A_21] : memref<125000x8x64xf32, #tpu.memory_space<hbm>> -> memref<1x8x64xf32, #tpu.memory_space<hbm>>
    %dma_start3A_23 = tpu.memref_squeeze %dma_start3A_22 : memref<1x8x64xf32, #tpu.memory_space<hbm>> -> memref<8x64xf32, #tpu.memory_space<hbm>>
    %dma_start3A_24 = arith.constant 0 : i32
    %dma_start3A_25 = arith.constant 0 : i32
    %dma_start3A_26 = tpu.memref_slice %arg6[%dma_start3A, %dma_start3A_15, %dma_start3A_24, %dma_start3A_25] : memref<2x16x8x64xf32, #tpu.memory_space<vmem>> -> memref<1x1x8x64xf32, #tpu.memory_space<vmem>>
    %dma_start3A_27 = tpu.memref_squeeze %dma_start3A_26 : memref<1x1x8x64xf32, #tpu.memory_space<vmem>> -> memref<8x64xf32, #tpu.memory_space<vmem>>
    %dma_start3A_28 = arith.constant 0 : i32
    %dma_start3A_29 = arith.constant 0 : i32
    %dma_start3A_30 = tpu.memref_slice %arg3[%squeeze3A, %dma_start3A_28, %dma_start3A_29] : memref<125000x8x64xf32, #tpu.memory_space<hbm>> -> memref<1x8x64xf32, #tpu.memory_space<hbm>>
    %dma_start3A_31 = tpu.memref_squeeze %dma_start3A_30 : memref<1x8x64xf32, #tpu.memory_space<hbm>> -> memref<8x64xf32, #tpu.memory_space<hbm>>
    tpu.enqueue_dma source(%dma_start3A_31 : memref<8x64xf32, #tpu.memory_space<hbm>>) target(%dma_start3A_27 : memref<8x64xf32, #tpu.memory_space<vmem>>) target_semaphore(%arg9 : memref<!tpu.dma_semaphore, #tpu.memory_space<semaphore_mem>>)
    %slice3A_32 = vector.extract_strided_slice %shift_right_arithmetic3A_14 {offsets = [0], sizes = [1], strides = [1]} : vector<16xi32> to vector<1xi32>
    %squeeze3A_33 = vector.extract %slice3A_32[0] : i32 from vector<1xi32>
    %dma_start3A_34 = arith.constant 0 : i32
    %dma_start3A_35 = arith.constant 0 : i32
    %dma_start3A_36 = arith.constant 0 : i32
    %dma_start3A_37 = arith.constant 0 : i32
    %dma_start3A_38 = tpu.memref_slice %arg7[%dma_start3A_34, %dma_start3A_35, %dma_start3A_36, %dma_start3A_37] : memref<2x16x8x64xf32, #tpu.memory_space<vmem>> -> memref<1x1x8x64xf32, #tpu.memory_space<vmem>>
    %dma_start3A_39 = tpu.memref_squeeze %dma_start3A_38 : memref<1x1x8x64xf32, #tpu.memory_space<vmem>> -> memref<8x64xf32, #tpu.memory_space<vmem>>
    %dma_start3A_40 = arith.constant 0 : i32
    %dma_start3A_41 = arith.constant 0 : i32
    %dma_start3A_42 = tpu.memref_slice %arg3[%squeeze3A_33, %dma_start3A_40, %dma_start3A_41] : memref<125000x8x64xf32, #tpu.memory_space<hbm>> -> memref<1x8x64xf32, #tpu.memory_space<hbm>>
    %dma_start3A_43 = tpu.memref_squeeze %dma_start3A_42 : memref<1x8x64xf32, #tpu.memory_space<hbm>> -> memref<8x64xf32, #tpu.memory_space<hbm>>
    %dma_start3A_44 = arith.constant 0 : i32
    %dma_start3A_45 = arith.constant 0 : i32
    %dma_start3A_46 = tpu.memref_slice %arg7[%dma_start3A_34, %dma_start3A_35, %dma_start3A_44, %dma_start3A_45] : memref<2x16x8x64xf32, #tpu.memory_space<vmem>> -> memref<1x1x8x64xf32, #tpu.memory_space<vmem>>
    %dma_start3A_47 = tpu.memref_squeeze %dma_start3A_46 : memref<1x1x8x64xf32, #tpu.memory_space<vmem>> -> memref<8x64xf32, #tpu.memory_space<vmem>>
    %dma_start3A_48 = arith.constant 0 : i32
    %dma_start3A_49 = arith.constant 0 : i32
    %dma_start3A_50 = tpu.memref_slice %arg3[%squeeze3A_33, %dma_start3A_48, %dma_start3A_49] : memref<125000x8x64xf32, #tpu.memory_space<hbm>> -> memref<1x8x64xf32, #tpu.memory_space<hbm>>
    %dma_start3A_51 = tpu.memref_squeeze %dma_start3A_50 : memref<1x8x64xf32, #tpu.memory_space<hbm>> -> memref<8x64xf32, #tpu.memory_space<hbm>>
    tpu.enqueue_dma source(%dma_start3A_51 : memref<8x64xf32, #tpu.memory_space<hbm>>) target(%dma_start3A_47 : memref<8x64xf32, #tpu.memory_space<vmem>>) target_semaphore(%arg9 : memref<!tpu.dma_semaphore, #tpu.memory_space<semaphore_mem>>)
    %slice3A_52 = vector.extract_strided_slice %shift_right_arithmetic3A_7 {offsets = [1], sizes = [1], strides = [1]} : vector<16xi32> to vector<1xi32>
    %squeeze3A_53 = vector.extract %slice3A_52[0] : i32 from vector<1xi32>
    %dma_start3A_54 = arith.constant 0 : i32
    %dma_start3A_55 = arith.constant 1 : i32
    %dma_start3A_56 = arith.constant 0 : i32
    %dma_start3A_57 = arith.constant 0 : i32
    %dma_start3A_58 = tpu.memref_slice %arg6[%dma_start3A_54, %dma_start3A_55, %dma_start3A_56, %dma_start3A_57] : memref<2x16x8x64xf32, #tpu.memory_space<vmem>> -> memref<1x1x8x64xf32, #tpu.memory_space<vmem>>
    %dma_start3A_59 = tpu.memref_squeeze %dma_start3A_58 : memref<1x1x8x64xf32, #tpu.memory_space<vmem>> -> memref<8x64xf32, #tpu.memory_space<vmem>>
    %dma_start3A_60 = arith.constant 0 : i32
    %dma_start3A_61 = arith.constant 0 : i32
    %dma_start3A_62 = tpu.memref_slice %arg3[%squeeze3A_53, %dma_start3A_60, %dma_start3A_61] : memref<125000x8x64xf32, #tpu.memory_space<hbm>> -> memref<1x8x64xf32, #tpu.memory_space<hbm>>
    %dma_start3A_63 = tpu.memref_squeeze %dma_start3A_62 : memref<1x8x64xf32, #tpu.memory_space<hbm>> -> memref<8x64xf32, #tpu.memory_space<hbm>>
    %dma_start3A_64 = arith.constant 0 : i32
    %dma_start3A_65 = arith.constant 0 : i32
    %dma_start3A_66 = tpu.memref_slice %arg6[%dma_start3A_54, %dma_start3A_55, %dma_start3A_64, %dma_start3A_65] : memref<2x16x8x64xf32, #tpu.memory_space<vmem>> -> memref<1x1x8x64xf32, #tpu.memory_space<vmem>>
    %dma_start3A_67 = tpu.memref_squeeze %dma_start3A_66 : memref<1x1x8x64xf32, #tpu.memory_space<vmem>> -> memref<8x64xf32, #tpu.memory_space<vmem>>
    %dma_start3A_68 = arith.constant 0 : i32
    %dma_start3A_69 = arith.constant 0 : i32
    %dma_start3A_70 = tpu.memref_slice %arg3[%squeeze3A_53, %dma_start3A_68, %dma_start3A_69] : memref<125000x8x64xf32, #tpu.memory_space<hbm>> -> memref<1x8x64xf32, #tpu.memory_space<hbm>>
    %dma_start3A_71 = tpu.memref_squeeze %dma_start3A_70 : memref<1x8x64xf32, #tpu.memory_space<hbm>> -> memref<8x64xf32, #tpu.memory_space<hbm>>
    tpu.enqueue_dma source(%dma_start3A_71 : memref<8x64xf32, #tpu.memory_space<hbm>>) target(%dma_start3A_67 : memref<8x64xf32, #tpu.memory_space<vmem>>) target_semaphore(%arg9 : memref<!tpu.dma_semaphore, #tpu.memory_space<semaphore_mem>>)
    %slice3A_72 = vector.extract_strided_slice %shift_right_arithmetic3A_14 {offsets = [1], sizes = [1], strides = [1]} : vector<16xi32> to vector<1xi32>
    %squeeze3A_73 = vector.extract %slice3A_72[0] : i32 from vector<1xi32>
    %dma_start3A_74 = arith.constant 0 : i32
    %dma_start3A_75 = arith.constant 1 : i32
    %dma_start3A_76 = arith.constant 0 : i32
    %dma_start3A_77 = arith.constant 0 : i32
    %dma_start3A_78 = tpu.memref_slice %arg7[%dma_start3A_74, %dma_start3A_75, %dma_start3A_76, %dma_start3A_77] : memref<2x16x8x64xf32, #tpu.memory_space<vmem>> -> memref<1x1x8x64xf32, #tpu.memory_space<vmem>>
    %dma_start3A_79 = tpu.memref_squeeze %dma_start3A_78 : memref<1x1x8x64xf32, #tpu.memory_space<vmem>> -> memref<8x64xf32, #tpu.memory_space<vmem>>
    %dma_start3A_80 = arith.constant 0 : i32
    %dma_start3A_81 = arith.constant 0 : i32
    %dma_start3A_82 = tpu.memref_slice %arg3[%squeeze3A_73, %dma_start3A_80, %dma_start3A_81] : memref<125000x8x64xf32, #tpu.memory_space<hbm>> -> memref<1x8x64xf32, #tpu.memory_space<hbm>>
    %dma_start3A_83 = tpu.memref_squeeze %dma_start3A_82 : memref<1x8x64xf32, #tpu.memory_space<hbm>> -> memref<8x64xf32, #tpu.memory_space<hbm>>
    %dma_start3A_84 = arith.constant 0 : i32
    %dma_start3A_85 = arith.constant 0 : i32
    %dma_start3A_86 = tpu.memref_slice %arg7[%dma_start3A_74, %dma_start3A_75, %dma_start3A_84, %dma_start3A_85] : memref<2x16x8x64xf32, #tpu.memory_space<vmem>> -> memref<1x1x8x64xf32, #tpu.memory_space<vmem>>
    %dma_start3A_87 = tpu.memref_squeeze %dma_start3A_86 : memref<1x1x8x64xf32, #tpu.memory_space<vmem>> -> memref<8x64xf32, #tpu.memory_space<vmem>>
    %dma_start3A_88 = arith.constant 0 : i32
    %dma_start3A_89 = arith.constant 0 : i32
    %dma_start3A_90 = tpu.memref_slice %arg3[%squeeze3A_73, %dma_start3A_88, %dma_start3A_89] : memref<125000x8x64xf32, #tpu.memory_space<hbm>> -> memref<1x8x64xf32, #tpu.memory_space<hbm>>
    %dma_start3A_91 = tpu.memref_squeeze %dma_start3A_90 : memref<1x8x64xf32, #tpu.memory_space<hbm>> -> memref<8x64xf32, #tpu.memory_space<hbm>>
    tpu.enqueue_dma source(%dma_start3A_91 : memref<8x64xf32, #tpu.memory_space<hbm>>) target(%dma_start3A_87 : memref<8x64xf32, #tpu.memory_space<vmem>>) target_semaphore(%arg9 : memref<!tpu.dma_semaphore, #tpu.memory_space<semaphore_mem>>)
    %slice3A_92 = vector.extract_strided_slice %shift_right_arithmetic3A_7 {offsets = [2], sizes = [1], strides = [1]} : vector<16xi32> to vector<1xi32>
    %squeeze3A_93 = vector.extract %slice3A_92[0] : i32 from vector<1xi32>
    %dma_start3A_94 = arith.constant 0 : i32
    %dma_start3A_95 = arith.constant 2 : i32
    %dma_start3A_96 = arith.constant 0 : i32
    %dma_start3A_97 = arith.constant 0 : i32
    %dma_start3A_98 = tpu.memref_slice %arg6[%dma_start3A_94, %dma_start3A_95, %dma_start3A_96, %dma_start3A_97] : memref<2x16x8x64xf32, #tpu.memory_space<vmem>> -> memref<1x1x8x64xf32, #tpu.memory_space<vmem>>
    %dma_start3A_99 = tpu.memref_squeeze %dma_start3A_98 : memref<1x1x8x64xf32, #tpu.memory_space<vmem>> -> memref<8x64xf32, #tpu.memory_space<vmem>>
    %dma_start3A_100 = arith.constant 0 : i32
    %dma_start3A_101 = arith.constant 0 : i32
    %dma_start3A_102 = tpu.memref_slice %arg3[%squeeze3A_93, %dma_start3A_100, %dma_start3A_101] : memref<125000x8x64xf32, #tpu.memory_space<hbm>> -> memref<1x8x64xf32, #tpu.memory_space<hbm>>
    %dma_start3A_103 = tpu.memref_squeeze %dma_start3A_102 : memref<1x8x64xf32, #tpu.memory_space<hbm>> -> memref<8x64xf32, #tpu.memory_space<hbm>>
    %dma_start3A_104 = arith.constant 0 : i32
    %dma_start3A_105 = arith.constant 0 : i32
    %dma_start3A_106 = tpu.memref_slice %arg6[%dma_start3A_94, %dma_start3A_95, %dma_start3A_104, %dma_start3A_105] : memref<2x16x8x64xf32, #tpu.memory_space<vmem>> -> memref<1x1x8x64xf32, #tpu.memory_space<vmem>>
    %dma_start3A_107 = tpu.memref_squeeze %dma_start3A_106 : memref<1x1x8x64xf32, #tpu.memory_space<vmem>> -> memref<8x64xf32, #tpu.memory_space<vmem>>
    %dma_start3A_108 = arith.constant 0 : i32
    %dma_start3A_109 = arith.constant 0 : i32
    %dma_start3A_110 = tpu.memref_slice %arg3[%squeeze3A_93, %dma_start3A_108, %dma_start3A_109] : memref<125000x8x64xf32, #tpu.memory_space<hbm>> -> memref<1x8x64xf32, #tpu.memory_space<hbm>>
    %dma_start3A_111 = tpu.memref_squeeze %dma_start3A_110 : memref<1x8x64xf32, #tpu.memory_space<hbm>> -> memref<8x64xf32, #tpu.memory_space<hbm>>
    tpu.enqueue_dma source(%dma_start3A_111 : memref<8x64xf32, #tpu.memory_space<hbm>>) target(%dma_start3A_107 : memref<8x64xf32, #tpu.memory_space<vmem>>) target_semaphore(%arg9 : memref<!tpu.dma_semaphore, #tpu.memory_space<semaphore_mem>>)
    %slice3A_112 = vector.extract_strided_slice %shift_right_arithmetic3A_14 {offsets = [2], sizes = [1], strides = [1]} : vector<16xi32> to vector<1xi32>
    %squeeze3A_113 = vector.extract %slice3A_112[0] : i32 from vector<1xi32>
    %dma_start3A_114 = arith.constant 0 : i32
    %dma_start3A_115 = arith.constant 2 : i32
    %dma_start3A_116 = arith.constant 0 : i32
    %dma_start3A_117 = arith.constant 0 : i32
    %dma_start3A_118 = tpu.memref_slice %arg7[%dma_start3A_114, %dma_start3A_115, %dma_start3A_116, %dma_start3A_117] : memref<2x16x8x64xf32, #tpu.memory_space<vmem>> -> memref<1x1x8x64xf32, #tpu.memory_space<vmem>>
    %dma_start3A_119 = tpu.memref_squeeze %dma_start3A_118 : memref<1x1x8x64xf32, #tpu.memory_space<vmem>> -> memref<8x64xf32, #tpu.memory_space<vmem>>
    %dma_start3A_120 = arith.constant 0 : i32
    %dma_start3A_121 = arith.constant 0 : i32
    %dma_start3A_122 = tpu.memref_slice %arg3[%squeeze3A_113, %dma_start3A_120, %dma_start3A_121] : memref<125000x8x64xf32, #tpu.memory_space<hbm>> -> memref<1x8x64xf32, #tpu.memory_space<hbm>>
    %dma_start3A_123 = tpu.memref_squeeze %dma_start3A_122 : memref<1x8x64xf32, #tpu.memory_space<hbm>> -> memref<8x64xf32, #tpu.memory_space<hbm>>
    %dma_start3A_124 = arith.constant 0 : i32
    %dma_start3A_125 = arith.constant 0 : i32
    %dma_start3A_126 = tpu.memref_slice %arg7[%dma_start3A_114, %dma_start3A_115, %dma_start3A_124, %dma_start3A_125] : memref<2x16x8x64xf32, #tpu.memory_space<vmem>> -> memref<1x1x8x64xf32, #tpu.memory_space<vmem>>
    %dma_start3A_127 = tpu.memref_squeeze %dma_start3A_126 : memref<1x1x8x64xf32, #tpu.memory_space<vmem>> -> memref<8x64xf32, #tpu.memory_space<vmem>>
    %dma_start3A_128 = arith.constant 0 : i32
    %dma_start3A_129 = arith.constant 0 : i32
    %dma_start3A_130 = tpu.memref_slice %arg3[%squeeze3A_113, %dma_start3A_128, %dma_start3A_129] : memref<125000x8x64xf32, #tpu.memory_space<hbm>> -> memref<1x8x64xf32, #tpu.memory_space<hbm>>
    %dma_start3A_131 = tpu.memref_squeeze %dma_start3A_130 : memref<1x8x64xf32, #tpu.memory_space<hbm>> -> memref<8x64xf32, #tpu.memory_space<hbm>>
    tpu.enqueue_dma source(%dma_start3A_131 : memref<8x64xf32, #tpu.memory_space<hbm>>) target(%dma_start3A_127 : memref<8x64xf32, #tpu.memory_space<vmem>>) target_semaphore(%arg9 : memref<!tpu.dma_semaphore, #tpu.memory_space<semaphore_mem>>)
    %slice3A_132 = vector.extract_strided_slice %shift_right_arithmetic3A_7 {offsets = [3], sizes = [1], strides = [1]} : vector<16xi32> to vector<1xi32>
    %squeeze3A_133 = vector.extract %slice3A_132[0] : i32 from vector<1xi32>
    %dma_start3A_134 = arith.constant 0 : i32
    %dma_start3A_135 = arith.constant 3 : i32
    %dma_start3A_136 = arith.constant 0 : i32
    %dma_start3A_137 = arith.constant 0 : i32
    %dma_start3A_138 = tpu.memref_slice %arg6[%dma_start3A_134, %dma_start3A_135, %dma_start3A_136, %dma_start3A_137] : memref<2x16x8x64xf32, #tpu.memory_space<vmem>> -> memref<1x1x8x64xf32, #tpu.memory_space<vmem>>
    %dma_start3A_139 = tpu.memref_squeeze %dma_start3A_138 : memref<1x1x8x64xf32, #tpu.memory_space<vmem>> -> memref<8x64xf32, #tpu.memory_space<vmem>>
    %dma_start3A_140 = arith.constant 0 : i32
    %dma_start3A_141 = arith.constant 0 : i32
    %dma_start3A_142 = tpu.memref_slice %arg3[%squeeze3A_133, %dma_start3A_140, %dma_start3A_141] : memref<125000x8x64xf32, #tpu.memory_space<hbm>> -> memref<1x8x64xf32, #tpu.memory_space<hbm>>
    %dma_start3A_143 = tpu.memref_squeeze %dma_start3A_142 : memref<1x8x64xf32, #tpu.memory_space<hbm>> -> memref<8x64xf32, #tpu.memory_space<hbm>>
    %dma_start3A_144 = arith.constant 0 : i32
    %dma_start3A_145 = arith.constant 0 : i32
    %dma_start3A_146 = tpu.memref_slice %arg6[%dma_start3A_134, %dma_start3A_135, %dma_start3A_144, %dma_start3A_145] : memref<2x16x8x64xf32, #tpu.memory_space<vmem>> -> memref<1x1x8x64xf32, #tpu.memory_space<vmem>>
    %dma_start3A_147 = tpu.memref_squeeze %dma_start3A_146 : memref<1x1x8x64xf32, #tpu.memory_space<vmem>> -> memref<8x64xf32, #tpu.memory_space<vmem>>
    %dma_start3A_148 = arith.constant 0 : i32
    %dma_start3A_149 = arith.constant 0 : i32
    %dma_start3A_150 = tpu.memref_slice %arg3[%squeeze3A_133, %dma_start3A_148, %dma_start3A_149] : memref<125000x8x64xf32, #tpu.memory_space<hbm>> -> memref<1x8x64xf32, #tpu.memory_space<hbm>>
    %dma_start3A_151 = tpu.memref_squeeze %dma_start3A_150 : memref<1x8x64xf32, #tpu.memory_space<hbm>> -> memref<8x64xf32, #tpu.memory_space<hbm>>
    tpu.enqueue_dma source(%dma_start3A_151 : memref<8x64xf32, #tpu.memory_space<hbm>>) target(%dma_start3A_147 : memref<8x64xf32, #tpu.memory_space<vmem>>) target_semaphore(%arg9 : memref<!tpu.dma_semaphore, #tpu.memory_space<semaphore_mem>>)
    %slice3A_152 = vector.extract_strided_slice %shift_right_arithmetic3A_14 {offsets = [3], sizes = [1], strides = [1]} : vector<16xi32> to vector<1xi32>
    %squeeze3A_153 = vector.extract %slice3A_152[0] : i32 from vector<1xi32>
    %dma_start3A_154 = arith.constant 0 : i32
    %dma_start3A_155 = arith.constant 3 : i32
    %dma_start3A_156 = arith.constant 0 : i32
    %dma_start3A_157 = arith.constant 0 : i32
    %dma_start3A_158 = tpu.memref_slice %arg7[%dma_start3A_154, %dma_start3A_155, %dma_start3A_156, %dma_start3A_157] : memref<2x16x8x64xf32, #tpu.memory_space<vmem>> -> memref<1x1x8x64xf32, #tpu.memory_space<vmem>>
    %dma_start3A_159 = tpu.memref_squeeze %dma_start3A_158 : memref<1x1x8x64xf32, #tpu.memory_space<vmem>> -> memref<8x64xf32, #tpu.memory_space<vmem>>
    %dma_start3A_160 = arith.constant 0 : i32
    %dma_start3A_161 = arith.constant 0 : i32
    %dma_start3A_162 = tpu.memref_slice %arg3[%squeeze3A_153, %dma_start3A_160, %dma_start3A_161] : memref<125000x8x64xf32, #tpu.memory_space<hbm>> -> memref<1x8x64xf32, #tpu.memory_space<hbm>>
    %dma_start3A_163 = tpu.memref_squeeze %dma_start3A_162 : memref<1x8x64xf32, #tpu.memory_space<hbm>> -> memref<8x64xf32, #tpu.memory_space<hbm>>
    %dma_start3A_164 = arith.constant 0 : i32
    %dma_start3A_165 = arith.constant 0 : i32
    %dma_start3A_166 = tpu.memref_slice %arg7[%dma_start3A_154, %dma_start3A_155, %dma_start3A_164, %dma_start3A_165] : memref<2x16x8x64xf32, #tpu.memory_space<vmem>> -> memref<1x1x8x64xf32, #tpu.memory_space<vmem>>
    %dma_start3A_167 = tpu.memref_squeeze %dma_start3A_166 : memref<1x1x8x64xf32, #tpu.memory_space<vmem>> -> memref<8x64xf32, #tpu.memory_space<vmem>>
    %dma_start3A_168 = arith.constant 0 : i32
    %dma_start3A_169 = arith.constant 0 : i32
    %dma_start3A_170 = tpu.memref_slice %arg3[%squeeze3A_153, %dma_start3A_168, %dma_start3A_169] : memref<125000x8x64xf32, #tpu.memory_space<hbm>> -> memref<1x8x64xf32, #tpu.memory_space<hbm>>
    %dma_start3A_171 = tpu.memref_squeeze %dma_start3A_170 : memref<1x8x64xf32, #tpu.memory_space<hbm>> -> memref<8x64xf32, #tpu.memory_space<hbm>>
    tpu.enqueue_dma source(%dma_start3A_171 : memref<8x64xf32, #tpu.memory_space<hbm>>) target(%dma_start3A_167 : memref<8x64xf32, #tpu.memory_space<vmem>>) target_semaphore(%arg9 : memref<!tpu.dma_semaphore, #tpu.memory_space<semaphore_mem>>)
    %slice3A_172 = vector.extract_strided_slice %shift_right_arithmetic3A_7 {offsets = [4], sizes = [1], strides = [1]} : vector<16xi32> to vector<1xi32>
    %squeeze3A_173 = vector.extract %slice3A_172[0] : i32 from vector<1xi32>
    %dma_start3A_174 = arith.constant 0 : i32
    %dma_start3A_175 = arith.constant 4 : i32
    %dma_start3A_176 = arith.constant 0 : i32
    %dma_start3A_177 = arith.constant 0 : i32
    %dma_start3A_178 = tpu.memref_slice %arg6[%dma_start3A_174, %dma_start3A_175, %dma_start3A_176, %dma_start3A_177] : memref<2x16x8x64xf32, #tpu.memory_space<vmem>> -> memref<1x1x8x64xf32, #tpu.memory_space<vmem>>
    %dma_start3A_179 = tpu.memref_squeeze %dma_start3A_178 : memref<1x1x8x64xf32, #tpu.memory_space<vmem>> -> memref<8x64xf32, #tpu.memory_space<vmem>>
    %dma_start3A_180 = arith.constant 0 : i32
    %dma_start3A_181 = arith.constant 0 : i32
    %dma_start3A_182 = tpu.memref_slice %arg3[%squeeze3A_173, %dma_start3A_180, %dma_start3A_181] : memref<125000x8x64xf32, #tpu.memory_space<hbm>> -> memref<1x8x64xf32, #tpu.memory_space<hbm>>
    %dma_start3A_183 = tpu.memref_squeeze %dma_start3A_182 : memref<1x8x64xf32, #tpu.memory_space<hbm>> -> memref<8x64xf32, #tpu.memory_space<hbm>>
    %dma_start3A_184 = arith.constant 0 : i32
    %dma_start3A_185 = arith.constant 0 : i32
    %dma_start3A_186 = tpu.memref_slice %arg6[%dma_start3A_174, %dma_start3A_175, %dma_start3A_184, %dma_start3A_185] : memref<2x16x8x64xf32, #tpu.memory_space<vmem>> -> memref<1x1x8x64xf32, #tpu.memory_space<vmem>>
    %dma_start3A_187 = tpu.memref_squeeze %dma_start3A_186 : memref<1x1x8x64xf32, #tpu.memory_space<vmem>> -> memref<8x64xf32, #tpu.memory_space<vmem>>
    %dma_start3A_188 = arith.constant 0 : i32
    %dma_start3A_189 = arith.constant 0 : i32
    %dma_start3A_190 = tpu.memref_slice %arg3[%squeeze3A_173, %dma_start3A_188, %dma_start3A_189] : memref<125000x8x64xf32, #tpu.memory_space<hbm>> -> memref<1x8x64xf32, #tpu.memory_space<hbm>>
    %dma_start3A_191 = tpu.memref_squeeze %dma_start3A_190 : memref<1x8x64xf32, #tpu.memory_space<hbm>> -> memref<8x64xf32, #tpu.memory_space<hbm>>
    tpu.enqueue_dma source(%dma_start3A_191 : memref<8x64xf32, #tpu.memory_space<hbm>>) target(%dma_start3A_187 : memref<8x64xf32, #tpu.memory_space<vmem>>) target_semaphore(%arg9 : memref<!tpu.dma_semaphore, #tpu.memory_space<semaphore_mem>>)
    %slice3A_192 = vector.extract_strided_slice %shift_right_arithmetic3A_14 {offsets = [4], sizes = [1], strides = [1]} : vector<16xi32> to vector<1xi32>
    %squeeze3A_193 = vector.extract %slice3A_192[0] : i32 from vector<1xi32>
    %dma_start3A_194 = arith.constant 0 : i32
    %dma_start3A_195 = arith.constant 4 : i32
    %dma_start3A_196 = arith.constant 0 : i32
    %dma_start3A_197 = arith.constant 0 : i32
    %dma_start3A_198 = tpu.memref_slice %arg7[%dma_start3A_194, %dma_start3A_195, %dma_start3A_196, %dma_start3A_197] : memref<2x16x8x64xf32, #tpu.memory_space<vmem>> -> memref<1x1x8x64xf32, #tpu.memory_space<vmem>>
    %dma_start3A_199 = tpu.memref_squeeze %dma_start3A_198 : memref<1x1x8x64xf32, #tpu.memory_space<vmem>> -> memref<8x64xf32, #tpu.memory_space<vmem>>
    %dma_start3A_200 = arith.constant 0 : i32
    %dma_start3A_201 = arith.constant 0 : i32
    %dma_start3A_202 = tpu.memref_slice %arg3[%squeeze3A_193, %dma_start3A_200, %dma_start3A_201] : memref<125000x8x64xf32, #tpu.memory_space<hbm>> -> memref<1x8x64xf32, #tpu.memory_space<hbm>>
    %dma_start3A_203 = tpu.memref_squeeze %dma_start3A_202 : memref<1x8x64xf32, #tpu.memory_space<hbm>> -> memref<8x64xf32, #tpu.memory_space<hbm>>
    %dma_start3A_204 = arith.constant 0 : i32
    %dma_start3A_205 = arith.constant 0 : i32
    %dma_start3A_206 = tpu.memref_slice %arg7[%dma_start3A_194, %dma_start3A_195, %dma_start3A_204, %dma_start3A_205] : memref<2x16x8x64xf32, #tpu.memory_space<vmem>> -> memref<1x1x8x64xf32, #tpu.memory_space<vmem>>
    %dma_start3A_207 = tpu.memref_squeeze %dma_start3A_206 : memref<1x1x8x64xf32, #tpu.memory_space<vmem>> -> memref<8x64xf32, #tpu.memory_space<vmem>>
    %dma_start3A_208 = arith.constant 0 : i32
    %dma_start3A_209 = arith.constant 0 : i32
    %dma_start3A_210 = tpu.memref_slice %arg3[%squeeze3A_193, %dma_start3A_208, %dma_start3A_209] : memref<125000x8x64xf32, #tpu.memory_space<hbm>> -> memref<1x8x64xf32, #tpu.memory_space<hbm>>
    %dma_start3A_211 = tpu.memref_squeeze %dma_start3A_210 : memref<1x8x64xf32, #tpu.memory_space<hbm>> -> memref<8x64xf32, #tpu.memory_space<hbm>>
    tpu.enqueue_dma source(%dma_start3A_211 : memref<8x64xf32, #tpu.memory_space<hbm>>) target(%dma_start3A_207 : memref<8x64xf32, #tpu.memory_space<vmem>>) target_semaphore(%arg9 : memref<!tpu.dma_semaphore, #tpu.memory_space<semaphore_mem>>)
    %slice3A_212 = vector.extract_strided_slice %shift_right_arithmetic3A_7 {offsets = [5], sizes = [1], strides = [1]} : vector<16xi32> to vector<1xi32>
    %squeeze3A_213 = vector.extract %slice3A_212[0] : i32 from vector<1xi32>
    %dma_start3A_214 = arith.constant 0 : i32
    %dma_start3A_215 = arith.constant 5 : i32
    %dma_start3A_216 = arith.constant 0 : i32
    %dma_start3A_217 = arith.constant 0 : i32
    %dma_start3A_218 = tpu.memref_slice %arg6[%dma_start3A_214, %dma_start3A_215, %dma_start3A_216, %dma_start3A_217] : memref<2x16x8x64xf32, #tpu.memory_space<vmem>> -> memref<1x1x8x64xf32, #tpu.memory_space<vmem>>
    %dma_start3A_219 = tpu.memref_squeeze %dma_start3A_218 : memref<1x1x8x64xf32, #tpu.memory_space<vmem>> -> memref<8x64xf32, #tpu.memory_space<vmem>>
    %dma_start3A_220 = arith.constant 0 : i32
    %dma_start3A_221 = arith.constant 0 : i32
    %dma_start3A_222 = tpu.memref_slice %arg3[%squeeze3A_213, %dma_start3A_220, %dma_start3A_221] : memref<125000x8x64xf32, #tpu.memory_space<hbm>> -> memref<1x8x64xf32, #tpu.memory_space<hbm>>
    %dma_start3A_223 = tpu.memref_squeeze %dma_start3A_222 : memref<1x8x64xf32, #tpu.memory_space<hbm>> -> memref<8x64xf32, #tpu.memory_space<hbm>>
    %dma_start3A_224 = arith.constant 0 : i32
    %dma_start3A_225 = arith.constant 0 : i32
    %dma_start3A_226 = tpu.memref_slice %arg6[%dma_start3A_214, %dma_start3A_215, %dma_start3A_224, %dma_start3A_225] : memref<2x16x8x64xf32, #tpu.memory_space<vmem>> -> memref<1x1x8x64xf32, #tpu.memory_space<vmem>>
    %dma_start3A_227 = tpu.memref_squeeze %dma_start3A_226 : memref<1x1x8x64xf32, #tpu.memory_space<vmem>> -> memref<8x64xf32, #tpu.memory_space<vmem>>
    %dma_start3A_228 = arith.constant 0 : i32
    %dma_start3A_229 = arith.constant 0 : i32
    %dma_start3A_230 = tpu.memref_slice %arg3[%squeeze3A_213, %dma_start3A_228, %dma_start3A_229] : memref<125000x8x64xf32, #tpu.memory_space<hbm>> -> memref<1x8x64xf32, #tpu.memory_space<hbm>>
    %dma_start3A_231 = tpu.memref_squeeze %dma_start3A_230 : memref<1x8x64xf32, #tpu.memory_space<hbm>> -> memref<8x64xf32, #tpu.memory_space<hbm>>
    tpu.enqueue_dma source(%dma_start3A_231 : memref<8x64xf32, #tpu.memory_space<hbm>>) target(%dma_start3A_227 : memref<8x64xf32, #tpu.memory_space<vmem>>) target_semaphore(%arg9 : memref<!tpu.dma_semaphore, #tpu.memory_space<semaphore_mem>>)
    %slice3A_232 = vector.extract_strided_slice %shift_right_arithmetic3A_14 {offsets = [5], sizes = [1], strides = [1]} : vector<16xi32> to vector<1xi32>
    %squeeze3A_233 = vector.extract %slice3A_232[0] : i32 from vector<1xi32>
    %dma_start3A_234 = arith.constant 0 : i32
    %dma_start3A_235 = arith.constant 5 : i32
    %dma_start3A_236 = arith.constant 0 : i32
    %dma_start3A_237 = arith.constant 0 : i32
    %dma_start3A_238 = tpu.memref_slice %arg7[%dma_start3A_234, %dma_start3A_235, %dma_start3A_236, %dma_start3A_237] : memref<2x16x8x64xf32, #tpu.memory_space<vmem>> -> memref<1x1x8x64xf32, #tpu.memory_space<vmem>>
    %dma_start3A_239 = tpu.memref_squeeze %dma_start3A_238 : memref<1x1x8x64xf32, #tpu.memory_space<vmem>> -> memref<8x64xf32, #tpu.memory_space<vmem>>
    %dma_start3A_240 = arith.constant 0 : i32
    %dma_start3A_241 = arith.constant 0 : i32
    %dma_start3A_242 = tpu.memref_slice %arg3[%squeeze3A_233, %dma_start3A_240, %dma_start3A_241] : memref<125000x8x64xf32, #tpu.memory_space<hbm>> -> memref<1x8x64xf32, #tpu.memory_space<hbm>>
    %dma_start3A_243 = tpu.memref_squeeze %dma_start3A_242 : memref<1x8x64xf32, #tpu.memory_space<hbm>> -> memref<8x64xf32, #tpu.memory_space<hbm>>
    %dma_start3A_244 = arith.constant 0 : i32
    %dma_start3A_245 = arith.constant 0 : i32
    %dma_start3A_246 = tpu.memref_slice %arg7[%dma_start3A_234, %dma_start3A_235, %dma_start3A_244, %dma_start3A_245] : memref<2x16x8x64xf32, #tpu.memory_space<vmem>> -> memref<1x1x8x64xf32, #tpu.memory_space<vmem>>
    %dma_start3A_247 = tpu.memref_squeeze %dma_start3A_246 : memref<1x1x8x64xf32, #tpu.memory_space<vmem>> -> memref<8x64xf32, #tpu.memory_space<vmem>>
    %dma_start3A_248 = arith.constant 0 : i32
    %dma_start3A_249 = arith.constant 0 : i32
    %dma_start3A_250 = tpu.memref_slice %arg3[%squeeze3A_233, %dma_start3A_248, %dma_start3A_249] : memref<125000x8x64xf32, #tpu.memory_space<hbm>> -> memref<1x8x64xf32, #tpu.memory_space<hbm>>
    %dma_start3A_251 = tpu.memref_squeeze %dma_start3A_250 : memref<1x8x64xf32, #tpu.memory_space<hbm>> -> memref<8x64xf32, #tpu.memory_space<hbm>>
    tpu.enqueue_dma source(%dma_start3A_251 : memref<8x64xf32, #tpu.memory_space<hbm>>) target(%dma_start3A_247 : memref<8x64xf32, #tpu.memory_space<vmem>>) target_semaphore(%arg9 : memref<!tpu.dma_semaphore, #tpu.memory_space<semaphore_mem>>)
    %slice3A_252 = vector.extract_strided_slice %shift_right_arithmetic3A_7 {offsets = [6], sizes = [1], strides = [1]} : vector<16xi32> to vector<1xi32>
    %squeeze3A_253 = vector.extract %slice3A_252[0] : i32 from vector<1xi32>
    %dma_start3A_254 = arith.constant 0 : i32
    %dma_start3A_255 = arith.constant 6 : i32
    %dma_start3A_256 = arith.constant 0 : i32
    %dma_start3A_257 = arith.constant 0 : i32
    %dma_start3A_258 = tpu.memref_slice %arg6[%dma_start3A_254, %dma_start3A_255, %dma_start3A_256, %dma_start3A_257] : memref<2x16x8x64xf32, #tpu.memory_space<vmem>> -> memref<1x1x8x64xf32, #tpu.memory_space<vmem>>
    %dma_start3A_259 = tpu.memref_squeeze %dma_start3A_258 : memref<1x1x8x64xf32, #tpu.memory_space<vmem>> -> memref<8x64xf32, #tpu.memory_space<vmem>>
    %dma_start3A_260 = arith.constant 0 : i32
    %dma_start3A_261 = arith.constant 0 : i32
    %dma_start3A_262 = tpu.memref_slice %arg3[%squeeze3A_253, %dma_start3A_260, %dma_start3A_261] : memref<125000x8x64xf32, #tpu.memory_space<hbm>> -> memref<1x8x64xf32, #tpu.memory_space<hbm>>
    %dma_start3A_263 = tpu.memref_squeeze %dma_start3A_262 : memref<1x8x64xf32, #tpu.memory_space<hbm>> -> memref<8x64xf32, #tpu.memory_space<hbm>>
    %dma_start3A_264 = arith.constant 0 : i32
    %dma_start3A_265 = arith.constant 0 : i32
    %dma_start3A_266 = tpu.memref_slice %arg6[%dma_start3A_254, %dma_start3A_255, %dma_start3A_264, %dma_start3A_265] : memref<2x16x8x64xf32, #tpu.memory_space<vmem>> -> memref<1x1x8x64xf32, #tpu.memory_space<vmem>>
    %dma_start3A_267 = tpu.memref_squeeze %dma_start3A_266 : memref<1x1x8x64xf32, #tpu.memory_space<vmem>> -> memref<8x64xf32, #tpu.memory_space<vmem>>
    %dma_start3A_268 = arith.constant 0 : i32
    %dma_start3A_269 = arith.constant 0 : i32
    %dma_start3A_270 = tpu.memref_slice %arg3[%squeeze3A_253, %dma_start3A_268, %dma_start3A_269] : memref<125000x8x64xf32, #tpu.memory_space<hbm>> -> memref<1x8x64xf32, #tpu.memory_space<hbm>>
    %dma_start3A_271 = tpu.memref_squeeze %dma_start3A_270 : memref<1x8x64xf32, #tpu.memory_space<hbm>> -> memref<8x64xf32, #tpu.memory_space<hbm>>
    tpu.enqueue_dma source(%dma_start3A_271 : memref<8x64xf32, #tpu.memory_space<hbm>>) target(%dma_start3A_267 : memref<8x64xf32, #tpu.memory_space<vmem>>) target_semaphore(%arg9 : memref<!tpu.dma_semaphore, #tpu.memory_space<semaphore_mem>>)
    %slice3A_272 = vector.extract_strided_slice %shift_right_arithmetic3A_14 {offsets = [6], sizes = [1], strides = [1]} : vector<16xi32> to vector<1xi32>
    %squeeze3A_273 = vector.extract %slice3A_272[0] : i32 from vector<1xi32>
    %dma_start3A_274 = arith.constant 0 : i32
    %dma_start3A_275 = arith.constant 6 : i32
    %dma_start3A_276 = arith.constant 0 : i32
    %dma_start3A_277 = arith.constant 0 : i32
    %dma_start3A_278 = tpu.memref_slice %arg7[%dma_start3A_274, %dma_start3A_275, %dma_start3A_276, %dma_start3A_277] : memref<2x16x8x64xf32, #tpu.memory_space<vmem>> -> memref<1x1x8x64xf32, #tpu.memory_space<vmem>>
    %dma_start3A_279 = tpu.memref_squeeze %dma_start3A_278 : memref<1x1x8x64xf32, #tpu.memory_space<vmem>> -> memref<8x64xf32, #tpu.memory_space<vmem>>
    %dma_start3A_280 = arith.constant 0 : i32
    %dma_start3A_281 = arith.constant 0 : i32
    %dma_start3A_282 = tpu.memref_slice %arg3[%squeeze3A_273, %dma_start3A_280, %dma_start3A_281] : memref<125000x8x64xf32, #tpu.memory_space<hbm>> -> memref<1x8x64xf32, #tpu.memory_space<hbm>>
    %dma_start3A_283 = tpu.memref_squeeze %dma_start3A_282 : memref<1x8x64xf32, #tpu.memory_space<hbm>> -> memref<8x64xf32, #tpu.memory_space<hbm>>
    %dma_start3A_284 = arith.constant 0 : i32
    %dma_start3A_285 = arith.constant 0 : i32
    %dma_start3A_286 = tpu.memref_slice %arg7[%dma_start3A_274, %dma_start3A_275, %dma_start3A_284, %dma_start3A_285] : memref<2x16x8x64xf32, #tpu.memory_space<vmem>> -> memref<1x1x8x64xf32, #tpu.memory_space<vmem>>
    %dma_start3A_287 = tpu.memref_squeeze %dma_start3A_286 : memref<1x1x8x64xf32, #tpu.memory_space<vmem>> -> memref<8x64xf32, #tpu.memory_space<vmem>>
    %dma_start3A_288 = arith.constant 0 : i32
    %dma_start3A_289 = arith.constant 0 : i32
    %dma_start3A_290 = tpu.memref_slice %arg3[%squeeze3A_273, %dma_start3A_288, %dma_start3A_289] : memref<125000x8x64xf32, #tpu.memory_space<hbm>> -> memref<1x8x64xf32, #tpu.memory_space<hbm>>
    %dma_start3A_291 = tpu.memref_squeeze %dma_start3A_290 : memref<1x8x64xf32, #tpu.memory_space<hbm>> -> memref<8x64xf32, #tpu.memory_space<hbm>>
    tpu.enqueue_dma source(%dma_start3A_291 : memref<8x64xf32, #tpu.memory_space<hbm>>) target(%dma_start3A_287 : memref<8x64xf32, #tpu.memory_space<vmem>>) target_semaphore(%arg9 : memref<!tpu.dma_semaphore, #tpu.memory_space<semaphore_mem>>)
    %slice3A_292 = vector.extract_strided_slice %shift_right_arithmetic3A_7 {offsets = [7], sizes = [1], strides = [1]} : vector<16xi32> to vector<1xi32>
    %squeeze3A_293 = vector.extract %slice3A_292[0] : i32 from vector<1xi32>
    %dma_start3A_294 = arith.constant 0 : i32
    %dma_start3A_295 = arith.constant 7 : i32
    %dma_start3A_296 = arith.constant 0 : i32
    %dma_start3A_297 = arith.constant 0 : i32
    %dma_start3A_298 = tpu.memref_slice %arg6[%dma_start3A_294, %dma_start3A_295, %dma_start3A_296, %dma_start3A_297] : memref<2x16x8x64xf32, #tpu.memory_space<vmem>> -> memref<1x1x8x64xf32, #tpu.memory_space<vmem>>
    %dma_start3A_299 = tpu.memref_squeeze %dma_start3A_298 : memref<1x1x8x64xf32, #tpu.memory_space<vmem>> -> memref<8x64xf32, #tpu.memory_space<vmem>>
    %dma_start3A_300 = arith.constant 0 : i32
    %dma_start3A_301 = arith.constant 0 : i32
    %dma_start3A_302 = tpu.memref_slice %arg3[%squeeze3A_293, %dma_start3A_300, %dma_start3A_301] : memref<125000x8x64xf32, #tpu.memory_space<hbm>> -> memref<1x8x64xf32, #tpu.memory_space<hbm>>
    %dma_start3A_303 = tpu.memref_squeeze %dma_start3A_302 : memref<1x8x64xf32, #tpu.memory_space<hbm>> -> memref<8x64xf32, #tpu.memory_space<hbm>>
    %dma_start3A_304 = arith.constant 0 : i32
    %dma_start3A_305 = arith.constant 0 : i32
    %dma_start3A_306 = tpu.memref_slice %arg6[%dma_start3A_294, %dma_start3A_295, %dma_start3A_304, %dma_start3A_305] : memref<2x16x8x64xf32, #tpu.memory_space<vmem>> -> memref<1x1x8x64xf32, #tpu.memory_space<vmem>>
    %dma_start3A_307 = tpu.memref_squeeze %dma_start3A_306 : memref<1x1x8x64xf32, #tpu.memory_space<vmem>> -> memref<8x64xf32, #tpu.memory_space<vmem>>
    %dma_start3A_308 = arith.constant 0 : i32
    %dma_start3A_309 = arith.constant 0 : i32
    %dma_start3A_310 = tpu.memref_slice %arg3[%squeeze3A_293, %dma_start3A_308, %dma_start3A_309] : memref<125000x8x64xf32, #tpu.memory_space<hbm>> -> memref<1x8x64xf32, #tpu.memory_space<hbm>>
    %dma_start3A_311 = tpu.memref_squeeze %dma_start3A_310 : memref<1x8x64xf32, #tpu.memory_space<hbm>> -> memref<8x64xf32, #tpu.memory_space<hbm>>
    tpu.enqueue_dma source(%dma_start3A_311 : memref<8x64xf32, #tpu.memory_space<hbm>>) target(%dma_start3A_307 : memref<8x64xf32, #tpu.memory_space<vmem>>) target_semaphore(%arg9 : memref<!tpu.dma_semaphore, #tpu.memory_space<semaphore_mem>>)
    %slice3A_312 = vector.extract_strided_slice %shift_right_arithmetic3A_14 {offsets = [7], sizes = [1], strides = [1]} : vector<16xi32> to vector<1xi32>
    %squeeze3A_313 = vector.extract %slice3A_312[0] : i32 from vector<1xi32>
    %dma_start3A_314 = arith.constant 0 : i32
    %dma_start3A_315 = arith.constant 7 : i32
    %dma_start3A_316 = arith.constant 0 : i32
    %dma_start3A_317 = arith.constant 0 : i32
    %dma_start3A_318 = tpu.memref_slice %arg7[%dma_start3A_314, %dma_start3A_315, %dma_start3A_316, %dma_start3A_317] : memref<2x16x8x64xf32, #tpu.memory_space<vmem>> -> memref<1x1x8x64xf32, #tpu.memory_space<vmem>>
    %dma_start3A_319 = tpu.memref_squeeze %dma_start3A_318 : memref<1x1x8x64xf32, #tpu.memory_space<vmem>> -> memref<8x64xf32, #tpu.memory_space<vmem>>
    %dma_start3A_320 = arith.constant 0 : i32
    %dma_start3A_321 = arith.constant 0 : i32
    %dma_start3A_322 = tpu.memref_slice %arg3[%squeeze3A_313, %dma_start3A_320, %dma_start3A_321] : memref<125000x8x64xf32, #tpu.memory_space<hbm>> -> memref<1x8x64xf32, #tpu.memory_space<hbm>>
    %dma_start3A_323 = tpu.memref_squeeze %dma_start3A_322 : memref<1x8x64xf32, #tpu.memory_space<hbm>> -> memref<8x64xf32, #tpu.memory_space<hbm>>
    %dma_start3A_324 = arith.constant 0 : i32
    %dma_start3A_325 = arith.constant 0 : i32
    %dma_start3A_326 = tpu.memref_slice %arg7[%dma_start3A_314, %dma_start3A_315, %dma_start3A_324, %dma_start3A_325] : memref<2x16x8x64xf32, #tpu.memory_space<vmem>> -> memref<1x1x8x64xf32, #tpu.memory_space<vmem>>
    %dma_start3A_327 = tpu.memref_squeeze %dma_start3A_326 : memref<1x1x8x64xf32, #tpu.memory_space<vmem>> -> memref<8x64xf32, #tpu.memory_space<vmem>>
    %dma_start3A_328 = arith.constant 0 : i32
    %dma_start3A_329 = arith.constant 0 : i32
    %dma_start3A_330 = tpu.memref_slice %arg3[%squeeze3A_313, %dma_start3A_328, %dma_start3A_329] : memref<125000x8x64xf32, #tpu.memory_space<hbm>> -> memref<1x8x64xf32, #tpu.memory_space<hbm>>
    %dma_start3A_331 = tpu.memref_squeeze %dma_start3A_330 : memref<1x8x64xf32, #tpu.memory_space<hbm>> -> memref<8x64xf32, #tpu.memory_space<hbm>>
    tpu.enqueue_dma source(%dma_start3A_331 : memref<8x64xf32, #tpu.memory_space<hbm>>) target(%dma_start3A_327 : memref<8x64xf32, #tpu.memory_space<vmem>>) target_semaphore(%arg9 : memref<!tpu.dma_semaphore, #tpu.memory_space<semaphore_mem>>)
    %slice3A_332 = vector.extract_strided_slice %shift_right_arithmetic3A_7 {offsets = [8], sizes = [1], strides = [1]} : vector<16xi32> to vector<1xi32>
    %squeeze3A_333 = vector.extract %slice3A_332[0] : i32 from vector<1xi32>
    %dma_start3A_334 = arith.constant 0 : i32
    %dma_start3A_335 = arith.constant 8 : i32
    %dma_start3A_336 = arith.constant 0 : i32
    %dma_start3A_337 = arith.constant 0 : i32
    %dma_start3A_338 = tpu.memref_slice %arg6[%dma_start3A_334, %dma_start3A_335, %dma_start3A_336, %dma_start3A_337] : memref<2x16x8x64xf32, #tpu.memory_space<vmem>> -> memref<1x1x8x64xf32, #tpu.memory_space<vmem>>
    %dma_start3A_339 = tpu.memref_squeeze %dma_start3A_338 : memref<1x1x8x64xf32, #tpu.memory_space<vmem>> -> memref<8x64xf32, #tpu.memory_space<vmem>>
    %dma_start3A_340 = arith.constant 0 : i32
    %dma_start3A_341 = arith.constant 0 : i32
    %dma_start3A_342 = tpu.memref_slice %arg3[%squeeze3A_333, %dma_start3A_340, %dma_start3A_341] : memref<125000x8x64xf32, #tpu.memory_space<hbm>> -> memref<1x8x64xf32, #tpu.memory_space<hbm>>
    %dma_start3A_343 = tpu.memref_squeeze %dma_start3A_342 : memref<1x8x64xf32, #tpu.memory_space<hbm>> -> memref<8x64xf32, #tpu.memory_space<hbm>>
    %dma_start3A_344 = arith.constant 0 : i32
    %dma_start3A_345 = arith.constant 0 : i32
    %dma_start3A_346 = tpu.memref_slice %arg6[%dma_start3A_334, %dma_start3A_335, %dma_start3A_344, %dma_start3A_345] : memref<2x16x8x64xf32, #tpu.memory_space<vmem>> -> memref<1x1x8x64xf32, #tpu.memory_space<vmem>>
    %dma_start3A_347 = tpu.memref_squeeze %dma_start3A_346 : memref<1x1x8x64xf32, #tpu.memory_space<vmem>> -> memref<8x64xf32, #tpu.memory_space<vmem>>
    %dma_start3A_348 = arith.constant 0 : i32
    %dma_start3A_349 = arith.constant 0 : i32
    %dma_start3A_350 = tpu.memref_slice %arg3[%squeeze3A_333, %dma_start3A_348, %dma_start3A_349] : memref<125000x8x64xf32, #tpu.memory_space<hbm>> -> memref<1x8x64xf32, #tpu.memory_space<hbm>>
    %dma_start3A_351 = tpu.memref_squeeze %dma_start3A_350 : memref<1x8x64xf32, #tpu.memory_space<hbm>> -> memref<8x64xf32, #tpu.memory_space<hbm>>
    tpu.enqueue_dma source(%dma_start3A_351 : memref<8x64xf32, #tpu.memory_space<hbm>>) target(%dma_start3A_347 : memref<8x64xf32, #tpu.memory_space<vmem>>) target_semaphore(%arg9 : memref<!tpu.dma_semaphore, #tpu.memory_space<semaphore_mem>>)
    %slice3A_352 = vector.extract_strided_slice %shift_right_arithmetic3A_14 {offsets = [8], sizes = [1], strides = [1]} : vector<16xi32> to vector<1xi32>
    %squeeze3A_353 = vector.extract %slice3A_352[0] : i32 from vector<1xi32>
    %dma_start3A_354 = arith.constant 0 : i32
    %dma_start3A_355 = arith.constant 8 : i32
    %dma_start3A_356 = arith.constant 0 : i32
    %dma_start3A_357 = arith.constant 0 : i32
    %dma_start3A_358 = tpu.memref_slice %arg7[%dma_start3A_354, %dma_start3A_355, %dma_start3A_356, %dma_start3A_357] : memref<2x16x8x64xf32, #tpu.memory_space<vmem>> -> memref<1x1x8x64xf32, #tpu.memory_space<vmem>>
    %dma_start3A_359 = tpu.memref_squeeze %dma_start3A_358 : memref<1x1x8x64xf32, #tpu.memory_space<vmem>> -> memref<8x64xf32, #tpu.memory_space<vmem>>
    %dma_start3A_360 = arith.constant 0 : i32
    %dma_start3A_361 = arith.constant 0 : i32
    %dma_start3A_362 = tpu.memref_slice %arg3[%squeeze3A_353, %dma_start3A_360, %dma_start3A_361] : memref<125000x8x64xf32, #tpu.memory_space<hbm>> -> memref<1x8x64xf32, #tpu.memory_space<hbm>>
    %dma_start3A_363 = tpu.memref_squeeze %dma_start3A_362 : memref<1x8x64xf32, #tpu.memory_space<hbm>> -> memref<8x64xf32, #tpu.memory_space<hbm>>
    %dma_start3A_364 = arith.constant 0 : i32
    %dma_start3A_365 = arith.constant 0 : i32
    %dma_start3A_366 = tpu.memref_slice %arg7[%dma_start3A_354, %dma_start3A_355, %dma_start3A_364, %dma_start3A_365] : memref<2x16x8x64xf32, #tpu.memory_space<vmem>> -> memref<1x1x8x64xf32, #tpu.memory_space<vmem>>
    %dma_start3A_367 = tpu.memref_squeeze %dma_start3A_366 : memref<1x1x8x64xf32, #tpu.memory_space<vmem>> -> memref<8x64xf32, #tpu.memory_space<vmem>>
    %dma_start3A_368 = arith.constant 0 : i32
    %dma_start3A_369 = arith.constant 0 : i32
    %dma_start3A_370 = tpu.memref_slice %arg3[%squeeze3A_353, %dma_start3A_368, %dma_start3A_369] : memref<125000x8x64xf32, #tpu.memory_space<hbm>> -> memref<1x8x64xf32, #tpu.memory_space<hbm>>
    %dma_start3A_371 = tpu.memref_squeeze %dma_start3A_370 : memref<1x8x64xf32, #tpu.memory_space<hbm>> -> memref<8x64xf32, #tpu.memory_space<hbm>>
    tpu.enqueue_dma source(%dma_start3A_371 : memref<8x64xf32, #tpu.memory_space<hbm>>) target(%dma_start3A_367 : memref<8x64xf32, #tpu.memory_space<vmem>>) target_semaphore(%arg9 : memref<!tpu.dma_semaphore, #tpu.memory_space<semaphore_mem>>)
    %slice3A_372 = vector.extract_strided_slice %shift_right_arithmetic3A_7 {offsets = [9], sizes = [1], strides = [1]} : vector<16xi32> to vector<1xi32>
    %squeeze3A_373 = vector.extract %slice3A_372[0] : i32 from vector<1xi32>
    %dma_start3A_374 = arith.constant 0 : i32
    %dma_start3A_375 = arith.constant 9 : i32
    %dma_start3A_376 = arith.constant 0 : i32
    %dma_start3A_377 = arith.constant 0 : i32
    %dma_start3A_378 = tpu.memref_slice %arg6[%dma_start3A_374, %dma_start3A_375, %dma_start3A_376, %dma_start3A_377] : memref<2x16x8x64xf32, #tpu.memory_space<vmem>> -> memref<1x1x8x64xf32, #tpu.memory_space<vmem>>
    %dma_start3A_379 = tpu.memref_squeeze %dma_start3A_378 : memref<1x1x8x64xf32, #tpu.memory_space<vmem>> -> memref<8x64xf32, #tpu.memory_space<vmem>>
    %dma_start3A_380 = arith.constant 0 : i32
    %dma_start3A_381 = arith.constant 0 : i32
    %dma_start3A_382 = tpu.memref_slice %arg3[%squeeze3A_373, %dma_start3A_380, %dma_start3A_381] : memref<125000x8x64xf32, #tpu.memory_space<hbm>> -> memref<1x8x64xf32, #tpu.memory_space<hbm>>
    %dma_start3A_383 = tpu.memref_squeeze %dma_start3A_382 : memref<1x8x64xf32, #tpu.memory_space<hbm>> -> memref<8x64xf32, #tpu.memory_space<hbm>>
    %dma_start3A_384 = arith.constant 0 : i32
    %dma_start3A_385 = arith.constant 0 : i32
    %dma_start3A_386 = tpu.memref_slice %arg6[%dma_start3A_374, %dma_start3A_375, %dma_start3A_384, %dma_start3A_385] : memref<2x16x8x64xf32, #tpu.memory_space<vmem>> -> memref<1x1x8x64xf32, #tpu.memory_space<vmem>>
    %dma_start3A_387 = tpu.memref_squeeze %dma_start3A_386 : memref<1x1x8x64xf32, #tpu.memory_space<vmem>> -> memref<8x64xf32, #tpu.memory_space<vmem>>
    %dma_start3A_388 = arith.constant 0 : i32
    %dma_start3A_389 = arith.constant 0 : i32
    %dma_start3A_390 = tpu.memref_slice %arg3[%squeeze3A_373, %dma_start3A_388, %dma_start3A_389] : memref<125000x8x64xf32, #tpu.memory_space<hbm>> -> memref<1x8x64xf32, #tpu.memory_space<hbm>>
    %dma_start3A_391 = tpu.memref_squeeze %dma_start3A_390 : memref<1x8x64xf32, #tpu.memory_space<hbm>> -> memref<8x64xf32, #tpu.memory_space<hbm>>
    tpu.enqueue_dma source(%dma_start3A_391 : memref<8x64xf32, #tpu.memory_space<hbm>>) target(%dma_start3A_387 : memref<8x64xf32, #tpu.memory_space<vmem>>) target_semaphore(%arg9 : memref<!tpu.dma_semaphore, #tpu.memory_space<semaphore_mem>>)
    %slice3A_392 = vector.extract_strided_slice %shift_right_arithmetic3A_14 {offsets = [9], sizes = [1], strides = [1]} : vector<16xi32> to vector<1xi32>
    %squeeze3A_393 = vector.extract %slice3A_392[0] : i32 from vector<1xi32>
    %dma_start3A_394 = arith.constant 0 : i32
    %dma_start3A_395 = arith.constant 9 : i32
    %dma_start3A_396 = arith.constant 0 : i32
    %dma_start3A_397 = arith.constant 0 : i32
    %dma_start3A_398 = tpu.memref_slice %arg7[%dma_start3A_394, %dma_start3A_395, %dma_start3A_396, %dma_start3A_397] : memref<2x16x8x64xf32, #tpu.memory_space<vmem>> -> memref<1x1x8x64xf32, #tpu.memory_space<vmem>>
    %dma_start3A_399 = tpu.memref_squeeze %dma_start3A_398 : memref<1x1x8x64xf32, #tpu.memory_space<vmem>> -> memref<8x64xf32, #tpu.memory_space<vmem>>
    %dma_start3A_400 = arith.constant 0 : i32
    %dma_start3A_401 = arith.constant 0 : i32
    %dma_start3A_402 = tpu.memref_slice %arg3[%squeeze3A_393, %dma_start3A_400, %dma_start3A_401] : memref<125000x8x64xf32, #tpu.memory_space<hbm>> -> memref<1x8x64xf32, #tpu.memory_space<hbm>>
    %dma_start3A_403 = tpu.memref_squeeze %dma_start3A_402 : memref<1x8x64xf32, #tpu.memory_space<hbm>> -> memref<8x64xf32, #tpu.memory_space<hbm>>
    %dma_start3A_404 = arith.constant 0 : i32
    %dma_start3A_405 = arith.constant 0 : i32
    %dma_start3A_406 = tpu.memref_slice %arg7[%dma_start3A_394, %dma_start3A_395, %dma_start3A_404, %dma_start3A_405] : memref<2x16x8x64xf32, #tpu.memory_space<vmem>> -> memref<1x1x8x64xf32, #tpu.memory_space<vmem>>
    %dma_start3A_407 = tpu.memref_squeeze %dma_start3A_406 : memref<1x1x8x64xf32, #tpu.memory_space<vmem>> -> memref<8x64xf32, #tpu.memory_space<vmem>>
    %dma_start3A_408 = arith.constant 0 : i32
    %dma_start3A_409 = arith.constant 0 : i32
    %dma_start3A_410 = tpu.memref_slice %arg3[%squeeze3A_393, %dma_start3A_408, %dma_start3A_409] : memref<125000x8x64xf32, #tpu.memory_space<hbm>> -> memref<1x8x64xf32, #tpu.memory_space<hbm>>
    %dma_start3A_411 = tpu.memref_squeeze %dma_start3A_410 : memref<1x8x64xf32, #tpu.memory_space<hbm>> -> memref<8x64xf32, #tpu.memory_space<hbm>>
    tpu.enqueue_dma source(%dma_start3A_411 : memref<8x64xf32, #tpu.memory_space<hbm>>) target(%dma_start3A_407 : memref<8x64xf32, #tpu.memory_space<vmem>>) target_semaphore(%arg9 : memref<!tpu.dma_semaphore, #tpu.memory_space<semaphore_mem>>)
    %slice3A_412 = vector.extract_strided_slice %shift_right_arithmetic3A_7 {offsets = [10], sizes = [1], strides = [1]} : vector<16xi32> to vector<1xi32>
    %squeeze3A_413 = vector.extract %slice3A_412[0] : i32 from vector<1xi32>
    %dma_start3A_414 = arith.constant 0 : i32
    %dma_start3A_415 = arith.constant 10 : i32
    %dma_start3A_416 = arith.constant 0 : i32
    %dma_start3A_417 = arith.constant 0 : i32
    %dma_start3A_418 = tpu.memref_slice %arg6[%dma_start3A_414, %dma_start3A_415, %dma_start3A_416, %dma_start3A_417] : memref<2x16x8x64xf32, #tpu.memory_space<vmem>> -> memref<1x1x8x64xf32, #tpu.memory_space<vmem>>
    %dma_start3A_419 = tpu.memref_squeeze %dma_start3A_418 : memref<1x1x8x64xf32, #tpu.memory_space<vmem>> -> memref<8x64xf32, #tpu.memory_space<vmem>>
    %dma_start3A_420 = arith.constant 0 : i32
    %dma_start3A_421 = arith.constant 0 : i32
    %dma_start3A_422 = tpu.memref_slice %arg3[%squeeze3A_413, %dma_start3A_420, %dma_start3A_421] : memref<125000x8x64xf32, #tpu.memory_space<hbm>> -> memref<1x8x64xf32, #tpu.memory_space<hbm>>
    %dma_start3A_423 = tpu.memref_squeeze %dma_start3A_422 : memref<1x8x64xf32, #tpu.memory_space<hbm>> -> memref<8x64xf32, #tpu.memory_space<hbm>>
    %dma_start3A_424 = arith.constant 0 : i32
    %dma_start3A_425 = arith.constant 0 : i32
    %dma_start3A_426 = tpu.memref_slice %arg6[%dma_start3A_414, %dma_start3A_415, %dma_start3A_424, %dma_start3A_425] : memref<2x16x8x64xf32, #tpu.memory_space<vmem>> -> memref<1x1x8x64xf32, #tpu.memory_space<vmem>>
    %dma_start3A_427 = tpu.memref_squeeze %dma_start3A_426 : memref<1x1x8x64xf32, #tpu.memory_space<vmem>> -> memref<8x64xf32, #tpu.memory_space<vmem>>
    %dma_start3A_428 = arith.constant 0 : i32
    %dma_start3A_429 = arith.constant 0 : i32
    %dma_start3A_430 = tpu.memref_slice %arg3[%squeeze3A_413, %dma_start3A_428, %dma_start3A_429] : memref<125000x8x64xf32, #tpu.memory_space<hbm>> -> memref<1x8x64xf32, #tpu.memory_space<hbm>>
    %dma_start3A_431 = tpu.memref_squeeze %dma_start3A_430 : memref<1x8x64xf32, #tpu.memory_space<hbm>> -> memref<8x64xf32, #tpu.memory_space<hbm>>
    tpu.enqueue_dma source(%dma_start3A_431 : memref<8x64xf32, #tpu.memory_space<hbm>>) target(%dma_start3A_427 : memref<8x64xf32, #tpu.memory_space<vmem>>) target_semaphore(%arg9 : memref<!tpu.dma_semaphore, #tpu.memory_space<semaphore_mem>>)
    %slice3A_432 = vector.extract_strided_slice %shift_right_arithmetic3A_14 {offsets = [10], sizes = [1], strides = [1]} : vector<16xi32> to vector<1xi32>
    %squeeze3A_433 = vector.extract %slice3A_432[0] : i32 from vector<1xi32>
    %dma_start3A_434 = arith.constant 0 : i32
    %dma_start3A_435 = arith.constant 10 : i32
    %dma_start3A_436 = arith.constant 0 : i32
    %dma_start3A_437 = arith.constant 0 : i32
    %dma_start3A_438 = tpu.memref_slice %arg7[%dma_start3A_434, %dma_start3A_435, %dma_start3A_436, %dma_start3A_437] : memref<2x16x8x64xf32, #tpu.memory_space<vmem>> -> memref<1x1x8x64xf32, #tpu.memory_space<vmem>>
    %dma_start3A_439 = tpu.memref_squeeze %dma_start3A_438 : memref<1x1x8x64xf32, #tpu.memory_space<vmem>> -> memref<8x64xf32, #tpu.memory_space<vmem>>
    %dma_start3A_440 = arith.constant 0 : i32
    %dma_start3A_441 = arith.constant 0 : i32
    %dma_start3A_442 = tpu.memref_slice %arg3[%squeeze3A_433, %dma_start3A_440, %dma_start3A_441] : memref<125000x8x64xf32, #tpu.memory_space<hbm>> -> memref<1x8x64xf32, #tpu.memory_space<hbm>>
    %dma_start3A_443 = tpu.memref_squeeze %dma_start3A_442 : memref<1x8x64xf32, #tpu.memory_space<hbm>> -> memref<8x64xf32, #tpu.memory_space<hbm>>
    %dma_start3A_444 = arith.constant 0 : i32
    %dma_start3A_445 = arith.constant 0 : i32
    %dma_start3A_446 = tpu.memref_slice %arg7[%dma_start3A_434, %dma_start3A_435, %dma_start3A_444, %dma_start3A_445] : memref<2x16x8x64xf32, #tpu.memory_space<vmem>> -> memref<1x1x8x64xf32, #tpu.memory_space<vmem>>
    %dma_start3A_447 = tpu.memref_squeeze %dma_start3A_446 : memref<1x1x8x64xf32, #tpu.memory_space<vmem>> -> memref<8x64xf32, #tpu.memory_space<vmem>>
    %dma_start3A_448 = arith.constant 0 : i32
    %dma_start3A_449 = arith.constant 0 : i32
    %dma_start3A_450 = tpu.memref_slice %arg3[%squeeze3A_433, %dma_start3A_448, %dma_start3A_449] : memref<125000x8x64xf32, #tpu.memory_space<hbm>> -> memref<1x8x64xf32, #tpu.memory_space<hbm>>
    %dma_start3A_451 = tpu.memref_squeeze %dma_start3A_450 : memref<1x8x64xf32, #tpu.memory_space<hbm>> -> memref<8x64xf32, #tpu.memory_space<hbm>>
    tpu.enqueue_dma source(%dma_start3A_451 : memref<8x64xf32, #tpu.memory_space<hbm>>) target(%dma_start3A_447 : memref<8x64xf32, #tpu.memory_space<vmem>>) target_semaphore(%arg9 : memref<!tpu.dma_semaphore, #tpu.memory_space<semaphore_mem>>)
    %slice3A_452 = vector.extract_strided_slice %shift_right_arithmetic3A_7 {offsets = [11], sizes = [1], strides = [1]} : vector<16xi32> to vector<1xi32>
    %squeeze3A_453 = vector.extract %slice3A_452[0] : i32 from vector<1xi32>
    %dma_start3A_454 = arith.constant 0 : i32
    %dma_start3A_455 = arith.constant 11 : i32
    %dma_start3A_456 = arith.constant 0 : i32
    %dma_start3A_457 = arith.constant 0 : i32
    %dma_start3A_458 = tpu.memref_slice %arg6[%dma_start3A_454, %dma_start3A_455, %dma_start3A_456, %dma_start3A_457] : memref<2x16x8x64xf32, #tpu.memory_space<vmem>> -> memref<1x1x8x64xf32, #tpu.memory_space<vmem>>
    %dma_start3A_459 = tpu.memref_squeeze %dma_start3A_458 : memref<1x1x8x64xf32, #tpu.memory_space<vmem>> -> memref<8x64xf32, #tpu.memory_space<vmem>>
    %dma_start3A_460 = arith.constant 0 : i32
    %dma_start3A_461 = arith.constant 0 : i32
    %dma_start3A_462 = tpu.memref_slice %arg3[%squeeze3A_453, %dma_start3A_460, %dma_start3A_461] : memref<125000x8x64xf32, #tpu.memory_space<hbm>> -> memref<1x8x64xf32, #tpu.memory_space<hbm>>
    %dma_start3A_463 = tpu.memref_squeeze %dma_start3A_462 : memref<1x8x64xf32, #tpu.memory_space<hbm>> -> memref<8x64xf32, #tpu.memory_space<hbm>>
    %dma_start3A_464 = arith.constant 0 : i32
    %dma_start3A_465 = arith.constant 0 : i32
    %dma_start3A_466 = tpu.memref_slice %arg6[%dma_start3A_454, %dma_start3A_455, %dma_start3A_464, %dma_start3A_465] : memref<2x16x8x64xf32, #tpu.memory_space<vmem>> -> memref<1x1x8x64xf32, #tpu.memory_space<vmem>>
    %dma_start3A_467 = tpu.memref_squeeze %dma_start3A_466 : memref<1x1x8x64xf32, #tpu.memory_space<vmem>> -> memref<8x64xf32, #tpu.memory_space<vmem>>
    %dma_start3A_468 = arith.constant 0 : i32
    %dma_start3A_469 = arith.constant 0 : i32
    %dma_start3A_470 = tpu.memref_slice %arg3[%squeeze3A_453, %dma_start3A_468, %dma_start3A_469] : memref<125000x8x64xf32, #tpu.memory_space<hbm>> -> memref<1x8x64xf32, #tpu.memory_space<hbm>>
    %dma_start3A_471 = tpu.memref_squeeze %dma_start3A_470 : memref<1x8x64xf32, #tpu.memory_space<hbm>> -> memref<8x64xf32, #tpu.memory_space<hbm>>
    tpu.enqueue_dma source(%dma_start3A_471 : memref<8x64xf32, #tpu.memory_space<hbm>>) target(%dma_start3A_467 : memref<8x64xf32, #tpu.memory_space<vmem>>) target_semaphore(%arg9 : memref<!tpu.dma_semaphore, #tpu.memory_space<semaphore_mem>>)
    %slice3A_472 = vector.extract_strided_slice %shift_right_arithmetic3A_14 {offsets = [11], sizes = [1], strides = [1]} : vector<16xi32> to vector<1xi32>
    %squeeze3A_473 = vector.extract %slice3A_472[0] : i32 from vector<1xi32>
    %dma_start3A_474 = arith.constant 0 : i32
    %dma_start3A_475 = arith.constant 11 : i32
    %dma_start3A_476 = arith.constant 0 : i32
    %dma_start3A_477 = arith.constant 0 : i32
    %dma_start3A_478 = tpu.memref_slice %arg7[%dma_start3A_474, %dma_start3A_475, %dma_start3A_476, %dma_start3A_477] : memref<2x16x8x64xf32, #tpu.memory_space<vmem>> -> memref<1x1x8x64xf32, #tpu.memory_space<vmem>>
    %dma_start3A_479 = tpu.memref_squeeze %dma_start3A_478 : memref<1x1x8x64xf32, #tpu.memory_space<vmem>> -> memref<8x64xf32, #tpu.memory_space<vmem>>
    %dma_start3A_480 = arith.constant 0 : i32
    %dma_start3A_481 = arith.constant 0 : i32
    %dma_start3A_482 = tpu.memref_slice %arg3[%squeeze3A_473, %dma_start3A_480, %dma_start3A_481] : memref<125000x8x64xf32, #tpu.memory_space<hbm>> -> memref<1x8x64xf32, #tpu.memory_space<hbm>>
    %dma_start3A_483 = tpu.memref_squeeze %dma_start3A_482 : memref<1x8x64xf32, #tpu.memory_space<hbm>> -> memref<8x64xf32, #tpu.memory_space<hbm>>
    %dma_start3A_484 = arith.constant 0 : i32
    %dma_start3A_485 = arith.constant 0 : i32
    %dma_start3A_486 = tpu.memref_slice %arg7[%dma_start3A_474, %dma_start3A_475, %dma_start3A_484, %dma_start3A_485] : memref<2x16x8x64xf32, #tpu.memory_space<vmem>> -> memref<1x1x8x64xf32, #tpu.memory_space<vmem>>
    %dma_start3A_487 = tpu.memref_squeeze %dma_start3A_486 : memref<1x1x8x64xf32, #tpu.memory_space<vmem>> -> memref<8x64xf32, #tpu.memory_space<vmem>>
    %dma_start3A_488 = arith.constant 0 : i32
    %dma_start3A_489 = arith.constant 0 : i32
    %dma_start3A_490 = tpu.memref_slice %arg3[%squeeze3A_473, %dma_start3A_488, %dma_start3A_489] : memref<125000x8x64xf32, #tpu.memory_space<hbm>> -> memref<1x8x64xf32, #tpu.memory_space<hbm>>
    %dma_start3A_491 = tpu.memref_squeeze %dma_start3A_490 : memref<1x8x64xf32, #tpu.memory_space<hbm>> -> memref<8x64xf32, #tpu.memory_space<hbm>>
    tpu.enqueue_dma source(%dma_start3A_491 : memref<8x64xf32, #tpu.memory_space<hbm>>) target(%dma_start3A_487 : memref<8x64xf32, #tpu.memory_space<vmem>>) target_semaphore(%arg9 : memref<!tpu.dma_semaphore, #tpu.memory_space<semaphore_mem>>)
    %slice3A_492 = vector.extract_strided_slice %shift_right_arithmetic3A_7 {offsets = [12], sizes = [1], strides = [1]} : vector<16xi32> to vector<1xi32>
    %squeeze3A_493 = vector.extract %slice3A_492[0] : i32 from vector<1xi32>
    %dma_start3A_494 = arith.constant 0 : i32
    %dma_start3A_495 = arith.constant 12 : i32
    %dma_start3A_496 = arith.constant 0 : i32
    %dma_start3A_497 = arith.constant 0 : i32
    %dma_start3A_498 = tpu.memref_slice %arg6[%dma_start3A_494, %dma_start3A_495, %dma_start3A_496, %dma_start3A_497] : memref<2x16x8x64xf32, #tpu.memory_space<vmem>> -> memref<1x1x8x64xf32, #tpu.memory_space<vmem>>
    %dma_start3A_499 = tpu.memref_squeeze %dma_start3A_498 : memref<1x1x8x64xf32, #tpu.memory_space<vmem>> -> memref<8x64xf32, #tpu.memory_space<vmem>>
    %dma_start3A_500 = arith.constant 0 : i32
    %dma_start3A_501 = arith.constant 0 : i32
    %dma_start3A_502 = tpu.memref_slice %arg3[%squeeze3A_493, %dma_start3A_500, %dma_start3A_501] : memref<125000x8x64xf32, #tpu.memory_space<hbm>> -> memref<1x8x64xf32, #tpu.memory_space<hbm>>
    %dma_start3A_503 = tpu.memref_squeeze %dma_start3A_502 : memref<1x8x64xf32, #tpu.memory_space<hbm>> -> memref<8x64xf32, #tpu.memory_space<hbm>>
    %dma_start3A_504 = arith.constant 0 : i32
    %dma_start3A_505 = arith.constant 0 : i32
    %dma_start3A_506 = tpu.memref_slice %arg6[%dma_start3A_494, %dma_start3A_495, %dma_start3A_504, %dma_start3A_505] : memref<2x16x8x64xf32, #tpu.memory_space<vmem>> -> memref<1x1x8x64xf32, #tpu.memory_space<vmem>>
    %dma_start3A_507 = tpu.memref_squeeze %dma_start3A_506 : memref<1x1x8x64xf32, #tpu.memory_space<vmem>> -> memref<8x64xf32, #tpu.memory_space<vmem>>
    %dma_start3A_508 = arith.constant 0 : i32
    %dma_start3A_509 = arith.constant 0 : i32
    %dma_start3A_510 = tpu.memref_slice %arg3[%squeeze3A_493, %dma_start3A_508, %dma_start3A_509] : memref<125000x8x64xf32, #tpu.memory_space<hbm>> -> memref<1x8x64xf32, #tpu.memory_space<hbm>>
    %dma_start3A_511 = tpu.memref_squeeze %dma_start3A_510 : memref<1x8x64xf32, #tpu.memory_space<hbm>> -> memref<8x64xf32, #tpu.memory_space<hbm>>
    tpu.enqueue_dma source(%dma_start3A_511 : memref<8x64xf32, #tpu.memory_space<hbm>>) target(%dma_start3A_507 : memref<8x64xf32, #tpu.memory_space<vmem>>) target_semaphore(%arg9 : memref<!tpu.dma_semaphore, #tpu.memory_space<semaphore_mem>>)
    %slice3A_512 = vector.extract_strided_slice %shift_right_arithmetic3A_14 {offsets = [12], sizes = [1], strides = [1]} : vector<16xi32> to vector<1xi32>
    %squeeze3A_513 = vector.extract %slice3A_512[0] : i32 from vector<1xi32>
    %dma_start3A_514 = arith.constant 0 : i32
    %dma_start3A_515 = arith.constant 12 : i32
    %dma_start3A_516 = arith.constant 0 : i32
    %dma_start3A_517 = arith.constant 0 : i32
    %dma_start3A_518 = tpu.memref_slice %arg7[%dma_start3A_514, %dma_start3A_515, %dma_start3A_516, %dma_start3A_517] : memref<2x16x8x64xf32, #tpu.memory_space<vmem>> -> memref<1x1x8x64xf32, #tpu.memory_space<vmem>>
    %dma_start3A_519 = tpu.memref_squeeze %dma_start3A_518 : memref<1x1x8x64xf32, #tpu.memory_space<vmem>> -> memref<8x64xf32, #tpu.memory_space<vmem>>
    %dma_start3A_520 = arith.constant 0 : i32
    %dma_start3A_521 = arith.constant 0 : i32
    %dma_start3A_522 = tpu.memref_slice %arg3[%squeeze3A_513, %dma_start3A_520, %dma_start3A_521] : memref<125000x8x64xf32, #tpu.memory_space<hbm>> -> memref<1x8x64xf32, #tpu.memory_space<hbm>>
    %dma_start3A_523 = tpu.memref_squeeze %dma_start3A_522 : memref<1x8x64xf32, #tpu.memory_space<hbm>> -> memref<8x64xf32, #tpu.memory_space<hbm>>
    %dma_start3A_524 = arith.constant 0 : i32
    %dma_start3A_525 = arith.constant 0 : i32
    %dma_start3A_526 = tpu.memref_slice %arg7[%dma_start3A_514, %dma_start3A_515, %dma_start3A_524, %dma_start3A_525] : memref<2x16x8x64xf32, #tpu.memory_space<vmem>> -> memref<1x1x8x64xf32, #tpu.memory_space<vmem>>
    %dma_start3A_527 = tpu.memref_squeeze %dma_start3A_526 : memref<1x1x8x64xf32, #tpu.memory_space<vmem>> -> memref<8x64xf32, #tpu.memory_space<vmem>>
    %dma_start3A_528 = arith.constant 0 : i32
    %dma_start3A_529 = arith.constant 0 : i32
    %dma_start3A_530 = tpu.memref_slice %arg3[%squeeze3A_513, %dma_start3A_528, %dma_start3A_529] : memref<125000x8x64xf32, #tpu.memory_space<hbm>> -> memref<1x8x64xf32, #tpu.memory_space<hbm>>
    %dma_start3A_531 = tpu.memref_squeeze %dma_start3A_530 : memref<1x8x64xf32, #tpu.memory_space<hbm>> -> memref<8x64xf32, #tpu.memory_space<hbm>>
    tpu.enqueue_dma source(%dma_start3A_531 : memref<8x64xf32, #tpu.memory_space<hbm>>) target(%dma_start3A_527 : memref<8x64xf32, #tpu.memory_space<vmem>>) target_semaphore(%arg9 : memref<!tpu.dma_semaphore, #tpu.memory_space<semaphore_mem>>)
    %slice3A_532 = vector.extract_strided_slice %shift_right_arithmetic3A_7 {offsets = [13], sizes = [1], strides = [1]} : vector<16xi32> to vector<1xi32>
    %squeeze3A_533 = vector.extract %slice3A_532[0] : i32 from vector<1xi32>
    %dma_start3A_534 = arith.constant 0 : i32
    %dma_start3A_535 = arith.constant 13 : i32
    %dma_start3A_536 = arith.constant 0 : i32
    %dma_start3A_537 = arith.constant 0 : i32
    %dma_start3A_538 = tpu.memref_slice %arg6[%dma_start3A_534, %dma_start3A_535, %dma_start3A_536, %dma_start3A_537] : memref<2x16x8x64xf32, #tpu.memory_space<vmem>> -> memref<1x1x8x64xf32, #tpu.memory_space<vmem>>
    %dma_start3A_539 = tpu.memref_squeeze %dma_start3A_538 : memref<1x1x8x64xf32, #tpu.memory_space<vmem>> -> memref<8x64xf32, #tpu.memory_space<vmem>>
    %dma_start3A_540 = arith.constant 0 : i32
    %dma_start3A_541 = arith.constant 0 : i32
    %dma_start3A_542 = tpu.memref_slice %arg3[%squeeze3A_533, %dma_start3A_540, %dma_start3A_541] : memref<125000x8x64xf32, #tpu.memory_space<hbm>> -> memref<1x8x64xf32, #tpu.memory_space<hbm>>
    %dma_start3A_543 = tpu.memref_squeeze %dma_start3A_542 : memref<1x8x64xf32, #tpu.memory_space<hbm>> -> memref<8x64xf32, #tpu.memory_space<hbm>>
    %dma_start3A_544 = arith.constant 0 : i32
    %dma_start3A_545 = arith.constant 0 : i32
    %dma_start3A_546 = tpu.memref_slice %arg6[%dma_start3A_534, %dma_start3A_535, %dma_start3A_544, %dma_start3A_545] : memref<2x16x8x64xf32, #tpu.memory_space<vmem>> -> memref<1x1x8x64xf32, #tpu.memory_space<vmem>>
    %dma_start3A_547 = tpu.memref_squeeze %dma_start3A_546 : memref<1x1x8x64xf32, #tpu.memory_space<vmem>> -> memref<8x64xf32, #tpu.memory_space<vmem>>
    %dma_start3A_548 = arith.constant 0 : i32
    %dma_start3A_549 = arith.constant 0 : i32
    %dma_start3A_550 = tpu.memref_slice %arg3[%squeeze3A_533, %dma_start3A_548, %dma_start3A_549] : memref<125000x8x64xf32, #tpu.memory_space<hbm>> -> memref<1x8x64xf32, #tpu.memory_space<hbm>>
    %dma_start3A_551 = tpu.memref_squeeze %dma_start3A_550 : memref<1x8x64xf32, #tpu.memory_space<hbm>> -> memref<8x64xf32, #tpu.memory_space<hbm>>
    tpu.enqueue_dma source(%dma_start3A_551 : memref<8x64xf32, #tpu.memory_space<hbm>>) target(%dma_start3A_547 : memref<8x64xf32, #tpu.memory_space<vmem>>) target_semaphore(%arg9 : memref<!tpu.dma_semaphore, #tpu.memory_space<semaphore_mem>>)
    %slice3A_552 = vector.extract_strided_slice %shift_right_arithmetic3A_14 {offsets = [13], sizes = [1], strides = [1]} : vector<16xi32> to vector<1xi32>
    %squeeze3A_553 = vector.extract %slice3A_552[0] : i32 from vector<1xi32>
    %dma_start3A_554 = arith.constant 0 : i32
    %dma_start3A_555 = arith.constant 13 : i32
    %dma_start3A_556 = arith.constant 0 : i32
    %dma_start3A_557 = arith.constant 0 : i32
    %dma_start3A_558 = tpu.memref_slice %arg7[%dma_start3A_554, %dma_start3A_555, %dma_start3A_556, %dma_start3A_557] : memref<2x16x8x64xf32, #tpu.memory_space<vmem>> -> memref<1x1x8x64xf32, #tpu.memory_space<vmem>>
    %dma_start3A_559 = tpu.memref_squeeze %dma_start3A_558 : memref<1x1x8x64xf32, #tpu.memory_space<vmem>> -> memref<8x64xf32, #tpu.memory_space<vmem>>
    %dma_start3A_560 = arith.constant 0 : i32
    %dma_start3A_561 = arith.constant 0 : i32
    %dma_start3A_562 = tpu.memref_slice %arg3[%squeeze3A_553, %dma_start3A_560, %dma_start3A_561] : memref<125000x8x64xf32, #tpu.memory_space<hbm>> -> memref<1x8x64xf32, #tpu.memory_space<hbm>>
    %dma_start3A_563 = tpu.memref_squeeze %dma_start3A_562 : memref<1x8x64xf32, #tpu.memory_space<hbm>> -> memref<8x64xf32, #tpu.memory_space<hbm>>
    %dma_start3A_564 = arith.constant 0 : i32
    %dma_start3A_565 = arith.constant 0 : i32
    %dma_start3A_566 = tpu.memref_slice %arg7[%dma_start3A_554, %dma_start3A_555, %dma_start3A_564, %dma_start3A_565] : memref<2x16x8x64xf32, #tpu.memory_space<vmem>> -> memref<1x1x8x64xf32, #tpu.memory_space<vmem>>
    %dma_start3A_567 = tpu.memref_squeeze %dma_start3A_566 : memref<1x1x8x64xf32, #tpu.memory_space<vmem>> -> memref<8x64xf32, #tpu.memory_space<vmem>>
    %dma_start3A_568 = arith.constant 0 : i32
    %dma_start3A_569 = arith.constant 0 : i32
    %dma_start3A_570 = tpu.memref_slice %arg3[%squeeze3A_553, %dma_start3A_568, %dma_start3A_569] : memref<125000x8x64xf32, #tpu.memory_space<hbm>> -> memref<1x8x64xf32, #tpu.memory_space<hbm>>
    %dma_start3A_571 = tpu.memref_squeeze %dma_start3A_570 : memref<1x8x64xf32, #tpu.memory_space<hbm>> -> memref<8x64xf32, #tpu.memory_space<hbm>>
    tpu.enqueue_dma source(%dma_start3A_571 : memref<8x64xf32, #tpu.memory_space<hbm>>) target(%dma_start3A_567 : memref<8x64xf32, #tpu.memory_space<vmem>>) target_semaphore(%arg9 : memref<!tpu.dma_semaphore, #tpu.memory_space<semaphore_mem>>)
    %slice3A_572 = vector.extract_strided_slice %shift_right_arithmetic3A_7 {offsets = [14], sizes = [1], strides = [1]} : vector<16xi32> to vector<1xi32>
    %squeeze3A_573 = vector.extract %slice3A_572[0] : i32 from vector<1xi32>
    %dma_start3A_574 = arith.constant 0 : i32
    %dma_start3A_575 = arith.constant 14 : i32
    %dma_start3A_576 = arith.constant 0 : i32
    %dma_start3A_577 = arith.constant 0 : i32
    %dma_start3A_578 = tpu.memref_slice %arg6[%dma_start3A_574, %dma_start3A_575, %dma_start3A_576, %dma_start3A_577] : memref<2x16x8x64xf32, #tpu.memory_space<vmem>> -> memref<1x1x8x64xf32, #tpu.memory_space<vmem>>
    %dma_start3A_579 = tpu.memref_squeeze %dma_start3A_578 : memref<1x1x8x64xf32, #tpu.memory_space<vmem>> -> memref<8x64xf32, #tpu.memory_space<vmem>>
    %dma_start3A_580 = arith.constant 0 : i32
    %dma_start3A_581 = arith.constant 0 : i32
    %dma_start3A_582 = tpu.memref_slice %arg3[%squeeze3A_573, %dma_start3A_580, %dma_start3A_581] : memref<125000x8x64xf32, #tpu.memory_space<hbm>> -> memref<1x8x64xf32, #tpu.memory_space<hbm>>
    %dma_start3A_583 = tpu.memref_squeeze %dma_start3A_582 : memref<1x8x64xf32, #tpu.memory_space<hbm>> -> memref<8x64xf32, #tpu.memory_space<hbm>>
    %dma_start3A_584 = arith.constant 0 : i32
    %dma_start3A_585 = arith.constant 0 : i32
    %dma_start3A_586 = tpu.memref_slice %arg6[%dma_start3A_574, %dma_start3A_575, %dma_start3A_584, %dma_start3A_585] : memref<2x16x8x64xf32, #tpu.memory_space<vmem>> -> memref<1x1x8x64xf32, #tpu.memory_space<vmem>>
    %dma_start3A_587 = tpu.memref_squeeze %dma_start3A_586 : memref<1x1x8x64xf32, #tpu.memory_space<vmem>> -> memref<8x64xf32, #tpu.memory_space<vmem>>
    %dma_start3A_588 = arith.constant 0 : i32
    %dma_start3A_589 = arith.constant 0 : i32
    %dma_start3A_590 = tpu.memref_slice %arg3[%squeeze3A_573, %dma_start3A_588, %dma_start3A_589] : memref<125000x8x64xf32, #tpu.memory_space<hbm>> -> memref<1x8x64xf32, #tpu.memory_space<hbm>>
    %dma_start3A_591 = tpu.memref_squeeze %dma_start3A_590 : memref<1x8x64xf32, #tpu.memory_space<hbm>> -> memref<8x64xf32, #tpu.memory_space<hbm>>
    tpu.enqueue_dma source(%dma_start3A_591 : memref<8x64xf32, #tpu.memory_space<hbm>>) target(%dma_start3A_587 : memref<8x64xf32, #tpu.memory_space<vmem>>) target_semaphore(%arg9 : memref<!tpu.dma_semaphore, #tpu.memory_space<semaphore_mem>>)
    %slice3A_592 = vector.extract_strided_slice %shift_right_arithmetic3A_14 {offsets = [14], sizes = [1], strides = [1]} : vector<16xi32> to vector<1xi32>
    %squeeze3A_593 = vector.extract %slice3A_592[0] : i32 from vector<1xi32>
    %dma_start3A_594 = arith.constant 0 : i32
    %dma_start3A_595 = arith.constant 14 : i32
    %dma_start3A_596 = arith.constant 0 : i32
    %dma_start3A_597 = arith.constant 0 : i32
    %dma_start3A_598 = tpu.memref_slice %arg7[%dma_start3A_594, %dma_start3A_595, %dma_start3A_596, %dma_start3A_597] : memref<2x16x8x64xf32, #tpu.memory_space<vmem>> -> memref<1x1x8x64xf32, #tpu.memory_space<vmem>>
    %dma_start3A_599 = tpu.memref_squeeze %dma_start3A_598 : memref<1x1x8x64xf32, #tpu.memory_space<vmem>> -> memref<8x64xf32, #tpu.memory_space<vmem>>
    %dma_start3A_600 = arith.constant 0 : i32
    %dma_start3A_601 = arith.constant 0 : i32
    %dma_start3A_602 = tpu.memref_slice %arg3[%squeeze3A_593, %dma_start3A_600, %dma_start3A_601] : memref<125000x8x64xf32, #tpu.memory_space<hbm>> -> memref<1x8x64xf32, #tpu.memory_space<hbm>>
    %dma_start3A_603 = tpu.memref_squeeze %dma_start3A_602 : memref<1x8x64xf32, #tpu.memory_space<hbm>> -> memref<8x64xf32, #tpu.memory_space<hbm>>
    %dma_start3A_604 = arith.constant 0 : i32
    %dma_start3A_605 = arith.constant 0 : i32
    %dma_start3A_606 = tpu.memref_slice %arg7[%dma_start3A_594, %dma_start3A_595, %dma_start3A_604, %dma_start3A_605] : memref<2x16x8x64xf32, #tpu.memory_space<vmem>> -> memref<1x1x8x64xf32, #tpu.memory_space<vmem>>
    %dma_start3A_607 = tpu.memref_squeeze %dma_start3A_606 : memref<1x1x8x64xf32, #tpu.memory_space<vmem>> -> memref<8x64xf32, #tpu.memory_space<vmem>>
    %dma_start3A_608 = arith.constant 0 : i32
    %dma_start3A_609 = arith.constant 0 : i32
    %dma_start3A_610 = tpu.memref_slice %arg3[%squeeze3A_593, %dma_start3A_608, %dma_start3A_609] : memref<125000x8x64xf32, #tpu.memory_space<hbm>> -> memref<1x8x64xf32, #tpu.memory_space<hbm>>
    %dma_start3A_611 = tpu.memref_squeeze %dma_start3A_610 : memref<1x8x64xf32, #tpu.memory_space<hbm>> -> memref<8x64xf32, #tpu.memory_space<hbm>>
    tpu.enqueue_dma source(%dma_start3A_611 : memref<8x64xf32, #tpu.memory_space<hbm>>) target(%dma_start3A_607 : memref<8x64xf32, #tpu.memory_space<vmem>>) target_semaphore(%arg9 : memref<!tpu.dma_semaphore, #tpu.memory_space<semaphore_mem>>)
    %slice3A_612 = vector.extract_strided_slice %shift_right_arithmetic3A_7 {offsets = [15], sizes = [1], strides = [1]} : vector<16xi32> to vector<1xi32>
    %squeeze3A_613 = vector.extract %slice3A_612[0] : i32 from vector<1xi32>
    %dma_start3A_614 = arith.constant 0 : i32
    %dma_start3A_615 = arith.constant 15 : i32
    %dma_start3A_616 = arith.constant 0 : i32
    %dma_start3A_617 = arith.constant 0 : i32
    %dma_start3A_618 = tpu.memref_slice %arg6[%dma_start3A_614, %dma_start3A_615, %dma_start3A_616, %dma_start3A_617] : memref<2x16x8x64xf32, #tpu.memory_space<vmem>> -> memref<1x1x8x64xf32, #tpu.memory_space<vmem>>
    %dma_start3A_619 = tpu.memref_squeeze %dma_start3A_618 : memref<1x1x8x64xf32, #tpu.memory_space<vmem>> -> memref<8x64xf32, #tpu.memory_space<vmem>>
    %dma_start3A_620 = arith.constant 0 : i32
    %dma_start3A_621 = arith.constant 0 : i32
    %dma_start3A_622 = tpu.memref_slice %arg3[%squeeze3A_613, %dma_start3A_620, %dma_start3A_621] : memref<125000x8x64xf32, #tpu.memory_space<hbm>> -> memref<1x8x64xf32, #tpu.memory_space<hbm>>
    %dma_start3A_623 = tpu.memref_squeeze %dma_start3A_622 : memref<1x8x64xf32, #tpu.memory_space<hbm>> -> memref<8x64xf32, #tpu.memory_space<hbm>>
    %dma_start3A_624 = arith.constant 0 : i32
    %dma_start3A_625 = arith.constant 0 : i32
    %dma_start3A_626 = tpu.memref_slice %arg6[%dma_start3A_614, %dma_start3A_615, %dma_start3A_624, %dma_start3A_625] : memref<2x16x8x64xf32, #tpu.memory_space<vmem>> -> memref<1x1x8x64xf32, #tpu.memory_space<vmem>>
    %dma_start3A_627 = tpu.memref_squeeze %dma_start3A_626 : memref<1x1x8x64xf32, #tpu.memory_space<vmem>> -> memref<8x64xf32, #tpu.memory_space<vmem>>
    %dma_start3A_628 = arith.constant 0 : i32
    %dma_start3A_629 = arith.constant 0 : i32
    %dma_start3A_630 = tpu.memref_slice %arg3[%squeeze3A_613, %dma_start3A_628, %dma_start3A_629] : memref<125000x8x64xf32, #tpu.memory_space<hbm>> -> memref<1x8x64xf32, #tpu.memory_space<hbm>>
    %dma_start3A_631 = tpu.memref_squeeze %dma_start3A_630 : memref<1x8x64xf32, #tpu.memory_space<hbm>> -> memref<8x64xf32, #tpu.memory_space<hbm>>
    tpu.enqueue_dma source(%dma_start3A_631 : memref<8x64xf32, #tpu.memory_space<hbm>>) target(%dma_start3A_627 : memref<8x64xf32, #tpu.memory_space<vmem>>) target_semaphore(%arg9 : memref<!tpu.dma_semaphore, #tpu.memory_space<semaphore_mem>>)
    %slice3A_632 = vector.extract_strided_slice %shift_right_arithmetic3A_14 {offsets = [15], sizes = [1], strides = [1]} : vector<16xi32> to vector<1xi32>
    %squeeze3A_633 = vector.extract %slice3A_632[0] : i32 from vector<1xi32>
    %dma_start3A_634 = arith.constant 0 : i32
    %dma_start3A_635 = arith.constant 15 : i32
    %dma_start3A_636 = arith.constant 0 : i32
    %dma_start3A_637 = arith.constant 0 : i32
    %dma_start3A_638 = tpu.memref_slice %arg7[%dma_start3A_634, %dma_start3A_635, %dma_start3A_636, %dma_start3A_637] : memref<2x16x8x64xf32, #tpu.memory_space<vmem>> -> memref<1x1x8x64xf32, #tpu.memory_space<vmem>>
    %dma_start3A_639 = tpu.memref_squeeze %dma_start3A_638 : memref<1x1x8x64xf32, #tpu.memory_space<vmem>> -> memref<8x64xf32, #tpu.memory_space<vmem>>
    %dma_start3A_640 = arith.constant 0 : i32
    %dma_start3A_641 = arith.constant 0 : i32
    %dma_start3A_642 = tpu.memref_slice %arg3[%squeeze3A_633, %dma_start3A_640, %dma_start3A_641] : memref<125000x8x64xf32, #tpu.memory_space<hbm>> -> memref<1x8x64xf32, #tpu.memory_space<hbm>>
    %dma_start3A_643 = tpu.memref_squeeze %dma_start3A_642 : memref<1x8x64xf32, #tpu.memory_space<hbm>> -> memref<8x64xf32, #tpu.memory_space<hbm>>
    %dma_start3A_644 = arith.constant 0 : i32
    %dma_start3A_645 = arith.constant 0 : i32
    %dma_start3A_646 = tpu.memref_slice %arg7[%dma_start3A_634, %dma_start3A_635, %dma_start3A_644, %dma_start3A_645] : memref<2x16x8x64xf32, #tpu.memory_space<vmem>> -> memref<1x1x8x64xf32, #tpu.memory_space<vmem>>
    %dma_start3A_647 = tpu.memref_squeeze %dma_start3A_646 : memref<1x1x8x64xf32, #tpu.memory_space<vmem>> -> memref<8x64xf32, #tpu.memory_space<vmem>>
    %dma_start3A_648 = arith.constant 0 : i32
    %dma_start3A_649 = arith.constant 0 : i32
    %dma_start3A_650 = tpu.memref_slice %arg3[%squeeze3A_633, %dma_start3A_648, %dma_start3A_649] : memref<125000x8x64xf32, #tpu.memory_space<hbm>> -> memref<1x8x64xf32, #tpu.memory_space<hbm>>
    %dma_start3A_651 = tpu.memref_squeeze %dma_start3A_650 : memref<1x8x64xf32, #tpu.memory_space<hbm>> -> memref<8x64xf32, #tpu.memory_space<hbm>>
    tpu.enqueue_dma source(%dma_start3A_651 : memref<8x64xf32, #tpu.memory_space<hbm>>) target(%dma_start3A_647 : memref<8x64xf32, #tpu.memory_space<vmem>>) target_semaphore(%arg9 : memref<!tpu.dma_semaphore, #tpu.memory_space<semaphore_mem>>)
    %scan3A = arith.constant 0 : i32
    %scan3A_652 = arith.constant 0 : i32
    %scan3A_653 = arith.constant 16 : i32
    %scan3A_654 = arith.addi %scan3A_652, %scan3A_653 : i32
    %scan3A_655 = arith.constant 1 : i32
    scf.for %scan3A_657 = %scan3A_652 to %scan3A_654 step %scan3A_655  : i32 {
      %mul3A_658 = arith.constant 2 : i32
      %mul3A_659 = arith.muli %mul3A_658, %scan3A_657 : i32
      %add3A_660 = arith.constant 0 : i32
      %add3A_661 = arith.addi %mul3A_659, %add3A_660 : i32
      %dma_wait3A = arith.constant 0 : i32
      %dma_wait3A_662 = arith.constant 0 : i32
      %dma_wait3A_663 = arith.constant 0 : i32
      %dma_wait3A_664 = arith.constant 0 : i32
      %dma_wait3A_665 = tpu.memref_slice %arg6[%dma_wait3A, %dma_wait3A_662, %dma_wait3A_663, %dma_wait3A_664] : memref<2x16x8x64xf32, #tpu.memory_space<vmem>> -> memref<1x16x8x64xf32, #tpu.memory_space<vmem>>
      %dma_wait3A_666 = tpu.memref_squeeze %dma_wait3A_665 : memref<1x16x8x64xf32, #tpu.memory_space<vmem>> -> memref<16x8x64xf32, #tpu.memory_space<vmem>>
      %dma_wait3A_667 = arith.constant 0 : i32
      %dma_wait3A_668 = arith.constant 0 : i32
      %dma_wait3A_669 = arith.constant 0 : i32
      %dma_wait3A_670 = tpu.memref_slice %arg3[%dma_wait3A_667, %dma_wait3A_668, %dma_wait3A_669] : memref<125000x8x64xf32, #tpu.memory_space<hbm>> -> memref<16x8x64xf32, #tpu.memory_space<hbm>>
      %dma_wait3A_671 = arith.constant 0 : i32
      %dma_wait3A_672 = arith.constant 0 : i32
      %dma_wait3A_673 = arith.constant 0 : i32
      %dma_wait3A_674 = tpu.memref_slice %arg6[%dma_wait3A, %dma_wait3A_671, %dma_wait3A_672, %dma_wait3A_673] : memref<2x16x8x64xf32, #tpu.memory_space<vmem>> -> memref<1x16x8x64xf32, #tpu.memory_space<vmem>>
      %dma_wait3A_675 = tpu.memref_squeeze %dma_wait3A_674 : memref<1x16x8x64xf32, #tpu.memory_space<vmem>> -> memref<16x8x64xf32, #tpu.memory_space<vmem>>
      %dma_wait3A_676 = arith.constant 0 : i32
      %dma_wait3A_677 = arith.constant 0 : i32
      %dma_wait3A_678 = arith.constant 0 : i32
      %dma_wait3A_679 = tpu.memref_slice %arg3[%dma_wait3A_676, %dma_wait3A_677, %dma_wait3A_678] : memref<125000x8x64xf32, #tpu.memory_space<hbm>> -> memref<16x8x64xf32, #tpu.memory_space<hbm>>
      tpu.wait_dma2 semaphore(%arg9 : memref<!tpu.dma_semaphore, #tpu.memory_space<semaphore_mem>>) src(%dma_wait3A_679 : memref<16x8x64xf32, #tpu.memory_space<hbm>>) dst(%dma_wait3A_675 : memref<16x8x64xf32, #tpu.memory_space<vmem>>)
      %dma_wait3A_680 = arith.constant 0 : i32
      %dma_wait3A_681 = arith.constant 0 : i32
      %dma_wait3A_682 = arith.constant 0 : i32
      %dma_wait3A_683 = arith.constant 0 : i32
      %dma_wait3A_684 = tpu.memref_slice %arg7[%dma_wait3A_680, %dma_wait3A_681, %dma_wait3A_682, %dma_wait3A_683] : memref<2x16x8x64xf32, #tpu.memory_space<vmem>> -> memref<1x16x8x64xf32, #tpu.memory_space<vmem>>
      %dma_wait3A_685 = tpu.memref_squeeze %dma_wait3A_684 : memref<1x16x8x64xf32, #tpu.memory_space<vmem>> -> memref<16x8x64xf32, #tpu.memory_space<vmem>>
      %dma_wait3A_686 = arith.constant 0 : i32
      %dma_wait3A_687 = arith.constant 0 : i32
      %dma_wait3A_688 = arith.constant 0 : i32
      %dma_wait3A_689 = tpu.memref_slice %arg3[%dma_wait3A_686, %dma_wait3A_687, %dma_wait3A_688] : memref<125000x8x64xf32, #tpu.memory_space<hbm>> -> memref<16x8x64xf32, #tpu.memory_space<hbm>>
      %dma_wait3A_690 = arith.constant 0 : i32
      %dma_wait3A_691 = arith.constant 0 : i32
      %dma_wait3A_692 = arith.constant 0 : i32
      %dma_wait3A_693 = tpu.memref_slice %arg7[%dma_wait3A_680, %dma_wait3A_690, %dma_wait3A_691, %dma_wait3A_692] : memref<2x16x8x64xf32, #tpu.memory_space<vmem>> -> memref<1x16x8x64xf32, #tpu.memory_space<vmem>>
      %dma_wait3A_694 = tpu.memref_squeeze %dma_wait3A_693 : memref<1x16x8x64xf32, #tpu.memory_space<vmem>> -> memref<16x8x64xf32, #tpu.memory_space<vmem>>
      %dma_wait3A_695 = arith.constant 0 : i32
      %dma_wait3A_696 = arith.constant 0 : i32
      %dma_wait3A_697 = arith.constant 0 : i32
      %dma_wait3A_698 = tpu.memref_slice %arg3[%dma_wait3A_695, %dma_wait3A_696, %dma_wait3A_697] : memref<125000x8x64xf32, #tpu.memory_space<hbm>> -> memref<16x8x64xf32, #tpu.memory_space<hbm>>
      tpu.wait_dma2 semaphore(%arg9 : memref<!tpu.dma_semaphore, #tpu.memory_space<semaphore_mem>>) src(%dma_wait3A_698 : memref<16x8x64xf32, #tpu.memory_space<hbm>>) dst(%dma_wait3A_694 : memref<16x8x64xf32, #tpu.memory_space<vmem>>)
      %add3A_699 = arith.constant 1 : i32
      %add3A_700 = arith.addi %add3A_661, %add3A_699 : i32
      %shift_right_arithmetic3A_701 = arith.constant 3 : i32
      %shift_right_arithmetic3A_702 = arith.shrsi %add3A_700, %shift_right_arithmetic3A_701 : i32
      %add3A_703 = arith.constant 0 : i32
      %add3A_704 = arith.addi %add3A_703, %shift_right_arithmetic3A_702 : i32
      %and3A = arith.constant 7 : i32
      %and3A_705 = arith.andi %add3A_700, %and3A : i32
      %mul3A_706 = arith.constant 16 : i32
      %mul3A_707 = arith.muli %and3A_705, %mul3A_706 : i32
      %get3A_708 = arith.index_cast %add3A_704 : i32 to index
      %get3A_709 = arith.index_cast %mul3A_707 : i32 to index
      %get3A_710 = tpu.vector_load %arg5[%get3A_708, %get3A_709] {strides = array<i32>} : memref<8x128xi32, #tpu.memory_space<vmem>>, vector<16xi32>,
      %shift_right_arithmetic3A_711 = arith.constant 3 : i32
      %shift_right_arithmetic3A_712 = vector.broadcast %shift_right_arithmetic3A_711 : i32 to vector<16xi32>
      %shift_right_arithmetic3A_713 = arith.shrsi %get3A_710, %shift_right_arithmetic3A_712 : vector<16xi32>
      %shift_right_arithmetic3A_714 = arith.constant 3 : i32
      %shift_right_arithmetic3A_715 = arith.shrsi %add3A_700, %shift_right_arithmetic3A_714 : i32
      %add3A_716 = arith.constant 4 : i32
      %add3A_717 = arith.addi %add3A_716, %shift_right_arithmetic3A_715 : i32
      %and3A_718 = arith.constant 7 : i32
      %and3A_719 = arith.andi %add3A_700, %and3A_718 : i32
      %mul3A_720 = arith.constant 16 : i32
      %mul3A_721 = arith.muli %and3A_719, %mul3A_720 : i32
      %get3A_722 = arith.index_cast %add3A_717 : i32 to index
      %get3A_723 = arith.index_cast %mul3A_721 : i32 to index
      %get3A_724 = tpu.vector_load %arg5[%get3A_722, %get3A_723] {strides = array<i32>} : memref<8x128xi32, #tpu.memory_space<vmem>>, vector<16xi32>,
      %shift_right_arithmetic3A_725 = arith.constant 3 : i32
      %shift_right_arithmetic3A_726 = vector.broadcast %shift_right_arithmetic3A_725 : i32 to vector<16xi32>
      %shift_right_arithmetic3A_727 = arith.shrsi %get3A_724, %shift_right_arithmetic3A_726 : vector<16xi32>
      %slice3A_728 = vector.extract_strided_slice %shift_right_arithmetic3A_713 {offsets = [0], sizes = [1], strides = [1]} : vector<16xi32> to vector<1xi32>
      %squeeze3A_729 = vector.extract %slice3A_728[0] : i32 from vector<1xi32>
      %dma_start3A_730 = arith.constant 1 : i32
      %dma_start3A_731 = arith.constant 0 : i32
      %dma_start3A_732 = arith.constant 0 : i32
      %dma_start3A_733 = arith.constant 0 : i32
      %dma_start3A_734 = tpu.memref_slice %arg6[%dma_start3A_730, %dma_start3A_731, %dma_start3A_732, %dma_start3A_733] : memref<2x16x8x64xf32, #tpu.memory_space<vmem>> -> memref<1x1x8x64xf32, #tpu.memory_space<vmem>>
      %dma_start3A_735 = tpu.memref_squeeze %dma_start3A_734 : memref<1x1x8x64xf32, #tpu.memory_space<vmem>> -> memref<8x64xf32, #tpu.memory_space<vmem>>
      %dma_start3A_736 = arith.constant 0 : i32
      %dma_start3A_737 = arith.constant 0 : i32
      %dma_start3A_738 = tpu.memref_slice %arg3[%squeeze3A_729, %dma_start3A_736, %dma_start3A_737] : memref<125000x8x64xf32, #tpu.memory_space<hbm>> -> memref<1x8x64xf32, #tpu.memory_space<hbm>>
      %dma_start3A_739 = tpu.memref_squeeze %dma_start3A_738 : memref<1x8x64xf32, #tpu.memory_space<hbm>> -> memref<8x64xf32, #tpu.memory_space<hbm>>
      %dma_start3A_740 = arith.constant 0 : i32
      %dma_start3A_741 = arith.constant 0 : i32
      %dma_start3A_742 = tpu.memref_slice %arg6[%dma_start3A_730, %dma_start3A_731, %dma_start3A_740, %dma_start3A_741] : memref<2x16x8x64xf32, #tpu.memory_space<vmem>> -> memref<1x1x8x64xf32, #tpu.memory_space<vmem>>
      %dma_start3A_743 = tpu.memref_squeeze %dma_start3A_742 : memref<1x1x8x64xf32, #tpu.memory_space<vmem>> -> memref<8x64xf32, #tpu.memory_space<vmem>>
      %dma_start3A_744 = arith.constant 0 : i32
      %dma_start3A_745 = arith.constant 0 : i32
      %dma_start3A_746 = tpu.memref_slice %arg3[%squeeze3A_729, %dma_start3A_744, %dma_start3A_745] : memref<125000x8x64xf32, #tpu.memory_space<hbm>> -> memref<1x8x64xf32, #tpu.memory_space<hbm>>
      %dma_start3A_747 = tpu.memref_squeeze %dma_start3A_746 : memref<1x8x64xf32, #tpu.memory_space<hbm>> -> memref<8x64xf32, #tpu.memory_space<hbm>>
      tpu.enqueue_dma source(%dma_start3A_747 : memref<8x64xf32, #tpu.memory_space<hbm>>) target(%dma_start3A_743 : memref<8x64xf32, #tpu.memory_space<vmem>>) target_semaphore(%arg10 : memref<!tpu.dma_semaphore, #tpu.memory_space<semaphore_mem>>)
      %slice3A_748 = vector.extract_strided_slice %shift_right_arithmetic3A_727 {offsets = [0], sizes = [1], strides = [1]} : vector<16xi32> to vector<1xi32>
      %squeeze3A_749 = vector.extract %slice3A_748[0] : i32 from vector<1xi32>
      %dma_start3A_750 = arith.constant 1 : i32
      %dma_start3A_751 = arith.constant 0 : i32
      %dma_start3A_752 = arith.constant 0 : i32
      %dma_start3A_753 = arith.constant 0 : i32
      %dma_start3A_754 = tpu.memref_slice %arg7[%dma_start3A_750, %dma_start3A_751, %dma_start3A_752, %dma_start3A_753] : memref<2x16x8x64xf32, #tpu.memory_space<vmem>> -> memref<1x1x8x64xf32, #tpu.memory_space<vmem>>
      %dma_start3A_755 = tpu.memref_squeeze %dma_start3A_754 : memref<1x1x8x64xf32, #tpu.memory_space<vmem>> -> memref<8x64xf32, #tpu.memory_space<vmem>>
      %dma_start3A_756 = arith.constant 0 : i32
      %dma_start3A_757 = arith.constant 0 : i32
      %dma_start3A_758 = tpu.memref_slice %arg3[%squeeze3A_749, %dma_start3A_756, %dma_start3A_757] : memref<125000x8x64xf32, #tpu.memory_space<hbm>> -> memref<1x8x64xf32, #tpu.memory_space<hbm>>
      %dma_start3A_759 = tpu.memref_squeeze %dma_start3A_758 : memref<1x8x64xf32, #tpu.memory_space<hbm>> -> memref<8x64xf32, #tpu.memory_space<hbm>>
      %dma_start3A_760 = arith.constant 0 : i32
      %dma_start3A_761 = arith.constant 0 : i32
      %dma_start3A_762 = tpu.memref_slice %arg7[%dma_start3A_750, %dma_start3A_751, %dma_start3A_760, %dma_start3A_761] : memref<2x16x8x64xf32, #tpu.memory_space<vmem>> -> memref<1x1x8x64xf32, #tpu.memory_space<vmem>>
      %dma_start3A_763 = tpu.memref_squeeze %dma_start3A_762 : memref<1x1x8x64xf32, #tpu.memory_space<vmem>> -> memref<8x64xf32, #tpu.memory_space<vmem>>
      %dma_start3A_764 = arith.constant 0 : i32
      %dma_start3A_765 = arith.constant 0 : i32
      %dma_start3A_766 = tpu.memref_slice %arg3[%squeeze3A_749, %dma_start3A_764, %dma_start3A_765] : memref<125000x8x64xf32, #tpu.memory_space<hbm>> -> memref<1x8x64xf32, #tpu.memory_space<hbm>>
      %dma_start3A_767 = tpu.memref_squeeze %dma_start3A_766 : memref<1x8x64xf32, #tpu.memory_space<hbm>> -> memref<8x64xf32, #tpu.memory_space<hbm>>
      tpu.enqueue_dma source(%dma_start3A_767 : memref<8x64xf32, #tpu.memory_space<hbm>>) target(%dma_start3A_763 : memref<8x64xf32, #tpu.memory_space<vmem>>) target_semaphore(%arg10 : memref<!tpu.dma_semaphore, #tpu.memory_space<semaphore_mem>>)
      %slice3A_768 = vector.extract_strided_slice %shift_right_arithmetic3A_713 {offsets = [1], sizes = [1], strides = [1]} : vector<16xi32> to vector<1xi32>
      %squeeze3A_769 = vector.extract %slice3A_768[0] : i32 from vector<1xi32>
      %dma_start3A_770 = arith.constant 1 : i32
      %dma_start3A_771 = arith.constant 1 : i32
      %dma_start3A_772 = arith.constant 0 : i32
      %dma_start3A_773 = arith.constant 0 : i32
      %dma_start3A_774 = tpu.memref_slice %arg6[%dma_start3A_770, %dma_start3A_771, %dma_start3A_772, %dma_start3A_773] : memref<2x16x8x64xf32, #tpu.memory_space<vmem>> -> memref<1x1x8x64xf32, #tpu.memory_space<vmem>>
      %dma_start3A_775 = tpu.memref_squeeze %dma_start3A_774 : memref<1x1x8x64xf32, #tpu.memory_space<vmem>> -> memref<8x64xf32, #tpu.memory_space<vmem>>
      %dma_start3A_776 = arith.constant 0 : i32
      %dma_start3A_777 = arith.constant 0 : i32
      %dma_start3A_778 = tpu.memref_slice %arg3[%squeeze3A_769, %dma_start3A_776, %dma_start3A_777] : memref<125000x8x64xf32, #tpu.memory_space<hbm>> -> memref<1x8x64xf32, #tpu.memory_space<hbm>>
      %dma_start3A_779 = tpu.memref_squeeze %dma_start3A_778 : memref<1x8x64xf32, #tpu.memory_space<hbm>> -> memref<8x64xf32, #tpu.memory_space<hbm>>
      %dma_start3A_780 = arith.constant 0 : i32
      %dma_start3A_781 = arith.constant 0 : i32
      %dma_start3A_782 = tpu.memref_slice %arg6[%dma_start3A_770, %dma_start3A_771, %dma_start3A_780, %dma_start3A_781] : memref<2x16x8x64xf32, #tpu.memory_space<vmem>> -> memref<1x1x8x64xf32, #tpu.memory_space<vmem>>
      %dma_start3A_783 = tpu.memref_squeeze %dma_start3A_782 : memref<1x1x8x64xf32, #tpu.memory_space<vmem>> -> memref<8x64xf32, #tpu.memory_space<vmem>>
      %dma_start3A_784 = arith.constant 0 : i32
      %dma_start3A_785 = arith.constant 0 : i32
      %dma_start3A_786 = tpu.memref_slice %arg3[%squeeze3A_769, %dma_start3A_784, %dma_start3A_785] : memref<125000x8x64xf32, #tpu.memory_space<hbm>> -> memref<1x8x64xf32, #tpu.memory_space<hbm>>
      %dma_start3A_787 = tpu.memref_squeeze %dma_start3A_786 : memref<1x8x64xf32, #tpu.memory_space<hbm>> -> memref<8x64xf32, #tpu.memory_space<hbm>>
      tpu.enqueue_dma source(%dma_start3A_787 : memref<8x64xf32, #tpu.memory_space<hbm>>) target(%dma_start3A_783 : memref<8x64xf32, #tpu.memory_space<vmem>>) target_semaphore(%arg10 : memref<!tpu.dma_semaphore, #tpu.memory_space<semaphore_mem>>)
      %slice3A_788 = vector.extract_strided_slice %shift_right_arithmetic3A_727 {offsets = [1], sizes = [1], strides = [1]} : vector<16xi32> to vector<1xi32>
      %squeeze3A_789 = vector.extract %slice3A_788[0] : i32 from vector<1xi32>
      %dma_start3A_790 = arith.constant 1 : i32
      %dma_start3A_791 = arith.constant 1 : i32
      %dma_start3A_792 = arith.constant 0 : i32
      %dma_start3A_793 = arith.constant 0 : i32
      %dma_start3A_794 = tpu.memref_slice %arg7[%dma_start3A_790, %dma_start3A_791, %dma_start3A_792, %dma_start3A_793] : memref<2x16x8x64xf32, #tpu.memory_space<vmem>> -> memref<1x1x8x64xf32, #tpu.memory_space<vmem>>
      %dma_start3A_795 = tpu.memref_squeeze %dma_start3A_794 : memref<1x1x8x64xf32, #tpu.memory_space<vmem>> -> memref<8x64xf32, #tpu.memory_space<vmem>>
      %dma_start3A_796 = arith.constant 0 : i32
      %dma_start3A_797 = arith.constant 0 : i32
      %dma_start3A_798 = tpu.memref_slice %arg3[%squeeze3A_789, %dma_start3A_796, %dma_start3A_797] : memref<125000x8x64xf32, #tpu.memory_space<hbm>> -> memref<1x8x64xf32, #tpu.memory_space<hbm>>
      %dma_start3A_799 = tpu.memref_squeeze %dma_start3A_798 : memref<1x8x64xf32, #tpu.memory_space<hbm>> -> memref<8x64xf32, #tpu.memory_space<hbm>>
      %dma_start3A_800 = arith.constant 0 : i32
      %dma_start3A_801 = arith.constant 0 : i32
      %dma_start3A_802 = tpu.memref_slice %arg7[%dma_start3A_790, %dma_start3A_791, %dma_start3A_800, %dma_start3A_801] : memref<2x16x8x64xf32, #tpu.memory_space<vmem>> -> memref<1x1x8x64xf32, #tpu.memory_space<vmem>>
      %dma_start3A_803 = tpu.memref_squeeze %dma_start3A_802 : memref<1x1x8x64xf32, #tpu.memory_space<vmem>> -> memref<8x64xf32, #tpu.memory_space<vmem>>
      %dma_start3A_804 = arith.constant 0 : i32
      %dma_start3A_805 = arith.constant 0 : i32
      %dma_start3A_806 = tpu.memref_slice %arg3[%squeeze3A_789, %dma_start3A_804, %dma_start3A_805] : memref<125000x8x64xf32, #tpu.memory_space<hbm>> -> memref<1x8x64xf32, #tpu.memory_space<hbm>>
      %dma_start3A_807 = tpu.memref_squeeze %dma_start3A_806 : memref<1x8x64xf32, #tpu.memory_space<hbm>> -> memref<8x64xf32, #tpu.memory_space<hbm>>
      tpu.enqueue_dma source(%dma_start3A_807 : memref<8x64xf32, #tpu.memory_space<hbm>>) target(%dma_start3A_803 : memref<8x64xf32, #tpu.memory_space<vmem>>) target_semaphore(%arg10 : memref<!tpu.dma_semaphore, #tpu.memory_space<semaphore_mem>>)
      %slice3A_808 = vector.extract_strided_slice %shift_right_arithmetic3A_713 {offsets = [2], sizes = [1], strides = [1]} : vector<16xi32> to vector<1xi32>
      %squeeze3A_809 = vector.extract %slice3A_808[0] : i32 from vector<1xi32>
      %dma_start3A_810 = arith.constant 1 : i32
      %dma_start3A_811 = arith.constant 2 : i32
      %dma_start3A_812 = arith.constant 0 : i32
      %dma_start3A_813 = arith.constant 0 : i32
      %dma_start3A_814 = tpu.memref_slice %arg6[%dma_start3A_810, %dma_start3A_811, %dma_start3A_812, %dma_start3A_813] : memref<2x16x8x64xf32, #tpu.memory_space<vmem>> -> memref<1x1x8x64xf32, #tpu.memory_space<vmem>>
      %dma_start3A_815 = tpu.memref_squeeze %dma_start3A_814 : memref<1x1x8x64xf32, #tpu.memory_space<vmem>> -> memref<8x64xf32, #tpu.memory_space<vmem>>
      %dma_start3A_816 = arith.constant 0 : i32
      %dma_start3A_817 = arith.constant 0 : i32
      %dma_start3A_818 = tpu.memref_slice %arg3[%squeeze3A_809, %dma_start3A_816, %dma_start3A_817] : memref<125000x8x64xf32, #tpu.memory_space<hbm>> -> memref<1x8x64xf32, #tpu.memory_space<hbm>>
      %dma_start3A_819 = tpu.memref_squeeze %dma_start3A_818 : memref<1x8x64xf32, #tpu.memory_space<hbm>> -> memref<8x64xf32, #tpu.memory_space<hbm>>
      %dma_start3A_820 = arith.constant 0 : i32
      %dma_start3A_821 = arith.constant 0 : i32
      %dma_start3A_822 = tpu.memref_slice %arg6[%dma_start3A_810, %dma_start3A_811, %dma_start3A_820, %dma_start3A_821] : memref<2x16x8x64xf32, #tpu.memory_space<vmem>> -> memref<1x1x8x64xf32, #tpu.memory_space<vmem>>
      %dma_start3A_823 = tpu.memref_squeeze %dma_start3A_822 : memref<1x1x8x64xf32, #tpu.memory_space<vmem>> -> memref<8x64xf32, #tpu.memory_space<vmem>>
      %dma_start3A_824 = arith.constant 0 : i32
      %dma_start3A_825 = arith.constant 0 : i32
      %dma_start3A_826 = tpu.memref_slice %arg3[%squeeze3A_809, %dma_start3A_824, %dma_start3A_825] : memref<125000x8x64xf32, #tpu.memory_space<hbm>> -> memref<1x8x64xf32, #tpu.memory_space<hbm>>
      %dma_start3A_827 = tpu.memref_squeeze %dma_start3A_826 : memref<1x8x64xf32, #tpu.memory_space<hbm>> -> memref<8x64xf32, #tpu.memory_space<hbm>>
      tpu.enqueue_dma source(%dma_start3A_827 : memref<8x64xf32, #tpu.memory_space<hbm>>) target(%dma_start3A_823 : memref<8x64xf32, #tpu.memory_space<vmem>>) target_semaphore(%arg10 : memref<!tpu.dma_semaphore, #tpu.memory_space<semaphore_mem>>)
      %slice3A_828 = vector.extract_strided_slice %shift_right_arithmetic3A_727 {offsets = [2], sizes = [1], strides = [1]} : vector<16xi32> to vector<1xi32>
      %squeeze3A_829 = vector.extract %slice3A_828[0] : i32 from vector<1xi32>
      %dma_start3A_830 = arith.constant 1 : i32
      %dma_start3A_831 = arith.constant 2 : i32
      %dma_start3A_832 = arith.constant 0 : i32
      %dma_start3A_833 = arith.constant 0 : i32
      %dma_start3A_834 = tpu.memref_slice %arg7[%dma_start3A_830, %dma_start3A_831, %dma_start3A_832, %dma_start3A_833] : memref<2x16x8x64xf32, #tpu.memory_space<vmem>> -> memref<1x1x8x64xf32, #tpu.memory_space<vmem>>
      %dma_start3A_835 = tpu.memref_squeeze %dma_start3A_834 : memref<1x1x8x64xf32, #tpu.memory_space<vmem>> -> memref<8x64xf32, #tpu.memory_space<vmem>>
      %dma_start3A_836 = arith.constant 0 : i32
      %dma_start3A_837 = arith.constant 0 : i32
      %dma_start3A_838 = tpu.memref_slice %arg3[%squeeze3A_829, %dma_start3A_836, %dma_start3A_837] : memref<125000x8x64xf32, #tpu.memory_space<hbm>> -> memref<1x8x64xf32, #tpu.memory_space<hbm>>
      %dma_start3A_839 = tpu.memref_squeeze %dma_start3A_838 : memref<1x8x64xf32, #tpu.memory_space<hbm>> -> memref<8x64xf32, #tpu.memory_space<hbm>>
      %dma_start3A_840 = arith.constant 0 : i32
      %dma_start3A_841 = arith.constant 0 : i32
      %dma_start3A_842 = tpu.memref_slice %arg7[%dma_start3A_830, %dma_start3A_831, %dma_start3A_840, %dma_start3A_841] : memref<2x16x8x64xf32, #tpu.memory_space<vmem>> -> memref<1x1x8x64xf32, #tpu.memory_space<vmem>>
      %dma_start3A_843 = tpu.memref_squeeze %dma_start3A_842 : memref<1x1x8x64xf32, #tpu.memory_space<vmem>> -> memref<8x64xf32, #tpu.memory_space<vmem>>
      %dma_start3A_844 = arith.constant 0 : i32
      %dma_start3A_845 = arith.constant 0 : i32
      %dma_start3A_846 = tpu.memref_slice %arg3[%squeeze3A_829, %dma_start3A_844, %dma_start3A_845] : memref<125000x8x64xf32, #tpu.memory_space<hbm>> -> memref<1x8x64xf32, #tpu.memory_space<hbm>>
      %dma_start3A_847 = tpu.memref_squeeze %dma_start3A_846 : memref<1x8x64xf32, #tpu.memory_space<hbm>> -> memref<8x64xf32, #tpu.memory_space<hbm>>
      tpu.enqueue_dma source(%dma_start3A_847 : memref<8x64xf32, #tpu.memory_space<hbm>>) target(%dma_start3A_843 : memref<8x64xf32, #tpu.memory_space<vmem>>) target_semaphore(%arg10 : memref<!tpu.dma_semaphore, #tpu.memory_space<semaphore_mem>>)
      %slice3A_848 = vector.extract_strided_slice %shift_right_arithmetic3A_713 {offsets = [3], sizes = [1], strides = [1]} : vector<16xi32> to vector<1xi32>
      %squeeze3A_849 = vector.extract %slice3A_848[0] : i32 from vector<1xi32>
      %dma_start3A_850 = arith.constant 1 : i32
      %dma_start3A_851 = arith.constant 3 : i32
      %dma_start3A_852 = arith.constant 0 : i32
      %dma_start3A_853 = arith.constant 0 : i32
      %dma_start3A_854 = tpu.memref_slice %arg6[%dma_start3A_850, %dma_start3A_851, %dma_start3A_852, %dma_start3A_853] : memref<2x16x8x64xf32, #tpu.memory_space<vmem>> -> memref<1x1x8x64xf32, #tpu.memory_space<vmem>>
      %dma_start3A_855 = tpu.memref_squeeze %dma_start3A_854 : memref<1x1x8x64xf32, #tpu.memory_space<vmem>> -> memref<8x64xf32, #tpu.memory_space<vmem>>
      %dma_start3A_856 = arith.constant 0 : i32
      %dma_start3A_857 = arith.constant 0 : i32
      %dma_start3A_858 = tpu.memref_slice %arg3[%squeeze3A_849, %dma_start3A_856, %dma_start3A_857] : memref<125000x8x64xf32, #tpu.memory_space<hbm>> -> memref<1x8x64xf32, #tpu.memory_space<hbm>>
      %dma_start3A_859 = tpu.memref_squeeze %dma_start3A_858 : memref<1x8x64xf32, #tpu.memory_space<hbm>> -> memref<8x64xf32, #tpu.memory_space<hbm>>
      %dma_start3A_860 = arith.constant 0 : i32
      %dma_start3A_861 = arith.constant 0 : i32
      %dma_start3A_862 = tpu.memref_slice %arg6[%dma_start3A_850, %dma_start3A_851, %dma_start3A_860, %dma_start3A_861] : memref<2x16x8x64xf32, #tpu.memory_space<vmem>> -> memref<1x1x8x64xf32, #tpu.memory_space<vmem>>
      %dma_start3A_863 = tpu.memref_squeeze %dma_start3A_862 : memref<1x1x8x64xf32, #tpu.memory_space<vmem>> -> memref<8x64xf32, #tpu.memory_space<vmem>>
      %dma_start3A_864 = arith.constant 0 : i32
      %dma_start3A_865 = arith.constant 0 : i32
      %dma_start3A_866 = tpu.memref_slice %arg3[%squeeze3A_849, %dma_start3A_864, %dma_start3A_865] : memref<125000x8x64xf32, #tpu.memory_space<hbm>> -> memref<1x8x64xf32, #tpu.memory_space<hbm>>
      %dma_start3A_867 = tpu.memref_squeeze %dma_start3A_866 : memref<1x8x64xf32, #tpu.memory_space<hbm>> -> memref<8x64xf32, #tpu.memory_space<hbm>>
      tpu.enqueue_dma source(%dma_start3A_867 : memref<8x64xf32, #tpu.memory_space<hbm>>) target(%dma_start3A_863 : memref<8x64xf32, #tpu.memory_space<vmem>>) target_semaphore(%arg10 : memref<!tpu.dma_semaphore, #tpu.memory_space<semaphore_mem>>)
      %slice3A_868 = vector.extract_strided_slice %shift_right_arithmetic3A_727 {offsets = [3], sizes = [1], strides = [1]} : vector<16xi32> to vector<1xi32>
      %squeeze3A_869 = vector.extract %slice3A_868[0] : i32 from vector<1xi32>
      %dma_start3A_870 = arith.constant 1 : i32
      %dma_start3A_871 = arith.constant 3 : i32
      %dma_start3A_872 = arith.constant 0 : i32
      %dma_start3A_873 = arith.constant 0 : i32
      %dma_start3A_874 = tpu.memref_slice %arg7[%dma_start3A_870, %dma_start3A_871, %dma_start3A_872, %dma_start3A_873] : memref<2x16x8x64xf32, #tpu.memory_space<vmem>> -> memref<1x1x8x64xf32, #tpu.memory_space<vmem>>
      %dma_start3A_875 = tpu.memref_squeeze %dma_start3A_874 : memref<1x1x8x64xf32, #tpu.memory_space<vmem>> -> memref<8x64xf32, #tpu.memory_space<vmem>>
      %dma_start3A_876 = arith.constant 0 : i32
      %dma_start3A_877 = arith.constant 0 : i32
      %dma_start3A_878 = tpu.memref_slice %arg3[%squeeze3A_869, %dma_start3A_876, %dma_start3A_877] : memref<125000x8x64xf32, #tpu.memory_space<hbm>> -> memref<1x8x64xf32, #tpu.memory_space<hbm>>
      %dma_start3A_879 = tpu.memref_squeeze %dma_start3A_878 : memref<1x8x64xf32, #tpu.memory_space<hbm>> -> memref<8x64xf32, #tpu.memory_space<hbm>>
      %dma_start3A_880 = arith.constant 0 : i32
      %dma_start3A_881 = arith.constant 0 : i32
      %dma_start3A_882 = tpu.memref_slice %arg7[%dma_start3A_870, %dma_start3A_871, %dma_start3A_880, %dma_start3A_881] : memref<2x16x8x64xf32, #tpu.memory_space<vmem>> -> memref<1x1x8x64xf32, #tpu.memory_space<vmem>>
      %dma_start3A_883 = tpu.memref_squeeze %dma_start3A_882 : memref<1x1x8x64xf32, #tpu.memory_space<vmem>> -> memref<8x64xf32, #tpu.memory_space<vmem>>
      %dma_start3A_884 = arith.constant 0 : i32
      %dma_start3A_885 = arith.constant 0 : i32
      %dma_start3A_886 = tpu.memref_slice %arg3[%squeeze3A_869, %dma_start3A_884, %dma_start3A_885] : memref<125000x8x64xf32, #tpu.memory_space<hbm>> -> memref<1x8x64xf32, #tpu.memory_space<hbm>>
      %dma_start3A_887 = tpu.memref_squeeze %dma_start3A_886 : memref<1x8x64xf32, #tpu.memory_space<hbm>> -> memref<8x64xf32, #tpu.memory_space<hbm>>
      tpu.enqueue_dma source(%dma_start3A_887 : memref<8x64xf32, #tpu.memory_space<hbm>>) target(%dma_start3A_883 : memref<8x64xf32, #tpu.memory_space<vmem>>) target_semaphore(%arg10 : memref<!tpu.dma_semaphore, #tpu.memory_space<semaphore_mem>>)
      %slice3A_888 = vector.extract_strided_slice %shift_right_arithmetic3A_713 {offsets = [4], sizes = [1], strides = [1]} : vector<16xi32> to vector<1xi32>
      %squeeze3A_889 = vector.extract %slice3A_888[0] : i32 from vector<1xi32>
      %dma_start3A_890 = arith.constant 1 : i32
      %dma_start3A_891 = arith.constant 4 : i32
      %dma_start3A_892 = arith.constant 0 : i32
      %dma_start3A_893 = arith.constant 0 : i32
      %dma_start3A_894 = tpu.memref_slice %arg6[%dma_start3A_890, %dma_start3A_891, %dma_start3A_892, %dma_start3A_893] : memref<2x16x8x64xf32, #tpu.memory_space<vmem>> -> memref<1x1x8x64xf32, #tpu.memory_space<vmem>>
      %dma_start3A_895 = tpu.memref_squeeze %dma_start3A_894 : memref<1x1x8x64xf32, #tpu.memory_space<vmem>> -> memref<8x64xf32, #tpu.memory_space<vmem>>
      %dma_start3A_896 = arith.constant 0 : i32
      %dma_start3A_897 = arith.constant 0 : i32
      %dma_start3A_898 = tpu.memref_slice %arg3[%squeeze3A_889, %dma_start3A_896, %dma_start3A_897] : memref<125000x8x64xf32, #tpu.memory_space<hbm>> -> memref<1x8x64xf32, #tpu.memory_space<hbm>>
      %dma_start3A_899 = tpu.memref_squeeze %dma_start3A_898 : memref<1x8x64xf32, #tpu.memory_space<hbm>> -> memref<8x64xf32, #tpu.memory_space<hbm>>
      %dma_start3A_900 = arith.constant 0 : i32
      %dma_start3A_901 = arith.constant 0 : i32
      %dma_start3A_902 = tpu.memref_slice %arg6[%dma_start3A_890, %dma_start3A_891, %dma_start3A_900, %dma_start3A_901] : memref<2x16x8x64xf32, #tpu.memory_space<vmem>> -> memref<1x1x8x64xf32, #tpu.memory_space<vmem>>
      %dma_start3A_903 = tpu.memref_squeeze %dma_start3A_902 : memref<1x1x8x64xf32, #tpu.memory_space<vmem>> -> memref<8x64xf32, #tpu.memory_space<vmem>>
      %dma_start3A_904 = arith.constant 0 : i32
      %dma_start3A_905 = arith.constant 0 : i32
      %dma_start3A_906 = tpu.memref_slice %arg3[%squeeze3A_889, %dma_start3A_904, %dma_start3A_905] : memref<125000x8x64xf32, #tpu.memory_space<hbm>> -> memref<1x8x64xf32, #tpu.memory_space<hbm>>
      %dma_start3A_907 = tpu.memref_squeeze %dma_start3A_906 : memref<1x8x64xf32, #tpu.memory_space<hbm>> -> memref<8x64xf32, #tpu.memory_space<hbm>>
      tpu.enqueue_dma source(%dma_start3A_907 : memref<8x64xf32, #tpu.memory_space<hbm>>) target(%dma_start3A_903 : memref<8x64xf32, #tpu.memory_space<vmem>>) target_semaphore(%arg10 : memref<!tpu.dma_semaphore, #tpu.memory_space<semaphore_mem>>)
      %slice3A_908 = vector.extract_strided_slice %shift_right_arithmetic3A_727 {offsets = [4], sizes = [1], strides = [1]} : vector<16xi32> to vector<1xi32>
      %squeeze3A_909 = vector.extract %slice3A_908[0] : i32 from vector<1xi32>
      %dma_start3A_910 = arith.constant 1 : i32
      %dma_start3A_911 = arith.constant 4 : i32
      %dma_start3A_912 = arith.constant 0 : i32
      %dma_start3A_913 = arith.constant 0 : i32
      %dma_start3A_914 = tpu.memref_slice %arg7[%dma_start3A_910, %dma_start3A_911, %dma_start3A_912, %dma_start3A_913] : memref<2x16x8x64xf32, #tpu.memory_space<vmem>> -> memref<1x1x8x64xf32, #tpu.memory_space<vmem>>
      %dma_start3A_915 = tpu.memref_squeeze %dma_start3A_914 : memref<1x1x8x64xf32, #tpu.memory_space<vmem>> -> memref<8x64xf32, #tpu.memory_space<vmem>>
      %dma_start3A_916 = arith.constant 0 : i32
      %dma_start3A_917 = arith.constant 0 : i32
      %dma_start3A_918 = tpu.memref_slice %arg3[%squeeze3A_909, %dma_start3A_916, %dma_start3A_917] : memref<125000x8x64xf32, #tpu.memory_space<hbm>> -> memref<1x8x64xf32, #tpu.memory_space<hbm>>
      %dma_start3A_919 = tpu.memref_squeeze %dma_start3A_918 : memref<1x8x64xf32, #tpu.memory_space<hbm>> -> memref<8x64xf32, #tpu.memory_space<hbm>>
      %dma_start3A_920 = arith.constant 0 : i32
      %dma_start3A_921 = arith.constant 0 : i32
      %dma_start3A_922 = tpu.memref_slice %arg7[%dma_start3A_910, %dma_start3A_911, %dma_start3A_920, %dma_start3A_921] : memref<2x16x8x64xf32, #tpu.memory_space<vmem>> -> memref<1x1x8x64xf32, #tpu.memory_space<vmem>>
      %dma_start3A_923 = tpu.memref_squeeze %dma_start3A_922 : memref<1x1x8x64xf32, #tpu.memory_space<vmem>> -> memref<8x64xf32, #tpu.memory_space<vmem>>
      %dma_start3A_924 = arith.constant 0 : i32
      %dma_start3A_925 = arith.constant 0 : i32
      %dma_start3A_926 = tpu.memref_slice %arg3[%squeeze3A_909, %dma_start3A_924, %dma_start3A_925] : memref<125000x8x64xf32, #tpu.memory_space<hbm>> -> memref<1x8x64xf32, #tpu.memory_space<hbm>>
      %dma_start3A_927 = tpu.memref_squeeze %dma_start3A_926 : memref<1x8x64xf32, #tpu.memory_space<hbm>> -> memref<8x64xf32, #tpu.memory_space<hbm>>
      tpu.enqueue_dma source(%dma_start3A_927 : memref<8x64xf32, #tpu.memory_space<hbm>>) target(%dma_start3A_923 : memref<8x64xf32, #tpu.memory_space<vmem>>) target_semaphore(%arg10 : memref<!tpu.dma_semaphore, #tpu.memory_space<semaphore_mem>>)
      %slice3A_928 = vector.extract_strided_slice %shift_right_arithmetic3A_713 {offsets = [5], sizes = [1], strides = [1]} : vector<16xi32> to vector<1xi32>
      %squeeze3A_929 = vector.extract %slice3A_928[0] : i32 from vector<1xi32>
      %dma_start3A_930 = arith.constant 1 : i32
      %dma_start3A_931 = arith.constant 5 : i32
      %dma_start3A_932 = arith.constant 0 : i32
      %dma_start3A_933 = arith.constant 0 : i32
      %dma_start3A_934 = tpu.memref_slice %arg6[%dma_start3A_930, %dma_start3A_931, %dma_start3A_932, %dma_start3A_933] : memref<2x16x8x64xf32, #tpu.memory_space<vmem>> -> memref<1x1x8x64xf32, #tpu.memory_space<vmem>>
      %dma_start3A_935 = tpu.memref_squeeze %dma_start3A_934 : memref<1x1x8x64xf32, #tpu.memory_space<vmem>> -> memref<8x64xf32, #tpu.memory_space<vmem>>
      %dma_start3A_936 = arith.constant 0 : i32
      %dma_start3A_937 = arith.constant 0 : i32
      %dma_start3A_938 = tpu.memref_slice %arg3[%squeeze3A_929, %dma_start3A_936, %dma_start3A_937] : memref<125000x8x64xf32, #tpu.memory_space<hbm>> -> memref<1x8x64xf32, #tpu.memory_space<hbm>>
      %dma_start3A_939 = tpu.memref_squeeze %dma_start3A_938 : memref<1x8x64xf32, #tpu.memory_space<hbm>> -> memref<8x64xf32, #tpu.memory_space<hbm>>
      %dma_start3A_940 = arith.constant 0 : i32
      %dma_start3A_941 = arith.constant 0 : i32
      %dma_start3A_942 = tpu.memref_slice %arg6[%dma_start3A_930, %dma_start3A_931, %dma_start3A_940, %dma_start3A_941] : memref<2x16x8x64xf32, #tpu.memory_space<vmem>> -> memref<1x1x8x64xf32, #tpu.memory_space<vmem>>
      %dma_start3A_943 = tpu.memref_squeeze %dma_start3A_942 : memref<1x1x8x64xf32, #tpu.memory_space<vmem>> -> memref<8x64xf32, #tpu.memory_space<vmem>>
      %dma_start3A_944 = arith.constant 0 : i32
      %dma_start3A_945 = arith.constant 0 : i32
      %dma_start3A_946 = tpu.memref_slice %arg3[%squeeze3A_929, %dma_start3A_944, %dma_start3A_945] : memref<125000x8x64xf32, #tpu.memory_space<hbm>> -> memref<1x8x64xf32, #tpu.memory_space<hbm>>
      %dma_start3A_947 = tpu.memref_squeeze %dma_start3A_946 : memref<1x8x64xf32, #tpu.memory_space<hbm>> -> memref<8x64xf32, #tpu.memory_space<hbm>>
      tpu.enqueue_dma source(%dma_start3A_947 : memref<8x64xf32, #tpu.memory_space<hbm>>) target(%dma_start3A_943 : memref<8x64xf32, #tpu.memory_space<vmem>>) target_semaphore(%arg10 : memref<!tpu.dma_semaphore, #tpu.memory_space<semaphore_mem>>)
      %slice3A_948 = vector.extract_strided_slice %shift_right_arithmetic3A_727 {offsets = [5], sizes = [1], strides = [1]} : vector<16xi32> to vector<1xi32>
      %squeeze3A_949 = vector.extract %slice3A_948[0] : i32 from vector<1xi32>
      %dma_start3A_950 = arith.constant 1 : i32
      %dma_start3A_951 = arith.constant 5 : i32
      %dma_start3A_952 = arith.constant 0 : i32
      %dma_start3A_953 = arith.constant 0 : i32
      %dma_start3A_954 = tpu.memref_slice %arg7[%dma_start3A_950, %dma_start3A_951, %dma_start3A_952, %dma_start3A_953] : memref<2x16x8x64xf32, #tpu.memory_space<vmem>> -> memref<1x1x8x64xf32, #tpu.memory_space<vmem>>
      %dma_start3A_955 = tpu.memref_squeeze %dma_start3A_954 : memref<1x1x8x64xf32, #tpu.memory_space<vmem>> -> memref<8x64xf32, #tpu.memory_space<vmem>>
      %dma_start3A_956 = arith.constant 0 : i32
      %dma_start3A_957 = arith.constant 0 : i32
      %dma_start3A_958 = tpu.memref_slice %arg3[%squeeze3A_949, %dma_start3A_956, %dma_start3A_957] : memref<125000x8x64xf32, #tpu.memory_space<hbm>> -> memref<1x8x64xf32, #tpu.memory_space<hbm>>
      %dma_start3A_959 = tpu.memref_squeeze %dma_start3A_958 : memref<1x8x64xf32, #tpu.memory_space<hbm>> -> memref<8x64xf32, #tpu.memory_space<hbm>>
      %dma_start3A_960 = arith.constant 0 : i32
      %dma_start3A_961 = arith.constant 0 : i32
      %dma_start3A_962 = tpu.memref_slice %arg7[%dma_start3A_950, %dma_start3A_951, %dma_start3A_960, %dma_start3A_961] : memref<2x16x8x64xf32, #tpu.memory_space<vmem>> -> memref<1x1x8x64xf32, #tpu.memory_space<vmem>>
      %dma_start3A_963 = tpu.memref_squeeze %dma_start3A_962 : memref<1x1x8x64xf32, #tpu.memory_space<vmem>> -> memref<8x64xf32, #tpu.memory_space<vmem>>
      %dma_start3A_964 = arith.constant 0 : i32
      %dma_start3A_965 = arith.constant 0 : i32
      %dma_start3A_966 = tpu.memref_slice %arg3[%squeeze3A_949, %dma_start3A_964, %dma_start3A_965] : memref<125000x8x64xf32, #tpu.memory_space<hbm>> -> memref<1x8x64xf32, #tpu.memory_space<hbm>>
      %dma_start3A_967 = tpu.memref_squeeze %dma_start3A_966 : memref<1x8x64xf32, #tpu.memory_space<hbm>> -> memref<8x64xf32, #tpu.memory_space<hbm>>
      tpu.enqueue_dma source(%dma_start3A_967 : memref<8x64xf32, #tpu.memory_space<hbm>>) target(%dma_start3A_963 : memref<8x64xf32, #tpu.memory_space<vmem>>) target_semaphore(%arg10 : memref<!tpu.dma_semaphore, #tpu.memory_space<semaphore_mem>>)
      %slice3A_968 = vector.extract_strided_slice %shift_right_arithmetic3A_713 {offsets = [6], sizes = [1], strides = [1]} : vector<16xi32> to vector<1xi32>
      %squeeze3A_969 = vector.extract %slice3A_968[0] : i32 from vector<1xi32>
      %dma_start3A_970 = arith.constant 1 : i32
      %dma_start3A_971 = arith.constant 6 : i32
      %dma_start3A_972 = arith.constant 0 : i32
      %dma_start3A_973 = arith.constant 0 : i32
      %dma_start3A_974 = tpu.memref_slice %arg6[%dma_start3A_970, %dma_start3A_971, %dma_start3A_972, %dma_start3A_973] : memref<2x16x8x64xf32, #tpu.memory_space<vmem>> -> memref<1x1x8x64xf32, #tpu.memory_space<vmem>>
      %dma_start3A_975 = tpu.memref_squeeze %dma_start3A_974 : memref<1x1x8x64xf32, #tpu.memory_space<vmem>> -> memref<8x64xf32, #tpu.memory_space<vmem>>
      %dma_start3A_976 = arith.constant 0 : i32
      %dma_start3A_977 = arith.constant 0 : i32
      %dma_start3A_978 = tpu.memref_slice %arg3[%squeeze3A_969, %dma_start3A_976, %dma_start3A_977] : memref<125000x8x64xf32, #tpu.memory_space<hbm>> -> memref<1x8x64xf32, #tpu.memory_space<hbm>>
      %dma_start3A_979 = tpu.memref_squeeze %dma_start3A_978 : memref<1x8x64xf32, #tpu.memory_space<hbm>> -> memref<8x64xf32, #tpu.memory_space<hbm>>
      %dma_start3A_980 = arith.constant 0 : i32
      %dma_start3A_981 = arith.constant 0 : i32
      %dma_start3A_982 = tpu.memref_slice %arg6[%dma_start3A_970, %dma_start3A_971, %dma_start3A_980, %dma_start3A_981] : memref<2x16x8x64xf32, #tpu.memory_space<vmem>> -> memref<1x1x8x64xf32, #tpu.memory_space<vmem>>
      %dma_start3A_983 = tpu.memref_squeeze %dma_start3A_982 : memref<1x1x8x64xf32, #tpu.memory_space<vmem>> -> memref<8x64xf32, #tpu.memory_space<vmem>>
      %dma_start3A_984 = arith.constant 0 : i32
      %dma_start3A_985 = arith.constant 0 : i32
      %dma_start3A_986 = tpu.memref_slice %arg3[%squeeze3A_969, %dma_start3A_984, %dma_start3A_985] : memref<125000x8x64xf32, #tpu.memory_space<hbm>> -> memref<1x8x64xf32, #tpu.memory_space<hbm>>
      %dma_start3A_987 = tpu.memref_squeeze %dma_start3A_986 : memref<1x8x64xf32, #tpu.memory_space<hbm>> -> memref<8x64xf32, #tpu.memory_space<hbm>>
      tpu.enqueue_dma source(%dma_start3A_987 : memref<8x64xf32, #tpu.memory_space<hbm>>) target(%dma_start3A_983 : memref<8x64xf32, #tpu.memory_space<vmem>>) target_semaphore(%arg10 : memref<!tpu.dma_semaphore, #tpu.memory_space<semaphore_mem>>)
      %slice3A_988 = vector.extract_strided_slice %shift_right_arithmetic3A_727 {offsets = [6], sizes = [1], strides = [1]} : vector<16xi32> to vector<1xi32>
      %squeeze3A_989 = vector.extract %slice3A_988[0] : i32 from vector<1xi32>
      %dma_start3A_990 = arith.constant 1 : i32
      %dma_start3A_991 = arith.constant 6 : i32
      %dma_start3A_992 = arith.constant 0 : i32
      %dma_start3A_993 = arith.constant 0 : i32
      %dma_start3A_994 = tpu.memref_slice %arg7[%dma_start3A_990, %dma_start3A_991, %dma_start3A_992, %dma_start3A_993] : memref<2x16x8x64xf32, #tpu.memory_space<vmem>> -> memref<1x1x8x64xf32, #tpu.memory_space<vmem>>
      %dma_start3A_995 = tpu.memref_squeeze %dma_start3A_994 : memref<1x1x8x64xf32, #tpu.memory_space<vmem>> -> memref<8x64xf32, #tpu.memory_space<vmem>>
      %dma_start3A_996 = arith.constant 0 : i32
      %dma_start3A_997 = arith.constant 0 : i32
      %dma_start3A_998 = tpu.memref_slice %arg3[%squeeze3A_989, %dma_start3A_996, %dma_start3A_997] : memref<125000x8x64xf32, #tpu.memory_space<hbm>> -> memref<1x8x64xf32, #tpu.memory_space<hbm>>
      %dma_start3A_999 = tpu.memref_squeeze %dma_start3A_998 : memref<1x8x64xf32, #tpu.memory_space<hbm>> -> memref<8x64xf32, #tpu.memory_space<hbm>>
      %dma_start3A_1000 = arith.constant 0 : i32
      %dma_start3A_1001 = arith.constant 0 : i32
      %dma_start3A_1002 = tpu.memref_slice %arg7[%dma_start3A_990, %dma_start3A_991, %dma_start3A_1000, %dma_start3A_1001] : memref<2x16x8x64xf32, #tpu.memory_space<vmem>> -> memref<1x1x8x64xf32, #tpu.memory_space<vmem>>
      %dma_start3A_1003 = tpu.memref_squeeze %dma_start3A_1002 : memref<1x1x8x64xf32, #tpu.memory_space<vmem>> -> memref<8x64xf32, #tpu.memory_space<vmem>>
      %dma_start3A_1004 = arith.constant 0 : i32
      %dma_start3A_1005 = arith.constant 0 : i32
      %dma_start3A_1006 = tpu.memref_slice %arg3[%squeeze3A_989, %dma_start3A_1004, %dma_start3A_1005] : memref<125000x8x64xf32, #tpu.memory_space<hbm>> -> memref<1x8x64xf32, #tpu.memory_space<hbm>>
      %dma_start3A_1007 = tpu.memref_squeeze %dma_start3A_1006 : memref<1x8x64xf32, #tpu.memory_space<hbm>> -> memref<8x64xf32, #tpu.memory_space<hbm>>
      tpu.enqueue_dma source(%dma_start3A_1007 : memref<8x64xf32, #tpu.memory_space<hbm>>) target(%dma_start3A_1003 : memref<8x64xf32, #tpu.memory_space<vmem>>) target_semaphore(%arg10 : memref<!tpu.dma_semaphore, #tpu.memory_space<semaphore_mem>>)
      %slice3A_1008 = vector.extract_strided_slice %shift_right_arithmetic3A_713 {offsets = [7], sizes = [1], strides = [1]} : vector<16xi32> to vector<1xi32>
      %squeeze3A_1009 = vector.extract %slice3A_1008[0] : i32 from vector<1xi32>
      %dma_start3A_1010 = arith.constant 1 : i32
      %dma_start3A_1011 = arith.constant 7 : i32
      %dma_start3A_1012 = arith.constant 0 : i32
      %dma_start3A_1013 = arith.constant 0 : i32
      %dma_start3A_1014 = tpu.memref_slice %arg6[%dma_start3A_1010, %dma_start3A_1011, %dma_start3A_1012, %dma_start3A_1013] : memref<2x16x8x64xf32, #tpu.memory_space<vmem>> -> memref<1x1x8x64xf32, #tpu.memory_space<vmem>>
      %dma_start3A_1015 = tpu.memref_squeeze %dma_start3A_1014 : memref<1x1x8x64xf32, #tpu.memory_space<vmem>> -> memref<8x64xf32, #tpu.memory_space<vmem>>
      %dma_start3A_1016 = arith.constant 0 : i32
      %dma_start3A_1017 = arith.constant 0 : i32
      %dma_start3A_1018 = tpu.memref_slice %arg3[%squeeze3A_1009, %dma_start3A_1016, %dma_start3A_1017] : memref<125000x8x64xf32, #tpu.memory_space<hbm>> -> memref<1x8x64xf32, #tpu.memory_space<hbm>>
      %dma_start3A_1019 = tpu.memref_squeeze %dma_start3A_1018 : memref<1x8x64xf32, #tpu.memory_space<hbm>> -> memref<8x64xf32, #tpu.memory_space<hbm>>
      %dma_start3A_1020 = arith.constant 0 : i32
      %dma_start3A_1021 = arith.constant 0 : i32
      %dma_start3A_1022 = tpu.memref_slice %arg6[%dma_start3A_1010, %dma_start3A_1011, %dma_start3A_1020, %dma_start3A_1021] : memref<2x16x8x64xf32, #tpu.memory_space<vmem>> -> memref<1x1x8x64xf32, #tpu.memory_space<vmem>>
      %dma_start3A_1023 = tpu.memref_squeeze %dma_start3A_1022 : memref<1x1x8x64xf32, #tpu.memory_space<vmem>> -> memref<8x64xf32, #tpu.memory_space<vmem>>
      %dma_start3A_1024 = arith.constant 0 : i32
      %dma_start3A_1025 = arith.constant 0 : i32
      %dma_start3A_1026 = tpu.memref_slice %arg3[%squeeze3A_1009, %dma_start3A_1024, %dma_start3A_1025] : memref<125000x8x64xf32, #tpu.memory_space<hbm>> -> memref<1x8x64xf32, #tpu.memory_space<hbm>>
      %dma_start3A_1027 = tpu.memref_squeeze %dma_start3A_1026 : memref<1x8x64xf32, #tpu.memory_space<hbm>> -> memref<8x64xf32, #tpu.memory_space<hbm>>
      tpu.enqueue_dma source(%dma_start3A_1027 : memref<8x64xf32, #tpu.memory_space<hbm>>) target(%dma_start3A_1023 : memref<8x64xf32, #tpu.memory_space<vmem>>) target_semaphore(%arg10 : memref<!tpu.dma_semaphore, #tpu.memory_space<semaphore_mem>>)
      %slice3A_1028 = vector.extract_strided_slice %shift_right_arithmetic3A_727 {offsets = [7], sizes = [1], strides = [1]} : vector<16xi32> to vector<1xi32>
      %squeeze3A_1029 = vector.extract %slice3A_1028[0] : i32 from vector<1xi32>
      %dma_start3A_1030 = arith.constant 1 : i32
      %dma_start3A_1031 = arith.constant 7 : i32
      %dma_start3A_1032 = arith.constant 0 : i32
      %dma_start3A_1033 = arith.constant 0 : i32
      %dma_start3A_1034 = tpu.memref_slice %arg7[%dma_start3A_1030, %dma_start3A_1031, %dma_start3A_1032, %dma_start3A_1033] : memref<2x16x8x64xf32, #tpu.memory_space<vmem>> -> memref<1x1x8x64xf32, #tpu.memory_space<vmem>>
      %dma_start3A_1035 = tpu.memref_squeeze %dma_start3A_1034 : memref<1x1x8x64xf32, #tpu.memory_space<vmem>> -> memref<8x64xf32, #tpu.memory_space<vmem>>
      %dma_start3A_1036 = arith.constant 0 : i32
      %dma_start3A_1037 = arith.constant 0 : i32
      %dma_start3A_1038 = tpu.memref_slice %arg3[%squeeze3A_1029, %dma_start3A_1036, %dma_start3A_1037] : memref<125000x8x64xf32, #tpu.memory_space<hbm>> -> memref<1x8x64xf32, #tpu.memory_space<hbm>>
      %dma_start3A_1039 = tpu.memref_squeeze %dma_start3A_1038 : memref<1x8x64xf32, #tpu.memory_space<hbm>> -> memref<8x64xf32, #tpu.memory_space<hbm>>
      %dma_start3A_1040 = arith.constant 0 : i32
      %dma_start3A_1041 = arith.constant 0 : i32
      %dma_start3A_1042 = tpu.memref_slice %arg7[%dma_start3A_1030, %dma_start3A_1031, %dma_start3A_1040, %dma_start3A_1041] : memref<2x16x8x64xf32, #tpu.memory_space<vmem>> -> memref<1x1x8x64xf32, #tpu.memory_space<vmem>>
      %dma_start3A_1043 = tpu.memref_squeeze %dma_start3A_1042 : memref<1x1x8x64xf32, #tpu.memory_space<vmem>> -> memref<8x64xf32, #tpu.memory_space<vmem>>
      %dma_start3A_1044 = arith.constant 0 : i32
      %dma_start3A_1045 = arith.constant 0 : i32
      %dma_start3A_1046 = tpu.memref_slice %arg3[%squeeze3A_1029, %dma_start3A_1044, %dma_start3A_1045] : memref<125000x8x64xf32, #tpu.memory_space<hbm>> -> memref<1x8x64xf32, #tpu.memory_space<hbm>>
      %dma_start3A_1047 = tpu.memref_squeeze %dma_start3A_1046 : memref<1x8x64xf32, #tpu.memory_space<hbm>> -> memref<8x64xf32, #tpu.memory_space<hbm>>
      tpu.enqueue_dma source(%dma_start3A_1047 : memref<8x64xf32, #tpu.memory_space<hbm>>) target(%dma_start3A_1043 : memref<8x64xf32, #tpu.memory_space<vmem>>) target_semaphore(%arg10 : memref<!tpu.dma_semaphore, #tpu.memory_space<semaphore_mem>>)
      %slice3A_1048 = vector.extract_strided_slice %shift_right_arithmetic3A_713 {offsets = [8], sizes = [1], strides = [1]} : vector<16xi32> to vector<1xi32>
      %squeeze3A_1049 = vector.extract %slice3A_1048[0] : i32 from vector<1xi32>
      %dma_start3A_1050 = arith.constant 1 : i32
      %dma_start3A_1051 = arith.constant 8 : i32
      %dma_start3A_1052 = arith.constant 0 : i32
      %dma_start3A_1053 = arith.constant 0 : i32
      %dma_start3A_1054 = tpu.memref_slice %arg6[%dma_start3A_1050, %dma_start3A_1051, %dma_start3A_1052, %dma_start3A_1053] : memref<2x16x8x64xf32, #tpu.memory_space<vmem>> -> memref<1x1x8x64xf32, #tpu.memory_space<vmem>>
      %dma_start3A_1055 = tpu.memref_squeeze %dma_start3A_1054 : memref<1x1x8x64xf32, #tpu.memory_space<vmem>> -> memref<8x64xf32, #tpu.memory_space<vmem>>
      %dma_start3A_1056 = arith.constant 0 : i32
      %dma_start3A_1057 = arith.constant 0 : i32
      %dma_start3A_1058 = tpu.memref_slice %arg3[%squeeze3A_1049, %dma_start3A_1056, %dma_start3A_1057] : memref<125000x8x64xf32, #tpu.memory_space<hbm>> -> memref<1x8x64xf32, #tpu.memory_space<hbm>>
      %dma_start3A_1059 = tpu.memref_squeeze %dma_start3A_1058 : memref<1x8x64xf32, #tpu.memory_space<hbm>> -> memref<8x64xf32, #tpu.memory_space<hbm>>
      %dma_start3A_1060 = arith.constant 0 : i32
      %dma_start3A_1061 = arith.constant 0 : i32
      %dma_start3A_1062 = tpu.memref_slice %arg6[%dma_start3A_1050, %dma_start3A_1051, %dma_start3A_1060, %dma_start3A_1061] : memref<2x16x8x64xf32, #tpu.memory_space<vmem>> -> memref<1x1x8x64xf32, #tpu.memory_space<vmem>>
      %dma_start3A_1063 = tpu.memref_squeeze %dma_start3A_1062 : memref<1x1x8x64xf32, #tpu.memory_space<vmem>> -> memref<8x64xf32, #tpu.memory_space<vmem>>
      %dma_start3A_1064 = arith.constant 0 : i32
      %dma_start3A_1065 = arith.constant 0 : i32
      %dma_start3A_1066 = tpu.memref_slice %arg3[%squeeze3A_1049, %dma_start3A_1064, %dma_start3A_1065] : memref<125000x8x64xf32, #tpu.memory_space<hbm>> -> memref<1x8x64xf32, #tpu.memory_space<hbm>>
      %dma_start3A_1067 = tpu.memref_squeeze %dma_start3A_1066 : memref<1x8x64xf32, #tpu.memory_space<hbm>> -> memref<8x64xf32, #tpu.memory_space<hbm>>
      tpu.enqueue_dma source(%dma_start3A_1067 : memref<8x64xf32, #tpu.memory_space<hbm>>) target(%dma_start3A_1063 : memref<8x64xf32, #tpu.memory_space<vmem>>) target_semaphore(%arg10 : memref<!tpu.dma_semaphore, #tpu.memory_space<semaphore_mem>>)
      %slice3A_1068 = vector.extract_strided_slice %shift_right_arithmetic3A_727 {offsets = [8], sizes = [1], strides = [1]} : vector<16xi32> to vector<1xi32>
      %squeeze3A_1069 = vector.extract %slice3A_1068[0] : i32 from vector<1xi32>
      %dma_start3A_1070 = arith.constant 1 : i32
      %dma_start3A_1071 = arith.constant 8 : i32
      %dma_start3A_1072 = arith.constant 0 : i32
      %dma_start3A_1073 = arith.constant 0 : i32
      %dma_start3A_1074 = tpu.memref_slice %arg7[%dma_start3A_1070, %dma_start3A_1071, %dma_start3A_1072, %dma_start3A_1073] : memref<2x16x8x64xf32, #tpu.memory_space<vmem>> -> memref<1x1x8x64xf32, #tpu.memory_space<vmem>>
      %dma_start3A_1075 = tpu.memref_squeeze %dma_start3A_1074 : memref<1x1x8x64xf32, #tpu.memory_space<vmem>> -> memref<8x64xf32, #tpu.memory_space<vmem>>
      %dma_start3A_1076 = arith.constant 0 : i32
      %dma_start3A_1077 = arith.constant 0 : i32
      %dma_start3A_1078 = tpu.memref_slice %arg3[%squeeze3A_1069, %dma_start3A_1076, %dma_start3A_1077] : memref<125000x8x64xf32, #tpu.memory_space<hbm>> -> memref<1x8x64xf32, #tpu.memory_space<hbm>>
      %dma_start3A_1079 = tpu.memref_squeeze %dma_start3A_1078 : memref<1x8x64xf32, #tpu.memory_space<hbm>> -> memref<8x64xf32, #tpu.memory_space<hbm>>
      %dma_start3A_1080 = arith.constant 0 : i32
      %dma_start3A_1081 = arith.constant 0 : i32
      %dma_start3A_1082 = tpu.memref_slice %arg7[%dma_start3A_1070, %dma_start3A_1071, %dma_start3A_1080, %dma_start3A_1081] : memref<2x16x8x64xf32, #tpu.memory_space<vmem>> -> memref<1x1x8x64xf32, #tpu.memory_space<vmem>>
      %dma_start3A_1083 = tpu.memref_squeeze %dma_start3A_1082 : memref<1x1x8x64xf32, #tpu.memory_space<vmem>> -> memref<8x64xf32, #tpu.memory_space<vmem>>
      %dma_start3A_1084 = arith.constant 0 : i32
      %dma_start3A_1085 = arith.constant 0 : i32
      %dma_start3A_1086 = tpu.memref_slice %arg3[%squeeze3A_1069, %dma_start3A_1084, %dma_start3A_1085] : memref<125000x8x64xf32, #tpu.memory_space<hbm>> -> memref<1x8x64xf32, #tpu.memory_space<hbm>>
      %dma_start3A_1087 = tpu.memref_squeeze %dma_start3A_1086 : memref<1x8x64xf32, #tpu.memory_space<hbm>> -> memref<8x64xf32, #tpu.memory_space<hbm>>
      tpu.enqueue_dma source(%dma_start3A_1087 : memref<8x64xf32, #tpu.memory_space<hbm>>) target(%dma_start3A_1083 : memref<8x64xf32, #tpu.memory_space<vmem>>) target_semaphore(%arg10 : memref<!tpu.dma_semaphore, #tpu.memory_space<semaphore_mem>>)
      %slice3A_1088 = vector.extract_strided_slice %shift_right_arithmetic3A_713 {offsets = [9], sizes = [1], strides = [1]} : vector<16xi32> to vector<1xi32>
      %squeeze3A_1089 = vector.extract %slice3A_1088[0] : i32 from vector<1xi32>
      %dma_start3A_1090 = arith.constant 1 : i32
      %dma_start3A_1091 = arith.constant 9 : i32
      %dma_start3A_1092 = arith.constant 0 : i32
      %dma_start3A_1093 = arith.constant 0 : i32
      %dma_start3A_1094 = tpu.memref_slice %arg6[%dma_start3A_1090, %dma_start3A_1091, %dma_start3A_1092, %dma_start3A_1093] : memref<2x16x8x64xf32, #tpu.memory_space<vmem>> -> memref<1x1x8x64xf32, #tpu.memory_space<vmem>>
      %dma_start3A_1095 = tpu.memref_squeeze %dma_start3A_1094 : memref<1x1x8x64xf32, #tpu.memory_space<vmem>> -> memref<8x64xf32, #tpu.memory_space<vmem>>
      %dma_start3A_1096 = arith.constant 0 : i32
      %dma_start3A_1097 = arith.constant 0 : i32
      %dma_start3A_1098 = tpu.memref_slice %arg3[%squeeze3A_1089, %dma_start3A_1096, %dma_start3A_1097] : memref<125000x8x64xf32, #tpu.memory_space<hbm>> -> memref<1x8x64xf32, #tpu.memory_space<hbm>>
      %dma_start3A_1099 = tpu.memref_squeeze %dma_start3A_1098 : memref<1x8x64xf32, #tpu.memory_space<hbm>> -> memref<8x64xf32, #tpu.memory_space<hbm>>
      %dma_start3A_1100 = arith.constant 0 : i32
      %dma_start3A_1101 = arith.constant 0 : i32
      %dma_start3A_1102 = tpu.memref_slice %arg6[%dma_start3A_1090, %dma_start3A_1091, %dma_start3A_1100, %dma_start3A_1101] : memref<2x16x8x64xf32, #tpu.memory_space<vmem>> -> memref<1x1x8x64xf32, #tpu.memory_space<vmem>>
      %dma_start3A_1103 = tpu.memref_squeeze %dma_start3A_1102 : memref<1x1x8x64xf32, #tpu.memory_space<vmem>> -> memref<8x64xf32, #tpu.memory_space<vmem>>
      %dma_start3A_1104 = arith.constant 0 : i32
      %dma_start3A_1105 = arith.constant 0 : i32
      %dma_start3A_1106 = tpu.memref_slice %arg3[%squeeze3A_1089, %dma_start3A_1104, %dma_start3A_1105] : memref<125000x8x64xf32, #tpu.memory_space<hbm>> -> memref<1x8x64xf32, #tpu.memory_space<hbm>>
      %dma_start3A_1107 = tpu.memref_squeeze %dma_start3A_1106 : memref<1x8x64xf32, #tpu.memory_space<hbm>> -> memref<8x64xf32, #tpu.memory_space<hbm>>
      tpu.enqueue_dma source(%dma_start3A_1107 : memref<8x64xf32, #tpu.memory_space<hbm>>) target(%dma_start3A_1103 : memref<8x64xf32, #tpu.memory_space<vmem>>) target_semaphore(%arg10 : memref<!tpu.dma_semaphore, #tpu.memory_space<semaphore_mem>>)
      %slice3A_1108 = vector.extract_strided_slice %shift_right_arithmetic3A_727 {offsets = [9], sizes = [1], strides = [1]} : vector<16xi32> to vector<1xi32>
      %squeeze3A_1109 = vector.extract %slice3A_1108[0] : i32 from vector<1xi32>
      %dma_start3A_1110 = arith.constant 1 : i32
      %dma_start3A_1111 = arith.constant 9 : i32
      %dma_start3A_1112 = arith.constant 0 : i32
      %dma_start3A_1113 = arith.constant 0 : i32
      %dma_start3A_1114 = tpu.memref_slice %arg7[%dma_start3A_1110, %dma_start3A_1111, %dma_start3A_1112, %dma_start3A_1113] : memref<2x16x8x64xf32, #tpu.memory_space<vmem>> -> memref<1x1x8x64xf32, #tpu.memory_space<vmem>>
      %dma_start3A_1115 = tpu.memref_squeeze %dma_start3A_1114 : memref<1x1x8x64xf32, #tpu.memory_space<vmem>> -> memref<8x64xf32, #tpu.memory_space<vmem>>
      %dma_start3A_1116 = arith.constant 0 : i32
      %dma_start3A_1117 = arith.constant 0 : i32
      %dma_start3A_1118 = tpu.memref_slice %arg3[%squeeze3A_1109, %dma_start3A_1116, %dma_start3A_1117] : memref<125000x8x64xf32, #tpu.memory_space<hbm>> -> memref<1x8x64xf32, #tpu.memory_space<hbm>>
      %dma_start3A_1119 = tpu.memref_squeeze %dma_start3A_1118 : memref<1x8x64xf32, #tpu.memory_space<hbm>> -> memref<8x64xf32, #tpu.memory_space<hbm>>
      %dma_start3A_1120 = arith.constant 0 : i32
      %dma_start3A_1121 = arith.constant 0 : i32
      %dma_start3A_1122 = tpu.memref_slice %arg7[%dma_start3A_1110, %dma_start3A_1111, %dma_start3A_1120, %dma_start3A_1121] : memref<2x16x8x64xf32, #tpu.memory_space<vmem>> -> memref<1x1x8x64xf32, #tpu.memory_space<vmem>>
      %dma_start3A_1123 = tpu.memref_squeeze %dma_start3A_1122 : memref<1x1x8x64xf32, #tpu.memory_space<vmem>> -> memref<8x64xf32, #tpu.memory_space<vmem>>
      %dma_start3A_1124 = arith.constant 0 : i32
      %dma_start3A_1125 = arith.constant 0 : i32
      %dma_start3A_1126 = tpu.memref_slice %arg3[%squeeze3A_1109, %dma_start3A_1124, %dma_start3A_1125] : memref<125000x8x64xf32, #tpu.memory_space<hbm>> -> memref<1x8x64xf32, #tpu.memory_space<hbm>>
      %dma_start3A_1127 = tpu.memref_squeeze %dma_start3A_1126 : memref<1x8x64xf32, #tpu.memory_space<hbm>> -> memref<8x64xf32, #tpu.memory_space<hbm>>
      tpu.enqueue_dma source(%dma_start3A_1127 : memref<8x64xf32, #tpu.memory_space<hbm>>) target(%dma_start3A_1123 : memref<8x64xf32, #tpu.memory_space<vmem>>) target_semaphore(%arg10 : memref<!tpu.dma_semaphore, #tpu.memory_space<semaphore_mem>>)
      %slice3A_1128 = vector.extract_strided_slice %shift_right_arithmetic3A_713 {offsets = [10], sizes = [1], strides = [1]} : vector<16xi32> to vector<1xi32>
      %squeeze3A_1129 = vector.extract %slice3A_1128[0] : i32 from vector<1xi32>
      %dma_start3A_1130 = arith.constant 1 : i32
      %dma_start3A_1131 = arith.constant 10 : i32
      %dma_start3A_1132 = arith.constant 0 : i32
      %dma_start3A_1133 = arith.constant 0 : i32
      %dma_start3A_1134 = tpu.memref_slice %arg6[%dma_start3A_1130, %dma_start3A_1131, %dma_start3A_1132, %dma_start3A_1133] : memref<2x16x8x64xf32, #tpu.memory_space<vmem>> -> memref<1x1x8x64xf32, #tpu.memory_space<vmem>>
      %dma_start3A_1135 = tpu.memref_squeeze %dma_start3A_1134 : memref<1x1x8x64xf32, #tpu.memory_space<vmem>> -> memref<8x64xf32, #tpu.memory_space<vmem>>
      %dma_start3A_1136 = arith.constant 0 : i32
      %dma_start3A_1137 = arith.constant 0 : i32
      %dma_start3A_1138 = tpu.memref_slice %arg3[%squeeze3A_1129, %dma_start3A_1136, %dma_start3A_1137] : memref<125000x8x64xf32, #tpu.memory_space<hbm>> -> memref<1x8x64xf32, #tpu.memory_space<hbm>>
      %dma_start3A_1139 = tpu.memref_squeeze %dma_start3A_1138 : memref<1x8x64xf32, #tpu.memory_space<hbm>> -> memref<8x64xf32, #tpu.memory_space<hbm>>
      %dma_start3A_1140 = arith.constant 0 : i32
      %dma_start3A_1141 = arith.constant 0 : i32
      %dma_start3A_1142 = tpu.memref_slice %arg6[%dma_start3A_1130, %dma_start3A_1131, %dma_start3A_1140, %dma_start3A_1141] : memref<2x16x8x64xf32, #tpu.memory_space<vmem>> -> memref<1x1x8x64xf32, #tpu.memory_space<vmem>>
      %dma_start3A_1143 = tpu.memref_squeeze %dma_start3A_1142 : memref<1x1x8x64xf32, #tpu.memory_space<vmem>> -> memref<8x64xf32, #tpu.memory_space<vmem>>
      %dma_start3A_1144 = arith.constant 0 : i32
      %dma_start3A_1145 = arith.constant 0 : i32
      %dma_start3A_1146 = tpu.memref_slice %arg3[%squeeze3A_1129, %dma_start3A_1144, %dma_start3A_1145] : memref<125000x8x64xf32, #tpu.memory_space<hbm>> -> memref<1x8x64xf32, #tpu.memory_space<hbm>>
      %dma_start3A_1147 = tpu.memref_squeeze %dma_start3A_1146 : memref<1x8x64xf32, #tpu.memory_space<hbm>> -> memref<8x64xf32, #tpu.memory_space<hbm>>
      tpu.enqueue_dma source(%dma_start3A_1147 : memref<8x64xf32, #tpu.memory_space<hbm>>) target(%dma_start3A_1143 : memref<8x64xf32, #tpu.memory_space<vmem>>) target_semaphore(%arg10 : memref<!tpu.dma_semaphore, #tpu.memory_space<semaphore_mem>>)
      %slice3A_1148 = vector.extract_strided_slice %shift_right_arithmetic3A_727 {offsets = [10], sizes = [1], strides = [1]} : vector<16xi32> to vector<1xi32>
      %squeeze3A_1149 = vector.extract %slice3A_1148[0] : i32 from vector<1xi32>
      %dma_start3A_1150 = arith.constant 1 : i32
      %dma_start3A_1151 = arith.constant 10 : i32
      %dma_start3A_1152 = arith.constant 0 : i32
      %dma_start3A_1153 = arith.constant 0 : i32
      %dma_start3A_1154 = tpu.memref_slice %arg7[%dma_start3A_1150, %dma_start3A_1151, %dma_start3A_1152, %dma_start3A_1153] : memref<2x16x8x64xf32, #tpu.memory_space<vmem>> -> memref<1x1x8x64xf32, #tpu.memory_space<vmem>>
      %dma_start3A_1155 = tpu.memref_squeeze %dma_start3A_1154 : memref<1x1x8x64xf32, #tpu.memory_space<vmem>> -> memref<8x64xf32, #tpu.memory_space<vmem>>
      %dma_start3A_1156 = arith.constant 0 : i32
      %dma_start3A_1157 = arith.constant 0 : i32
      %dma_start3A_1158 = tpu.memref_slice %arg3[%squeeze3A_1149, %dma_start3A_1156, %dma_start3A_1157] : memref<125000x8x64xf32, #tpu.memory_space<hbm>> -> memref<1x8x64xf32, #tpu.memory_space<hbm>>
      %dma_start3A_1159 = tpu.memref_squeeze %dma_start3A_1158 : memref<1x8x64xf32, #tpu.memory_space<hbm>> -> memref<8x64xf32, #tpu.memory_space<hbm>>
      %dma_start3A_1160 = arith.constant 0 : i32
      %dma_start3A_1161 = arith.constant 0 : i32
      %dma_start3A_1162 = tpu.memref_slice %arg7[%dma_start3A_1150, %dma_start3A_1151, %dma_start3A_1160, %dma_start3A_1161] : memref<2x16x8x64xf32, #tpu.memory_space<vmem>> -> memref<1x1x8x64xf32, #tpu.memory_space<vmem>>
      %dma_start3A_1163 = tpu.memref_squeeze %dma_start3A_1162 : memref<1x1x8x64xf32, #tpu.memory_space<vmem>> -> memref<8x64xf32, #tpu.memory_space<vmem>>
      %dma_start3A_1164 = arith.constant 0 : i32
      %dma_start3A_1165 = arith.constant 0 : i32
      %dma_start3A_1166 = tpu.memref_slice %arg3[%squeeze3A_1149, %dma_start3A_1164, %dma_start3A_1165] : memref<125000x8x64xf32, #tpu.memory_space<hbm>> -> memref<1x8x64xf32, #tpu.memory_space<hbm>>
      %dma_start3A_1167 = tpu.memref_squeeze %dma_start3A_1166 : memref<1x8x64xf32, #tpu.memory_space<hbm>> -> memref<8x64xf32, #tpu.memory_space<hbm>>
      tpu.enqueue_dma source(%dma_start3A_1167 : memref<8x64xf32, #tpu.memory_space<hbm>>) target(%dma_start3A_1163 : memref<8x64xf32, #tpu.memory_space<vmem>>) target_semaphore(%arg10 : memref<!tpu.dma_semaphore, #tpu.memory_space<semaphore_mem>>)
      %slice3A_1168 = vector.extract_strided_slice %shift_right_arithmetic3A_713 {offsets = [11], sizes = [1], strides = [1]} : vector<16xi32> to vector<1xi32>
      %squeeze3A_1169 = vector.extract %slice3A_1168[0] : i32 from vector<1xi32>
      %dma_start3A_1170 = arith.constant 1 : i32
      %dma_start3A_1171 = arith.constant 11 : i32
      %dma_start3A_1172 = arith.constant 0 : i32
      %dma_start3A_1173 = arith.constant 0 : i32
      %dma_start3A_1174 = tpu.memref_slice %arg6[%dma_start3A_1170, %dma_start3A_1171, %dma_start3A_1172, %dma_start3A_1173] : memref<2x16x8x64xf32, #tpu.memory_space<vmem>> -> memref<1x1x8x64xf32, #tpu.memory_space<vmem>>
      %dma_start3A_1175 = tpu.memref_squeeze %dma_start3A_1174 : memref<1x1x8x64xf32, #tpu.memory_space<vmem>> -> memref<8x64xf32, #tpu.memory_space<vmem>>
      %dma_start3A_1176 = arith.constant 0 : i32
      %dma_start3A_1177 = arith.constant 0 : i32
      %dma_start3A_1178 = tpu.memref_slice %arg3[%squeeze3A_1169, %dma_start3A_1176, %dma_start3A_1177] : memref<125000x8x64xf32, #tpu.memory_space<hbm>> -> memref<1x8x64xf32, #tpu.memory_space<hbm>>
      %dma_start3A_1179 = tpu.memref_squeeze %dma_start3A_1178 : memref<1x8x64xf32, #tpu.memory_space<hbm>> -> memref<8x64xf32, #tpu.memory_space<hbm>>
      %dma_start3A_1180 = arith.constant 0 : i32
      %dma_start3A_1181 = arith.constant 0 : i32
      %dma_start3A_1182 = tpu.memref_slice %arg6[%dma_start3A_1170, %dma_start3A_1171, %dma_start3A_1180, %dma_start3A_1181] : memref<2x16x8x64xf32, #tpu.memory_space<vmem>> -> memref<1x1x8x64xf32, #tpu.memory_space<vmem>>
      %dma_start3A_1183 = tpu.memref_squeeze %dma_start3A_1182 : memref<1x1x8x64xf32, #tpu.memory_space<vmem>> -> memref<8x64xf32, #tpu.memory_space<vmem>>
      %dma_start3A_1184 = arith.constant 0 : i32
      %dma_start3A_1185 = arith.constant 0 : i32
      %dma_start3A_1186 = tpu.memref_slice %arg3[%squeeze3A_1169, %dma_start3A_1184, %dma_start3A_1185] : memref<125000x8x64xf32, #tpu.memory_space<hbm>> -> memref<1x8x64xf32, #tpu.memory_space<hbm>>
      %dma_start3A_1187 = tpu.memref_squeeze %dma_start3A_1186 : memref<1x8x64xf32, #tpu.memory_space<hbm>> -> memref<8x64xf32, #tpu.memory_space<hbm>>
      tpu.enqueue_dma source(%dma_start3A_1187 : memref<8x64xf32, #tpu.memory_space<hbm>>) target(%dma_start3A_1183 : memref<8x64xf32, #tpu.memory_space<vmem>>) target_semaphore(%arg10 : memref<!tpu.dma_semaphore, #tpu.memory_space<semaphore_mem>>)
      %slice3A_1188 = vector.extract_strided_slice %shift_right_arithmetic3A_727 {offsets = [11], sizes = [1], strides = [1]} : vector<16xi32> to vector<1xi32>
      %squeeze3A_1189 = vector.extract %slice3A_1188[0] : i32 from vector<1xi32>
      %dma_start3A_1190 = arith.constant 1 : i32
      %dma_start3A_1191 = arith.constant 11 : i32
      %dma_start3A_1192 = arith.constant 0 : i32
      %dma_start3A_1193 = arith.constant 0 : i32
      %dma_start3A_1194 = tpu.memref_slice %arg7[%dma_start3A_1190, %dma_start3A_1191, %dma_start3A_1192, %dma_start3A_1193] : memref<2x16x8x64xf32, #tpu.memory_space<vmem>> -> memref<1x1x8x64xf32, #tpu.memory_space<vmem>>
      %dma_start3A_1195 = tpu.memref_squeeze %dma_start3A_1194 : memref<1x1x8x64xf32, #tpu.memory_space<vmem>> -> memref<8x64xf32, #tpu.memory_space<vmem>>
      %dma_start3A_1196 = arith.constant 0 : i32
      %dma_start3A_1197 = arith.constant 0 : i32
      %dma_start3A_1198 = tpu.memref_slice %arg3[%squeeze3A_1189, %dma_start3A_1196, %dma_start3A_1197] : memref<125000x8x64xf32, #tpu.memory_space<hbm>> -> memref<1x8x64xf32, #tpu.memory_space<hbm>>
      %dma_start3A_1199 = tpu.memref_squeeze %dma_start3A_1198 : memref<1x8x64xf32, #tpu.memory_space<hbm>> -> memref<8x64xf32, #tpu.memory_space<hbm>>
      %dma_start3A_1200 = arith.constant 0 : i32
      %dma_start3A_1201 = arith.constant 0 : i32
      %dma_start3A_1202 = tpu.memref_slice %arg7[%dma_start3A_1190, %dma_start3A_1191, %dma_start3A_1200, %dma_start3A_1201] : memref<2x16x8x64xf32, #tpu.memory_space<vmem>> -> memref<1x1x8x64xf32, #tpu.memory_space<vmem>>
      %dma_start3A_1203 = tpu.memref_squeeze %dma_start3A_1202 : memref<1x1x8x64xf32, #tpu.memory_space<vmem>> -> memref<8x64xf32, #tpu.memory_space<vmem>>
      %dma_start3A_1204 = arith.constant 0 : i32
      %dma_start3A_1205 = arith.constant 0 : i32
      %dma_start3A_1206 = tpu.memref_slice %arg3[%squeeze3A_1189, %dma_start3A_1204, %dma_start3A_1205] : memref<125000x8x64xf32, #tpu.memory_space<hbm>> -> memref<1x8x64xf32, #tpu.memory_space<hbm>>
      %dma_start3A_1207 = tpu.memref_squeeze %dma_start3A_1206 : memref<1x8x64xf32, #tpu.memory_space<hbm>> -> memref<8x64xf32, #tpu.memory_space<hbm>>
      tpu.enqueue_dma source(%dma_start3A_1207 : memref<8x64xf32, #tpu.memory_space<hbm>>) target(%dma_start3A_1203 : memref<8x64xf32, #tpu.memory_space<vmem>>) target_semaphore(%arg10 : memref<!tpu.dma_semaphore, #tpu.memory_space<semaphore_mem>>)
      %slice3A_1208 = vector.extract_strided_slice %shift_right_arithmetic3A_713 {offsets = [12], sizes = [1], strides = [1]} : vector<16xi32> to vector<1xi32>
      %squeeze3A_1209 = vector.extract %slice3A_1208[0] : i32 from vector<1xi32>
      %dma_start3A_1210 = arith.constant 1 : i32
      %dma_start3A_1211 = arith.constant 12 : i32
      %dma_start3A_1212 = arith.constant 0 : i32
      %dma_start3A_1213 = arith.constant 0 : i32
      %dma_start3A_1214 = tpu.memref_slice %arg6[%dma_start3A_1210, %dma_start3A_1211, %dma_start3A_1212, %dma_start3A_1213] : memref<2x16x8x64xf32, #tpu.memory_space<vmem>> -> memref<1x1x8x64xf32, #tpu.memory_space<vmem>>
      %dma_start3A_1215 = tpu.memref_squeeze %dma_start3A_1214 : memref<1x1x8x64xf32, #tpu.memory_space<vmem>> -> memref<8x64xf32, #tpu.memory_space<vmem>>
      %dma_start3A_1216 = arith.constant 0 : i32
      %dma_start3A_1217 = arith.constant 0 : i32
      %dma_start3A_1218 = tpu.memref_slice %arg3[%squeeze3A_1209, %dma_start3A_1216, %dma_start3A_1217] : memref<125000x8x64xf32, #tpu.memory_space<hbm>> -> memref<1x8x64xf32, #tpu.memory_space<hbm>>
      %dma_start3A_1219 = tpu.memref_squeeze %dma_start3A_1218 : memref<1x8x64xf32, #tpu.memory_space<hbm>> -> memref<8x64xf32, #tpu.memory_space<hbm>>
      %dma_start3A_1220 = arith.constant 0 : i32
      %dma_start3A_1221 = arith.constant 0 : i32
      %dma_start3A_1222 = tpu.memref_slice %arg6[%dma_start3A_1210, %dma_start3A_1211, %dma_start3A_1220, %dma_start3A_1221] : memref<2x16x8x64xf32, #tpu.memory_space<vmem>> -> memref<1x1x8x64xf32, #tpu.memory_space<vmem>>
      %dma_start3A_1223 = tpu.memref_squeeze %dma_start3A_1222 : memref<1x1x8x64xf32, #tpu.memory_space<vmem>> -> memref<8x64xf32, #tpu.memory_space<vmem>>
      %dma_start3A_1224 = arith.constant 0 : i32
      %dma_start3A_1225 = arith.constant 0 : i32
      %dma_start3A_1226 = tpu.memref_slice %arg3[%squeeze3A_1209, %dma_start3A_1224, %dma_start3A_1225] : memref<125000x8x64xf32, #tpu.memory_space<hbm>> -> memref<1x8x64xf32, #tpu.memory_space<hbm>>
      %dma_start3A_1227 = tpu.memref_squeeze %dma_start3A_1226 : memref<1x8x64xf32, #tpu.memory_space<hbm>> -> memref<8x64xf32, #tpu.memory_space<hbm>>
      tpu.enqueue_dma source(%dma_start3A_1227 : memref<8x64xf32, #tpu.memory_space<hbm>>) target(%dma_start3A_1223 : memref<8x64xf32, #tpu.memory_space<vmem>>) target_semaphore(%arg10 : memref<!tpu.dma_semaphore, #tpu.memory_space<semaphore_mem>>)
      %slice3A_1228 = vector.extract_strided_slice %shift_right_arithmetic3A_727 {offsets = [12], sizes = [1], strides = [1]} : vector<16xi32> to vector<1xi32>
      %squeeze3A_1229 = vector.extract %slice3A_1228[0] : i32 from vector<1xi32>
      %dma_start3A_1230 = arith.constant 1 : i32
      %dma_start3A_1231 = arith.constant 12 : i32
      %dma_start3A_1232 = arith.constant 0 : i32
      %dma_start3A_1233 = arith.constant 0 : i32
      %dma_start3A_1234 = tpu.memref_slice %arg7[%dma_start3A_1230, %dma_start3A_1231, %dma_start3A_1232, %dma_start3A_1233] : memref<2x16x8x64xf32, #tpu.memory_space<vmem>> -> memref<1x1x8x64xf32, #tpu.memory_space<vmem>>
      %dma_start3A_1235 = tpu.memref_squeeze %dma_start3A_1234 : memref<1x1x8x64xf32, #tpu.memory_space<vmem>> -> memref<8x64xf32, #tpu.memory_space<vmem>>
      %dma_start3A_1236 = arith.constant 0 : i32
      %dma_start3A_1237 = arith.constant 0 : i32
      %dma_start3A_1238 = tpu.memref_slice %arg3[%squeeze3A_1229, %dma_start3A_1236, %dma_start3A_1237] : memref<125000x8x64xf32, #tpu.memory_space<hbm>> -> memref<1x8x64xf32, #tpu.memory_space<hbm>>
      %dma_start3A_1239 = tpu.memref_squeeze %dma_start3A_1238 : memref<1x8x64xf32, #tpu.memory_space<hbm>> -> memref<8x64xf32, #tpu.memory_space<hbm>>
      %dma_start3A_1240 = arith.constant 0 : i32
      %dma_start3A_1241 = arith.constant 0 : i32
      %dma_start3A_1242 = tpu.memref_slice %arg7[%dma_start3A_1230, %dma_start3A_1231, %dma_start3A_1240, %dma_start3A_1241] : memref<2x16x8x64xf32, #tpu.memory_space<vmem>> -> memref<1x1x8x64xf32, #tpu.memory_space<vmem>>
      %dma_start3A_1243 = tpu.memref_squeeze %dma_start3A_1242 : memref<1x1x8x64xf32, #tpu.memory_space<vmem>> -> memref<8x64xf32, #tpu.memory_space<vmem>>
      %dma_start3A_1244 = arith.constant 0 : i32
      %dma_start3A_1245 = arith.constant 0 : i32
      %dma_start3A_1246 = tpu.memref_slice %arg3[%squeeze3A_1229, %dma_start3A_1244, %dma_start3A_1245] : memref<125000x8x64xf32, #tpu.memory_space<hbm>> -> memref<1x8x64xf32, #tpu.memory_space<hbm>>
      %dma_start3A_1247 = tpu.memref_squeeze %dma_start3A_1246 : memref<1x8x64xf32, #tpu.memory_space<hbm>> -> memref<8x64xf32, #tpu.memory_space<hbm>>
      tpu.enqueue_dma source(%dma_start3A_1247 : memref<8x64xf32, #tpu.memory_space<hbm>>) target(%dma_start3A_1243 : memref<8x64xf32, #tpu.memory_space<vmem>>) target_semaphore(%arg10 : memref<!tpu.dma_semaphore, #tpu.memory_space<semaphore_mem>>)
      %slice3A_1248 = vector.extract_strided_slice %shift_right_arithmetic3A_713 {offsets = [13], sizes = [1], strides = [1]} : vector<16xi32> to vector<1xi32>
      %squeeze3A_1249 = vector.extract %slice3A_1248[0] : i32 from vector<1xi32>
      %dma_start3A_1250 = arith.constant 1 : i32
      %dma_start3A_1251 = arith.constant 13 : i32
      %dma_start3A_1252 = arith.constant 0 : i32
      %dma_start3A_1253 = arith.constant 0 : i32
      %dma_start3A_1254 = tpu.memref_slice %arg6[%dma_start3A_1250, %dma_start3A_1251, %dma_start3A_1252, %dma_start3A_1253] : memref<2x16x8x64xf32, #tpu.memory_space<vmem>> -> memref<1x1x8x64xf32, #tpu.memory_space<vmem>>
      %dma_start3A_1255 = tpu.memref_squeeze %dma_start3A_1254 : memref<1x1x8x64xf32, #tpu.memory_space<vmem>> -> memref<8x64xf32, #tpu.memory_space<vmem>>
      %dma_start3A_1256 = arith.constant 0 : i32
      %dma_start3A_1257 = arith.constant 0 : i32
      %dma_start3A_1258 = tpu.memref_slice %arg3[%squeeze3A_1249, %dma_start3A_1256, %dma_start3A_1257] : memref<125000x8x64xf32, #tpu.memory_space<hbm>> -> memref<1x8x64xf32, #tpu.memory_space<hbm>>
      %dma_start3A_1259 = tpu.memref_squeeze %dma_start3A_1258 : memref<1x8x64xf32, #tpu.memory_space<hbm>> -> memref<8x64xf32, #tpu.memory_space<hbm>>
      %dma_start3A_1260 = arith.constant 0 : i32
      %dma_start3A_1261 = arith.constant 0 : i32
      %dma_start3A_1262 = tpu.memref_slice %arg6[%dma_start3A_1250, %dma_start3A_1251, %dma_start3A_1260, %dma_start3A_1261] : memref<2x16x8x64xf32, #tpu.memory_space<vmem>> -> memref<1x1x8x64xf32, #tpu.memory_space<vmem>>
      %dma_start3A_1263 = tpu.memref_squeeze %dma_start3A_1262 : memref<1x1x8x64xf32, #tpu.memory_space<vmem>> -> memref<8x64xf32, #tpu.memory_space<vmem>>
      %dma_start3A_1264 = arith.constant 0 : i32
      %dma_start3A_1265 = arith.constant 0 : i32
      %dma_start3A_1266 = tpu.memref_slice %arg3[%squeeze3A_1249, %dma_start3A_1264, %dma_start3A_1265] : memref<125000x8x64xf32, #tpu.memory_space<hbm>> -> memref<1x8x64xf32, #tpu.memory_space<hbm>>
      %dma_start3A_1267 = tpu.memref_squeeze %dma_start3A_1266 : memref<1x8x64xf32, #tpu.memory_space<hbm>> -> memref<8x64xf32, #tpu.memory_space<hbm>>
      tpu.enqueue_dma source(%dma_start3A_1267 : memref<8x64xf32, #tpu.memory_space<hbm>>) target(%dma_start3A_1263 : memref<8x64xf32, #tpu.memory_space<vmem>>) target_semaphore(%arg10 : memref<!tpu.dma_semaphore, #tpu.memory_space<semaphore_mem>>)
      %slice3A_1268 = vector.extract_strided_slice %shift_right_arithmetic3A_727 {offsets = [13], sizes = [1], strides = [1]} : vector<16xi32> to vector<1xi32>
      %squeeze3A_1269 = vector.extract %slice3A_1268[0] : i32 from vector<1xi32>
      %dma_start3A_1270 = arith.constant 1 : i32
      %dma_start3A_1271 = arith.constant 13 : i32
      %dma_start3A_1272 = arith.constant 0 : i32
      %dma_start3A_1273 = arith.constant 0 : i32
      %dma_start3A_1274 = tpu.memref_slice %arg7[%dma_start3A_1270, %dma_start3A_1271, %dma_start3A_1272, %dma_start3A_1273] : memref<2x16x8x64xf32, #tpu.memory_space<vmem>> -> memref<1x1x8x64xf32, #tpu.memory_space<vmem>>
      %dma_start3A_1275 = tpu.memref_squeeze %dma_start3A_1274 : memref<1x1x8x64xf32, #tpu.memory_space<vmem>> -> memref<8x64xf32, #tpu.memory_space<vmem>>
      %dma_start3A_1276 = arith.constant 0 : i32
      %dma_start3A_1277 = arith.constant 0 : i32
      %dma_start3A_1278 = tpu.memref_slice %arg3[%squeeze3A_1269, %dma_start3A_1276, %dma_start3A_1277] : memref<125000x8x64xf32, #tpu.memory_space<hbm>> -> memref<1x8x64xf32, #tpu.memory_space<hbm>>
      %dma_start3A_1279 = tpu.memref_squeeze %dma_start3A_1278 : memref<1x8x64xf32, #tpu.memory_space<hbm>> -> memref<8x64xf32, #tpu.memory_space<hbm>>
      %dma_start3A_1280 = arith.constant 0 : i32
      %dma_start3A_1281 = arith.constant 0 : i32
      %dma_start3A_1282 = tpu.memref_slice %arg7[%dma_start3A_1270, %dma_start3A_1271, %dma_start3A_1280, %dma_start3A_1281] : memref<2x16x8x64xf32, #tpu.memory_space<vmem>> -> memref<1x1x8x64xf32, #tpu.memory_space<vmem>>
      %dma_start3A_1283 = tpu.memref_squeeze %dma_start3A_1282 : memref<1x1x8x64xf32, #tpu.memory_space<vmem>> -> memref<8x64xf32, #tpu.memory_space<vmem>>
      %dma_start3A_1284 = arith.constant 0 : i32
      %dma_start3A_1285 = arith.constant 0 : i32
      %dma_start3A_1286 = tpu.memref_slice %arg3[%squeeze3A_1269, %dma_start3A_1284, %dma_start3A_1285] : memref<125000x8x64xf32, #tpu.memory_space<hbm>> -> memref<1x8x64xf32, #tpu.memory_space<hbm>>
      %dma_start3A_1287 = tpu.memref_squeeze %dma_start3A_1286 : memref<1x8x64xf32, #tpu.memory_space<hbm>> -> memref<8x64xf32, #tpu.memory_space<hbm>>
      tpu.enqueue_dma source(%dma_start3A_1287 : memref<8x64xf32, #tpu.memory_space<hbm>>) target(%dma_start3A_1283 : memref<8x64xf32, #tpu.memory_space<vmem>>) target_semaphore(%arg10 : memref<!tpu.dma_semaphore, #tpu.memory_space<semaphore_mem>>)
      %slice3A_1288 = vector.extract_strided_slice %shift_right_arithmetic3A_713 {offsets = [14], sizes = [1], strides = [1]} : vector<16xi32> to vector<1xi32>
      %squeeze3A_1289 = vector.extract %slice3A_1288[0] : i32 from vector<1xi32>
      %dma_start3A_1290 = arith.constant 1 : i32
      %dma_start3A_1291 = arith.constant 14 : i32
      %dma_start3A_1292 = arith.constant 0 : i32
      %dma_start3A_1293 = arith.constant 0 : i32
      %dma_start3A_1294 = tpu.memref_slice %arg6[%dma_start3A_1290, %dma_start3A_1291, %dma_start3A_1292, %dma_start3A_1293] : memref<2x16x8x64xf32, #tpu.memory_space<vmem>> -> memref<1x1x8x64xf32, #tpu.memory_space<vmem>>
      %dma_start3A_1295 = tpu.memref_squeeze %dma_start3A_1294 : memref<1x1x8x64xf32, #tpu.memory_space<vmem>> -> memref<8x64xf32, #tpu.memory_space<vmem>>
      %dma_start3A_1296 = arith.constant 0 : i32
      %dma_start3A_1297 = arith.constant 0 : i32
      %dma_start3A_1298 = tpu.memref_slice %arg3[%squeeze3A_1289, %dma_start3A_1296, %dma_start3A_1297] : memref<125000x8x64xf32, #tpu.memory_space<hbm>> -> memref<1x8x64xf32, #tpu.memory_space<hbm>>
      %dma_start3A_1299 = tpu.memref_squeeze %dma_start3A_1298 : memref<1x8x64xf32, #tpu.memory_space<hbm>> -> memref<8x64xf32, #tpu.memory_space<hbm>>
      %dma_start3A_1300 = arith.constant 0 : i32
      %dma_start3A_1301 = arith.constant 0 : i32
      %dma_start3A_1302 = tpu.memref_slice %arg6[%dma_start3A_1290, %dma_start3A_1291, %dma_start3A_1300, %dma_start3A_1301] : memref<2x16x8x64xf32, #tpu.memory_space<vmem>> -> memref<1x1x8x64xf32, #tpu.memory_space<vmem>>
      %dma_start3A_1303 = tpu.memref_squeeze %dma_start3A_1302 : memref<1x1x8x64xf32, #tpu.memory_space<vmem>> -> memref<8x64xf32, #tpu.memory_space<vmem>>
      %dma_start3A_1304 = arith.constant 0 : i32
      %dma_start3A_1305 = arith.constant 0 : i32
      %dma_start3A_1306 = tpu.memref_slice %arg3[%squeeze3A_1289, %dma_start3A_1304, %dma_start3A_1305] : memref<125000x8x64xf32, #tpu.memory_space<hbm>> -> memref<1x8x64xf32, #tpu.memory_space<hbm>>
      %dma_start3A_1307 = tpu.memref_squeeze %dma_start3A_1306 : memref<1x8x64xf32, #tpu.memory_space<hbm>> -> memref<8x64xf32, #tpu.memory_space<hbm>>
      tpu.enqueue_dma source(%dma_start3A_1307 : memref<8x64xf32, #tpu.memory_space<hbm>>) target(%dma_start3A_1303 : memref<8x64xf32, #tpu.memory_space<vmem>>) target_semaphore(%arg10 : memref<!tpu.dma_semaphore, #tpu.memory_space<semaphore_mem>>)
      %slice3A_1308 = vector.extract_strided_slice %shift_right_arithmetic3A_727 {offsets = [14], sizes = [1], strides = [1]} : vector<16xi32> to vector<1xi32>
      %squeeze3A_1309 = vector.extract %slice3A_1308[0] : i32 from vector<1xi32>
      %dma_start3A_1310 = arith.constant 1 : i32
      %dma_start3A_1311 = arith.constant 14 : i32
      %dma_start3A_1312 = arith.constant 0 : i32
      %dma_start3A_1313 = arith.constant 0 : i32
      %dma_start3A_1314 = tpu.memref_slice %arg7[%dma_start3A_1310, %dma_start3A_1311, %dma_start3A_1312, %dma_start3A_1313] : memref<2x16x8x64xf32, #tpu.memory_space<vmem>> -> memref<1x1x8x64xf32, #tpu.memory_space<vmem>>
      %dma_start3A_1315 = tpu.memref_squeeze %dma_start3A_1314 : memref<1x1x8x64xf32, #tpu.memory_space<vmem>> -> memref<8x64xf32, #tpu.memory_space<vmem>>
      %dma_start3A_1316 = arith.constant 0 : i32
      %dma_start3A_1317 = arith.constant 0 : i32
      %dma_start3A_1318 = tpu.memref_slice %arg3[%squeeze3A_1309, %dma_start3A_1316, %dma_start3A_1317] : memref<125000x8x64xf32, #tpu.memory_space<hbm>> -> memref<1x8x64xf32, #tpu.memory_space<hbm>>
      %dma_start3A_1319 = tpu.memref_squeeze %dma_start3A_1318 : memref<1x8x64xf32, #tpu.memory_space<hbm>> -> memref<8x64xf32, #tpu.memory_space<hbm>>
      %dma_start3A_1320 = arith.constant 0 : i32
      %dma_start3A_1321 = arith.constant 0 : i32
      %dma_start3A_1322 = tpu.memref_slice %arg7[%dma_start3A_1310, %dma_start3A_1311, %dma_start3A_1320, %dma_start3A_1321] : memref<2x16x8x64xf32, #tpu.memory_space<vmem>> -> memref<1x1x8x64xf32, #tpu.memory_space<vmem>>
      %dma_start3A_1323 = tpu.memref_squeeze %dma_start3A_1322 : memref<1x1x8x64xf32, #tpu.memory_space<vmem>> -> memref<8x64xf32, #tpu.memory_space<vmem>>
      %dma_start3A_1324 = arith.constant 0 : i32
      %dma_start3A_1325 = arith.constant 0 : i32
      %dma_start3A_1326 = tpu.memref_slice %arg3[%squeeze3A_1309, %dma_start3A_1324, %dma_start3A_1325] : memref<125000x8x64xf32, #tpu.memory_space<hbm>> -> memref<1x8x64xf32, #tpu.memory_space<hbm>>
      %dma_start3A_1327 = tpu.memref_squeeze %dma_start3A_1326 : memref<1x8x64xf32, #tpu.memory_space<hbm>> -> memref<8x64xf32, #tpu.memory_space<hbm>>
      tpu.enqueue_dma source(%dma_start3A_1327 : memref<8x64xf32, #tpu.memory_space<hbm>>) target(%dma_start3A_1323 : memref<8x64xf32, #tpu.memory_space<vmem>>) target_semaphore(%arg10 : memref<!tpu.dma_semaphore, #tpu.memory_space<semaphore_mem>>)
      %slice3A_1328 = vector.extract_strided_slice %shift_right_arithmetic3A_713 {offsets = [15], sizes = [1], strides = [1]} : vector<16xi32> to vector<1xi32>
      %squeeze3A_1329 = vector.extract %slice3A_1328[0] : i32 from vector<1xi32>
      %dma_start3A_1330 = arith.constant 1 : i32
      %dma_start3A_1331 = arith.constant 15 : i32
      %dma_start3A_1332 = arith.constant 0 : i32
      %dma_start3A_1333 = arith.constant 0 : i32
      %dma_start3A_1334 = tpu.memref_slice %arg6[%dma_start3A_1330, %dma_start3A_1331, %dma_start3A_1332, %dma_start3A_1333] : memref<2x16x8x64xf32, #tpu.memory_space<vmem>> -> memref<1x1x8x64xf32, #tpu.memory_space<vmem>>
      %dma_start3A_1335 = tpu.memref_squeeze %dma_start3A_1334 : memref<1x1x8x64xf32, #tpu.memory_space<vmem>> -> memref<8x64xf32, #tpu.memory_space<vmem>>
      %dma_start3A_1336 = arith.constant 0 : i32
      %dma_start3A_1337 = arith.constant 0 : i32
      %dma_start3A_1338 = tpu.memref_slice %arg3[%squeeze3A_1329, %dma_start3A_1336, %dma_start3A_1337] : memref<125000x8x64xf32, #tpu.memory_space<hbm>> -> memref<1x8x64xf32, #tpu.memory_space<hbm>>
      %dma_start3A_1339 = tpu.memref_squeeze %dma_start3A_1338 : memref<1x8x64xf32, #tpu.memory_space<hbm>> -> memref<8x64xf32, #tpu.memory_space<hbm>>
      %dma_start3A_1340 = arith.constant 0 : i32
      %dma_start3A_1341 = arith.constant 0 : i32
      %dma_start3A_1342 = tpu.memref_slice %arg6[%dma_start3A_1330, %dma_start3A_1331, %dma_start3A_1340, %dma_start3A_1341] : memref<2x16x8x64xf32, #tpu.memory_space<vmem>> -> memref<1x1x8x64xf32, #tpu.memory_space<vmem>>
      %dma_start3A_1343 = tpu.memref_squeeze %dma_start3A_1342 : memref<1x1x8x64xf32, #tpu.memory_space<vmem>> -> memref<8x64xf32, #tpu.memory_space<vmem>>
      %dma_start3A_1344 = arith.constant 0 : i32
      %dma_start3A_1345 = arith.constant 0 : i32
      %dma_start3A_1346 = tpu.memref_slice %arg3[%squeeze3A_1329, %dma_start3A_1344, %dma_start3A_1345] : memref<125000x8x64xf32, #tpu.memory_space<hbm>> -> memref<1x8x64xf32, #tpu.memory_space<hbm>>
      %dma_start3A_1347 = tpu.memref_squeeze %dma_start3A_1346 : memref<1x8x64xf32, #tpu.memory_space<hbm>> -> memref<8x64xf32, #tpu.memory_space<hbm>>
      tpu.enqueue_dma source(%dma_start3A_1347 : memref<8x64xf32, #tpu.memory_space<hbm>>) target(%dma_start3A_1343 : memref<8x64xf32, #tpu.memory_space<vmem>>) target_semaphore(%arg10 : memref<!tpu.dma_semaphore, #tpu.memory_space<semaphore_mem>>)
      %slice3A_1348 = vector.extract_strided_slice %shift_right_arithmetic3A_727 {offsets = [15], sizes = [1], strides = [1]} : vector<16xi32> to vector<1xi32>
      %squeeze3A_1349 = vector.extract %slice3A_1348[0] : i32 from vector<1xi32>
      %dma_start3A_1350 = arith.constant 1 : i32
      %dma_start3A_1351 = arith.constant 15 : i32
      %dma_start3A_1352 = arith.constant 0 : i32
      %dma_start3A_1353 = arith.constant 0 : i32
      %dma_start3A_1354 = tpu.memref_slice %arg7[%dma_start3A_1350, %dma_start3A_1351, %dma_start3A_1352, %dma_start3A_1353] : memref<2x16x8x64xf32, #tpu.memory_space<vmem>> -> memref<1x1x8x64xf32, #tpu.memory_space<vmem>>
      %dma_start3A_1355 = tpu.memref_squeeze %dma_start3A_1354 : memref<1x1x8x64xf32, #tpu.memory_space<vmem>> -> memref<8x64xf32, #tpu.memory_space<vmem>>
      %dma_start3A_1356 = arith.constant 0 : i32
      %dma_start3A_1357 = arith.constant 0 : i32
      %dma_start3A_1358 = tpu.memref_slice %arg3[%squeeze3A_1349, %dma_start3A_1356, %dma_start3A_1357] : memref<125000x8x64xf32, #tpu.memory_space<hbm>> -> memref<1x8x64xf32, #tpu.memory_space<hbm>>
      %dma_start3A_1359 = tpu.memref_squeeze %dma_start3A_1358 : memref<1x8x64xf32, #tpu.memory_space<hbm>> -> memref<8x64xf32, #tpu.memory_space<hbm>>
      %dma_start3A_1360 = arith.constant 0 : i32
      %dma_start3A_1361 = arith.constant 0 : i32
      %dma_start3A_1362 = tpu.memref_slice %arg7[%dma_start3A_1350, %dma_start3A_1351, %dma_start3A_1360, %dma_start3A_1361] : memref<2x16x8x64xf32, #tpu.memory_space<vmem>> -> memref<1x1x8x64xf32, #tpu.memory_space<vmem>>
      %dma_start3A_1363 = tpu.memref_squeeze %dma_start3A_1362 : memref<1x1x8x64xf32, #tpu.memory_space<vmem>> -> memref<8x64xf32, #tpu.memory_space<vmem>>
      %dma_start3A_1364 = arith.constant 0 : i32
      %dma_start3A_1365 = arith.constant 0 : i32
      %dma_start3A_1366 = tpu.memref_slice %arg3[%squeeze3A_1349, %dma_start3A_1364, %dma_start3A_1365] : memref<125000x8x64xf32, #tpu.memory_space<hbm>> -> memref<1x8x64xf32, #tpu.memory_space<hbm>>
      %dma_start3A_1367 = tpu.memref_squeeze %dma_start3A_1366 : memref<1x8x64xf32, #tpu.memory_space<hbm>> -> memref<8x64xf32, #tpu.memory_space<hbm>>
      tpu.enqueue_dma source(%dma_start3A_1367 : memref<8x64xf32, #tpu.memory_space<hbm>>) target(%dma_start3A_1363 : memref<8x64xf32, #tpu.memory_space<vmem>>) target_semaphore(%arg10 : memref<!tpu.dma_semaphore, #tpu.memory_space<semaphore_mem>>)
      %shift_right_arithmetic3A_1368 = arith.constant 3 : i32
      %shift_right_arithmetic3A_1369 = arith.shrsi %add3A_661, %shift_right_arithmetic3A_1368 : i32
      %add3A_1370 = arith.constant 0 : i32
      %add3A_1371 = arith.addi %add3A_1370, %shift_right_arithmetic3A_1369 : i32
      %and3A_1372 = arith.constant 7 : i32
      %and3A_1373 = arith.andi %add3A_661, %and3A_1372 : i32
      %mul3A_1374 = arith.constant 16 : i32
      %mul3A_1375 = arith.muli %and3A_1373, %mul3A_1374 : i32
      %get3A_1376 = arith.index_cast %add3A_1371 : i32 to index
      %get3A_1377 = arith.index_cast %mul3A_1375 : i32 to index
      %get3A_1378 = tpu.vector_load %arg5[%get3A_1376, %get3A_1377] {strides = array<i32>} : memref<8x128xi32, #tpu.memory_space<vmem>>, vector<16xi32>,
      %and3A_1379 = arith.constant 7 : i32
      %and3A_1380 = vector.broadcast %and3A_1379 : i32 to vector<16xi32>
      %and3A_1381 = arith.andi %get3A_1378, %and3A_1380 : vector<16xi32>
      %shift_right_arithmetic3A_1382 = arith.constant 3 : i32
      %shift_right_arithmetic3A_1383 = arith.shrsi %add3A_661, %shift_right_arithmetic3A_1382 : i32
      %add3A_1384 = arith.constant 4 : i32
      %add3A_1385 = arith.addi %add3A_1384, %shift_right_arithmetic3A_1383 : i32
      %and3A_1386 = arith.constant 7 : i32
      %and3A_1387 = arith.andi %add3A_661, %and3A_1386 : i32
      %mul3A_1388 = arith.constant 16 : i32
      %mul3A_1389 = arith.muli %and3A_1387, %mul3A_1388 : i32
      %get3A_1390 = arith.index_cast %add3A_1385 : i32 to index
      %get3A_1391 = arith.index_cast %mul3A_1389 : i32 to index
      %get3A_1392 = tpu.vector_load %arg5[%get3A_1390, %get3A_1391] {strides = array<i32>} : memref<8x128xi32, #tpu.memory_space<vmem>>, vector<16xi32>,
      %and3A_1393 = arith.constant 7 : i32
      %and3A_1394 = vector.broadcast %and3A_1393 : i32 to vector<16xi32>
      %and3A_1395 = arith.andi %get3A_1392, %and3A_1394 : vector<16xi32>
      %broadcast_in_dim3A = arith.constant 0 : i32
      %broadcast_in_dim3A_1396 = vector.broadcast %broadcast_in_dim3A : i32 to vector<16xi32>
      %broadcast_in_dim3A_1397 = arith.constant 0.000000e+00 : f32
      %broadcast_in_dim3A_1398 = vector.broadcast %broadcast_in_dim3A_1397 : f32 to vector<16xf32>
      %broadcast_in_dim3A_1399 = arith.constant 0 : i32
      %broadcast_in_dim3A_1400 = vector.broadcast %broadcast_in_dim3A_1399 : i32 to vector<16xi32>
      %gather3A = tpu.vector_load_idx %arg6[%broadcast_in_dim3A_1396, %iota3A, %and3A_1381, %broadcast_in_dim3A_1400] : memref<2x16x8x64xf32, #tpu.memory_space<vmem>>[vector<16xi32>, vector<16xi32>, vector<16xi32>, vector<16xi32>], vector<16xf32>,
      %gather3A_1401 = tpu.vector_load_idx %arg7[%broadcast_in_dim3A_1396, %iota3A, %and3A_1395, %broadcast_in_dim3A_1400] : memref<2x16x8x64xf32, #tpu.memory_space<vmem>>[vector<16xi32>, vector<16xi32>, vector<16xi32>, vector<16xi32>], vector<16xf32>,
      %mul3A_1402 = arith.mulf %gather3A, %gather3A_1401 : vector<16xf32>
      %add3A_1403 = arith.addf %broadcast_in_dim3A_1398, %mul3A_1402 : vector<16xf32>
      %broadcast_in_dim3A_1404 = arith.constant 1 : i32
      %broadcast_in_dim3A_1405 = vector.broadcast %broadcast_in_dim3A_1404 : i32 to vector<16xi32>
      %gather3A_1406 = tpu.vector_load_idx %arg6[%broadcast_in_dim3A_1396, %iota3A, %and3A_1381, %broadcast_in_dim3A_1405] : memref<2x16x8x64xf32, #tpu.memory_space<vmem>>[vector<16xi32>, vector<16xi32>, vector<16xi32>, vector<16xi32>], vector<16xf32>,
      %gather3A_1407 = tpu.vector_load_idx %arg7[%broadcast_in_dim3A_1396, %iota3A, %and3A_1395, %broadcast_in_dim3A_1405] : memref<2x16x8x64xf32, #tpu.memory_space<vmem>>[vector<16xi32>, vector<16xi32>, vector<16xi32>, vector<16xi32>], vector<16xf32>,
      %mul3A_1408 = arith.mulf %gather3A_1406, %gather3A_1407 : vector<16xf32>
      %add3A_1409 = arith.addf %add3A_1403, %mul3A_1408 : vector<16xf32>
      %broadcast_in_dim3A_1410 = arith.constant 2 : i32
      %broadcast_in_dim3A_1411 = vector.broadcast %broadcast_in_dim3A_1410 : i32 to vector<16xi32>
      %gather3A_1412 = tpu.vector_load_idx %arg6[%broadcast_in_dim3A_1396, %iota3A, %and3A_1381, %broadcast_in_dim3A_1411] : memref<2x16x8x64xf32, #tpu.memory_space<vmem>>[vector<16xi32>, vector<16xi32>, vector<16xi32>, vector<16xi32>], vector<16xf32>,
      %gather3A_1413 = tpu.vector_load_idx %arg7[%broadcast_in_dim3A_1396, %iota3A, %and3A_1395, %broadcast_in_dim3A_1411] : memref<2x16x8x64xf32, #tpu.memory_space<vmem>>[vector<16xi32>, vector<16xi32>, vector<16xi32>, vector<16xi32>], vector<16xf32>,
      %mul3A_1414 = arith.mulf %gather3A_1412, %gather3A_1413 : vector<16xf32>
      %add3A_1415 = arith.addf %add3A_1409, %mul3A_1414 : vector<16xf32>
      %broadcast_in_dim3A_1416 = arith.constant 3 : i32
      %broadcast_in_dim3A_1417 = vector.broadcast %broadcast_in_dim3A_1416 : i32 to vector<16xi32>
      %gather3A_1418 = tpu.vector_load_idx %arg6[%broadcast_in_dim3A_1396, %iota3A, %and3A_1381, %broadcast_in_dim3A_1417] : memref<2x16x8x64xf32, #tpu.memory_space<vmem>>[vector<16xi32>, vector<16xi32>, vector<16xi32>, vector<16xi32>], vector<16xf32>,
      %gather3A_1419 = tpu.vector_load_idx %arg7[%broadcast_in_dim3A_1396, %iota3A, %and3A_1395, %broadcast_in_dim3A_1417] : memref<2x16x8x64xf32, #tpu.memory_space<vmem>>[vector<16xi32>, vector<16xi32>, vector<16xi32>, vector<16xi32>], vector<16xf32>,
      %mul3A_1420 = arith.mulf %gather3A_1418, %gather3A_1419 : vector<16xf32>
      %add3A_1421 = arith.addf %add3A_1415, %mul3A_1420 : vector<16xf32>
      %broadcast_in_dim3A_1422 = arith.constant 4 : i32
      %broadcast_in_dim3A_1423 = vector.broadcast %broadcast_in_dim3A_1422 : i32 to vector<16xi32>
      %gather3A_1424 = tpu.vector_load_idx %arg6[%broadcast_in_dim3A_1396, %iota3A, %and3A_1381, %broadcast_in_dim3A_1423] : memref<2x16x8x64xf32, #tpu.memory_space<vmem>>[vector<16xi32>, vector<16xi32>, vector<16xi32>, vector<16xi32>], vector<16xf32>,
      %gather3A_1425 = tpu.vector_load_idx %arg7[%broadcast_in_dim3A_1396, %iota3A, %and3A_1395, %broadcast_in_dim3A_1423] : memref<2x16x8x64xf32, #tpu.memory_space<vmem>>[vector<16xi32>, vector<16xi32>, vector<16xi32>, vector<16xi32>], vector<16xf32>,
      %mul3A_1426 = arith.mulf %gather3A_1424, %gather3A_1425 : vector<16xf32>
      %add3A_1427 = arith.addf %add3A_1421, %mul3A_1426 : vector<16xf32>
      %broadcast_in_dim3A_1428 = arith.constant 5 : i32
      %broadcast_in_dim3A_1429 = vector.broadcast %broadcast_in_dim3A_1428 : i32 to vector<16xi32>
      %gather3A_1430 = tpu.vector_load_idx %arg6[%broadcast_in_dim3A_1396, %iota3A, %and3A_1381, %broadcast_in_dim3A_1429] : memref<2x16x8x64xf32, #tpu.memory_space<vmem>>[vector<16xi32>, vector<16xi32>, vector<16xi32>, vector<16xi32>], vector<16xf32>,
      %gather3A_1431 = tpu.vector_load_idx %arg7[%broadcast_in_dim3A_1396, %iota3A, %and3A_1395, %broadcast_in_dim3A_1429] : memref<2x16x8x64xf32, #tpu.memory_space<vmem>>[vector<16xi32>, vector<16xi32>, vector<16xi32>, vector<16xi32>], vector<16xf32>,
      %mul3A_1432 = arith.mulf %gather3A_1430, %gather3A_1431 : vector<16xf32>
      %add3A_1433 = arith.addf %add3A_1427, %mul3A_1432 : vector<16xf32>
      %broadcast_in_dim3A_1434 = arith.constant 6 : i32
      %broadcast_in_dim3A_1435 = vector.broadcast %broadcast_in_dim3A_1434 : i32 to vector<16xi32>
      %gather3A_1436 = tpu.vector_load_idx %arg6[%broadcast_in_dim3A_1396, %iota3A, %and3A_1381, %broadcast_in_dim3A_1435] : memref<2x16x8x64xf32, #tpu.memory_space<vmem>>[vector<16xi32>, vector<16xi32>, vector<16xi32>, vector<16xi32>], vector<16xf32>,
      %gather3A_1437 = tpu.vector_load_idx %arg7[%broadcast_in_dim3A_1396, %iota3A, %and3A_1395, %broadcast_in_dim3A_1435] : memref<2x16x8x64xf32, #tpu.memory_space<vmem>>[vector<16xi32>, vector<16xi32>, vector<16xi32>, vector<16xi32>], vector<16xf32>,
      %mul3A_1438 = arith.mulf %gather3A_1436, %gather3A_1437 : vector<16xf32>
      %add3A_1439 = arith.addf %add3A_1433, %mul3A_1438 : vector<16xf32>
      %broadcast_in_dim3A_1440 = arith.constant 7 : i32
      %broadcast_in_dim3A_1441 = vector.broadcast %broadcast_in_dim3A_1440 : i32 to vector<16xi32>
      %gather3A_1442 = tpu.vector_load_idx %arg6[%broadcast_in_dim3A_1396, %iota3A, %and3A_1381, %broadcast_in_dim3A_1441] : memref<2x16x8x64xf32, #tpu.memory_space<vmem>>[vector<16xi32>, vector<16xi32>, vector<16xi32>, vector<16xi32>], vector<16xf32>,
      %gather3A_1443 = tpu.vector_load_idx %arg7[%broadcast_in_dim3A_1396, %iota3A, %and3A_1395, %broadcast_in_dim3A_1441] : memref<2x16x8x64xf32, #tpu.memory_space<vmem>>[vector<16xi32>, vector<16xi32>, vector<16xi32>, vector<16xi32>], vector<16xf32>,
      %mul3A_1444 = arith.mulf %gather3A_1442, %gather3A_1443 : vector<16xf32>
      %add3A_1445 = arith.addf %add3A_1439, %mul3A_1444 : vector<16xf32>
      %broadcast_in_dim3A_1446 = arith.constant 8 : i32
      %broadcast_in_dim3A_1447 = vector.broadcast %broadcast_in_dim3A_1446 : i32 to vector<16xi32>
      %gather3A_1448 = tpu.vector_load_idx %arg6[%broadcast_in_dim3A_1396, %iota3A, %and3A_1381, %broadcast_in_dim3A_1447] : memref<2x16x8x64xf32, #tpu.memory_space<vmem>>[vector<16xi32>, vector<16xi32>, vector<16xi32>, vector<16xi32>], vector<16xf32>,
      %gather3A_1449 = tpu.vector_load_idx %arg7[%broadcast_in_dim3A_1396, %iota3A, %and3A_1395, %broadcast_in_dim3A_1447] : memref<2x16x8x64xf32, #tpu.memory_space<vmem>>[vector<16xi32>, vector<16xi32>, vector<16xi32>, vector<16xi32>], vector<16xf32>,
      %mul3A_1450 = arith.mulf %gather3A_1448, %gather3A_1449 : vector<16xf32>
      %add3A_1451 = arith.addf %add3A_1445, %mul3A_1450 : vector<16xf32>
      %broadcast_in_dim3A_1452 = arith.constant 9 : i32
      %broadcast_in_dim3A_1453 = vector.broadcast %broadcast_in_dim3A_1452 : i32 to vector<16xi32>
      %gather3A_1454 = tpu.vector_load_idx %arg6[%broadcast_in_dim3A_1396, %iota3A, %and3A_1381, %broadcast_in_dim3A_1453] : memref<2x16x8x64xf32, #tpu.memory_space<vmem>>[vector<16xi32>, vector<16xi32>, vector<16xi32>, vector<16xi32>], vector<16xf32>,
      %gather3A_1455 = tpu.vector_load_idx %arg7[%broadcast_in_dim3A_1396, %iota3A, %and3A_1395, %broadcast_in_dim3A_1453] : memref<2x16x8x64xf32, #tpu.memory_space<vmem>>[vector<16xi32>, vector<16xi32>, vector<16xi32>, vector<16xi32>], vector<16xf32>,
      %mul3A_1456 = arith.mulf %gather3A_1454, %gather3A_1455 : vector<16xf32>
      %add3A_1457 = arith.addf %add3A_1451, %mul3A_1456 : vector<16xf32>
      %broadcast_in_dim3A_1458 = arith.constant 10 : i32
      %broadcast_in_dim3A_1459 = vector.broadcast %broadcast_in_dim3A_1458 : i32 to vector<16xi32>
      %gather3A_1460 = tpu.vector_load_idx %arg6[%broadcast_in_dim3A_1396, %iota3A, %and3A_1381, %broadcast_in_dim3A_1459] : memref<2x16x8x64xf32, #tpu.memory_space<vmem>>[vector<16xi32>, vector<16xi32>, vector<16xi32>, vector<16xi32>], vector<16xf32>,
      %gather3A_1461 = tpu.vector_load_idx %arg7[%broadcast_in_dim3A_1396, %iota3A, %and3A_1395, %broadcast_in_dim3A_1459] : memref<2x16x8x64xf32, #tpu.memory_space<vmem>>[vector<16xi32>, vector<16xi32>, vector<16xi32>, vector<16xi32>], vector<16xf32>,
      %mul3A_1462 = arith.mulf %gather3A_1460, %gather3A_1461 : vector<16xf32>
      %add3A_1463 = arith.addf %add3A_1457, %mul3A_1462 : vector<16xf32>
      %broadcast_in_dim3A_1464 = arith.constant 11 : i32
      %broadcast_in_dim3A_1465 = vector.broadcast %broadcast_in_dim3A_1464 : i32 to vector<16xi32>
      %gather3A_1466 = tpu.vector_load_idx %arg6[%broadcast_in_dim3A_1396, %iota3A, %and3A_1381, %broadcast_in_dim3A_1465] : memref<2x16x8x64xf32, #tpu.memory_space<vmem>>[vector<16xi32>, vector<16xi32>, vector<16xi32>, vector<16xi32>], vector<16xf32>,
      %gather3A_1467 = tpu.vector_load_idx %arg7[%broadcast_in_dim3A_1396, %iota3A, %and3A_1395, %broadcast_in_dim3A_1465] : memref<2x16x8x64xf32, #tpu.memory_space<vmem>>[vector<16xi32>, vector<16xi32>, vector<16xi32>, vector<16xi32>], vector<16xf32>,
      %mul3A_1468 = arith.mulf %gather3A_1466, %gather3A_1467 : vector<16xf32>
      %add3A_1469 = arith.addf %add3A_1463, %mul3A_1468 : vector<16xf32>
      %broadcast_in_dim3A_1470 = arith.constant 12 : i32
      %broadcast_in_dim3A_1471 = vector.broadcast %broadcast_in_dim3A_1470 : i32 to vector<16xi32>
      %gather3A_1472 = tpu.vector_load_idx %arg6[%broadcast_in_dim3A_1396, %iota3A, %and3A_1381, %broadcast_in_dim3A_1471] : memref<2x16x8x64xf32, #tpu.memory_space<vmem>>[vector<16xi32>, vector<16xi32>, vector<16xi32>, vector<16xi32>], vector<16xf32>,
      %gather3A_1473 = tpu.vector_load_idx %arg7[%broadcast_in_dim3A_1396, %iota3A, %and3A_1395, %broadcast_in_dim3A_1471] : memref<2x16x8x64xf32, #tpu.memory_space<vmem>>[vector<16xi32>, vector<16xi32>, vector<16xi32>, vector<16xi32>], vector<16xf32>,
      %mul3A_1474 = arith.mulf %gather3A_1472, %gather3A_1473 : vector<16xf32>
      %add3A_1475 = arith.addf %add3A_1469, %mul3A_1474 : vector<16xf32>
      %broadcast_in_dim3A_1476 = arith.constant 13 : i32
      %broadcast_in_dim3A_1477 = vector.broadcast %broadcast_in_dim3A_1476 : i32 to vector<16xi32>
      %gather3A_1478 = tpu.vector_load_idx %arg6[%broadcast_in_dim3A_1396, %iota3A, %and3A_1381, %broadcast_in_dim3A_1477] : memref<2x16x8x64xf32, #tpu.memory_space<vmem>>[vector<16xi32>, vector<16xi32>, vector<16xi32>, vector<16xi32>], vector<16xf32>,
      %gather3A_1479 = tpu.vector_load_idx %arg7[%broadcast_in_dim3A_1396, %iota3A, %and3A_1395, %broadcast_in_dim3A_1477] : memref<2x16x8x64xf32, #tpu.memory_space<vmem>>[vector<16xi32>, vector<16xi32>, vector<16xi32>, vector<16xi32>], vector<16xf32>,
      %mul3A_1480 = arith.mulf %gather3A_1478, %gather3A_1479 : vector<16xf32>
      %add3A_1481 = arith.addf %add3A_1475, %mul3A_1480 : vector<16xf32>
      %broadcast_in_dim3A_1482 = arith.constant 14 : i32
      %broadcast_in_dim3A_1483 = vector.broadcast %broadcast_in_dim3A_1482 : i32 to vector<16xi32>
      %gather3A_1484 = tpu.vector_load_idx %arg6[%broadcast_in_dim3A_1396, %iota3A, %and3A_1381, %broadcast_in_dim3A_1483] : memref<2x16x8x64xf32, #tpu.memory_space<vmem>>[vector<16xi32>, vector<16xi32>, vector<16xi32>, vector<16xi32>], vector<16xf32>,
      %gather3A_1485 = tpu.vector_load_idx %arg7[%broadcast_in_dim3A_1396, %iota3A, %and3A_1395, %broadcast_in_dim3A_1483] : memref<2x16x8x64xf32, #tpu.memory_space<vmem>>[vector<16xi32>, vector<16xi32>, vector<16xi32>, vector<16xi32>], vector<16xf32>,
      %mul3A_1486 = arith.mulf %gather3A_1484, %gather3A_1485 : vector<16xf32>
      %add3A_1487 = arith.addf %add3A_1481, %mul3A_1486 : vector<16xf32>
      %broadcast_in_dim3A_1488 = arith.constant 15 : i32
      %broadcast_in_dim3A_1489 = vector.broadcast %broadcast_in_dim3A_1488 : i32 to vector<16xi32>
      %gather3A_1490 = tpu.vector_load_idx %arg6[%broadcast_in_dim3A_1396, %iota3A, %and3A_1381, %broadcast_in_dim3A_1489] : memref<2x16x8x64xf32, #tpu.memory_space<vmem>>[vector<16xi32>, vector<16xi32>, vector<16xi32>, vector<16xi32>], vector<16xf32>,
      %gather3A_1491 = tpu.vector_load_idx %arg7[%broadcast_in_dim3A_1396, %iota3A, %and3A_1395, %broadcast_in_dim3A_1489] : memref<2x16x8x64xf32, #tpu.memory_space<vmem>>[vector<16xi32>, vector<16xi32>, vector<16xi32>, vector<16xi32>], vector<16xf32>,
      %mul3A_1492 = arith.mulf %gather3A_1490, %gather3A_1491 : vector<16xf32>
      %add3A_1493 = arith.addf %add3A_1487, %mul3A_1492 : vector<16xf32>
      %broadcast_in_dim3A_1494 = arith.constant 16 : i32
      %broadcast_in_dim3A_1495 = vector.broadcast %broadcast_in_dim3A_1494 : i32 to vector<16xi32>
      %gather3A_1496 = tpu.vector_load_idx %arg6[%broadcast_in_dim3A_1396, %iota3A, %and3A_1381, %broadcast_in_dim3A_1495] : memref<2x16x8x64xf32, #tpu.memory_space<vmem>>[vector<16xi32>, vector<16xi32>, vector<16xi32>, vector<16xi32>], vector<16xf32>,
      %gather3A_1497 = tpu.vector_load_idx %arg7[%broadcast_in_dim3A_1396, %iota3A, %and3A_1395, %broadcast_in_dim3A_1495] : memref<2x16x8x64xf32, #tpu.memory_space<vmem>>[vector<16xi32>, vector<16xi32>, vector<16xi32>, vector<16xi32>], vector<16xf32>,
      %mul3A_1498 = arith.mulf %gather3A_1496, %gather3A_1497 : vector<16xf32>
      %add3A_1499 = arith.addf %add3A_1493, %mul3A_1498 : vector<16xf32>
      %broadcast_in_dim3A_1500 = arith.constant 17 : i32
      %broadcast_in_dim3A_1501 = vector.broadcast %broadcast_in_dim3A_1500 : i32 to vector<16xi32>
      %gather3A_1502 = tpu.vector_load_idx %arg6[%broadcast_in_dim3A_1396, %iota3A, %and3A_1381, %broadcast_in_dim3A_1501] : memref<2x16x8x64xf32, #tpu.memory_space<vmem>>[vector<16xi32>, vector<16xi32>, vector<16xi32>, vector<16xi32>], vector<16xf32>,
      %gather3A_1503 = tpu.vector_load_idx %arg7[%broadcast_in_dim3A_1396, %iota3A, %and3A_1395, %broadcast_in_dim3A_1501] : memref<2x16x8x64xf32, #tpu.memory_space<vmem>>[vector<16xi32>, vector<16xi32>, vector<16xi32>, vector<16xi32>], vector<16xf32>,
      %mul3A_1504 = arith.mulf %gather3A_1502, %gather3A_1503 : vector<16xf32>
      %add3A_1505 = arith.addf %add3A_1499, %mul3A_1504 : vector<16xf32>
      %broadcast_in_dim3A_1506 = arith.constant 18 : i32
      %broadcast_in_dim3A_1507 = vector.broadcast %broadcast_in_dim3A_1506 : i32 to vector<16xi32>
      %gather3A_1508 = tpu.vector_load_idx %arg6[%broadcast_in_dim3A_1396, %iota3A, %and3A_1381, %broadcast_in_dim3A_1507] : memref<2x16x8x64xf32, #tpu.memory_space<vmem>>[vector<16xi32>, vector<16xi32>, vector<16xi32>, vector<16xi32>], vector<16xf32>,
      %gather3A_1509 = tpu.vector_load_idx %arg7[%broadcast_in_dim3A_1396, %iota3A, %and3A_1395, %broadcast_in_dim3A_1507] : memref<2x16x8x64xf32, #tpu.memory_space<vmem>>[vector<16xi32>, vector<16xi32>, vector<16xi32>, vector<16xi32>], vector<16xf32>,
      %mul3A_1510 = arith.mulf %gather3A_1508, %gather3A_1509 : vector<16xf32>
      %add3A_1511 = arith.addf %add3A_1505, %mul3A_1510 : vector<16xf32>
      %broadcast_in_dim3A_1512 = arith.constant 19 : i32
      %broadcast_in_dim3A_1513 = vector.broadcast %broadcast_in_dim3A_1512 : i32 to vector<16xi32>
      %gather3A_1514 = tpu.vector_load_idx %arg6[%broadcast_in_dim3A_1396, %iota3A, %and3A_1381, %broadcast_in_dim3A_1513] : memref<2x16x8x64xf32, #tpu.memory_space<vmem>>[vector<16xi32>, vector<16xi32>, vector<16xi32>, vector<16xi32>], vector<16xf32>,
      %gather3A_1515 = tpu.vector_load_idx %arg7[%broadcast_in_dim3A_1396, %iota3A, %and3A_1395, %broadcast_in_dim3A_1513] : memref<2x16x8x64xf32, #tpu.memory_space<vmem>>[vector<16xi32>, vector<16xi32>, vector<16xi32>, vector<16xi32>], vector<16xf32>,
      %mul3A_1516 = arith.mulf %gather3A_1514, %gather3A_1515 : vector<16xf32>
      %add3A_1517 = arith.addf %add3A_1511, %mul3A_1516 : vector<16xf32>
      %broadcast_in_dim3A_1518 = arith.constant 20 : i32
      %broadcast_in_dim3A_1519 = vector.broadcast %broadcast_in_dim3A_1518 : i32 to vector<16xi32>
      %gather3A_1520 = tpu.vector_load_idx %arg6[%broadcast_in_dim3A_1396, %iota3A, %and3A_1381, %broadcast_in_dim3A_1519] : memref<2x16x8x64xf32, #tpu.memory_space<vmem>>[vector<16xi32>, vector<16xi32>, vector<16xi32>, vector<16xi32>], vector<16xf32>,
      %gather3A_1521 = tpu.vector_load_idx %arg7[%broadcast_in_dim3A_1396, %iota3A, %and3A_1395, %broadcast_in_dim3A_1519] : memref<2x16x8x64xf32, #tpu.memory_space<vmem>>[vector<16xi32>, vector<16xi32>, vector<16xi32>, vector<16xi32>], vector<16xf32>,
      %mul3A_1522 = arith.mulf %gather3A_1520, %gather3A_1521 : vector<16xf32>
      %add3A_1523 = arith.addf %add3A_1517, %mul3A_1522 : vector<16xf32>
      %broadcast_in_dim3A_1524 = arith.constant 21 : i32
      %broadcast_in_dim3A_1525 = vector.broadcast %broadcast_in_dim3A_1524 : i32 to vector<16xi32>
      %gather3A_1526 = tpu.vector_load_idx %arg6[%broadcast_in_dim3A_1396, %iota3A, %and3A_1381, %broadcast_in_dim3A_1525] : memref<2x16x8x64xf32, #tpu.memory_space<vmem>>[vector<16xi32>, vector<16xi32>, vector<16xi32>, vector<16xi32>], vector<16xf32>,
      %gather3A_1527 = tpu.vector_load_idx %arg7[%broadcast_in_dim3A_1396, %iota3A, %and3A_1395, %broadcast_in_dim3A_1525] : memref<2x16x8x64xf32, #tpu.memory_space<vmem>>[vector<16xi32>, vector<16xi32>, vector<16xi32>, vector<16xi32>], vector<16xf32>,
      %mul3A_1528 = arith.mulf %gather3A_1526, %gather3A_1527 : vector<16xf32>
      %add3A_1529 = arith.addf %add3A_1523, %mul3A_1528 : vector<16xf32>
      %broadcast_in_dim3A_1530 = arith.constant 22 : i32
      %broadcast_in_dim3A_1531 = vector.broadcast %broadcast_in_dim3A_1530 : i32 to vector<16xi32>
      %gather3A_1532 = tpu.vector_load_idx %arg6[%broadcast_in_dim3A_1396, %iota3A, %and3A_1381, %broadcast_in_dim3A_1531] : memref<2x16x8x64xf32, #tpu.memory_space<vmem>>[vector<16xi32>, vector<16xi32>, vector<16xi32>, vector<16xi32>], vector<16xf32>,
      %gather3A_1533 = tpu.vector_load_idx %arg7[%broadcast_in_dim3A_1396, %iota3A, %and3A_1395, %broadcast_in_dim3A_1531] : memref<2x16x8x64xf32, #tpu.memory_space<vmem>>[vector<16xi32>, vector<16xi32>, vector<16xi32>, vector<16xi32>], vector<16xf32>,
      %mul3A_1534 = arith.mulf %gather3A_1532, %gather3A_1533 : vector<16xf32>
      %add3A_1535 = arith.addf %add3A_1529, %mul3A_1534 : vector<16xf32>
      %broadcast_in_dim3A_1536 = arith.constant 23 : i32
      %broadcast_in_dim3A_1537 = vector.broadcast %broadcast_in_dim3A_1536 : i32 to vector<16xi32>
      %gather3A_1538 = tpu.vector_load_idx %arg6[%broadcast_in_dim3A_1396, %iota3A, %and3A_1381, %broadcast_in_dim3A_1537] : memref<2x16x8x64xf32, #tpu.memory_space<vmem>>[vector<16xi32>, vector<16xi32>, vector<16xi32>, vector<16xi32>], vector<16xf32>,
      %gather3A_1539 = tpu.vector_load_idx %arg7[%broadcast_in_dim3A_1396, %iota3A, %and3A_1395, %broadcast_in_dim3A_1537] : memref<2x16x8x64xf32, #tpu.memory_space<vmem>>[vector<16xi32>, vector<16xi32>, vector<16xi32>, vector<16xi32>], vector<16xf32>,
      %mul3A_1540 = arith.mulf %gather3A_1538, %gather3A_1539 : vector<16xf32>
      %add3A_1541 = arith.addf %add3A_1535, %mul3A_1540 : vector<16xf32>
      %broadcast_in_dim3A_1542 = arith.constant 24 : i32
      %broadcast_in_dim3A_1543 = vector.broadcast %broadcast_in_dim3A_1542 : i32 to vector<16xi32>
      %gather3A_1544 = tpu.vector_load_idx %arg6[%broadcast_in_dim3A_1396, %iota3A, %and3A_1381, %broadcast_in_dim3A_1543] : memref<2x16x8x64xf32, #tpu.memory_space<vmem>>[vector<16xi32>, vector<16xi32>, vector<16xi32>, vector<16xi32>], vector<16xf32>,
      %gather3A_1545 = tpu.vector_load_idx %arg7[%broadcast_in_dim3A_1396, %iota3A, %and3A_1395, %broadcast_in_dim3A_1543] : memref<2x16x8x64xf32, #tpu.memory_space<vmem>>[vector<16xi32>, vector<16xi32>, vector<16xi32>, vector<16xi32>], vector<16xf32>,
      %mul3A_1546 = arith.mulf %gather3A_1544, %gather3A_1545 : vector<16xf32>
      %add3A_1547 = arith.addf %add3A_1541, %mul3A_1546 : vector<16xf32>
      %broadcast_in_dim3A_1548 = arith.constant 25 : i32
      %broadcast_in_dim3A_1549 = vector.broadcast %broadcast_in_dim3A_1548 : i32 to vector<16xi32>
      %gather3A_1550 = tpu.vector_load_idx %arg6[%broadcast_in_dim3A_1396, %iota3A, %and3A_1381, %broadcast_in_dim3A_1549] : memref<2x16x8x64xf32, #tpu.memory_space<vmem>>[vector<16xi32>, vector<16xi32>, vector<16xi32>, vector<16xi32>], vector<16xf32>,
      %gather3A_1551 = tpu.vector_load_idx %arg7[%broadcast_in_dim3A_1396, %iota3A, %and3A_1395, %broadcast_in_dim3A_1549] : memref<2x16x8x64xf32, #tpu.memory_space<vmem>>[vector<16xi32>, vector<16xi32>, vector<16xi32>, vector<16xi32>], vector<16xf32>,
      %mul3A_1552 = arith.mulf %gather3A_1550, %gather3A_1551 : vector<16xf32>
      %add3A_1553 = arith.addf %add3A_1547, %mul3A_1552 : vector<16xf32>
      %broadcast_in_dim3A_1554 = arith.constant 26 : i32
      %broadcast_in_dim3A_1555 = vector.broadcast %broadcast_in_dim3A_1554 : i32 to vector<16xi32>
      %gather3A_1556 = tpu.vector_load_idx %arg6[%broadcast_in_dim3A_1396, %iota3A, %and3A_1381, %broadcast_in_dim3A_1555] : memref<2x16x8x64xf32, #tpu.memory_space<vmem>>[vector<16xi32>, vector<16xi32>, vector<16xi32>, vector<16xi32>], vector<16xf32>,
      %gather3A_1557 = tpu.vector_load_idx %arg7[%broadcast_in_dim3A_1396, %iota3A, %and3A_1395, %broadcast_in_dim3A_1555] : memref<2x16x8x64xf32, #tpu.memory_space<vmem>>[vector<16xi32>, vector<16xi32>, vector<16xi32>, vector<16xi32>], vector<16xf32>,
      %mul3A_1558 = arith.mulf %gather3A_1556, %gather3A_1557 : vector<16xf32>
      %add3A_1559 = arith.addf %add3A_1553, %mul3A_1558 : vector<16xf32>
      %broadcast_in_dim3A_1560 = arith.constant 27 : i32
      %broadcast_in_dim3A_1561 = vector.broadcast %broadcast_in_dim3A_1560 : i32 to vector<16xi32>
      %gather3A_1562 = tpu.vector_load_idx %arg6[%broadcast_in_dim3A_1396, %iota3A, %and3A_1381, %broadcast_in_dim3A_1561] : memref<2x16x8x64xf32, #tpu.memory_space<vmem>>[vector<16xi32>, vector<16xi32>, vector<16xi32>, vector<16xi32>], vector<16xf32>,
      %gather3A_1563 = tpu.vector_load_idx %arg7[%broadcast_in_dim3A_1396, %iota3A, %and3A_1395, %broadcast_in_dim3A_1561] : memref<2x16x8x64xf32, #tpu.memory_space<vmem>>[vector<16xi32>, vector<16xi32>, vector<16xi32>, vector<16xi32>], vector<16xf32>,
      %mul3A_1564 = arith.mulf %gather3A_1562, %gather3A_1563 : vector<16xf32>
      %add3A_1565 = arith.addf %add3A_1559, %mul3A_1564 : vector<16xf32>
      %broadcast_in_dim3A_1566 = arith.constant 28 : i32
      %broadcast_in_dim3A_1567 = vector.broadcast %broadcast_in_dim3A_1566 : i32 to vector<16xi32>
      %gather3A_1568 = tpu.vector_load_idx %arg6[%broadcast_in_dim3A_1396, %iota3A, %and3A_1381, %broadcast_in_dim3A_1567] : memref<2x16x8x64xf32, #tpu.memory_space<vmem>>[vector<16xi32>, vector<16xi32>, vector<16xi32>, vector<16xi32>], vector<16xf32>,
      %gather3A_1569 = tpu.vector_load_idx %arg7[%broadcast_in_dim3A_1396, %iota3A, %and3A_1395, %broadcast_in_dim3A_1567] : memref<2x16x8x64xf32, #tpu.memory_space<vmem>>[vector<16xi32>, vector<16xi32>, vector<16xi32>, vector<16xi32>], vector<16xf32>,
      %mul3A_1570 = arith.mulf %gather3A_1568, %gather3A_1569 : vector<16xf32>
      %add3A_1571 = arith.addf %add3A_1565, %mul3A_1570 : vector<16xf32>
      %broadcast_in_dim3A_1572 = arith.constant 29 : i32
      %broadcast_in_dim3A_1573 = vector.broadcast %broadcast_in_dim3A_1572 : i32 to vector<16xi32>
      %gather3A_1574 = tpu.vector_load_idx %arg6[%broadcast_in_dim3A_1396, %iota3A, %and3A_1381, %broadcast_in_dim3A_1573] : memref<2x16x8x64xf32, #tpu.memory_space<vmem>>[vector<16xi32>, vector<16xi32>, vector<16xi32>, vector<16xi32>], vector<16xf32>,
      %gather3A_1575 = tpu.vector_load_idx %arg7[%broadcast_in_dim3A_1396, %iota3A, %and3A_1395, %broadcast_in_dim3A_1573] : memref<2x16x8x64xf32, #tpu.memory_space<vmem>>[vector<16xi32>, vector<16xi32>, vector<16xi32>, vector<16xi32>], vector<16xf32>,
      %mul3A_1576 = arith.mulf %gather3A_1574, %gather3A_1575 : vector<16xf32>
      %add3A_1577 = arith.addf %add3A_1571, %mul3A_1576 : vector<16xf32>
      %broadcast_in_dim3A_1578 = arith.constant 30 : i32
      %broadcast_in_dim3A_1579 = vector.broadcast %broadcast_in_dim3A_1578 : i32 to vector<16xi32>
      %gather3A_1580 = tpu.vector_load_idx %arg6[%broadcast_in_dim3A_1396, %iota3A, %and3A_1381, %broadcast_in_dim3A_1579] : memref<2x16x8x64xf32, #tpu.memory_space<vmem>>[vector<16xi32>, vector<16xi32>, vector<16xi32>, vector<16xi32>], vector<16xf32>,
      %gather3A_1581 = tpu.vector_load_idx %arg7[%broadcast_in_dim3A_1396, %iota3A, %and3A_1395, %broadcast_in_dim3A_1579] : memref<2x16x8x64xf32, #tpu.memory_space<vmem>>[vector<16xi32>, vector<16xi32>, vector<16xi32>, vector<16xi32>], vector<16xf32>,
      %mul3A_1582 = arith.mulf %gather3A_1580, %gather3A_1581 : vector<16xf32>
      %add3A_1583 = arith.addf %add3A_1577, %mul3A_1582 : vector<16xf32>
      %broadcast_in_dim3A_1584 = arith.constant 31 : i32
      %broadcast_in_dim3A_1585 = vector.broadcast %broadcast_in_dim3A_1584 : i32 to vector<16xi32>
      %gather3A_1586 = tpu.vector_load_idx %arg6[%broadcast_in_dim3A_1396, %iota3A, %and3A_1381, %broadcast_in_dim3A_1585] : memref<2x16x8x64xf32, #tpu.memory_space<vmem>>[vector<16xi32>, vector<16xi32>, vector<16xi32>, vector<16xi32>], vector<16xf32>,
      %gather3A_1587 = tpu.vector_load_idx %arg7[%broadcast_in_dim3A_1396, %iota3A, %and3A_1395, %broadcast_in_dim3A_1585] : memref<2x16x8x64xf32, #tpu.memory_space<vmem>>[vector<16xi32>, vector<16xi32>, vector<16xi32>, vector<16xi32>], vector<16xf32>,
      %mul3A_1588 = arith.mulf %gather3A_1586, %gather3A_1587 : vector<16xf32>
      %add3A_1589 = arith.addf %add3A_1583, %mul3A_1588 : vector<16xf32>
      %broadcast_in_dim3A_1590 = arith.constant 32 : i32
      %broadcast_in_dim3A_1591 = vector.broadcast %broadcast_in_dim3A_1590 : i32 to vector<16xi32>
      %gather3A_1592 = tpu.vector_load_idx %arg6[%broadcast_in_dim3A_1396, %iota3A, %and3A_1381, %broadcast_in_dim3A_1591] : memref<2x16x8x64xf32, #tpu.memory_space<vmem>>[vector<16xi32>, vector<16xi32>, vector<16xi32>, vector<16xi32>], vector<16xf32>,
      %gather3A_1593 = tpu.vector_load_idx %arg7[%broadcast_in_dim3A_1396, %iota3A, %and3A_1395, %broadcast_in_dim3A_1591] : memref<2x16x8x64xf32, #tpu.memory_space<vmem>>[vector<16xi32>, vector<16xi32>, vector<16xi32>, vector<16xi32>], vector<16xf32>,
      %mul3A_1594 = arith.mulf %gather3A_1592, %gather3A_1593 : vector<16xf32>
      %add3A_1595 = arith.addf %add3A_1589, %mul3A_1594 : vector<16xf32>
      %broadcast_in_dim3A_1596 = arith.constant 33 : i32
      %broadcast_in_dim3A_1597 = vector.broadcast %broadcast_in_dim3A_1596 : i32 to vector<16xi32>
      %gather3A_1598 = tpu.vector_load_idx %arg6[%broadcast_in_dim3A_1396, %iota3A, %and3A_1381, %broadcast_in_dim3A_1597] : memref<2x16x8x64xf32, #tpu.memory_space<vmem>>[vector<16xi32>, vector<16xi32>, vector<16xi32>, vector<16xi32>], vector<16xf32>,
      %gather3A_1599 = tpu.vector_load_idx %arg7[%broadcast_in_dim3A_1396, %iota3A, %and3A_1395, %broadcast_in_dim3A_1597] : memref<2x16x8x64xf32, #tpu.memory_space<vmem>>[vector<16xi32>, vector<16xi32>, vector<16xi32>, vector<16xi32>], vector<16xf32>,
      %mul3A_1600 = arith.mulf %gather3A_1598, %gather3A_1599 : vector<16xf32>
      %add3A_1601 = arith.addf %add3A_1595, %mul3A_1600 : vector<16xf32>
      %broadcast_in_dim3A_1602 = arith.constant 34 : i32
      %broadcast_in_dim3A_1603 = vector.broadcast %broadcast_in_dim3A_1602 : i32 to vector<16xi32>
      %gather3A_1604 = tpu.vector_load_idx %arg6[%broadcast_in_dim3A_1396, %iota3A, %and3A_1381, %broadcast_in_dim3A_1603] : memref<2x16x8x64xf32, #tpu.memory_space<vmem>>[vector<16xi32>, vector<16xi32>, vector<16xi32>, vector<16xi32>], vector<16xf32>,
      %gather3A_1605 = tpu.vector_load_idx %arg7[%broadcast_in_dim3A_1396, %iota3A, %and3A_1395, %broadcast_in_dim3A_1603] : memref<2x16x8x64xf32, #tpu.memory_space<vmem>>[vector<16xi32>, vector<16xi32>, vector<16xi32>, vector<16xi32>], vector<16xf32>,
      %mul3A_1606 = arith.mulf %gather3A_1604, %gather3A_1605 : vector<16xf32>
      %add3A_1607 = arith.addf %add3A_1601, %mul3A_1606 : vector<16xf32>
      %broadcast_in_dim3A_1608 = arith.constant 35 : i32
      %broadcast_in_dim3A_1609 = vector.broadcast %broadcast_in_dim3A_1608 : i32 to vector<16xi32>
      %gather3A_1610 = tpu.vector_load_idx %arg6[%broadcast_in_dim3A_1396, %iota3A, %and3A_1381, %broadcast_in_dim3A_1609] : memref<2x16x8x64xf32, #tpu.memory_space<vmem>>[vector<16xi32>, vector<16xi32>, vector<16xi32>, vector<16xi32>], vector<16xf32>,
      %gather3A_1611 = tpu.vector_load_idx %arg7[%broadcast_in_dim3A_1396, %iota3A, %and3A_1395, %broadcast_in_dim3A_1609] : memref<2x16x8x64xf32, #tpu.memory_space<vmem>>[vector<16xi32>, vector<16xi32>, vector<16xi32>, vector<16xi32>], vector<16xf32>,
      %mul3A_1612 = arith.mulf %gather3A_1610, %gather3A_1611 : vector<16xf32>
      %add3A_1613 = arith.addf %add3A_1607, %mul3A_1612 : vector<16xf32>
      %broadcast_in_dim3A_1614 = arith.constant 36 : i32
      %broadcast_in_dim3A_1615 = vector.broadcast %broadcast_in_dim3A_1614 : i32 to vector<16xi32>
      %gather3A_1616 = tpu.vector_load_idx %arg6[%broadcast_in_dim3A_1396, %iota3A, %and3A_1381, %broadcast_in_dim3A_1615] : memref<2x16x8x64xf32, #tpu.memory_space<vmem>>[vector<16xi32>, vector<16xi32>, vector<16xi32>, vector<16xi32>], vector<16xf32>,
      %gather3A_1617 = tpu.vector_load_idx %arg7[%broadcast_in_dim3A_1396, %iota3A, %and3A_1395, %broadcast_in_dim3A_1615] : memref<2x16x8x64xf32, #tpu.memory_space<vmem>>[vector<16xi32>, vector<16xi32>, vector<16xi32>, vector<16xi32>], vector<16xf32>,
      %mul3A_1618 = arith.mulf %gather3A_1616, %gather3A_1617 : vector<16xf32>
      %add3A_1619 = arith.addf %add3A_1613, %mul3A_1618 : vector<16xf32>
      %broadcast_in_dim3A_1620 = arith.constant 37 : i32
      %broadcast_in_dim3A_1621 = vector.broadcast %broadcast_in_dim3A_1620 : i32 to vector<16xi32>
      %gather3A_1622 = tpu.vector_load_idx %arg6[%broadcast_in_dim3A_1396, %iota3A, %and3A_1381, %broadcast_in_dim3A_1621] : memref<2x16x8x64xf32, #tpu.memory_space<vmem>>[vector<16xi32>, vector<16xi32>, vector<16xi32>, vector<16xi32>], vector<16xf32>,
      %gather3A_1623 = tpu.vector_load_idx %arg7[%broadcast_in_dim3A_1396, %iota3A, %and3A_1395, %broadcast_in_dim3A_1621] : memref<2x16x8x64xf32, #tpu.memory_space<vmem>>[vector<16xi32>, vector<16xi32>, vector<16xi32>, vector<16xi32>], vector<16xf32>,
      %mul3A_1624 = arith.mulf %gather3A_1622, %gather3A_1623 : vector<16xf32>
      %add3A_1625 = arith.addf %add3A_1619, %mul3A_1624 : vector<16xf32>
      %broadcast_in_dim3A_1626 = arith.constant 38 : i32
      %broadcast_in_dim3A_1627 = vector.broadcast %broadcast_in_dim3A_1626 : i32 to vector<16xi32>
      %gather3A_1628 = tpu.vector_load_idx %arg6[%broadcast_in_dim3A_1396, %iota3A, %and3A_1381, %broadcast_in_dim3A_1627] : memref<2x16x8x64xf32, #tpu.memory_space<vmem>>[vector<16xi32>, vector<16xi32>, vector<16xi32>, vector<16xi32>], vector<16xf32>,
      %gather3A_1629 = tpu.vector_load_idx %arg7[%broadcast_in_dim3A_1396, %iota3A, %and3A_1395, %broadcast_in_dim3A_1627] : memref<2x16x8x64xf32, #tpu.memory_space<vmem>>[vector<16xi32>, vector<16xi32>, vector<16xi32>, vector<16xi32>], vector<16xf32>,
      %mul3A_1630 = arith.mulf %gather3A_1628, %gather3A_1629 : vector<16xf32>
      %add3A_1631 = arith.addf %add3A_1625, %mul3A_1630 : vector<16xf32>
      %broadcast_in_dim3A_1632 = arith.constant 39 : i32
      %broadcast_in_dim3A_1633 = vector.broadcast %broadcast_in_dim3A_1632 : i32 to vector<16xi32>
      %gather3A_1634 = tpu.vector_load_idx %arg6[%broadcast_in_dim3A_1396, %iota3A, %and3A_1381, %broadcast_in_dim3A_1633] : memref<2x16x8x64xf32, #tpu.memory_space<vmem>>[vector<16xi32>, vector<16xi32>, vector<16xi32>, vector<16xi32>], vector<16xf32>,
      %gather3A_1635 = tpu.vector_load_idx %arg7[%broadcast_in_dim3A_1396, %iota3A, %and3A_1395, %broadcast_in_dim3A_1633] : memref<2x16x8x64xf32, #tpu.memory_space<vmem>>[vector<16xi32>, vector<16xi32>, vector<16xi32>, vector<16xi32>], vector<16xf32>,
      %mul3A_1636 = arith.mulf %gather3A_1634, %gather3A_1635 : vector<16xf32>
      %add3A_1637 = arith.addf %add3A_1631, %mul3A_1636 : vector<16xf32>
      %broadcast_in_dim3A_1638 = arith.constant 40 : i32
      %broadcast_in_dim3A_1639 = vector.broadcast %broadcast_in_dim3A_1638 : i32 to vector<16xi32>
      %gather3A_1640 = tpu.vector_load_idx %arg6[%broadcast_in_dim3A_1396, %iota3A, %and3A_1381, %broadcast_in_dim3A_1639] : memref<2x16x8x64xf32, #tpu.memory_space<vmem>>[vector<16xi32>, vector<16xi32>, vector<16xi32>, vector<16xi32>], vector<16xf32>,
      %gather3A_1641 = tpu.vector_load_idx %arg7[%broadcast_in_dim3A_1396, %iota3A, %and3A_1395, %broadcast_in_dim3A_1639] : memref<2x16x8x64xf32, #tpu.memory_space<vmem>>[vector<16xi32>, vector<16xi32>, vector<16xi32>, vector<16xi32>], vector<16xf32>,
      %mul3A_1642 = arith.mulf %gather3A_1640, %gather3A_1641 : vector<16xf32>
      %add3A_1643 = arith.addf %add3A_1637, %mul3A_1642 : vector<16xf32>
      %broadcast_in_dim3A_1644 = arith.constant 41 : i32
      %broadcast_in_dim3A_1645 = vector.broadcast %broadcast_in_dim3A_1644 : i32 to vector<16xi32>
      %gather3A_1646 = tpu.vector_load_idx %arg6[%broadcast_in_dim3A_1396, %iota3A, %and3A_1381, %broadcast_in_dim3A_1645] : memref<2x16x8x64xf32, #tpu.memory_space<vmem>>[vector<16xi32>, vector<16xi32>, vector<16xi32>, vector<16xi32>], vector<16xf32>,
      %gather3A_1647 = tpu.vector_load_idx %arg7[%broadcast_in_dim3A_1396, %iota3A, %and3A_1395, %broadcast_in_dim3A_1645] : memref<2x16x8x64xf32, #tpu.memory_space<vmem>>[vector<16xi32>, vector<16xi32>, vector<16xi32>, vector<16xi32>], vector<16xf32>,
      %mul3A_1648 = arith.mulf %gather3A_1646, %gather3A_1647 : vector<16xf32>
      %add3A_1649 = arith.addf %add3A_1643, %mul3A_1648 : vector<16xf32>
      %broadcast_in_dim3A_1650 = arith.constant 42 : i32
      %broadcast_in_dim3A_1651 = vector.broadcast %broadcast_in_dim3A_1650 : i32 to vector<16xi32>
      %gather3A_1652 = tpu.vector_load_idx %arg6[%broadcast_in_dim3A_1396, %iota3A, %and3A_1381, %broadcast_in_dim3A_1651] : memref<2x16x8x64xf32, #tpu.memory_space<vmem>>[vector<16xi32>, vector<16xi32>, vector<16xi32>, vector<16xi32>], vector<16xf32>,
      %gather3A_1653 = tpu.vector_load_idx %arg7[%broadcast_in_dim3A_1396, %iota3A, %and3A_1395, %broadcast_in_dim3A_1651] : memref<2x16x8x64xf32, #tpu.memory_space<vmem>>[vector<16xi32>, vector<16xi32>, vector<16xi32>, vector<16xi32>], vector<16xf32>,
      %mul3A_1654 = arith.mulf %gather3A_1652, %gather3A_1653 : vector<16xf32>
      %add3A_1655 = arith.addf %add3A_1649, %mul3A_1654 : vector<16xf32>
      %broadcast_in_dim3A_1656 = arith.constant 43 : i32
      %broadcast_in_dim3A_1657 = vector.broadcast %broadcast_in_dim3A_1656 : i32 to vector<16xi32>
      %gather3A_1658 = tpu.vector_load_idx %arg6[%broadcast_in_dim3A_1396, %iota3A, %and3A_1381, %broadcast_in_dim3A_1657] : memref<2x16x8x64xf32, #tpu.memory_space<vmem>>[vector<16xi32>, vector<16xi32>, vector<16xi32>, vector<16xi32>], vector<16xf32>,
      %gather3A_1659 = tpu.vector_load_idx %arg7[%broadcast_in_dim3A_1396, %iota3A, %and3A_1395, %broadcast_in_dim3A_1657] : memref<2x16x8x64xf32, #tpu.memory_space<vmem>>[vector<16xi32>, vector<16xi32>, vector<16xi32>, vector<16xi32>], vector<16xf32>,
      %mul3A_1660 = arith.mulf %gather3A_1658, %gather3A_1659 : vector<16xf32>
      %add3A_1661 = arith.addf %add3A_1655, %mul3A_1660 : vector<16xf32>
      %broadcast_in_dim3A_1662 = arith.constant 44 : i32
      %broadcast_in_dim3A_1663 = vector.broadcast %broadcast_in_dim3A_1662 : i32 to vector<16xi32>
      %gather3A_1664 = tpu.vector_load_idx %arg6[%broadcast_in_dim3A_1396, %iota3A, %and3A_1381, %broadcast_in_dim3A_1663] : memref<2x16x8x64xf32, #tpu.memory_space<vmem>>[vector<16xi32>, vector<16xi32>, vector<16xi32>, vector<16xi32>], vector<16xf32>,
      %gather3A_1665 = tpu.vector_load_idx %arg7[%broadcast_in_dim3A_1396, %iota3A, %and3A_1395, %broadcast_in_dim3A_1663] : memref<2x16x8x64xf32, #tpu.memory_space<vmem>>[vector<16xi32>, vector<16xi32>, vector<16xi32>, vector<16xi32>], vector<16xf32>,
      %mul3A_1666 = arith.mulf %gather3A_1664, %gather3A_1665 : vector<16xf32>
      %add3A_1667 = arith.addf %add3A_1661, %mul3A_1666 : vector<16xf32>
      %broadcast_in_dim3A_1668 = arith.constant 45 : i32
      %broadcast_in_dim3A_1669 = vector.broadcast %broadcast_in_dim3A_1668 : i32 to vector<16xi32>
      %gather3A_1670 = tpu.vector_load_idx %arg6[%broadcast_in_dim3A_1396, %iota3A, %and3A_1381, %broadcast_in_dim3A_1669] : memref<2x16x8x64xf32, #tpu.memory_space<vmem>>[vector<16xi32>, vector<16xi32>, vector<16xi32>, vector<16xi32>], vector<16xf32>,
      %gather3A_1671 = tpu.vector_load_idx %arg7[%broadcast_in_dim3A_1396, %iota3A, %and3A_1395, %broadcast_in_dim3A_1669] : memref<2x16x8x64xf32, #tpu.memory_space<vmem>>[vector<16xi32>, vector<16xi32>, vector<16xi32>, vector<16xi32>], vector<16xf32>,
      %mul3A_1672 = arith.mulf %gather3A_1670, %gather3A_1671 : vector<16xf32>
      %add3A_1673 = arith.addf %add3A_1667, %mul3A_1672 : vector<16xf32>
      %broadcast_in_dim3A_1674 = arith.constant 46 : i32
      %broadcast_in_dim3A_1675 = vector.broadcast %broadcast_in_dim3A_1674 : i32 to vector<16xi32>
      %gather3A_1676 = tpu.vector_load_idx %arg6[%broadcast_in_dim3A_1396, %iota3A, %and3A_1381, %broadcast_in_dim3A_1675] : memref<2x16x8x64xf32, #tpu.memory_space<vmem>>[vector<16xi32>, vector<16xi32>, vector<16xi32>, vector<16xi32>], vector<16xf32>,
      %gather3A_1677 = tpu.vector_load_idx %arg7[%broadcast_in_dim3A_1396, %iota3A, %and3A_1395, %broadcast_in_dim3A_1675] : memref<2x16x8x64xf32, #tpu.memory_space<vmem>>[vector<16xi32>, vector<16xi32>, vector<16xi32>, vector<16xi32>], vector<16xf32>,
      %mul3A_1678 = arith.mulf %gather3A_1676, %gather3A_1677 : vector<16xf32>
      %add3A_1679 = arith.addf %add3A_1673, %mul3A_1678 : vector<16xf32>
      %broadcast_in_dim3A_1680 = arith.constant 47 : i32
      %broadcast_in_dim3A_1681 = vector.broadcast %broadcast_in_dim3A_1680 : i32 to vector<16xi32>
      %gather3A_1682 = tpu.vector_load_idx %arg6[%broadcast_in_dim3A_1396, %iota3A, %and3A_1381, %broadcast_in_dim3A_1681] : memref<2x16x8x64xf32, #tpu.memory_space<vmem>>[vector<16xi32>, vector<16xi32>, vector<16xi32>, vector<16xi32>], vector<16xf32>,
      %gather3A_1683 = tpu.vector_load_idx %arg7[%broadcast_in_dim3A_1396, %iota3A, %and3A_1395, %broadcast_in_dim3A_1681] : memref<2x16x8x64xf32, #tpu.memory_space<vmem>>[vector<16xi32>, vector<16xi32>, vector<16xi32>, vector<16xi32>], vector<16xf32>,
      %mul3A_1684 = arith.mulf %gather3A_1682, %gather3A_1683 : vector<16xf32>
      %add3A_1685 = arith.addf %add3A_1679, %mul3A_1684 : vector<16xf32>
      %broadcast_in_dim3A_1686 = arith.constant 48 : i32
      %broadcast_in_dim3A_1687 = vector.broadcast %broadcast_in_dim3A_1686 : i32 to vector<16xi32>
      %gather3A_1688 = tpu.vector_load_idx %arg6[%broadcast_in_dim3A_1396, %iota3A, %and3A_1381, %broadcast_in_dim3A_1687] : memref<2x16x8x64xf32, #tpu.memory_space<vmem>>[vector<16xi32>, vector<16xi32>, vector<16xi32>, vector<16xi32>], vector<16xf32>,
      %gather3A_1689 = tpu.vector_load_idx %arg7[%broadcast_in_dim3A_1396, %iota3A, %and3A_1395, %broadcast_in_dim3A_1687] : memref<2x16x8x64xf32, #tpu.memory_space<vmem>>[vector<16xi32>, vector<16xi32>, vector<16xi32>, vector<16xi32>], vector<16xf32>,
      %mul3A_1690 = arith.mulf %gather3A_1688, %gather3A_1689 : vector<16xf32>
      %add3A_1691 = arith.addf %add3A_1685, %mul3A_1690 : vector<16xf32>
      %broadcast_in_dim3A_1692 = arith.constant 49 : i32
      %broadcast_in_dim3A_1693 = vector.broadcast %broadcast_in_dim3A_1692 : i32 to vector<16xi32>
      %gather3A_1694 = tpu.vector_load_idx %arg6[%broadcast_in_dim3A_1396, %iota3A, %and3A_1381, %broadcast_in_dim3A_1693] : memref<2x16x8x64xf32, #tpu.memory_space<vmem>>[vector<16xi32>, vector<16xi32>, vector<16xi32>, vector<16xi32>], vector<16xf32>,
      %gather3A_1695 = tpu.vector_load_idx %arg7[%broadcast_in_dim3A_1396, %iota3A, %and3A_1395, %broadcast_in_dim3A_1693] : memref<2x16x8x64xf32, #tpu.memory_space<vmem>>[vector<16xi32>, vector<16xi32>, vector<16xi32>, vector<16xi32>], vector<16xf32>,
      %mul3A_1696 = arith.mulf %gather3A_1694, %gather3A_1695 : vector<16xf32>
      %add3A_1697 = arith.addf %add3A_1691, %mul3A_1696 : vector<16xf32>
      %broadcast_in_dim3A_1698 = arith.constant 50 : i32
      %broadcast_in_dim3A_1699 = vector.broadcast %broadcast_in_dim3A_1698 : i32 to vector<16xi32>
      %gather3A_1700 = tpu.vector_load_idx %arg6[%broadcast_in_dim3A_1396, %iota3A, %and3A_1381, %broadcast_in_dim3A_1699] : memref<2x16x8x64xf32, #tpu.memory_space<vmem>>[vector<16xi32>, vector<16xi32>, vector<16xi32>, vector<16xi32>], vector<16xf32>,
      %gather3A_1701 = tpu.vector_load_idx %arg7[%broadcast_in_dim3A_1396, %iota3A, %and3A_1395, %broadcast_in_dim3A_1699] : memref<2x16x8x64xf32, #tpu.memory_space<vmem>>[vector<16xi32>, vector<16xi32>, vector<16xi32>, vector<16xi32>], vector<16xf32>,
      %mul3A_1702 = arith.mulf %gather3A_1700, %gather3A_1701 : vector<16xf32>
      %add3A_1703 = arith.addf %add3A_1697, %mul3A_1702 : vector<16xf32>
      %broadcast_in_dim3A_1704 = arith.constant 51 : i32
      %broadcast_in_dim3A_1705 = vector.broadcast %broadcast_in_dim3A_1704 : i32 to vector<16xi32>
      %gather3A_1706 = tpu.vector_load_idx %arg6[%broadcast_in_dim3A_1396, %iota3A, %and3A_1381, %broadcast_in_dim3A_1705] : memref<2x16x8x64xf32, #tpu.memory_space<vmem>>[vector<16xi32>, vector<16xi32>, vector<16xi32>, vector<16xi32>], vector<16xf32>,
      %gather3A_1707 = tpu.vector_load_idx %arg7[%broadcast_in_dim3A_1396, %iota3A, %and3A_1395, %broadcast_in_dim3A_1705] : memref<2x16x8x64xf32, #tpu.memory_space<vmem>>[vector<16xi32>, vector<16xi32>, vector<16xi32>, vector<16xi32>], vector<16xf32>,
      %mul3A_1708 = arith.mulf %gather3A_1706, %gather3A_1707 : vector<16xf32>
      %add3A_1709 = arith.addf %add3A_1703, %mul3A_1708 : vector<16xf32>
      %broadcast_in_dim3A_1710 = arith.constant 52 : i32
      %broadcast_in_dim3A_1711 = vector.broadcast %broadcast_in_dim3A_1710 : i32 to vector<16xi32>
      %gather3A_1712 = tpu.vector_load_idx %arg6[%broadcast_in_dim3A_1396, %iota3A, %and3A_1381, %broadcast_in_dim3A_1711] : memref<2x16x8x64xf32, #tpu.memory_space<vmem>>[vector<16xi32>, vector<16xi32>, vector<16xi32>, vector<16xi32>], vector<16xf32>,
      %gather3A_1713 = tpu.vector_load_idx %arg7[%broadcast_in_dim3A_1396, %iota3A, %and3A_1395, %broadcast_in_dim3A_1711] : memref<2x16x8x64xf32, #tpu.memory_space<vmem>>[vector<16xi32>, vector<16xi32>, vector<16xi32>, vector<16xi32>], vector<16xf32>,
      %mul3A_1714 = arith.mulf %gather3A_1712, %gather3A_1713 : vector<16xf32>
      %add3A_1715 = arith.addf %add3A_1709, %mul3A_1714 : vector<16xf32>
      %broadcast_in_dim3A_1716 = arith.constant 53 : i32
      %broadcast_in_dim3A_1717 = vector.broadcast %broadcast_in_dim3A_1716 : i32 to vector<16xi32>
      %gather3A_1718 = tpu.vector_load_idx %arg6[%broadcast_in_dim3A_1396, %iota3A, %and3A_1381, %broadcast_in_dim3A_1717] : memref<2x16x8x64xf32, #tpu.memory_space<vmem>>[vector<16xi32>, vector<16xi32>, vector<16xi32>, vector<16xi32>], vector<16xf32>,
      %gather3A_1719 = tpu.vector_load_idx %arg7[%broadcast_in_dim3A_1396, %iota3A, %and3A_1395, %broadcast_in_dim3A_1717] : memref<2x16x8x64xf32, #tpu.memory_space<vmem>>[vector<16xi32>, vector<16xi32>, vector<16xi32>, vector<16xi32>], vector<16xf32>,
      %mul3A_1720 = arith.mulf %gather3A_1718, %gather3A_1719 : vector<16xf32>
      %add3A_1721 = arith.addf %add3A_1715, %mul3A_1720 : vector<16xf32>
      %broadcast_in_dim3A_1722 = arith.constant 54 : i32
      %broadcast_in_dim3A_1723 = vector.broadcast %broadcast_in_dim3A_1722 : i32 to vector<16xi32>
      %gather3A_1724 = tpu.vector_load_idx %arg6[%broadcast_in_dim3A_1396, %iota3A, %and3A_1381, %broadcast_in_dim3A_1723] : memref<2x16x8x64xf32, #tpu.memory_space<vmem>>[vector<16xi32>, vector<16xi32>, vector<16xi32>, vector<16xi32>], vector<16xf32>,
      %gather3A_1725 = tpu.vector_load_idx %arg7[%broadcast_in_dim3A_1396, %iota3A, %and3A_1395, %broadcast_in_dim3A_1723] : memref<2x16x8x64xf32, #tpu.memory_space<vmem>>[vector<16xi32>, vector<16xi32>, vector<16xi32>, vector<16xi32>], vector<16xf32>,
      %mul3A_1726 = arith.mulf %gather3A_1724, %gather3A_1725 : vector<16xf32>
      %add3A_1727 = arith.addf %add3A_1721, %mul3A_1726 : vector<16xf32>
      %broadcast_in_dim3A_1728 = arith.constant 55 : i32
      %broadcast_in_dim3A_1729 = vector.broadcast %broadcast_in_dim3A_1728 : i32 to vector<16xi32>
      %gather3A_1730 = tpu.vector_load_idx %arg6[%broadcast_in_dim3A_1396, %iota3A, %and3A_1381, %broadcast_in_dim3A_1729] : memref<2x16x8x64xf32, #tpu.memory_space<vmem>>[vector<16xi32>, vector<16xi32>, vector<16xi32>, vector<16xi32>], vector<16xf32>,
      %gather3A_1731 = tpu.vector_load_idx %arg7[%broadcast_in_dim3A_1396, %iota3A, %and3A_1395, %broadcast_in_dim3A_1729] : memref<2x16x8x64xf32, #tpu.memory_space<vmem>>[vector<16xi32>, vector<16xi32>, vector<16xi32>, vector<16xi32>], vector<16xf32>,
      %mul3A_1732 = arith.mulf %gather3A_1730, %gather3A_1731 : vector<16xf32>
      %add3A_1733 = arith.addf %add3A_1727, %mul3A_1732 : vector<16xf32>
      %broadcast_in_dim3A_1734 = arith.constant 56 : i32
      %broadcast_in_dim3A_1735 = vector.broadcast %broadcast_in_dim3A_1734 : i32 to vector<16xi32>
      %gather3A_1736 = tpu.vector_load_idx %arg6[%broadcast_in_dim3A_1396, %iota3A, %and3A_1381, %broadcast_in_dim3A_1735] : memref<2x16x8x64xf32, #tpu.memory_space<vmem>>[vector<16xi32>, vector<16xi32>, vector<16xi32>, vector<16xi32>], vector<16xf32>,
      %gather3A_1737 = tpu.vector_load_idx %arg7[%broadcast_in_dim3A_1396, %iota3A, %and3A_1395, %broadcast_in_dim3A_1735] : memref<2x16x8x64xf32, #tpu.memory_space<vmem>>[vector<16xi32>, vector<16xi32>, vector<16xi32>, vector<16xi32>], vector<16xf32>,
      %mul3A_1738 = arith.mulf %gather3A_1736, %gather3A_1737 : vector<16xf32>
      %add3A_1739 = arith.addf %add3A_1733, %mul3A_1738 : vector<16xf32>
      %broadcast_in_dim3A_1740 = arith.constant 57 : i32
      %broadcast_in_dim3A_1741 = vector.broadcast %broadcast_in_dim3A_1740 : i32 to vector<16xi32>
      %gather3A_1742 = tpu.vector_load_idx %arg6[%broadcast_in_dim3A_1396, %iota3A, %and3A_1381, %broadcast_in_dim3A_1741] : memref<2x16x8x64xf32, #tpu.memory_space<vmem>>[vector<16xi32>, vector<16xi32>, vector<16xi32>, vector<16xi32>], vector<16xf32>,
      %gather3A_1743 = tpu.vector_load_idx %arg7[%broadcast_in_dim3A_1396, %iota3A, %and3A_1395, %broadcast_in_dim3A_1741] : memref<2x16x8x64xf32, #tpu.memory_space<vmem>>[vector<16xi32>, vector<16xi32>, vector<16xi32>, vector<16xi32>], vector<16xf32>,
      %mul3A_1744 = arith.mulf %gather3A_1742, %gather3A_1743 : vector<16xf32>
      %add3A_1745 = arith.addf %add3A_1739, %mul3A_1744 : vector<16xf32>
      %broadcast_in_dim3A_1746 = arith.constant 58 : i32
      %broadcast_in_dim3A_1747 = vector.broadcast %broadcast_in_dim3A_1746 : i32 to vector<16xi32>
      %gather3A_1748 = tpu.vector_load_idx %arg6[%broadcast_in_dim3A_1396, %iota3A, %and3A_1381, %broadcast_in_dim3A_1747] : memref<2x16x8x64xf32, #tpu.memory_space<vmem>>[vector<16xi32>, vector<16xi32>, vector<16xi32>, vector<16xi32>], vector<16xf32>,
      %gather3A_1749 = tpu.vector_load_idx %arg7[%broadcast_in_dim3A_1396, %iota3A, %and3A_1395, %broadcast_in_dim3A_1747] : memref<2x16x8x64xf32, #tpu.memory_space<vmem>>[vector<16xi32>, vector<16xi32>, vector<16xi32>, vector<16xi32>], vector<16xf32>,
      %mul3A_1750 = arith.mulf %gather3A_1748, %gather3A_1749 : vector<16xf32>
      %add3A_1751 = arith.addf %add3A_1745, %mul3A_1750 : vector<16xf32>
      %broadcast_in_dim3A_1752 = arith.constant 59 : i32
      %broadcast_in_dim3A_1753 = vector.broadcast %broadcast_in_dim3A_1752 : i32 to vector<16xi32>
      %gather3A_1754 = tpu.vector_load_idx %arg6[%broadcast_in_dim3A_1396, %iota3A, %and3A_1381, %broadcast_in_dim3A_1753] : memref<2x16x8x64xf32, #tpu.memory_space<vmem>>[vector<16xi32>, vector<16xi32>, vector<16xi32>, vector<16xi32>], vector<16xf32>,
      %gather3A_1755 = tpu.vector_load_idx %arg7[%broadcast_in_dim3A_1396, %iota3A, %and3A_1395, %broadcast_in_dim3A_1753] : memref<2x16x8x64xf32, #tpu.memory_space<vmem>>[vector<16xi32>, vector<16xi32>, vector<16xi32>, vector<16xi32>], vector<16xf32>,
      %mul3A_1756 = arith.mulf %gather3A_1754, %gather3A_1755 : vector<16xf32>
      %add3A_1757 = arith.addf %add3A_1751, %mul3A_1756 : vector<16xf32>
      %broadcast_in_dim3A_1758 = arith.constant 60 : i32
      %broadcast_in_dim3A_1759 = vector.broadcast %broadcast_in_dim3A_1758 : i32 to vector<16xi32>
      %gather3A_1760 = tpu.vector_load_idx %arg6[%broadcast_in_dim3A_1396, %iota3A, %and3A_1381, %broadcast_in_dim3A_1759] : memref<2x16x8x64xf32, #tpu.memory_space<vmem>>[vector<16xi32>, vector<16xi32>, vector<16xi32>, vector<16xi32>], vector<16xf32>,
      %gather3A_1761 = tpu.vector_load_idx %arg7[%broadcast_in_dim3A_1396, %iota3A, %and3A_1395, %broadcast_in_dim3A_1759] : memref<2x16x8x64xf32, #tpu.memory_space<vmem>>[vector<16xi32>, vector<16xi32>, vector<16xi32>, vector<16xi32>], vector<16xf32>,
      %mul3A_1762 = arith.mulf %gather3A_1760, %gather3A_1761 : vector<16xf32>
      %add3A_1763 = arith.addf %add3A_1757, %mul3A_1762 : vector<16xf32>
      %broadcast_in_dim3A_1764 = arith.constant 61 : i32
      %broadcast_in_dim3A_1765 = vector.broadcast %broadcast_in_dim3A_1764 : i32 to vector<16xi32>
      %gather3A_1766 = tpu.vector_load_idx %arg6[%broadcast_in_dim3A_1396, %iota3A, %and3A_1381, %broadcast_in_dim3A_1765] : memref<2x16x8x64xf32, #tpu.memory_space<vmem>>[vector<16xi32>, vector<16xi32>, vector<16xi32>, vector<16xi32>], vector<16xf32>,
      %gather3A_1767 = tpu.vector_load_idx %arg7[%broadcast_in_dim3A_1396, %iota3A, %and3A_1395, %broadcast_in_dim3A_1765] : memref<2x16x8x64xf32, #tpu.memory_space<vmem>>[vector<16xi32>, vector<16xi32>, vector<16xi32>, vector<16xi32>], vector<16xf32>,
      %mul3A_1768 = arith.mulf %gather3A_1766, %gather3A_1767 : vector<16xf32>
      %add3A_1769 = arith.addf %add3A_1763, %mul3A_1768 : vector<16xf32>
      %broadcast_in_dim3A_1770 = arith.constant 62 : i32
      %broadcast_in_dim3A_1771 = vector.broadcast %broadcast_in_dim3A_1770 : i32 to vector<16xi32>
      %gather3A_1772 = tpu.vector_load_idx %arg6[%broadcast_in_dim3A_1396, %iota3A, %and3A_1381, %broadcast_in_dim3A_1771] : memref<2x16x8x64xf32, #tpu.memory_space<vmem>>[vector<16xi32>, vector<16xi32>, vector<16xi32>, vector<16xi32>], vector<16xf32>,
      %gather3A_1773 = tpu.vector_load_idx %arg7[%broadcast_in_dim3A_1396, %iota3A, %and3A_1395, %broadcast_in_dim3A_1771] : memref<2x16x8x64xf32, #tpu.memory_space<vmem>>[vector<16xi32>, vector<16xi32>, vector<16xi32>, vector<16xi32>], vector<16xf32>,
      %mul3A_1774 = arith.mulf %gather3A_1772, %gather3A_1773 : vector<16xf32>
      %add3A_1775 = arith.addf %add3A_1769, %mul3A_1774 : vector<16xf32>
      %broadcast_in_dim3A_1776 = arith.constant 63 : i32
      %broadcast_in_dim3A_1777 = vector.broadcast %broadcast_in_dim3A_1776 : i32 to vector<16xi32>
      %gather3A_1778 = tpu.vector_load_idx %arg6[%broadcast_in_dim3A_1396, %iota3A, %and3A_1381, %broadcast_in_dim3A_1777] : memref<2x16x8x64xf32, #tpu.memory_space<vmem>>[vector<16xi32>, vector<16xi32>, vector<16xi32>, vector<16xi32>], vector<16xf32>,
      %gather3A_1779 = tpu.vector_load_idx %arg7[%broadcast_in_dim3A_1396, %iota3A, %and3A_1395, %broadcast_in_dim3A_1777] : memref<2x16x8x64xf32, #tpu.memory_space<vmem>>[vector<16xi32>, vector<16xi32>, vector<16xi32>, vector<16xi32>], vector<16xf32>,
      %mul3A_1780 = arith.mulf %gather3A_1778, %gather3A_1779 : vector<16xf32>
      %add3A_1781 = arith.addf %add3A_1775, %mul3A_1780 : vector<16xf32>
      %mul3A_1782 = arith.constant 16 : i32
      %mul3A_1783 = arith.muli %add3A_661, %mul3A_1782 : i32
      %swap3A = arith.index_cast %mul3A_1783 : i32 to index
      %swap3A_1784 = tpu.vector_load %arg8[%swap3A] {strides = array<i32>} : memref<512xf32, #tpu.memory_space<vmem>>, vector<16xf32>,
      tpu.vector_store %arg8[%swap3A], %add3A_1781 {strides = array<i32>} : memref<512xf32, #tpu.memory_space<vmem>>, vector<16xf32>,
      %mul3A_1785 = arith.constant 2 : i32
      %mul3A_1786 = arith.muli %mul3A_1785, %scan3A_657 : i32
      %add3A_1787 = arith.constant 1 : i32
      %add3A_1788 = arith.addi %mul3A_1786, %add3A_1787 : i32
      %dma_wait3A_1789 = arith.constant 1 : i32
      %dma_wait3A_1790 = arith.constant 0 : i32
      %dma_wait3A_1791 = arith.constant 0 : i32
      %dma_wait3A_1792 = arith.constant 0 : i32
      %dma_wait3A_1793 = tpu.memref_slice %arg6[%dma_wait3A_1789, %dma_wait3A_1790, %dma_wait3A_1791, %dma_wait3A_1792] : memref<2x16x8x64xf32, #tpu.memory_space<vmem>> -> memref<1x16x8x64xf32, #tpu.memory_space<vmem>>
      %dma_wait3A_1794 = tpu.memref_squeeze %dma_wait3A_1793 : memref<1x16x8x64xf32, #tpu.memory_space<vmem>> -> memref<16x8x64xf32, #tpu.memory_space<vmem>>
      %dma_wait3A_1795 = arith.constant 0 : i32
      %dma_wait3A_1796 = arith.constant 0 : i32
      %dma_wait3A_1797 = arith.constant 0 : i32
      %dma_wait3A_1798 = tpu.memref_slice %arg3[%dma_wait3A_1795, %dma_wait3A_1796, %dma_wait3A_1797] : memref<125000x8x64xf32, #tpu.memory_space<hbm>> -> memref<16x8x64xf32, #tpu.memory_space<hbm>>
      %dma_wait3A_1799 = arith.constant 0 : i32
      %dma_wait3A_1800 = arith.constant 0 : i32
      %dma_wait3A_1801 = arith.constant 0 : i32
      %dma_wait3A_1802 = tpu.memref_slice %arg6[%dma_wait3A_1789, %dma_wait3A_1799, %dma_wait3A_1800, %dma_wait3A_1801] : memref<2x16x8x64xf32, #tpu.memory_space<vmem>> -> memref<1x16x8x64xf32, #tpu.memory_space<vmem>>
      %dma_wait3A_1803 = tpu.memref_squeeze %dma_wait3A_1802 : memref<1x16x8x64xf32, #tpu.memory_space<vmem>> -> memref<16x8x64xf32, #tpu.memory_space<vmem>>
      %dma_wait3A_1804 = arith.constant 0 : i32
      %dma_wait3A_1805 = arith.constant 0 : i32
      %dma_wait3A_1806 = arith.constant 0 : i32
      %dma_wait3A_1807 = tpu.memref_slice %arg3[%dma_wait3A_1804, %dma_wait3A_1805, %dma_wait3A_1806] : memref<125000x8x64xf32, #tpu.memory_space<hbm>> -> memref<16x8x64xf32, #tpu.memory_space<hbm>>
      tpu.wait_dma2 semaphore(%arg10 : memref<!tpu.dma_semaphore, #tpu.memory_space<semaphore_mem>>) src(%dma_wait3A_1807 : memref<16x8x64xf32, #tpu.memory_space<hbm>>) dst(%dma_wait3A_1803 : memref<16x8x64xf32, #tpu.memory_space<vmem>>)
      %dma_wait3A_1808 = arith.constant 1 : i32
      %dma_wait3A_1809 = arith.constant 0 : i32
      %dma_wait3A_1810 = arith.constant 0 : i32
      %dma_wait3A_1811 = arith.constant 0 : i32
      %dma_wait3A_1812 = tpu.memref_slice %arg7[%dma_wait3A_1808, %dma_wait3A_1809, %dma_wait3A_1810, %dma_wait3A_1811] : memref<2x16x8x64xf32, #tpu.memory_space<vmem>> -> memref<1x16x8x64xf32, #tpu.memory_space<vmem>>
      %dma_wait3A_1813 = tpu.memref_squeeze %dma_wait3A_1812 : memref<1x16x8x64xf32, #tpu.memory_space<vmem>> -> memref<16x8x64xf32, #tpu.memory_space<vmem>>
      %dma_wait3A_1814 = arith.constant 0 : i32
      %dma_wait3A_1815 = arith.constant 0 : i32
      %dma_wait3A_1816 = arith.constant 0 : i32
      %dma_wait3A_1817 = tpu.memref_slice %arg3[%dma_wait3A_1814, %dma_wait3A_1815, %dma_wait3A_1816] : memref<125000x8x64xf32, #tpu.memory_space<hbm>> -> memref<16x8x64xf32, #tpu.memory_space<hbm>>
      %dma_wait3A_1818 = arith.constant 0 : i32
      %dma_wait3A_1819 = arith.constant 0 : i32
      %dma_wait3A_1820 = arith.constant 0 : i32
      %dma_wait3A_1821 = tpu.memref_slice %arg7[%dma_wait3A_1808, %dma_wait3A_1818, %dma_wait3A_1819, %dma_wait3A_1820] : memref<2x16x8x64xf32, #tpu.memory_space<vmem>> -> memref<1x16x8x64xf32, #tpu.memory_space<vmem>>
      %dma_wait3A_1822 = tpu.memref_squeeze %dma_wait3A_1821 : memref<1x16x8x64xf32, #tpu.memory_space<vmem>> -> memref<16x8x64xf32, #tpu.memory_space<vmem>>
      %dma_wait3A_1823 = arith.constant 0 : i32
      %dma_wait3A_1824 = arith.constant 0 : i32
      %dma_wait3A_1825 = arith.constant 0 : i32
      %dma_wait3A_1826 = tpu.memref_slice %arg3[%dma_wait3A_1823, %dma_wait3A_1824, %dma_wait3A_1825] : memref<125000x8x64xf32, #tpu.memory_space<hbm>> -> memref<16x8x64xf32, #tpu.memory_space<hbm>>
      tpu.wait_dma2 semaphore(%arg10 : memref<!tpu.dma_semaphore, #tpu.memory_space<semaphore_mem>>) src(%dma_wait3A_1826 : memref<16x8x64xf32, #tpu.memory_space<hbm>>) dst(%dma_wait3A_1822 : memref<16x8x64xf32, #tpu.memory_space<vmem>>)
      %lt3A = arith.constant 15 : i32
      %lt3A_1827 = arith.cmpi slt, %scan3A_657, %lt3A : i32
      %convert_element_type3A = arith.extui %lt3A_1827 : i1 to i32
      %cond3A = arith.constant 0 : i32
      %cond3A_1828 = arith.cmpi ne, %convert_element_type3A, %cond3A : i32
      scf.if %cond3A_1828 {
        %add3A_2249 = arith.constant 1 : i32
        %add3A_2250 = arith.addi %add3A_1788, %add3A_2249 : i32
        %shift_right_arithmetic3A_2251 = arith.constant 3 : i32
        %shift_right_arithmetic3A_2252 = arith.shrsi %add3A_2250, %shift_right_arithmetic3A_2251 : i32
        %add3A_2253 = arith.constant 0 : i32
        %add3A_2254 = arith.addi %add3A_2253, %shift_right_arithmetic3A_2252 : i32
        %and3A_2255 = arith.constant 7 : i32
        %and3A_2256 = arith.andi %add3A_2250, %and3A_2255 : i32
        %mul3A_2257 = arith.constant 16 : i32
        %mul3A_2258 = arith.muli %and3A_2256, %mul3A_2257 : i32
        %get3A_2259 = arith.index_cast %add3A_2254 : i32 to index
        %get3A_2260 = arith.index_cast %mul3A_2258 : i32 to index
        %get3A_2261 = tpu.vector_load %arg5[%get3A_2259, %get3A_2260] {strides = array<i32>} : memref<8x128xi32, #tpu.memory_space<vmem>>, vector<16xi32>,
        %shift_right_arithmetic3A_2262 = arith.constant 3 : i32
        %shift_right_arithmetic3A_2263 = vector.broadcast %shift_right_arithmetic3A_2262 : i32 to vector<16xi32>
        %shift_right_arithmetic3A_2264 = arith.shrsi %get3A_2261, %shift_right_arithmetic3A_2263 : vector<16xi32>
        %shift_right_arithmetic3A_2265 = arith.constant 3 : i32
        %shift_right_arithmetic3A_2266 = arith.shrsi %add3A_2250, %shift_right_arithmetic3A_2265 : i32
        %add3A_2267 = arith.constant 4 : i32
        %add3A_2268 = arith.addi %add3A_2267, %shift_right_arithmetic3A_2266 : i32
        %and3A_2269 = arith.constant 7 : i32
        %and3A_2270 = arith.andi %add3A_2250, %and3A_2269 : i32
        %mul3A_2271 = arith.constant 16 : i32
        %mul3A_2272 = arith.muli %and3A_2270, %mul3A_2271 : i32
        %get3A_2273 = arith.index_cast %add3A_2268 : i32 to index
        %get3A_2274 = arith.index_cast %mul3A_2272 : i32 to index
        %get3A_2275 = tpu.vector_load %arg5[%get3A_2273, %get3A_2274] {strides = array<i32>} : memref<8x128xi32, #tpu.memory_space<vmem>>, vector<16xi32>,
        %shift_right_arithmetic3A_2276 = arith.constant 3 : i32
        %shift_right_arithmetic3A_2277 = vector.broadcast %shift_right_arithmetic3A_2276 : i32 to vector<16xi32>
        %shift_right_arithmetic3A_2278 = arith.shrsi %get3A_2275, %shift_right_arithmetic3A_2277 : vector<16xi32>
        %slice3A_2279 = vector.extract_strided_slice %shift_right_arithmetic3A_2264 {offsets = [0], sizes = [1], strides = [1]} : vector<16xi32> to vector<1xi32>
        %squeeze3A_2280 = vector.extract %slice3A_2279[0] : i32 from vector<1xi32>
        %dma_start3A_2281 = arith.constant 0 : i32
        %dma_start3A_2282 = arith.constant 0 : i32
        %dma_start3A_2283 = arith.constant 0 : i32
        %dma_start3A_2284 = arith.constant 0 : i32
        %dma_start3A_2285 = tpu.memref_slice %arg6[%dma_start3A_2281, %dma_start3A_2282, %dma_start3A_2283, %dma_start3A_2284] : memref<2x16x8x64xf32, #tpu.memory_space<vmem>> -> memref<1x1x8x64xf32, #tpu.memory_space<vmem>>
        %dma_start3A_2286 = tpu.memref_squeeze %dma_start3A_2285 : memref<1x1x8x64xf32, #tpu.memory_space<vmem>> -> memref<8x64xf32, #tpu.memory_space<vmem>>
        %dma_start3A_2287 = arith.constant 0 : i32
        %dma_start3A_2288 = arith.constant 0 : i32
        %dma_start3A_2289 = tpu.memref_slice %arg3[%squeeze3A_2280, %dma_start3A_2287, %dma_start3A_2288] : memref<125000x8x64xf32, #tpu.memory_space<hbm>> -> memref<1x8x64xf32, #tpu.memory_space<hbm>>
        %dma_start3A_2290 = tpu.memref_squeeze %dma_start3A_2289 : memref<1x8x64xf32, #tpu.memory_space<hbm>> -> memref<8x64xf32, #tpu.memory_space<hbm>>
        %dma_start3A_2291 = arith.constant 0 : i32
        %dma_start3A_2292 = arith.constant 0 : i32
        %dma_start3A_2293 = tpu.memref_slice %arg6[%dma_start3A_2281, %dma_start3A_2282, %dma_start3A_2291, %dma_start3A_2292] : memref<2x16x8x64xf32, #tpu.memory_space<vmem>> -> memref<1x1x8x64xf32, #tpu.memory_space<vmem>>
        %dma_start3A_2294 = tpu.memref_squeeze %dma_start3A_2293 : memref<1x1x8x64xf32, #tpu.memory_space<vmem>> -> memref<8x64xf32, #tpu.memory_space<vmem>>
        %dma_start3A_2295 = arith.constant 0 : i32
        %dma_start3A_2296 = arith.constant 0 : i32
        %dma_start3A_2297 = tpu.memref_slice %arg3[%squeeze3A_2280, %dma_start3A_2295, %dma_start3A_2296] : memref<125000x8x64xf32, #tpu.memory_space<hbm>> -> memref<1x8x64xf32, #tpu.memory_space<hbm>>
        %dma_start3A_2298 = tpu.memref_squeeze %dma_start3A_2297 : memref<1x8x64xf32, #tpu.memory_space<hbm>> -> memref<8x64xf32, #tpu.memory_space<hbm>>
        tpu.enqueue_dma source(%dma_start3A_2298 : memref<8x64xf32, #tpu.memory_space<hbm>>) target(%dma_start3A_2294 : memref<8x64xf32, #tpu.memory_space<vmem>>) target_semaphore(%arg9 : memref<!tpu.dma_semaphore, #tpu.memory_space<semaphore_mem>>)
        %slice3A_2299 = vector.extract_strided_slice %shift_right_arithmetic3A_2278 {offsets = [0], sizes = [1], strides = [1]} : vector<16xi32> to vector<1xi32>
        %squeeze3A_2300 = vector.extract %slice3A_2299[0] : i32 from vector<1xi32>
        %dma_start3A_2301 = arith.constant 0 : i32
        %dma_start3A_2302 = arith.constant 0 : i32
        %dma_start3A_2303 = arith.constant 0 : i32
        %dma_start3A_2304 = arith.constant 0 : i32
        %dma_start3A_2305 = tpu.memref_slice %arg7[%dma_start3A_2301, %dma_start3A_2302, %dma_start3A_2303, %dma_start3A_2304] : memref<2x16x8x64xf32, #tpu.memory_space<vmem>> -> memref<1x1x8x64xf32, #tpu.memory_space<vmem>>
        %dma_start3A_2306 = tpu.memref_squeeze %dma_start3A_2305 : memref<1x1x8x64xf32, #tpu.memory_space<vmem>> -> memref<8x64xf32, #tpu.memory_space<vmem>>
        %dma_start3A_2307 = arith.constant 0 : i32
        %dma_start3A_2308 = arith.constant 0 : i32
        %dma_start3A_2309 = tpu.memref_slice %arg3[%squeeze3A_2300, %dma_start3A_2307, %dma_start3A_2308] : memref<125000x8x64xf32, #tpu.memory_space<hbm>> -> memref<1x8x64xf32, #tpu.memory_space<hbm>>
        %dma_start3A_2310 = tpu.memref_squeeze %dma_start3A_2309 : memref<1x8x64xf32, #tpu.memory_space<hbm>> -> memref<8x64xf32, #tpu.memory_space<hbm>>
        %dma_start3A_2311 = arith.constant 0 : i32
        %dma_start3A_2312 = arith.constant 0 : i32
        %dma_start3A_2313 = tpu.memref_slice %arg7[%dma_start3A_2301, %dma_start3A_2302, %dma_start3A_2311, %dma_start3A_2312] : memref<2x16x8x64xf32, #tpu.memory_space<vmem>> -> memref<1x1x8x64xf32, #tpu.memory_space<vmem>>
        %dma_start3A_2314 = tpu.memref_squeeze %dma_start3A_2313 : memref<1x1x8x64xf32, #tpu.memory_space<vmem>> -> memref<8x64xf32, #tpu.memory_space<vmem>>
        %dma_start3A_2315 = arith.constant 0 : i32
        %dma_start3A_2316 = arith.constant 0 : i32
        %dma_start3A_2317 = tpu.memref_slice %arg3[%squeeze3A_2300, %dma_start3A_2315, %dma_start3A_2316] : memref<125000x8x64xf32, #tpu.memory_space<hbm>> -> memref<1x8x64xf32, #tpu.memory_space<hbm>>
        %dma_start3A_2318 = tpu.memref_squeeze %dma_start3A_2317 : memref<1x8x64xf32, #tpu.memory_space<hbm>> -> memref<8x64xf32, #tpu.memory_space<hbm>>
        tpu.enqueue_dma source(%dma_start3A_2318 : memref<8x64xf32, #tpu.memory_space<hbm>>) target(%dma_start3A_2314 : memref<8x64xf32, #tpu.memory_space<vmem>>) target_semaphore(%arg9 : memref<!tpu.dma_semaphore, #tpu.memory_space<semaphore_mem>>)
        %slice3A_2319 = vector.extract_strided_slice %shift_right_arithmetic3A_2264 {offsets = [1], sizes = [1], strides = [1]} : vector<16xi32> to vector<1xi32>
        %squeeze3A_2320 = vector.extract %slice3A_2319[0] : i32 from vector<1xi32>
        %dma_start3A_2321 = arith.constant 0 : i32
        %dma_start3A_2322 = arith.constant 1 : i32
        %dma_start3A_2323 = arith.constant 0 : i32
        %dma_start3A_2324 = arith.constant 0 : i32
        %dma_start3A_2325 = tpu.memref_slice %arg6[%dma_start3A_2321, %dma_start3A_2322, %dma_start3A_2323, %dma_start3A_2324] : memref<2x16x8x64xf32, #tpu.memory_space<vmem>> -> memref<1x1x8x64xf32, #tpu.memory_space<vmem>>
        %dma_start3A_2326 = tpu.memref_squeeze %dma_start3A_2325 : memref<1x1x8x64xf32, #tpu.memory_space<vmem>> -> memref<8x64xf32, #tpu.memory_space<vmem>>
        %dma_start3A_2327 = arith.constant 0 : i32
        %dma_start3A_2328 = arith.constant 0 : i32
        %dma_start3A_2329 = tpu.memref_slice %arg3[%squeeze3A_2320, %dma_start3A_2327, %dma_start3A_2328] : memref<125000x8x64xf32, #tpu.memory_space<hbm>> -> memref<1x8x64xf32, #tpu.memory_space<hbm>>
        %dma_start3A_2330 = tpu.memref_squeeze %dma_start3A_2329 : memref<1x8x64xf32, #tpu.memory_space<hbm>> -> memref<8x64xf32, #tpu.memory_space<hbm>>
        %dma_start3A_2331 = arith.constant 0 : i32
        %dma_start3A_2332 = arith.constant 0 : i32
        %dma_start3A_2333 = tpu.memref_slice %arg6[%dma_start3A_2321, %dma_start3A_2322, %dma_start3A_2331, %dma_start3A_2332] : memref<2x16x8x64xf32, #tpu.memory_space<vmem>> -> memref<1x1x8x64xf32, #tpu.memory_space<vmem>>
        %dma_start3A_2334 = tpu.memref_squeeze %dma_start3A_2333 : memref<1x1x8x64xf32, #tpu.memory_space<vmem>> -> memref<8x64xf32, #tpu.memory_space<vmem>>
        %dma_start3A_2335 = arith.constant 0 : i32
        %dma_start3A_2336 = arith.constant 0 : i32
        %dma_start3A_2337 = tpu.memref_slice %arg3[%squeeze3A_2320, %dma_start3A_2335, %dma_start3A_2336] : memref<125000x8x64xf32, #tpu.memory_space<hbm>> -> memref<1x8x64xf32, #tpu.memory_space<hbm>>
        %dma_start3A_2338 = tpu.memref_squeeze %dma_start3A_2337 : memref<1x8x64xf32, #tpu.memory_space<hbm>> -> memref<8x64xf32, #tpu.memory_space<hbm>>
        tpu.enqueue_dma source(%dma_start3A_2338 : memref<8x64xf32, #tpu.memory_space<hbm>>) target(%dma_start3A_2334 : memref<8x64xf32, #tpu.memory_space<vmem>>) target_semaphore(%arg9 : memref<!tpu.dma_semaphore, #tpu.memory_space<semaphore_mem>>)
        %slice3A_2339 = vector.extract_strided_slice %shift_right_arithmetic3A_2278 {offsets = [1], sizes = [1], strides = [1]} : vector<16xi32> to vector<1xi32>
        %squeeze3A_2340 = vector.extract %slice3A_2339[0] : i32 from vector<1xi32>
        %dma_start3A_2341 = arith.constant 0 : i32
        %dma_start3A_2342 = arith.constant 1 : i32
        %dma_start3A_2343 = arith.constant 0 : i32
        %dma_start3A_2344 = arith.constant 0 : i32
        %dma_start3A_2345 = tpu.memref_slice %arg7[%dma_start3A_2341, %dma_start3A_2342, %dma_start3A_2343, %dma_start3A_2344] : memref<2x16x8x64xf32, #tpu.memory_space<vmem>> -> memref<1x1x8x64xf32, #tpu.memory_space<vmem>>
        %dma_start3A_2346 = tpu.memref_squeeze %dma_start3A_2345 : memref<1x1x8x64xf32, #tpu.memory_space<vmem>> -> memref<8x64xf32, #tpu.memory_space<vmem>>
        %dma_start3A_2347 = arith.constant 0 : i32
        %dma_start3A_2348 = arith.constant 0 : i32
        %dma_start3A_2349 = tpu.memref_slice %arg3[%squeeze3A_2340, %dma_start3A_2347, %dma_start3A_2348] : memref<125000x8x64xf32, #tpu.memory_space<hbm>> -> memref<1x8x64xf32, #tpu.memory_space<hbm>>
        %dma_start3A_2350 = tpu.memref_squeeze %dma_start3A_2349 : memref<1x8x64xf32, #tpu.memory_space<hbm>> -> memref<8x64xf32, #tpu.memory_space<hbm>>
        %dma_start3A_2351 = arith.constant 0 : i32
        %dma_start3A_2352 = arith.constant 0 : i32
        %dma_start3A_2353 = tpu.memref_slice %arg7[%dma_start3A_2341, %dma_start3A_2342, %dma_start3A_2351, %dma_start3A_2352] : memref<2x16x8x64xf32, #tpu.memory_space<vmem>> -> memref<1x1x8x64xf32, #tpu.memory_space<vmem>>
        %dma_start3A_2354 = tpu.memref_squeeze %dma_start3A_2353 : memref<1x1x8x64xf32, #tpu.memory_space<vmem>> -> memref<8x64xf32, #tpu.memory_space<vmem>>
        %dma_start3A_2355 = arith.constant 0 : i32
        %dma_start3A_2356 = arith.constant 0 : i32
        %dma_start3A_2357 = tpu.memref_slice %arg3[%squeeze3A_2340, %dma_start3A_2355, %dma_start3A_2356] : memref<125000x8x64xf32, #tpu.memory_space<hbm>> -> memref<1x8x64xf32, #tpu.memory_space<hbm>>
        %dma_start3A_2358 = tpu.memref_squeeze %dma_start3A_2357 : memref<1x8x64xf32, #tpu.memory_space<hbm>> -> memref<8x64xf32, #tpu.memory_space<hbm>>
        tpu.enqueue_dma source(%dma_start3A_2358 : memref<8x64xf32, #tpu.memory_space<hbm>>) target(%dma_start3A_2354 : memref<8x64xf32, #tpu.memory_space<vmem>>) target_semaphore(%arg9 : memref<!tpu.dma_semaphore, #tpu.memory_space<semaphore_mem>>)
        %slice3A_2359 = vector.extract_strided_slice %shift_right_arithmetic3A_2264 {offsets = [2], sizes = [1], strides = [1]} : vector<16xi32> to vector<1xi32>
        %squeeze3A_2360 = vector.extract %slice3A_2359[0] : i32 from vector<1xi32>
        %dma_start3A_2361 = arith.constant 0 : i32
        %dma_start3A_2362 = arith.constant 2 : i32
        %dma_start3A_2363 = arith.constant 0 : i32
        %dma_start3A_2364 = arith.constant 0 : i32
        %dma_start3A_2365 = tpu.memref_slice %arg6[%dma_start3A_2361, %dma_start3A_2362, %dma_start3A_2363, %dma_start3A_2364] : memref<2x16x8x64xf32, #tpu.memory_space<vmem>> -> memref<1x1x8x64xf32, #tpu.memory_space<vmem>>
        %dma_start3A_2366 = tpu.memref_squeeze %dma_start3A_2365 : memref<1x1x8x64xf32, #tpu.memory_space<vmem>> -> memref<8x64xf32, #tpu.memory_space<vmem>>
        %dma_start3A_2367 = arith.constant 0 : i32
        %dma_start3A_2368 = arith.constant 0 : i32
        %dma_start3A_2369 = tpu.memref_slice %arg3[%squeeze3A_2360, %dma_start3A_2367, %dma_start3A_2368] : memref<125000x8x64xf32, #tpu.memory_space<hbm>> -> memref<1x8x64xf32, #tpu.memory_space<hbm>>
        %dma_start3A_2370 = tpu.memref_squeeze %dma_start3A_2369 : memref<1x8x64xf32, #tpu.memory_space<hbm>> -> memref<8x64xf32, #tpu.memory_space<hbm>>
        %dma_start3A_2371 = arith.constant 0 : i32
        %dma_start3A_2372 = arith.constant 0 : i32
        %dma_start3A_2373 = tpu.memref_slice %arg6[%dma_start3A_2361, %dma_start3A_2362, %dma_start3A_2371, %dma_start3A_2372] : memref<2x16x8x64xf32, #tpu.memory_space<vmem>> -> memref<1x1x8x64xf32, #tpu.memory_space<vmem>>
        %dma_start3A_2374 = tpu.memref_squeeze %dma_start3A_2373 : memref<1x1x8x64xf32, #tpu.memory_space<vmem>> -> memref<8x64xf32, #tpu.memory_space<vmem>>
        %dma_start3A_2375 = arith.constant 0 : i32
        %dma_start3A_2376 = arith.constant 0 : i32
        %dma_start3A_2377 = tpu.memref_slice %arg3[%squeeze3A_2360, %dma_start3A_2375, %dma_start3A_2376] : memref<125000x8x64xf32, #tpu.memory_space<hbm>> -> memref<1x8x64xf32, #tpu.memory_space<hbm>>
        %dma_start3A_2378 = tpu.memref_squeeze %dma_start3A_2377 : memref<1x8x64xf32, #tpu.memory_space<hbm>> -> memref<8x64xf32, #tpu.memory_space<hbm>>
        tpu.enqueue_dma source(%dma_start3A_2378 : memref<8x64xf32, #tpu.memory_space<hbm>>) target(%dma_start3A_2374 : memref<8x64xf32, #tpu.memory_space<vmem>>) target_semaphore(%arg9 : memref<!tpu.dma_semaphore, #tpu.memory_space<semaphore_mem>>)
        %slice3A_2379 = vector.extract_strided_slice %shift_right_arithmetic3A_2278 {offsets = [2], sizes = [1], strides = [1]} : vector<16xi32> to vector<1xi32>
        %squeeze3A_2380 = vector.extract %slice3A_2379[0] : i32 from vector<1xi32>
        %dma_start3A_2381 = arith.constant 0 : i32
        %dma_start3A_2382 = arith.constant 2 : i32
        %dma_start3A_2383 = arith.constant 0 : i32
        %dma_start3A_2384 = arith.constant 0 : i32
        %dma_start3A_2385 = tpu.memref_slice %arg7[%dma_start3A_2381, %dma_start3A_2382, %dma_start3A_2383, %dma_start3A_2384] : memref<2x16x8x64xf32, #tpu.memory_space<vmem>> -> memref<1x1x8x64xf32, #tpu.memory_space<vmem>>
        %dma_start3A_2386 = tpu.memref_squeeze %dma_start3A_2385 : memref<1x1x8x64xf32, #tpu.memory_space<vmem>> -> memref<8x64xf32, #tpu.memory_space<vmem>>
        %dma_start3A_2387 = arith.constant 0 : i32
        %dma_start3A_2388 = arith.constant 0 : i32
        %dma_start3A_2389 = tpu.memref_slice %arg3[%squeeze3A_2380, %dma_start3A_2387, %dma_start3A_2388] : memref<125000x8x64xf32, #tpu.memory_space<hbm>> -> memref<1x8x64xf32, #tpu.memory_space<hbm>>
        %dma_start3A_2390 = tpu.memref_squeeze %dma_start3A_2389 : memref<1x8x64xf32, #tpu.memory_space<hbm>> -> memref<8x64xf32, #tpu.memory_space<hbm>>
        %dma_start3A_2391 = arith.constant 0 : i32
        %dma_start3A_2392 = arith.constant 0 : i32
        %dma_start3A_2393 = tpu.memref_slice %arg7[%dma_start3A_2381, %dma_start3A_2382, %dma_start3A_2391, %dma_start3A_2392] : memref<2x16x8x64xf32, #tpu.memory_space<vmem>> -> memref<1x1x8x64xf32, #tpu.memory_space<vmem>>
        %dma_start3A_2394 = tpu.memref_squeeze %dma_start3A_2393 : memref<1x1x8x64xf32, #tpu.memory_space<vmem>> -> memref<8x64xf32, #tpu.memory_space<vmem>>
        %dma_start3A_2395 = arith.constant 0 : i32
        %dma_start3A_2396 = arith.constant 0 : i32
        %dma_start3A_2397 = tpu.memref_slice %arg3[%squeeze3A_2380, %dma_start3A_2395, %dma_start3A_2396] : memref<125000x8x64xf32, #tpu.memory_space<hbm>> -> memref<1x8x64xf32, #tpu.memory_space<hbm>>
        %dma_start3A_2398 = tpu.memref_squeeze %dma_start3A_2397 : memref<1x8x64xf32, #tpu.memory_space<hbm>> -> memref<8x64xf32, #tpu.memory_space<hbm>>
        tpu.enqueue_dma source(%dma_start3A_2398 : memref<8x64xf32, #tpu.memory_space<hbm>>) target(%dma_start3A_2394 : memref<8x64xf32, #tpu.memory_space<vmem>>) target_semaphore(%arg9 : memref<!tpu.dma_semaphore, #tpu.memory_space<semaphore_mem>>)
        %slice3A_2399 = vector.extract_strided_slice %shift_right_arithmetic3A_2264 {offsets = [3], sizes = [1], strides = [1]} : vector<16xi32> to vector<1xi32>
        %squeeze3A_2400 = vector.extract %slice3A_2399[0] : i32 from vector<1xi32>
        %dma_start3A_2401 = arith.constant 0 : i32
        %dma_start3A_2402 = arith.constant 3 : i32
        %dma_start3A_2403 = arith.constant 0 : i32
        %dma_start3A_2404 = arith.constant 0 : i32
        %dma_start3A_2405 = tpu.memref_slice %arg6[%dma_start3A_2401, %dma_start3A_2402, %dma_start3A_2403, %dma_start3A_2404] : memref<2x16x8x64xf32, #tpu.memory_space<vmem>> -> memref<1x1x8x64xf32, #tpu.memory_space<vmem>>
        %dma_start3A_2406 = tpu.memref_squeeze %dma_start3A_2405 : memref<1x1x8x64xf32, #tpu.memory_space<vmem>> -> memref<8x64xf32, #tpu.memory_space<vmem>>
        %dma_start3A_2407 = arith.constant 0 : i32
        %dma_start3A_2408 = arith.constant 0 : i32
        %dma_start3A_2409 = tpu.memref_slice %arg3[%squeeze3A_2400, %dma_start3A_2407, %dma_start3A_2408] : memref<125000x8x64xf32, #tpu.memory_space<hbm>> -> memref<1x8x64xf32, #tpu.memory_space<hbm>>
        %dma_start3A_2410 = tpu.memref_squeeze %dma_start3A_2409 : memref<1x8x64xf32, #tpu.memory_space<hbm>> -> memref<8x64xf32, #tpu.memory_space<hbm>>
        %dma_start3A_2411 = arith.constant 0 : i32
        %dma_start3A_2412 = arith.constant 0 : i32
        %dma_start3A_2413 = tpu.memref_slice %arg6[%dma_start3A_2401, %dma_start3A_2402, %dma_start3A_2411, %dma_start3A_2412] : memref<2x16x8x64xf32, #tpu.memory_space<vmem>> -> memref<1x1x8x64xf32, #tpu.memory_space<vmem>>
        %dma_start3A_2414 = tpu.memref_squeeze %dma_start3A_2413 : memref<1x1x8x64xf32, #tpu.memory_space<vmem>> -> memref<8x64xf32, #tpu.memory_space<vmem>>
        %dma_start3A_2415 = arith.constant 0 : i32
        %dma_start3A_2416 = arith.constant 0 : i32
        %dma_start3A_2417 = tpu.memref_slice %arg3[%squeeze3A_2400, %dma_start3A_2415, %dma_start3A_2416] : memref<125000x8x64xf32, #tpu.memory_space<hbm>> -> memref<1x8x64xf32, #tpu.memory_space<hbm>>
        %dma_start3A_2418 = tpu.memref_squeeze %dma_start3A_2417 : memref<1x8x64xf32, #tpu.memory_space<hbm>> -> memref<8x64xf32, #tpu.memory_space<hbm>>
        tpu.enqueue_dma source(%dma_start3A_2418 : memref<8x64xf32, #tpu.memory_space<hbm>>) target(%dma_start3A_2414 : memref<8x64xf32, #tpu.memory_space<vmem>>) target_semaphore(%arg9 : memref<!tpu.dma_semaphore, #tpu.memory_space<semaphore_mem>>)
        %slice3A_2419 = vector.extract_strided_slice %shift_right_arithmetic3A_2278 {offsets = [3], sizes = [1], strides = [1]} : vector<16xi32> to vector<1xi32>
        %squeeze3A_2420 = vector.extract %slice3A_2419[0] : i32 from vector<1xi32>
        %dma_start3A_2421 = arith.constant 0 : i32
        %dma_start3A_2422 = arith.constant 3 : i32
        %dma_start3A_2423 = arith.constant 0 : i32
        %dma_start3A_2424 = arith.constant 0 : i32
        %dma_start3A_2425 = tpu.memref_slice %arg7[%dma_start3A_2421, %dma_start3A_2422, %dma_start3A_2423, %dma_start3A_2424] : memref<2x16x8x64xf32, #tpu.memory_space<vmem>> -> memref<1x1x8x64xf32, #tpu.memory_space<vmem>>
        %dma_start3A_2426 = tpu.memref_squeeze %dma_start3A_2425 : memref<1x1x8x64xf32, #tpu.memory_space<vmem>> -> memref<8x64xf32, #tpu.memory_space<vmem>>
        %dma_start3A_2427 = arith.constant 0 : i32
        %dma_start3A_2428 = arith.constant 0 : i32
        %dma_start3A_2429 = tpu.memref_slice %arg3[%squeeze3A_2420, %dma_start3A_2427, %dma_start3A_2428] : memref<125000x8x64xf32, #tpu.memory_space<hbm>> -> memref<1x8x64xf32, #tpu.memory_space<hbm>>
        %dma_start3A_2430 = tpu.memref_squeeze %dma_start3A_2429 : memref<1x8x64xf32, #tpu.memory_space<hbm>> -> memref<8x64xf32, #tpu.memory_space<hbm>>
        %dma_start3A_2431 = arith.constant 0 : i32
        %dma_start3A_2432 = arith.constant 0 : i32
        %dma_start3A_2433 = tpu.memref_slice %arg7[%dma_start3A_2421, %dma_start3A_2422, %dma_start3A_2431, %dma_start3A_2432] : memref<2x16x8x64xf32, #tpu.memory_space<vmem>> -> memref<1x1x8x64xf32, #tpu.memory_space<vmem>>
        %dma_start3A_2434 = tpu.memref_squeeze %dma_start3A_2433 : memref<1x1x8x64xf32, #tpu.memory_space<vmem>> -> memref<8x64xf32, #tpu.memory_space<vmem>>
        %dma_start3A_2435 = arith.constant 0 : i32
        %dma_start3A_2436 = arith.constant 0 : i32
        %dma_start3A_2437 = tpu.memref_slice %arg3[%squeeze3A_2420, %dma_start3A_2435, %dma_start3A_2436] : memref<125000x8x64xf32, #tpu.memory_space<hbm>> -> memref<1x8x64xf32, #tpu.memory_space<hbm>>
        %dma_start3A_2438 = tpu.memref_squeeze %dma_start3A_2437 : memref<1x8x64xf32, #tpu.memory_space<hbm>> -> memref<8x64xf32, #tpu.memory_space<hbm>>
        tpu.enqueue_dma source(%dma_start3A_2438 : memref<8x64xf32, #tpu.memory_space<hbm>>) target(%dma_start3A_2434 : memref<8x64xf32, #tpu.memory_space<vmem>>) target_semaphore(%arg9 : memref<!tpu.dma_semaphore, #tpu.memory_space<semaphore_mem>>)
        %slice3A_2439 = vector.extract_strided_slice %shift_right_arithmetic3A_2264 {offsets = [4], sizes = [1], strides = [1]} : vector<16xi32> to vector<1xi32>
        %squeeze3A_2440 = vector.extract %slice3A_2439[0] : i32 from vector<1xi32>
        %dma_start3A_2441 = arith.constant 0 : i32
        %dma_start3A_2442 = arith.constant 4 : i32
        %dma_start3A_2443 = arith.constant 0 : i32
        %dma_start3A_2444 = arith.constant 0 : i32
        %dma_start3A_2445 = tpu.memref_slice %arg6[%dma_start3A_2441, %dma_start3A_2442, %dma_start3A_2443, %dma_start3A_2444] : memref<2x16x8x64xf32, #tpu.memory_space<vmem>> -> memref<1x1x8x64xf32, #tpu.memory_space<vmem>>
        %dma_start3A_2446 = tpu.memref_squeeze %dma_start3A_2445 : memref<1x1x8x64xf32, #tpu.memory_space<vmem>> -> memref<8x64xf32, #tpu.memory_space<vmem>>
        %dma_start3A_2447 = arith.constant 0 : i32
        %dma_start3A_2448 = arith.constant 0 : i32
        %dma_start3A_2449 = tpu.memref_slice %arg3[%squeeze3A_2440, %dma_start3A_2447, %dma_start3A_2448] : memref<125000x8x64xf32, #tpu.memory_space<hbm>> -> memref<1x8x64xf32, #tpu.memory_space<hbm>>
        %dma_start3A_2450 = tpu.memref_squeeze %dma_start3A_2449 : memref<1x8x64xf32, #tpu.memory_space<hbm>> -> memref<8x64xf32, #tpu.memory_space<hbm>>
        %dma_start3A_2451 = arith.constant 0 : i32
        %dma_start3A_2452 = arith.constant 0 : i32
        %dma_start3A_2453 = tpu.memref_slice %arg6[%dma_start3A_2441, %dma_start3A_2442, %dma_start3A_2451, %dma_start3A_2452] : memref<2x16x8x64xf32, #tpu.memory_space<vmem>> -> memref<1x1x8x64xf32, #tpu.memory_space<vmem>>
        %dma_start3A_2454 = tpu.memref_squeeze %dma_start3A_2453 : memref<1x1x8x64xf32, #tpu.memory_space<vmem>> -> memref<8x64xf32, #tpu.memory_space<vmem>>
        %dma_start3A_2455 = arith.constant 0 : i32
        %dma_start3A_2456 = arith.constant 0 : i32
        %dma_start3A_2457 = tpu.memref_slice %arg3[%squeeze3A_2440, %dma_start3A_2455, %dma_start3A_2456] : memref<125000x8x64xf32, #tpu.memory_space<hbm>> -> memref<1x8x64xf32, #tpu.memory_space<hbm>>
        %dma_start3A_2458 = tpu.memref_squeeze %dma_start3A_2457 : memref<1x8x64xf32, #tpu.memory_space<hbm>> -> memref<8x64xf32, #tpu.memory_space<hbm>>
        tpu.enqueue_dma source(%dma_start3A_2458 : memref<8x64xf32, #tpu.memory_space<hbm>>) target(%dma_start3A_2454 : memref<8x64xf32, #tpu.memory_space<vmem>>) target_semaphore(%arg9 : memref<!tpu.dma_semaphore, #tpu.memory_space<semaphore_mem>>)
        %slice3A_2459 = vector.extract_strided_slice %shift_right_arithmetic3A_2278 {offsets = [4], sizes = [1], strides = [1]} : vector<16xi32> to vector<1xi32>
        %squeeze3A_2460 = vector.extract %slice3A_2459[0] : i32 from vector<1xi32>
        %dma_start3A_2461 = arith.constant 0 : i32
        %dma_start3A_2462 = arith.constant 4 : i32
        %dma_start3A_2463 = arith.constant 0 : i32
        %dma_start3A_2464 = arith.constant 0 : i32
        %dma_start3A_2465 = tpu.memref_slice %arg7[%dma_start3A_2461, %dma_start3A_2462, %dma_start3A_2463, %dma_start3A_2464] : memref<2x16x8x64xf32, #tpu.memory_space<vmem>> -> memref<1x1x8x64xf32, #tpu.memory_space<vmem>>
        %dma_start3A_2466 = tpu.memref_squeeze %dma_start3A_2465 : memref<1x1x8x64xf32, #tpu.memory_space<vmem>> -> memref<8x64xf32, #tpu.memory_space<vmem>>
        %dma_start3A_2467 = arith.constant 0 : i32
        %dma_start3A_2468 = arith.constant 0 : i32
        %dma_start3A_2469 = tpu.memref_slice %arg3[%squeeze3A_2460, %dma_start3A_2467, %dma_start3A_2468] : memref<125000x8x64xf32, #tpu.memory_space<hbm>> -> memref<1x8x64xf32, #tpu.memory_space<hbm>>
        %dma_start3A_2470 = tpu.memref_squeeze %dma_start3A_2469 : memref<1x8x64xf32, #tpu.memory_space<hbm>> -> memref<8x64xf32, #tpu.memory_space<hbm>>
        %dma_start3A_2471 = arith.constant 0 : i32
        %dma_start3A_2472 = arith.constant 0 : i32
        %dma_start3A_2473 = tpu.memref_slice %arg7[%dma_start3A_2461, %dma_start3A_2462, %dma_start3A_2471, %dma_start3A_2472] : memref<2x16x8x64xf32, #tpu.memory_space<vmem>> -> memref<1x1x8x64xf32, #tpu.memory_space<vmem>>
        %dma_start3A_2474 = tpu.memref_squeeze %dma_start3A_2473 : memref<1x1x8x64xf32, #tpu.memory_space<vmem>> -> memref<8x64xf32, #tpu.memory_space<vmem>>
        %dma_start3A_2475 = arith.constant 0 : i32
        %dma_start3A_2476 = arith.constant 0 : i32
        %dma_start3A_2477 = tpu.memref_slice %arg3[%squeeze3A_2460, %dma_start3A_2475, %dma_start3A_2476] : memref<125000x8x64xf32, #tpu.memory_space<hbm>> -> memref<1x8x64xf32, #tpu.memory_space<hbm>>
        %dma_start3A_2478 = tpu.memref_squeeze %dma_start3A_2477 : memref<1x8x64xf32, #tpu.memory_space<hbm>> -> memref<8x64xf32, #tpu.memory_space<hbm>>
        tpu.enqueue_dma source(%dma_start3A_2478 : memref<8x64xf32, #tpu.memory_space<hbm>>) target(%dma_start3A_2474 : memref<8x64xf32, #tpu.memory_space<vmem>>) target_semaphore(%arg9 : memref<!tpu.dma_semaphore, #tpu.memory_space<semaphore_mem>>)
        %slice3A_2479 = vector.extract_strided_slice %shift_right_arithmetic3A_2264 {offsets = [5], sizes = [1], strides = [1]} : vector<16xi32> to vector<1xi32>
        %squeeze3A_2480 = vector.extract %slice3A_2479[0] : i32 from vector<1xi32>
        %dma_start3A_2481 = arith.constant 0 : i32
        %dma_start3A_2482 = arith.constant 5 : i32
        %dma_start3A_2483 = arith.constant 0 : i32
        %dma_start3A_2484 = arith.constant 0 : i32
        %dma_start3A_2485 = tpu.memref_slice %arg6[%dma_start3A_2481, %dma_start3A_2482, %dma_start3A_2483, %dma_start3A_2484] : memref<2x16x8x64xf32, #tpu.memory_space<vmem>> -> memref<1x1x8x64xf32, #tpu.memory_space<vmem>>
        %dma_start3A_2486 = tpu.memref_squeeze %dma_start3A_2485 : memref<1x1x8x64xf32, #tpu.memory_space<vmem>> -> memref<8x64xf32, #tpu.memory_space<vmem>>
        %dma_start3A_2487 = arith.constant 0 : i32
        %dma_start3A_2488 = arith.constant 0 : i32
        %dma_start3A_2489 = tpu.memref_slice %arg3[%squeeze3A_2480, %dma_start3A_2487, %dma_start3A_2488] : memref<125000x8x64xf32, #tpu.memory_space<hbm>> -> memref<1x8x64xf32, #tpu.memory_space<hbm>>
        %dma_start3A_2490 = tpu.memref_squeeze %dma_start3A_2489 : memref<1x8x64xf32, #tpu.memory_space<hbm>> -> memref<8x64xf32, #tpu.memory_space<hbm>>
        %dma_start3A_2491 = arith.constant 0 : i32
        %dma_start3A_2492 = arith.constant 0 : i32
        %dma_start3A_2493 = tpu.memref_slice %arg6[%dma_start3A_2481, %dma_start3A_2482, %dma_start3A_2491, %dma_start3A_2492] : memref<2x16x8x64xf32, #tpu.memory_space<vmem>> -> memref<1x1x8x64xf32, #tpu.memory_space<vmem>>
        %dma_start3A_2494 = tpu.memref_squeeze %dma_start3A_2493 : memref<1x1x8x64xf32, #tpu.memory_space<vmem>> -> memref<8x64xf32, #tpu.memory_space<vmem>>
        %dma_start3A_2495 = arith.constant 0 : i32
        %dma_start3A_2496 = arith.constant 0 : i32
        %dma_start3A_2497 = tpu.memref_slice %arg3[%squeeze3A_2480, %dma_start3A_2495, %dma_start3A_2496] : memref<125000x8x64xf32, #tpu.memory_space<hbm>> -> memref<1x8x64xf32, #tpu.memory_space<hbm>>
        %dma_start3A_2498 = tpu.memref_squeeze %dma_start3A_2497 : memref<1x8x64xf32, #tpu.memory_space<hbm>> -> memref<8x64xf32, #tpu.memory_space<hbm>>
        tpu.enqueue_dma source(%dma_start3A_2498 : memref<8x64xf32, #tpu.memory_space<hbm>>) target(%dma_start3A_2494 : memref<8x64xf32, #tpu.memory_space<vmem>>) target_semaphore(%arg9 : memref<!tpu.dma_semaphore, #tpu.memory_space<semaphore_mem>>)
        %slice3A_2499 = vector.extract_strided_slice %shift_right_arithmetic3A_2278 {offsets = [5], sizes = [1], strides = [1]} : vector<16xi32> to vector<1xi32>
        %squeeze3A_2500 = vector.extract %slice3A_2499[0] : i32 from vector<1xi32>
        %dma_start3A_2501 = arith.constant 0 : i32
        %dma_start3A_2502 = arith.constant 5 : i32
        %dma_start3A_2503 = arith.constant 0 : i32
        %dma_start3A_2504 = arith.constant 0 : i32
        %dma_start3A_2505 = tpu.memref_slice %arg7[%dma_start3A_2501, %dma_start3A_2502, %dma_start3A_2503, %dma_start3A_2504] : memref<2x16x8x64xf32, #tpu.memory_space<vmem>> -> memref<1x1x8x64xf32, #tpu.memory_space<vmem>>
        %dma_start3A_2506 = tpu.memref_squeeze %dma_start3A_2505 : memref<1x1x8x64xf32, #tpu.memory_space<vmem>> -> memref<8x64xf32, #tpu.memory_space<vmem>>
        %dma_start3A_2507 = arith.constant 0 : i32
        %dma_start3A_2508 = arith.constant 0 : i32
        %dma_start3A_2509 = tpu.memref_slice %arg3[%squeeze3A_2500, %dma_start3A_2507, %dma_start3A_2508] : memref<125000x8x64xf32, #tpu.memory_space<hbm>> -> memref<1x8x64xf32, #tpu.memory_space<hbm>>
        %dma_start3A_2510 = tpu.memref_squeeze %dma_start3A_2509 : memref<1x8x64xf32, #tpu.memory_space<hbm>> -> memref<8x64xf32, #tpu.memory_space<hbm>>
        %dma_start3A_2511 = arith.constant 0 : i32
        %dma_start3A_2512 = arith.constant 0 : i32
        %dma_start3A_2513 = tpu.memref_slice %arg7[%dma_start3A_2501, %dma_start3A_2502, %dma_start3A_2511, %dma_start3A_2512] : memref<2x16x8x64xf32, #tpu.memory_space<vmem>> -> memref<1x1x8x64xf32, #tpu.memory_space<vmem>>
        %dma_start3A_2514 = tpu.memref_squeeze %dma_start3A_2513 : memref<1x1x8x64xf32, #tpu.memory_space<vmem>> -> memref<8x64xf32, #tpu.memory_space<vmem>>
        %dma_start3A_2515 = arith.constant 0 : i32
        %dma_start3A_2516 = arith.constant 0 : i32
        %dma_start3A_2517 = tpu.memref_slice %arg3[%squeeze3A_2500, %dma_start3A_2515, %dma_start3A_2516] : memref<125000x8x64xf32, #tpu.memory_space<hbm>> -> memref<1x8x64xf32, #tpu.memory_space<hbm>>
        %dma_start3A_2518 = tpu.memref_squeeze %dma_start3A_2517 : memref<1x8x64xf32, #tpu.memory_space<hbm>> -> memref<8x64xf32, #tpu.memory_space<hbm>>
        tpu.enqueue_dma source(%dma_start3A_2518 : memref<8x64xf32, #tpu.memory_space<hbm>>) target(%dma_start3A_2514 : memref<8x64xf32, #tpu.memory_space<vmem>>) target_semaphore(%arg9 : memref<!tpu.dma_semaphore, #tpu.memory_space<semaphore_mem>>)
        %slice3A_2519 = vector.extract_strided_slice %shift_right_arithmetic3A_2264 {offsets = [6], sizes = [1], strides = [1]} : vector<16xi32> to vector<1xi32>
        %squeeze3A_2520 = vector.extract %slice3A_2519[0] : i32 from vector<1xi32>
        %dma_start3A_2521 = arith.constant 0 : i32
        %dma_start3A_2522 = arith.constant 6 : i32
        %dma_start3A_2523 = arith.constant 0 : i32
        %dma_start3A_2524 = arith.constant 0 : i32
        %dma_start3A_2525 = tpu.memref_slice %arg6[%dma_start3A_2521, %dma_start3A_2522, %dma_start3A_2523, %dma_start3A_2524] : memref<2x16x8x64xf32, #tpu.memory_space<vmem>> -> memref<1x1x8x64xf32, #tpu.memory_space<vmem>>
        %dma_start3A_2526 = tpu.memref_squeeze %dma_start3A_2525 : memref<1x1x8x64xf32, #tpu.memory_space<vmem>> -> memref<8x64xf32, #tpu.memory_space<vmem>>
        %dma_start3A_2527 = arith.constant 0 : i32
        %dma_start3A_2528 = arith.constant 0 : i32
        %dma_start3A_2529 = tpu.memref_slice %arg3[%squeeze3A_2520, %dma_start3A_2527, %dma_start3A_2528] : memref<125000x8x64xf32, #tpu.memory_space<hbm>> -> memref<1x8x64xf32, #tpu.memory_space<hbm>>
        %dma_start3A_2530 = tpu.memref_squeeze %dma_start3A_2529 : memref<1x8x64xf32, #tpu.memory_space<hbm>> -> memref<8x64xf32, #tpu.memory_space<hbm>>
        %dma_start3A_2531 = arith.constant 0 : i32
        %dma_start3A_2532 = arith.constant 0 : i32
        %dma_start3A_2533 = tpu.memref_slice %arg6[%dma_start3A_2521, %dma_start3A_2522, %dma_start3A_2531, %dma_start3A_2532] : memref<2x16x8x64xf32, #tpu.memory_space<vmem>> -> memref<1x1x8x64xf32, #tpu.memory_space<vmem>>
        %dma_start3A_2534 = tpu.memref_squeeze %dma_start3A_2533 : memref<1x1x8x64xf32, #tpu.memory_space<vmem>> -> memref<8x64xf32, #tpu.memory_space<vmem>>
        %dma_start3A_2535 = arith.constant 0 : i32
        %dma_start3A_2536 = arith.constant 0 : i32
        %dma_start3A_2537 = tpu.memref_slice %arg3[%squeeze3A_2520, %dma_start3A_2535, %dma_start3A_2536] : memref<125000x8x64xf32, #tpu.memory_space<hbm>> -> memref<1x8x64xf32, #tpu.memory_space<hbm>>
        %dma_start3A_2538 = tpu.memref_squeeze %dma_start3A_2537 : memref<1x8x64xf32, #tpu.memory_space<hbm>> -> memref<8x64xf32, #tpu.memory_space<hbm>>
        tpu.enqueue_dma source(%dma_start3A_2538 : memref<8x64xf32, #tpu.memory_space<hbm>>) target(%dma_start3A_2534 : memref<8x64xf32, #tpu.memory_space<vmem>>) target_semaphore(%arg9 : memref<!tpu.dma_semaphore, #tpu.memory_space<semaphore_mem>>)
        %slice3A_2539 = vector.extract_strided_slice %shift_right_arithmetic3A_2278 {offsets = [6], sizes = [1], strides = [1]} : vector<16xi32> to vector<1xi32>
        %squeeze3A_2540 = vector.extract %slice3A_2539[0] : i32 from vector<1xi32>
        %dma_start3A_2541 = arith.constant 0 : i32
        %dma_start3A_2542 = arith.constant 6 : i32
        %dma_start3A_2543 = arith.constant 0 : i32
        %dma_start3A_2544 = arith.constant 0 : i32
        %dma_start3A_2545 = tpu.memref_slice %arg7[%dma_start3A_2541, %dma_start3A_2542, %dma_start3A_2543, %dma_start3A_2544] : memref<2x16x8x64xf32, #tpu.memory_space<vmem>> -> memref<1x1x8x64xf32, #tpu.memory_space<vmem>>
        %dma_start3A_2546 = tpu.memref_squeeze %dma_start3A_2545 : memref<1x1x8x64xf32, #tpu.memory_space<vmem>> -> memref<8x64xf32, #tpu.memory_space<vmem>>
        %dma_start3A_2547 = arith.constant 0 : i32
        %dma_start3A_2548 = arith.constant 0 : i32
        %dma_start3A_2549 = tpu.memref_slice %arg3[%squeeze3A_2540, %dma_start3A_2547, %dma_start3A_2548] : memref<125000x8x64xf32, #tpu.memory_space<hbm>> -> memref<1x8x64xf32, #tpu.memory_space<hbm>>
        %dma_start3A_2550 = tpu.memref_squeeze %dma_start3A_2549 : memref<1x8x64xf32, #tpu.memory_space<hbm>> -> memref<8x64xf32, #tpu.memory_space<hbm>>
        %dma_start3A_2551 = arith.constant 0 : i32
        %dma_start3A_2552 = arith.constant 0 : i32
        %dma_start3A_2553 = tpu.memref_slice %arg7[%dma_start3A_2541, %dma_start3A_2542, %dma_start3A_2551, %dma_start3A_2552] : memref<2x16x8x64xf32, #tpu.memory_space<vmem>> -> memref<1x1x8x64xf32, #tpu.memory_space<vmem>>
        %dma_start3A_2554 = tpu.memref_squeeze %dma_start3A_2553 : memref<1x1x8x64xf32, #tpu.memory_space<vmem>> -> memref<8x64xf32, #tpu.memory_space<vmem>>
        %dma_start3A_2555 = arith.constant 0 : i32
        %dma_start3A_2556 = arith.constant 0 : i32
        %dma_start3A_2557 = tpu.memref_slice %arg3[%squeeze3A_2540, %dma_start3A_2555, %dma_start3A_2556] : memref<125000x8x64xf32, #tpu.memory_space<hbm>> -> memref<1x8x64xf32, #tpu.memory_space<hbm>>
        %dma_start3A_2558 = tpu.memref_squeeze %dma_start3A_2557 : memref<1x8x64xf32, #tpu.memory_space<hbm>> -> memref<8x64xf32, #tpu.memory_space<hbm>>
        tpu.enqueue_dma source(%dma_start3A_2558 : memref<8x64xf32, #tpu.memory_space<hbm>>) target(%dma_start3A_2554 : memref<8x64xf32, #tpu.memory_space<vmem>>) target_semaphore(%arg9 : memref<!tpu.dma_semaphore, #tpu.memory_space<semaphore_mem>>)
        %slice3A_2559 = vector.extract_strided_slice %shift_right_arithmetic3A_2264 {offsets = [7], sizes = [1], strides = [1]} : vector<16xi32> to vector<1xi32>
        %squeeze3A_2560 = vector.extract %slice3A_2559[0] : i32 from vector<1xi32>
        %dma_start3A_2561 = arith.constant 0 : i32
        %dma_start3A_2562 = arith.constant 7 : i32
        %dma_start3A_2563 = arith.constant 0 : i32
        %dma_start3A_2564 = arith.constant 0 : i32
        %dma_start3A_2565 = tpu.memref_slice %arg6[%dma_start3A_2561, %dma_start3A_2562, %dma_start3A_2563, %dma_start3A_2564] : memref<2x16x8x64xf32, #tpu.memory_space<vmem>> -> memref<1x1x8x64xf32, #tpu.memory_space<vmem>>
        %dma_start3A_2566 = tpu.memref_squeeze %dma_start3A_2565 : memref<1x1x8x64xf32, #tpu.memory_space<vmem>> -> memref<8x64xf32, #tpu.memory_space<vmem>>
        %dma_start3A_2567 = arith.constant 0 : i32
        %dma_start3A_2568 = arith.constant 0 : i32
        %dma_start3A_2569 = tpu.memref_slice %arg3[%squeeze3A_2560, %dma_start3A_2567, %dma_start3A_2568] : memref<125000x8x64xf32, #tpu.memory_space<hbm>> -> memref<1x8x64xf32, #tpu.memory_space<hbm>>
        %dma_start3A_2570 = tpu.memref_squeeze %dma_start3A_2569 : memref<1x8x64xf32, #tpu.memory_space<hbm>> -> memref<8x64xf32, #tpu.memory_space<hbm>>
        %dma_start3A_2571 = arith.constant 0 : i32
        %dma_start3A_2572 = arith.constant 0 : i32
        %dma_start3A_2573 = tpu.memref_slice %arg6[%dma_start3A_2561, %dma_start3A_2562, %dma_start3A_2571, %dma_start3A_2572] : memref<2x16x8x64xf32, #tpu.memory_space<vmem>> -> memref<1x1x8x64xf32, #tpu.memory_space<vmem>>
        %dma_start3A_2574 = tpu.memref_squeeze %dma_start3A_2573 : memref<1x1x8x64xf32, #tpu.memory_space<vmem>> -> memref<8x64xf32, #tpu.memory_space<vmem>>
        %dma_start3A_2575 = arith.constant 0 : i32
        %dma_start3A_2576 = arith.constant 0 : i32
        %dma_start3A_2577 = tpu.memref_slice %arg3[%squeeze3A_2560, %dma_start3A_2575, %dma_start3A_2576] : memref<125000x8x64xf32, #tpu.memory_space<hbm>> -> memref<1x8x64xf32, #tpu.memory_space<hbm>>
        %dma_start3A_2578 = tpu.memref_squeeze %dma_start3A_2577 : memref<1x8x64xf32, #tpu.memory_space<hbm>> -> memref<8x64xf32, #tpu.memory_space<hbm>>
        tpu.enqueue_dma source(%dma_start3A_2578 : memref<8x64xf32, #tpu.memory_space<hbm>>) target(%dma_start3A_2574 : memref<8x64xf32, #tpu.memory_space<vmem>>) target_semaphore(%arg9 : memref<!tpu.dma_semaphore, #tpu.memory_space<semaphore_mem>>)
        %slice3A_2579 = vector.extract_strided_slice %shift_right_arithmetic3A_2278 {offsets = [7], sizes = [1], strides = [1]} : vector<16xi32> to vector<1xi32>
        %squeeze3A_2580 = vector.extract %slice3A_2579[0] : i32 from vector<1xi32>
        %dma_start3A_2581 = arith.constant 0 : i32
        %dma_start3A_2582 = arith.constant 7 : i32
        %dma_start3A_2583 = arith.constant 0 : i32
        %dma_start3A_2584 = arith.constant 0 : i32
        %dma_start3A_2585 = tpu.memref_slice %arg7[%dma_start3A_2581, %dma_start3A_2582, %dma_start3A_2583, %dma_start3A_2584] : memref<2x16x8x64xf32, #tpu.memory_space<vmem>> -> memref<1x1x8x64xf32, #tpu.memory_space<vmem>>
        %dma_start3A_2586 = tpu.memref_squeeze %dma_start3A_2585 : memref<1x1x8x64xf32, #tpu.memory_space<vmem>> -> memref<8x64xf32, #tpu.memory_space<vmem>>
        %dma_start3A_2587 = arith.constant 0 : i32
        %dma_start3A_2588 = arith.constant 0 : i32
        %dma_start3A_2589 = tpu.memref_slice %arg3[%squeeze3A_2580, %dma_start3A_2587, %dma_start3A_2588] : memref<125000x8x64xf32, #tpu.memory_space<hbm>> -> memref<1x8x64xf32, #tpu.memory_space<hbm>>
        %dma_start3A_2590 = tpu.memref_squeeze %dma_start3A_2589 : memref<1x8x64xf32, #tpu.memory_space<hbm>> -> memref<8x64xf32, #tpu.memory_space<hbm>>
        %dma_start3A_2591 = arith.constant 0 : i32
        %dma_start3A_2592 = arith.constant 0 : i32
        %dma_start3A_2593 = tpu.memref_slice %arg7[%dma_start3A_2581, %dma_start3A_2582, %dma_start3A_2591, %dma_start3A_2592] : memref<2x16x8x64xf32, #tpu.memory_space<vmem>> -> memref<1x1x8x64xf32, #tpu.memory_space<vmem>>
        %dma_start3A_2594 = tpu.memref_squeeze %dma_start3A_2593 : memref<1x1x8x64xf32, #tpu.memory_space<vmem>> -> memref<8x64xf32, #tpu.memory_space<vmem>>
        %dma_start3A_2595 = arith.constant 0 : i32
        %dma_start3A_2596 = arith.constant 0 : i32
        %dma_start3A_2597 = tpu.memref_slice %arg3[%squeeze3A_2580, %dma_start3A_2595, %dma_start3A_2596] : memref<125000x8x64xf32, #tpu.memory_space<hbm>> -> memref<1x8x64xf32, #tpu.memory_space<hbm>>
        %dma_start3A_2598 = tpu.memref_squeeze %dma_start3A_2597 : memref<1x8x64xf32, #tpu.memory_space<hbm>> -> memref<8x64xf32, #tpu.memory_space<hbm>>
        tpu.enqueue_dma source(%dma_start3A_2598 : memref<8x64xf32, #tpu.memory_space<hbm>>) target(%dma_start3A_2594 : memref<8x64xf32, #tpu.memory_space<vmem>>) target_semaphore(%arg9 : memref<!tpu.dma_semaphore, #tpu.memory_space<semaphore_mem>>)
        %slice3A_2599 = vector.extract_strided_slice %shift_right_arithmetic3A_2264 {offsets = [8], sizes = [1], strides = [1]} : vector<16xi32> to vector<1xi32>
        %squeeze3A_2600 = vector.extract %slice3A_2599[0] : i32 from vector<1xi32>
        %dma_start3A_2601 = arith.constant 0 : i32
        %dma_start3A_2602 = arith.constant 8 : i32
        %dma_start3A_2603 = arith.constant 0 : i32
        %dma_start3A_2604 = arith.constant 0 : i32
        %dma_start3A_2605 = tpu.memref_slice %arg6[%dma_start3A_2601, %dma_start3A_2602, %dma_start3A_2603, %dma_start3A_2604] : memref<2x16x8x64xf32, #tpu.memory_space<vmem>> -> memref<1x1x8x64xf32, #tpu.memory_space<vmem>>
        %dma_start3A_2606 = tpu.memref_squeeze %dma_start3A_2605 : memref<1x1x8x64xf32, #tpu.memory_space<vmem>> -> memref<8x64xf32, #tpu.memory_space<vmem>>
        %dma_start3A_2607 = arith.constant 0 : i32
        %dma_start3A_2608 = arith.constant 0 : i32
        %dma_start3A_2609 = tpu.memref_slice %arg3[%squeeze3A_2600, %dma_start3A_2607, %dma_start3A_2608] : memref<125000x8x64xf32, #tpu.memory_space<hbm>> -> memref<1x8x64xf32, #tpu.memory_space<hbm>>
        %dma_start3A_2610 = tpu.memref_squeeze %dma_start3A_2609 : memref<1x8x64xf32, #tpu.memory_space<hbm>> -> memref<8x64xf32, #tpu.memory_space<hbm>>
        %dma_start3A_2611 = arith.constant 0 : i32
        %dma_start3A_2612 = arith.constant 0 : i32
        %dma_start3A_2613 = tpu.memref_slice %arg6[%dma_start3A_2601, %dma_start3A_2602, %dma_start3A_2611, %dma_start3A_2612] : memref<2x16x8x64xf32, #tpu.memory_space<vmem>> -> memref<1x1x8x64xf32, #tpu.memory_space<vmem>>
        %dma_start3A_2614 = tpu.memref_squeeze %dma_start3A_2613 : memref<1x1x8x64xf32, #tpu.memory_space<vmem>> -> memref<8x64xf32, #tpu.memory_space<vmem>>
        %dma_start3A_2615 = arith.constant 0 : i32
        %dma_start3A_2616 = arith.constant 0 : i32
        %dma_start3A_2617 = tpu.memref_slice %arg3[%squeeze3A_2600, %dma_start3A_2615, %dma_start3A_2616] : memref<125000x8x64xf32, #tpu.memory_space<hbm>> -> memref<1x8x64xf32, #tpu.memory_space<hbm>>
        %dma_start3A_2618 = tpu.memref_squeeze %dma_start3A_2617 : memref<1x8x64xf32, #tpu.memory_space<hbm>> -> memref<8x64xf32, #tpu.memory_space<hbm>>
        tpu.enqueue_dma source(%dma_start3A_2618 : memref<8x64xf32, #tpu.memory_space<hbm>>) target(%dma_start3A_2614 : memref<8x64xf32, #tpu.memory_space<vmem>>) target_semaphore(%arg9 : memref<!tpu.dma_semaphore, #tpu.memory_space<semaphore_mem>>)
        %slice3A_2619 = vector.extract_strided_slice %shift_right_arithmetic3A_2278 {offsets = [8], sizes = [1], strides = [1]} : vector<16xi32> to vector<1xi32>
        %squeeze3A_2620 = vector.extract %slice3A_2619[0] : i32 from vector<1xi32>
        %dma_start3A_2621 = arith.constant 0 : i32
        %dma_start3A_2622 = arith.constant 8 : i32
        %dma_start3A_2623 = arith.constant 0 : i32
        %dma_start3A_2624 = arith.constant 0 : i32
        %dma_start3A_2625 = tpu.memref_slice %arg7[%dma_start3A_2621, %dma_start3A_2622, %dma_start3A_2623, %dma_start3A_2624] : memref<2x16x8x64xf32, #tpu.memory_space<vmem>> -> memref<1x1x8x64xf32, #tpu.memory_space<vmem>>
        %dma_start3A_2626 = tpu.memref_squeeze %dma_start3A_2625 : memref<1x1x8x64xf32, #tpu.memory_space<vmem>> -> memref<8x64xf32, #tpu.memory_space<vmem>>
        %dma_start3A_2627 = arith.constant 0 : i32
        %dma_start3A_2628 = arith.constant 0 : i32
        %dma_start3A_2629 = tpu.memref_slice %arg3[%squeeze3A_2620, %dma_start3A_2627, %dma_start3A_2628] : memref<125000x8x64xf32, #tpu.memory_space<hbm>> -> memref<1x8x64xf32, #tpu.memory_space<hbm>>
        %dma_start3A_2630 = tpu.memref_squeeze %dma_start3A_2629 : memref<1x8x64xf32, #tpu.memory_space<hbm>> -> memref<8x64xf32, #tpu.memory_space<hbm>>
        %dma_start3A_2631 = arith.constant 0 : i32
        %dma_start3A_2632 = arith.constant 0 : i32
        %dma_start3A_2633 = tpu.memref_slice %arg7[%dma_start3A_2621, %dma_start3A_2622, %dma_start3A_2631, %dma_start3A_2632] : memref<2x16x8x64xf32, #tpu.memory_space<vmem>> -> memref<1x1x8x64xf32, #tpu.memory_space<vmem>>
        %dma_start3A_2634 = tpu.memref_squeeze %dma_start3A_2633 : memref<1x1x8x64xf32, #tpu.memory_space<vmem>> -> memref<8x64xf32, #tpu.memory_space<vmem>>
        %dma_start3A_2635 = arith.constant 0 : i32
        %dma_start3A_2636 = arith.constant 0 : i32
        %dma_start3A_2637 = tpu.memref_slice %arg3[%squeeze3A_2620, %dma_start3A_2635, %dma_start3A_2636] : memref<125000x8x64xf32, #tpu.memory_space<hbm>> -> memref<1x8x64xf32, #tpu.memory_space<hbm>>
        %dma_start3A_2638 = tpu.memref_squeeze %dma_start3A_2637 : memref<1x8x64xf32, #tpu.memory_space<hbm>> -> memref<8x64xf32, #tpu.memory_space<hbm>>
        tpu.enqueue_dma source(%dma_start3A_2638 : memref<8x64xf32, #tpu.memory_space<hbm>>) target(%dma_start3A_2634 : memref<8x64xf32, #tpu.memory_space<vmem>>) target_semaphore(%arg9 : memref<!tpu.dma_semaphore, #tpu.memory_space<semaphore_mem>>)
        %slice3A_2639 = vector.extract_strided_slice %shift_right_arithmetic3A_2264 {offsets = [9], sizes = [1], strides = [1]} : vector<16xi32> to vector<1xi32>
        %squeeze3A_2640 = vector.extract %slice3A_2639[0] : i32 from vector<1xi32>
        %dma_start3A_2641 = arith.constant 0 : i32
        %dma_start3A_2642 = arith.constant 9 : i32
        %dma_start3A_2643 = arith.constant 0 : i32
        %dma_start3A_2644 = arith.constant 0 : i32
        %dma_start3A_2645 = tpu.memref_slice %arg6[%dma_start3A_2641, %dma_start3A_2642, %dma_start3A_2643, %dma_start3A_2644] : memref<2x16x8x64xf32, #tpu.memory_space<vmem>> -> memref<1x1x8x64xf32, #tpu.memory_space<vmem>>
        %dma_start3A_2646 = tpu.memref_squeeze %dma_start3A_2645 : memref<1x1x8x64xf32, #tpu.memory_space<vmem>> -> memref<8x64xf32, #tpu.memory_space<vmem>>
        %dma_start3A_2647 = arith.constant 0 : i32
        %dma_start3A_2648 = arith.constant 0 : i32
        %dma_start3A_2649 = tpu.memref_slice %arg3[%squeeze3A_2640, %dma_start3A_2647, %dma_start3A_2648] : memref<125000x8x64xf32, #tpu.memory_space<hbm>> -> memref<1x8x64xf32, #tpu.memory_space<hbm>>
        %dma_start3A_2650 = tpu.memref_squeeze %dma_start3A_2649 : memref<1x8x64xf32, #tpu.memory_space<hbm>> -> memref<8x64xf32, #tpu.memory_space<hbm>>
        %dma_start3A_2651 = arith.constant 0 : i32
        %dma_start3A_2652 = arith.constant 0 : i32
        %dma_start3A_2653 = tpu.memref_slice %arg6[%dma_start3A_2641, %dma_start3A_2642, %dma_start3A_2651, %dma_start3A_2652] : memref<2x16x8x64xf32, #tpu.memory_space<vmem>> -> memref<1x1x8x64xf32, #tpu.memory_space<vmem>>
        %dma_start3A_2654 = tpu.memref_squeeze %dma_start3A_2653 : memref<1x1x8x64xf32, #tpu.memory_space<vmem>> -> memref<8x64xf32, #tpu.memory_space<vmem>>
        %dma_start3A_2655 = arith.constant 0 : i32
        %dma_start3A_2656 = arith.constant 0 : i32
        %dma_start3A_2657 = tpu.memref_slice %arg3[%squeeze3A_2640, %dma_start3A_2655, %dma_start3A_2656] : memref<125000x8x64xf32, #tpu.memory_space<hbm>> -> memref<1x8x64xf32, #tpu.memory_space<hbm>>
        %dma_start3A_2658 = tpu.memref_squeeze %dma_start3A_2657 : memref<1x8x64xf32, #tpu.memory_space<hbm>> -> memref<8x64xf32, #tpu.memory_space<hbm>>
        tpu.enqueue_dma source(%dma_start3A_2658 : memref<8x64xf32, #tpu.memory_space<hbm>>) target(%dma_start3A_2654 : memref<8x64xf32, #tpu.memory_space<vmem>>) target_semaphore(%arg9 : memref<!tpu.dma_semaphore, #tpu.memory_space<semaphore_mem>>)
        %slice3A_2659 = vector.extract_strided_slice %shift_right_arithmetic3A_2278 {offsets = [9], sizes = [1], strides = [1]} : vector<16xi32> to vector<1xi32>
        %squeeze3A_2660 = vector.extract %slice3A_2659[0] : i32 from vector<1xi32>
        %dma_start3A_2661 = arith.constant 0 : i32
        %dma_start3A_2662 = arith.constant 9 : i32
        %dma_start3A_2663 = arith.constant 0 : i32
        %dma_start3A_2664 = arith.constant 0 : i32
        %dma_start3A_2665 = tpu.memref_slice %arg7[%dma_start3A_2661, %dma_start3A_2662, %dma_start3A_2663, %dma_start3A_2664] : memref<2x16x8x64xf32, #tpu.memory_space<vmem>> -> memref<1x1x8x64xf32, #tpu.memory_space<vmem>>
        %dma_start3A_2666 = tpu.memref_squeeze %dma_start3A_2665 : memref<1x1x8x64xf32, #tpu.memory_space<vmem>> -> memref<8x64xf32, #tpu.memory_space<vmem>>
        %dma_start3A_2667 = arith.constant 0 : i32
        %dma_start3A_2668 = arith.constant 0 : i32
        %dma_start3A_2669 = tpu.memref_slice %arg3[%squeeze3A_2660, %dma_start3A_2667, %dma_start3A_2668] : memref<125000x8x64xf32, #tpu.memory_space<hbm>> -> memref<1x8x64xf32, #tpu.memory_space<hbm>>
        %dma_start3A_2670 = tpu.memref_squeeze %dma_start3A_2669 : memref<1x8x64xf32, #tpu.memory_space<hbm>> -> memref<8x64xf32, #tpu.memory_space<hbm>>
        %dma_start3A_2671 = arith.constant 0 : i32
        %dma_start3A_2672 = arith.constant 0 : i32
        %dma_start3A_2673 = tpu.memref_slice %arg7[%dma_start3A_2661, %dma_start3A_2662, %dma_start3A_2671, %dma_start3A_2672] : memref<2x16x8x64xf32, #tpu.memory_space<vmem>> -> memref<1x1x8x64xf32, #tpu.memory_space<vmem>>
        %dma_start3A_2674 = tpu.memref_squeeze %dma_start3A_2673 : memref<1x1x8x64xf32, #tpu.memory_space<vmem>> -> memref<8x64xf32, #tpu.memory_space<vmem>>
        %dma_start3A_2675 = arith.constant 0 : i32
        %dma_start3A_2676 = arith.constant 0 : i32
        %dma_start3A_2677 = tpu.memref_slice %arg3[%squeeze3A_2660, %dma_start3A_2675, %dma_start3A_2676] : memref<125000x8x64xf32, #tpu.memory_space<hbm>> -> memref<1x8x64xf32, #tpu.memory_space<hbm>>
        %dma_start3A_2678 = tpu.memref_squeeze %dma_start3A_2677 : memref<1x8x64xf32, #tpu.memory_space<hbm>> -> memref<8x64xf32, #tpu.memory_space<hbm>>
        tpu.enqueue_dma source(%dma_start3A_2678 : memref<8x64xf32, #tpu.memory_space<hbm>>) target(%dma_start3A_2674 : memref<8x64xf32, #tpu.memory_space<vmem>>) target_semaphore(%arg9 : memref<!tpu.dma_semaphore, #tpu.memory_space<semaphore_mem>>)
        %slice3A_2679 = vector.extract_strided_slice %shift_right_arithmetic3A_2264 {offsets = [10], sizes = [1], strides = [1]} : vector<16xi32> to vector<1xi32>
        %squeeze3A_2680 = vector.extract %slice3A_2679[0] : i32 from vector<1xi32>
        %dma_start3A_2681 = arith.constant 0 : i32
        %dma_start3A_2682 = arith.constant 10 : i32
        %dma_start3A_2683 = arith.constant 0 : i32
        %dma_start3A_2684 = arith.constant 0 : i32
        %dma_start3A_2685 = tpu.memref_slice %arg6[%dma_start3A_2681, %dma_start3A_2682, %dma_start3A_2683, %dma_start3A_2684] : memref<2x16x8x64xf32, #tpu.memory_space<vmem>> -> memref<1x1x8x64xf32, #tpu.memory_space<vmem>>
        %dma_start3A_2686 = tpu.memref_squeeze %dma_start3A_2685 : memref<1x1x8x64xf32, #tpu.memory_space<vmem>> -> memref<8x64xf32, #tpu.memory_space<vmem>>
        %dma_start3A_2687 = arith.constant 0 : i32
        %dma_start3A_2688 = arith.constant 0 : i32
        %dma_start3A_2689 = tpu.memref_slice %arg3[%squeeze3A_2680, %dma_start3A_2687, %dma_start3A_2688] : memref<125000x8x64xf32, #tpu.memory_space<hbm>> -> memref<1x8x64xf32, #tpu.memory_space<hbm>>
        %dma_start3A_2690 = tpu.memref_squeeze %dma_start3A_2689 : memref<1x8x64xf32, #tpu.memory_space<hbm>> -> memref<8x64xf32, #tpu.memory_space<hbm>>
        %dma_start3A_2691 = arith.constant 0 : i32
        %dma_start3A_2692 = arith.constant 0 : i32
        %dma_start3A_2693 = tpu.memref_slice %arg6[%dma_start3A_2681, %dma_start3A_2682, %dma_start3A_2691, %dma_start3A_2692] : memref<2x16x8x64xf32, #tpu.memory_space<vmem>> -> memref<1x1x8x64xf32, #tpu.memory_space<vmem>>
        %dma_start3A_2694 = tpu.memref_squeeze %dma_start3A_2693 : memref<1x1x8x64xf32, #tpu.memory_space<vmem>> -> memref<8x64xf32, #tpu.memory_space<vmem>>
        %dma_start3A_2695 = arith.constant 0 : i32
        %dma_start3A_2696 = arith.constant 0 : i32
        %dma_start3A_2697 = tpu.memref_slice %arg3[%squeeze3A_2680, %dma_start3A_2695, %dma_start3A_2696] : memref<125000x8x64xf32, #tpu.memory_space<hbm>> -> memref<1x8x64xf32, #tpu.memory_space<hbm>>
        %dma_start3A_2698 = tpu.memref_squeeze %dma_start3A_2697 : memref<1x8x64xf32, #tpu.memory_space<hbm>> -> memref<8x64xf32, #tpu.memory_space<hbm>>
        tpu.enqueue_dma source(%dma_start3A_2698 : memref<8x64xf32, #tpu.memory_space<hbm>>) target(%dma_start3A_2694 : memref<8x64xf32, #tpu.memory_space<vmem>>) target_semaphore(%arg9 : memref<!tpu.dma_semaphore, #tpu.memory_space<semaphore_mem>>)
        %slice3A_2699 = vector.extract_strided_slice %shift_right_arithmetic3A_2278 {offsets = [10], sizes = [1], strides = [1]} : vector<16xi32> to vector<1xi32>
        %squeeze3A_2700 = vector.extract %slice3A_2699[0] : i32 from vector<1xi32>
        %dma_start3A_2701 = arith.constant 0 : i32
        %dma_start3A_2702 = arith.constant 10 : i32
        %dma_start3A_2703 = arith.constant 0 : i32
        %dma_start3A_2704 = arith.constant 0 : i32
        %dma_start3A_2705 = tpu.memref_slice %arg7[%dma_start3A_2701, %dma_start3A_2702, %dma_start3A_2703, %dma_start3A_2704] : memref<2x16x8x64xf32, #tpu.memory_space<vmem>> -> memref<1x1x8x64xf32, #tpu.memory_space<vmem>>
        %dma_start3A_2706 = tpu.memref_squeeze %dma_start3A_2705 : memref<1x1x8x64xf32, #tpu.memory_space<vmem>> -> memref<8x64xf32, #tpu.memory_space<vmem>>
        %dma_start3A_2707 = arith.constant 0 : i32
        %dma_start3A_2708 = arith.constant 0 : i32
        %dma_start3A_2709 = tpu.memref_slice %arg3[%squeeze3A_2700, %dma_start3A_2707, %dma_start3A_2708] : memref<125000x8x64xf32, #tpu.memory_space<hbm>> -> memref<1x8x64xf32, #tpu.memory_space<hbm>>
        %dma_start3A_2710 = tpu.memref_squeeze %dma_start3A_2709 : memref<1x8x64xf32, #tpu.memory_space<hbm>> -> memref<8x64xf32, #tpu.memory_space<hbm>>
        %dma_start3A_2711 = arith.constant 0 : i32
        %dma_start3A_2712 = arith.constant 0 : i32
        %dma_start3A_2713 = tpu.memref_slice %arg7[%dma_start3A_2701, %dma_start3A_2702, %dma_start3A_2711, %dma_start3A_2712] : memref<2x16x8x64xf32, #tpu.memory_space<vmem>> -> memref<1x1x8x64xf32, #tpu.memory_space<vmem>>
        %dma_start3A_2714 = tpu.memref_squeeze %dma_start3A_2713 : memref<1x1x8x64xf32, #tpu.memory_space<vmem>> -> memref<8x64xf32, #tpu.memory_space<vmem>>
        %dma_start3A_2715 = arith.constant 0 : i32
        %dma_start3A_2716 = arith.constant 0 : i32
        %dma_start3A_2717 = tpu.memref_slice %arg3[%squeeze3A_2700, %dma_start3A_2715, %dma_start3A_2716] : memref<125000x8x64xf32, #tpu.memory_space<hbm>> -> memref<1x8x64xf32, #tpu.memory_space<hbm>>
        %dma_start3A_2718 = tpu.memref_squeeze %dma_start3A_2717 : memref<1x8x64xf32, #tpu.memory_space<hbm>> -> memref<8x64xf32, #tpu.memory_space<hbm>>
        tpu.enqueue_dma source(%dma_start3A_2718 : memref<8x64xf32, #tpu.memory_space<hbm>>) target(%dma_start3A_2714 : memref<8x64xf32, #tpu.memory_space<vmem>>) target_semaphore(%arg9 : memref<!tpu.dma_semaphore, #tpu.memory_space<semaphore_mem>>)
        %slice3A_2719 = vector.extract_strided_slice %shift_right_arithmetic3A_2264 {offsets = [11], sizes = [1], strides = [1]} : vector<16xi32> to vector<1xi32>
        %squeeze3A_2720 = vector.extract %slice3A_2719[0] : i32 from vector<1xi32>
        %dma_start3A_2721 = arith.constant 0 : i32
        %dma_start3A_2722 = arith.constant 11 : i32
        %dma_start3A_2723 = arith.constant 0 : i32
        %dma_start3A_2724 = arith.constant 0 : i32
        %dma_start3A_2725 = tpu.memref_slice %arg6[%dma_start3A_2721, %dma_start3A_2722, %dma_start3A_2723, %dma_start3A_2724] : memref<2x16x8x64xf32, #tpu.memory_space<vmem>> -> memref<1x1x8x64xf32, #tpu.memory_space<vmem>>
        %dma_start3A_2726 = tpu.memref_squeeze %dma_start3A_2725 : memref<1x1x8x64xf32, #tpu.memory_space<vmem>> -> memref<8x64xf32, #tpu.memory_space<vmem>>
        %dma_start3A_2727 = arith.constant 0 : i32
        %dma_start3A_2728 = arith.constant 0 : i32
        %dma_start3A_2729 = tpu.memref_slice %arg3[%squeeze3A_2720, %dma_start3A_2727, %dma_start3A_2728] : memref<125000x8x64xf32, #tpu.memory_space<hbm>> -> memref<1x8x64xf32, #tpu.memory_space<hbm>>
        %dma_start3A_2730 = tpu.memref_squeeze %dma_start3A_2729 : memref<1x8x64xf32, #tpu.memory_space<hbm>> -> memref<8x64xf32, #tpu.memory_space<hbm>>
        %dma_start3A_2731 = arith.constant 0 : i32
        %dma_start3A_2732 = arith.constant 0 : i32
        %dma_start3A_2733 = tpu.memref_slice %arg6[%dma_start3A_2721, %dma_start3A_2722, %dma_start3A_2731, %dma_start3A_2732] : memref<2x16x8x64xf32, #tpu.memory_space<vmem>> -> memref<1x1x8x64xf32, #tpu.memory_space<vmem>>
        %dma_start3A_2734 = tpu.memref_squeeze %dma_start3A_2733 : memref<1x1x8x64xf32, #tpu.memory_space<vmem>> -> memref<8x64xf32, #tpu.memory_space<vmem>>
        %dma_start3A_2735 = arith.constant 0 : i32
        %dma_start3A_2736 = arith.constant 0 : i32
        %dma_start3A_2737 = tpu.memref_slice %arg3[%squeeze3A_2720, %dma_start3A_2735, %dma_start3A_2736] : memref<125000x8x64xf32, #tpu.memory_space<hbm>> -> memref<1x8x64xf32, #tpu.memory_space<hbm>>
        %dma_start3A_2738 = tpu.memref_squeeze %dma_start3A_2737 : memref<1x8x64xf32, #tpu.memory_space<hbm>> -> memref<8x64xf32, #tpu.memory_space<hbm>>
        tpu.enqueue_dma source(%dma_start3A_2738 : memref<8x64xf32, #tpu.memory_space<hbm>>) target(%dma_start3A_2734 : memref<8x64xf32, #tpu.memory_space<vmem>>) target_semaphore(%arg9 : memref<!tpu.dma_semaphore, #tpu.memory_space<semaphore_mem>>)
        %slice3A_2739 = vector.extract_strided_slice %shift_right_arithmetic3A_2278 {offsets = [11], sizes = [1], strides = [1]} : vector<16xi32> to vector<1xi32>
        %squeeze3A_2740 = vector.extract %slice3A_2739[0] : i32 from vector<1xi32>
        %dma_start3A_2741 = arith.constant 0 : i32
        %dma_start3A_2742 = arith.constant 11 : i32
        %dma_start3A_2743 = arith.constant 0 : i32
        %dma_start3A_2744 = arith.constant 0 : i32
        %dma_start3A_2745 = tpu.memref_slice %arg7[%dma_start3A_2741, %dma_start3A_2742, %dma_start3A_2743, %dma_start3A_2744] : memref<2x16x8x64xf32, #tpu.memory_space<vmem>> -> memref<1x1x8x64xf32, #tpu.memory_space<vmem>>
        %dma_start3A_2746 = tpu.memref_squeeze %dma_start3A_2745 : memref<1x1x8x64xf32, #tpu.memory_space<vmem>> -> memref<8x64xf32, #tpu.memory_space<vmem>>
        %dma_start3A_2747 = arith.constant 0 : i32
        %dma_start3A_2748 = arith.constant 0 : i32
        %dma_start3A_2749 = tpu.memref_slice %arg3[%squeeze3A_2740, %dma_start3A_2747, %dma_start3A_2748] : memref<125000x8x64xf32, #tpu.memory_space<hbm>> -> memref<1x8x64xf32, #tpu.memory_space<hbm>>
        %dma_start3A_2750 = tpu.memref_squeeze %dma_start3A_2749 : memref<1x8x64xf32, #tpu.memory_space<hbm>> -> memref<8x64xf32, #tpu.memory_space<hbm>>
        %dma_start3A_2751 = arith.constant 0 : i32
        %dma_start3A_2752 = arith.constant 0 : i32
        %dma_start3A_2753 = tpu.memref_slice %arg7[%dma_start3A_2741, %dma_start3A_2742, %dma_start3A_2751, %dma_start3A_2752] : memref<2x16x8x64xf32, #tpu.memory_space<vmem>> -> memref<1x1x8x64xf32, #tpu.memory_space<vmem>>
        %dma_start3A_2754 = tpu.memref_squeeze %dma_start3A_2753 : memref<1x1x8x64xf32, #tpu.memory_space<vmem>> -> memref<8x64xf32, #tpu.memory_space<vmem>>
        %dma_start3A_2755 = arith.constant 0 : i32
        %dma_start3A_2756 = arith.constant 0 : i32
        %dma_start3A_2757 = tpu.memref_slice %arg3[%squeeze3A_2740, %dma_start3A_2755, %dma_start3A_2756] : memref<125000x8x64xf32, #tpu.memory_space<hbm>> -> memref<1x8x64xf32, #tpu.memory_space<hbm>>
        %dma_start3A_2758 = tpu.memref_squeeze %dma_start3A_2757 : memref<1x8x64xf32, #tpu.memory_space<hbm>> -> memref<8x64xf32, #tpu.memory_space<hbm>>
        tpu.enqueue_dma source(%dma_start3A_2758 : memref<8x64xf32, #tpu.memory_space<hbm>>) target(%dma_start3A_2754 : memref<8x64xf32, #tpu.memory_space<vmem>>) target_semaphore(%arg9 : memref<!tpu.dma_semaphore, #tpu.memory_space<semaphore_mem>>)
        %slice3A_2759 = vector.extract_strided_slice %shift_right_arithmetic3A_2264 {offsets = [12], sizes = [1], strides = [1]} : vector<16xi32> to vector<1xi32>
        %squeeze3A_2760 = vector.extract %slice3A_2759[0] : i32 from vector<1xi32>
        %dma_start3A_2761 = arith.constant 0 : i32
        %dma_start3A_2762 = arith.constant 12 : i32
        %dma_start3A_2763 = arith.constant 0 : i32
        %dma_start3A_2764 = arith.constant 0 : i32
        %dma_start3A_2765 = tpu.memref_slice %arg6[%dma_start3A_2761, %dma_start3A_2762, %dma_start3A_2763, %dma_start3A_2764] : memref<2x16x8x64xf32, #tpu.memory_space<vmem>> -> memref<1x1x8x64xf32, #tpu.memory_space<vmem>>
        %dma_start3A_2766 = tpu.memref_squeeze %dma_start3A_2765 : memref<1x1x8x64xf32, #tpu.memory_space<vmem>> -> memref<8x64xf32, #tpu.memory_space<vmem>>
        %dma_start3A_2767 = arith.constant 0 : i32
        %dma_start3A_2768 = arith.constant 0 : i32
        %dma_start3A_2769 = tpu.memref_slice %arg3[%squeeze3A_2760, %dma_start3A_2767, %dma_start3A_2768] : memref<125000x8x64xf32, #tpu.memory_space<hbm>> -> memref<1x8x64xf32, #tpu.memory_space<hbm>>
        %dma_start3A_2770 = tpu.memref_squeeze %dma_start3A_2769 : memref<1x8x64xf32, #tpu.memory_space<hbm>> -> memref<8x64xf32, #tpu.memory_space<hbm>>
        %dma_start3A_2771 = arith.constant 0 : i32
        %dma_start3A_2772 = arith.constant 0 : i32
        %dma_start3A_2773 = tpu.memref_slice %arg6[%dma_start3A_2761, %dma_start3A_2762, %dma_start3A_2771, %dma_start3A_2772] : memref<2x16x8x64xf32, #tpu.memory_space<vmem>> -> memref<1x1x8x64xf32, #tpu.memory_space<vmem>>
        %dma_start3A_2774 = tpu.memref_squeeze %dma_start3A_2773 : memref<1x1x8x64xf32, #tpu.memory_space<vmem>> -> memref<8x64xf32, #tpu.memory_space<vmem>>
        %dma_start3A_2775 = arith.constant 0 : i32
        %dma_start3A_2776 = arith.constant 0 : i32
        %dma_start3A_2777 = tpu.memref_slice %arg3[%squeeze3A_2760, %dma_start3A_2775, %dma_start3A_2776] : memref<125000x8x64xf32, #tpu.memory_space<hbm>> -> memref<1x8x64xf32, #tpu.memory_space<hbm>>
        %dma_start3A_2778 = tpu.memref_squeeze %dma_start3A_2777 : memref<1x8x64xf32, #tpu.memory_space<hbm>> -> memref<8x64xf32, #tpu.memory_space<hbm>>
        tpu.enqueue_dma source(%dma_start3A_2778 : memref<8x64xf32, #tpu.memory_space<hbm>>) target(%dma_start3A_2774 : memref<8x64xf32, #tpu.memory_space<vmem>>) target_semaphore(%arg9 : memref<!tpu.dma_semaphore, #tpu.memory_space<semaphore_mem>>)
        %slice3A_2779 = vector.extract_strided_slice %shift_right_arithmetic3A_2278 {offsets = [12], sizes = [1], strides = [1]} : vector<16xi32> to vector<1xi32>
        %squeeze3A_2780 = vector.extract %slice3A_2779[0] : i32 from vector<1xi32>
        %dma_start3A_2781 = arith.constant 0 : i32
        %dma_start3A_2782 = arith.constant 12 : i32
        %dma_start3A_2783 = arith.constant 0 : i32
        %dma_start3A_2784 = arith.constant 0 : i32
        %dma_start3A_2785 = tpu.memref_slice %arg7[%dma_start3A_2781, %dma_start3A_2782, %dma_start3A_2783, %dma_start3A_2784] : memref<2x16x8x64xf32, #tpu.memory_space<vmem>> -> memref<1x1x8x64xf32, #tpu.memory_space<vmem>>
        %dma_start3A_2786 = tpu.memref_squeeze %dma_start3A_2785 : memref<1x1x8x64xf32, #tpu.memory_space<vmem>> -> memref<8x64xf32, #tpu.memory_space<vmem>>
        %dma_start3A_2787 = arith.constant 0 : i32
        %dma_start3A_2788 = arith.constant 0 : i32
        %dma_start3A_2789 = tpu.memref_slice %arg3[%squeeze3A_2780, %dma_start3A_2787, %dma_start3A_2788] : memref<125000x8x64xf32, #tpu.memory_space<hbm>> -> memref<1x8x64xf32, #tpu.memory_space<hbm>>
        %dma_start3A_2790 = tpu.memref_squeeze %dma_start3A_2789 : memref<1x8x64xf32, #tpu.memory_space<hbm>> -> memref<8x64xf32, #tpu.memory_space<hbm>>
        %dma_start3A_2791 = arith.constant 0 : i32
        %dma_start3A_2792 = arith.constant 0 : i32
        %dma_start3A_2793 = tpu.memref_slice %arg7[%dma_start3A_2781, %dma_start3A_2782, %dma_start3A_2791, %dma_start3A_2792] : memref<2x16x8x64xf32, #tpu.memory_space<vmem>> -> memref<1x1x8x64xf32, #tpu.memory_space<vmem>>
        %dma_start3A_2794 = tpu.memref_squeeze %dma_start3A_2793 : memref<1x1x8x64xf32, #tpu.memory_space<vmem>> -> memref<8x64xf32, #tpu.memory_space<vmem>>
        %dma_start3A_2795 = arith.constant 0 : i32
        %dma_start3A_2796 = arith.constant 0 : i32
        %dma_start3A_2797 = tpu.memref_slice %arg3[%squeeze3A_2780, %dma_start3A_2795, %dma_start3A_2796] : memref<125000x8x64xf32, #tpu.memory_space<hbm>> -> memref<1x8x64xf32, #tpu.memory_space<hbm>>
        %dma_start3A_2798 = tpu.memref_squeeze %dma_start3A_2797 : memref<1x8x64xf32, #tpu.memory_space<hbm>> -> memref<8x64xf32, #tpu.memory_space<hbm>>
        tpu.enqueue_dma source(%dma_start3A_2798 : memref<8x64xf32, #tpu.memory_space<hbm>>) target(%dma_start3A_2794 : memref<8x64xf32, #tpu.memory_space<vmem>>) target_semaphore(%arg9 : memref<!tpu.dma_semaphore, #tpu.memory_space<semaphore_mem>>)
        %slice3A_2799 = vector.extract_strided_slice %shift_right_arithmetic3A_2264 {offsets = [13], sizes = [1], strides = [1]} : vector<16xi32> to vector<1xi32>
        %squeeze3A_2800 = vector.extract %slice3A_2799[0] : i32 from vector<1xi32>
        %dma_start3A_2801 = arith.constant 0 : i32
        %dma_start3A_2802 = arith.constant 13 : i32
        %dma_start3A_2803 = arith.constant 0 : i32
        %dma_start3A_2804 = arith.constant 0 : i32
        %dma_start3A_2805 = tpu.memref_slice %arg6[%dma_start3A_2801, %dma_start3A_2802, %dma_start3A_2803, %dma_start3A_2804] : memref<2x16x8x64xf32, #tpu.memory_space<vmem>> -> memref<1x1x8x64xf32, #tpu.memory_space<vmem>>
        %dma_start3A_2806 = tpu.memref_squeeze %dma_start3A_2805 : memref<1x1x8x64xf32, #tpu.memory_space<vmem>> -> memref<8x64xf32, #tpu.memory_space<vmem>>
        %dma_start3A_2807 = arith.constant 0 : i32
        %dma_start3A_2808 = arith.constant 0 : i32
        %dma_start3A_2809 = tpu.memref_slice %arg3[%squeeze3A_2800, %dma_start3A_2807, %dma_start3A_2808] : memref<125000x8x64xf32, #tpu.memory_space<hbm>> -> memref<1x8x64xf32, #tpu.memory_space<hbm>>
        %dma_start3A_2810 = tpu.memref_squeeze %dma_start3A_2809 : memref<1x8x64xf32, #tpu.memory_space<hbm>> -> memref<8x64xf32, #tpu.memory_space<hbm>>
        %dma_start3A_2811 = arith.constant 0 : i32
        %dma_start3A_2812 = arith.constant 0 : i32
        %dma_start3A_2813 = tpu.memref_slice %arg6[%dma_start3A_2801, %dma_start3A_2802, %dma_start3A_2811, %dma_start3A_2812] : memref<2x16x8x64xf32, #tpu.memory_space<vmem>> -> memref<1x1x8x64xf32, #tpu.memory_space<vmem>>
        %dma_start3A_2814 = tpu.memref_squeeze %dma_start3A_2813 : memref<1x1x8x64xf32, #tpu.memory_space<vmem>> -> memref<8x64xf32, #tpu.memory_space<vmem>>
        %dma_start3A_2815 = arith.constant 0 : i32
        %dma_start3A_2816 = arith.constant 0 : i32
        %dma_start3A_2817 = tpu.memref_slice %arg3[%squeeze3A_2800, %dma_start3A_2815, %dma_start3A_2816] : memref<125000x8x64xf32, #tpu.memory_space<hbm>> -> memref<1x8x64xf32, #tpu.memory_space<hbm>>
        %dma_start3A_2818 = tpu.memref_squeeze %dma_start3A_2817 : memref<1x8x64xf32, #tpu.memory_space<hbm>> -> memref<8x64xf32, #tpu.memory_space<hbm>>
        tpu.enqueue_dma source(%dma_start3A_2818 : memref<8x64xf32, #tpu.memory_space<hbm>>) target(%dma_start3A_2814 : memref<8x64xf32, #tpu.memory_space<vmem>>) target_semaphore(%arg9 : memref<!tpu.dma_semaphore, #tpu.memory_space<semaphore_mem>>)
        %slice3A_2819 = vector.extract_strided_slice %shift_right_arithmetic3A_2278 {offsets = [13], sizes = [1], strides = [1]} : vector<16xi32> to vector<1xi32>
        %squeeze3A_2820 = vector.extract %slice3A_2819[0] : i32 from vector<1xi32>
        %dma_start3A_2821 = arith.constant 0 : i32
        %dma_start3A_2822 = arith.constant 13 : i32
        %dma_start3A_2823 = arith.constant 0 : i32
        %dma_start3A_2824 = arith.constant 0 : i32
        %dma_start3A_2825 = tpu.memref_slice %arg7[%dma_start3A_2821, %dma_start3A_2822, %dma_start3A_2823, %dma_start3A_2824] : memref<2x16x8x64xf32, #tpu.memory_space<vmem>> -> memref<1x1x8x64xf32, #tpu.memory_space<vmem>>
        %dma_start3A_2826 = tpu.memref_squeeze %dma_start3A_2825 : memref<1x1x8x64xf32, #tpu.memory_space<vmem>> -> memref<8x64xf32, #tpu.memory_space<vmem>>
        %dma_start3A_2827 = arith.constant 0 : i32
        %dma_start3A_2828 = arith.constant 0 : i32
        %dma_start3A_2829 = tpu.memref_slice %arg3[%squeeze3A_2820, %dma_start3A_2827, %dma_start3A_2828] : memref<125000x8x64xf32, #tpu.memory_space<hbm>> -> memref<1x8x64xf32, #tpu.memory_space<hbm>>
        %dma_start3A_2830 = tpu.memref_squeeze %dma_start3A_2829 : memref<1x8x64xf32, #tpu.memory_space<hbm>> -> memref<8x64xf32, #tpu.memory_space<hbm>>
        %dma_start3A_2831 = arith.constant 0 : i32
        %dma_start3A_2832 = arith.constant 0 : i32
        %dma_start3A_2833 = tpu.memref_slice %arg7[%dma_start3A_2821, %dma_start3A_2822, %dma_start3A_2831, %dma_start3A_2832] : memref<2x16x8x64xf32, #tpu.memory_space<vmem>> -> memref<1x1x8x64xf32, #tpu.memory_space<vmem>>
        %dma_start3A_2834 = tpu.memref_squeeze %dma_start3A_2833 : memref<1x1x8x64xf32, #tpu.memory_space<vmem>> -> memref<8x64xf32, #tpu.memory_space<vmem>>
        %dma_start3A_2835 = arith.constant 0 : i32
        %dma_start3A_2836 = arith.constant 0 : i32
        %dma_start3A_2837 = tpu.memref_slice %arg3[%squeeze3A_2820, %dma_start3A_2835, %dma_start3A_2836] : memref<125000x8x64xf32, #tpu.memory_space<hbm>> -> memref<1x8x64xf32, #tpu.memory_space<hbm>>
        %dma_start3A_2838 = tpu.memref_squeeze %dma_start3A_2837 : memref<1x8x64xf32, #tpu.memory_space<hbm>> -> memref<8x64xf32, #tpu.memory_space<hbm>>
        tpu.enqueue_dma source(%dma_start3A_2838 : memref<8x64xf32, #tpu.memory_space<hbm>>) target(%dma_start3A_2834 : memref<8x64xf32, #tpu.memory_space<vmem>>) target_semaphore(%arg9 : memref<!tpu.dma_semaphore, #tpu.memory_space<semaphore_mem>>)
        %slice3A_2839 = vector.extract_strided_slice %shift_right_arithmetic3A_2264 {offsets = [14], sizes = [1], strides = [1]} : vector<16xi32> to vector<1xi32>
        %squeeze3A_2840 = vector.extract %slice3A_2839[0] : i32 from vector<1xi32>
        %dma_start3A_2841 = arith.constant 0 : i32
        %dma_start3A_2842 = arith.constant 14 : i32
        %dma_start3A_2843 = arith.constant 0 : i32
        %dma_start3A_2844 = arith.constant 0 : i32
        %dma_start3A_2845 = tpu.memref_slice %arg6[%dma_start3A_2841, %dma_start3A_2842, %dma_start3A_2843, %dma_start3A_2844] : memref<2x16x8x64xf32, #tpu.memory_space<vmem>> -> memref<1x1x8x64xf32, #tpu.memory_space<vmem>>
        %dma_start3A_2846 = tpu.memref_squeeze %dma_start3A_2845 : memref<1x1x8x64xf32, #tpu.memory_space<vmem>> -> memref<8x64xf32, #tpu.memory_space<vmem>>
        %dma_start3A_2847 = arith.constant 0 : i32
        %dma_start3A_2848 = arith.constant 0 : i32
        %dma_start3A_2849 = tpu.memref_slice %arg3[%squeeze3A_2840, %dma_start3A_2847, %dma_start3A_2848] : memref<125000x8x64xf32, #tpu.memory_space<hbm>> -> memref<1x8x64xf32, #tpu.memory_space<hbm>>
        %dma_start3A_2850 = tpu.memref_squeeze %dma_start3A_2849 : memref<1x8x64xf32, #tpu.memory_space<hbm>> -> memref<8x64xf32, #tpu.memory_space<hbm>>
        %dma_start3A_2851 = arith.constant 0 : i32
        %dma_start3A_2852 = arith.constant 0 : i32
        %dma_start3A_2853 = tpu.memref_slice %arg6[%dma_start3A_2841, %dma_start3A_2842, %dma_start3A_2851, %dma_start3A_2852] : memref<2x16x8x64xf32, #tpu.memory_space<vmem>> -> memref<1x1x8x64xf32, #tpu.memory_space<vmem>>
        %dma_start3A_2854 = tpu.memref_squeeze %dma_start3A_2853 : memref<1x1x8x64xf32, #tpu.memory_space<vmem>> -> memref<8x64xf32, #tpu.memory_space<vmem>>
        %dma_start3A_2855 = arith.constant 0 : i32
        %dma_start3A_2856 = arith.constant 0 : i32
        %dma_start3A_2857 = tpu.memref_slice %arg3[%squeeze3A_2840, %dma_start3A_2855, %dma_start3A_2856] : memref<125000x8x64xf32, #tpu.memory_space<hbm>> -> memref<1x8x64xf32, #tpu.memory_space<hbm>>
        %dma_start3A_2858 = tpu.memref_squeeze %dma_start3A_2857 : memref<1x8x64xf32, #tpu.memory_space<hbm>> -> memref<8x64xf32, #tpu.memory_space<hbm>>
        tpu.enqueue_dma source(%dma_start3A_2858 : memref<8x64xf32, #tpu.memory_space<hbm>>) target(%dma_start3A_2854 : memref<8x64xf32, #tpu.memory_space<vmem>>) target_semaphore(%arg9 : memref<!tpu.dma_semaphore, #tpu.memory_space<semaphore_mem>>)
        %slice3A_2859 = vector.extract_strided_slice %shift_right_arithmetic3A_2278 {offsets = [14], sizes = [1], strides = [1]} : vector<16xi32> to vector<1xi32>
        %squeeze3A_2860 = vector.extract %slice3A_2859[0] : i32 from vector<1xi32>
        %dma_start3A_2861 = arith.constant 0 : i32
        %dma_start3A_2862 = arith.constant 14 : i32
        %dma_start3A_2863 = arith.constant 0 : i32
        %dma_start3A_2864 = arith.constant 0 : i32
        %dma_start3A_2865 = tpu.memref_slice %arg7[%dma_start3A_2861, %dma_start3A_2862, %dma_start3A_2863, %dma_start3A_2864] : memref<2x16x8x64xf32, #tpu.memory_space<vmem>> -> memref<1x1x8x64xf32, #tpu.memory_space<vmem>>
        %dma_start3A_2866 = tpu.memref_squeeze %dma_start3A_2865 : memref<1x1x8x64xf32, #tpu.memory_space<vmem>> -> memref<8x64xf32, #tpu.memory_space<vmem>>
        %dma_start3A_2867 = arith.constant 0 : i32
        %dma_start3A_2868 = arith.constant 0 : i32
        %dma_start3A_2869 = tpu.memref_slice %arg3[%squeeze3A_2860, %dma_start3A_2867, %dma_start3A_2868] : memref<125000x8x64xf32, #tpu.memory_space<hbm>> -> memref<1x8x64xf32, #tpu.memory_space<hbm>>
        %dma_start3A_2870 = tpu.memref_squeeze %dma_start3A_2869 : memref<1x8x64xf32, #tpu.memory_space<hbm>> -> memref<8x64xf32, #tpu.memory_space<hbm>>
        %dma_start3A_2871 = arith.constant 0 : i32
        %dma_start3A_2872 = arith.constant 0 : i32
        %dma_start3A_2873 = tpu.memref_slice %arg7[%dma_start3A_2861, %dma_start3A_2862, %dma_start3A_2871, %dma_start3A_2872] : memref<2x16x8x64xf32, #tpu.memory_space<vmem>> -> memref<1x1x8x64xf32, #tpu.memory_space<vmem>>
        %dma_start3A_2874 = tpu.memref_squeeze %dma_start3A_2873 : memref<1x1x8x64xf32, #tpu.memory_space<vmem>> -> memref<8x64xf32, #tpu.memory_space<vmem>>
        %dma_start3A_2875 = arith.constant 0 : i32
        %dma_start3A_2876 = arith.constant 0 : i32
        %dma_start3A_2877 = tpu.memref_slice %arg3[%squeeze3A_2860, %dma_start3A_2875, %dma_start3A_2876] : memref<125000x8x64xf32, #tpu.memory_space<hbm>> -> memref<1x8x64xf32, #tpu.memory_space<hbm>>
        %dma_start3A_2878 = tpu.memref_squeeze %dma_start3A_2877 : memref<1x8x64xf32, #tpu.memory_space<hbm>> -> memref<8x64xf32, #tpu.memory_space<hbm>>
        tpu.enqueue_dma source(%dma_start3A_2878 : memref<8x64xf32, #tpu.memory_space<hbm>>) target(%dma_start3A_2874 : memref<8x64xf32, #tpu.memory_space<vmem>>) target_semaphore(%arg9 : memref<!tpu.dma_semaphore, #tpu.memory_space<semaphore_mem>>)
        %slice3A_2879 = vector.extract_strided_slice %shift_right_arithmetic3A_2264 {offsets = [15], sizes = [1], strides = [1]} : vector<16xi32> to vector<1xi32>
        %squeeze3A_2880 = vector.extract %slice3A_2879[0] : i32 from vector<1xi32>
        %dma_start3A_2881 = arith.constant 0 : i32
        %dma_start3A_2882 = arith.constant 15 : i32
        %dma_start3A_2883 = arith.constant 0 : i32
        %dma_start3A_2884 = arith.constant 0 : i32
        %dma_start3A_2885 = tpu.memref_slice %arg6[%dma_start3A_2881, %dma_start3A_2882, %dma_start3A_2883, %dma_start3A_2884] : memref<2x16x8x64xf32, #tpu.memory_space<vmem>> -> memref<1x1x8x64xf32, #tpu.memory_space<vmem>>
        %dma_start3A_2886 = tpu.memref_squeeze %dma_start3A_2885 : memref<1x1x8x64xf32, #tpu.memory_space<vmem>> -> memref<8x64xf32, #tpu.memory_space<vmem>>
        %dma_start3A_2887 = arith.constant 0 : i32
        %dma_start3A_2888 = arith.constant 0 : i32
        %dma_start3A_2889 = tpu.memref_slice %arg3[%squeeze3A_2880, %dma_start3A_2887, %dma_start3A_2888] : memref<125000x8x64xf32, #tpu.memory_space<hbm>> -> memref<1x8x64xf32, #tpu.memory_space<hbm>>
        %dma_start3A_2890 = tpu.memref_squeeze %dma_start3A_2889 : memref<1x8x64xf32, #tpu.memory_space<hbm>> -> memref<8x64xf32, #tpu.memory_space<hbm>>
        %dma_start3A_2891 = arith.constant 0 : i32
        %dma_start3A_2892 = arith.constant 0 : i32
        %dma_start3A_2893 = tpu.memref_slice %arg6[%dma_start3A_2881, %dma_start3A_2882, %dma_start3A_2891, %dma_start3A_2892] : memref<2x16x8x64xf32, #tpu.memory_space<vmem>> -> memref<1x1x8x64xf32, #tpu.memory_space<vmem>>
        %dma_start3A_2894 = tpu.memref_squeeze %dma_start3A_2893 : memref<1x1x8x64xf32, #tpu.memory_space<vmem>> -> memref<8x64xf32, #tpu.memory_space<vmem>>
        %dma_start3A_2895 = arith.constant 0 : i32
        %dma_start3A_2896 = arith.constant 0 : i32
        %dma_start3A_2897 = tpu.memref_slice %arg3[%squeeze3A_2880, %dma_start3A_2895, %dma_start3A_2896] : memref<125000x8x64xf32, #tpu.memory_space<hbm>> -> memref<1x8x64xf32, #tpu.memory_space<hbm>>
        %dma_start3A_2898 = tpu.memref_squeeze %dma_start3A_2897 : memref<1x8x64xf32, #tpu.memory_space<hbm>> -> memref<8x64xf32, #tpu.memory_space<hbm>>
        tpu.enqueue_dma source(%dma_start3A_2898 : memref<8x64xf32, #tpu.memory_space<hbm>>) target(%dma_start3A_2894 : memref<8x64xf32, #tpu.memory_space<vmem>>) target_semaphore(%arg9 : memref<!tpu.dma_semaphore, #tpu.memory_space<semaphore_mem>>)
        %slice3A_2899 = vector.extract_strided_slice %shift_right_arithmetic3A_2278 {offsets = [15], sizes = [1], strides = [1]} : vector<16xi32> to vector<1xi32>
        %squeeze3A_2900 = vector.extract %slice3A_2899[0] : i32 from vector<1xi32>
        %dma_start3A_2901 = arith.constant 0 : i32
        %dma_start3A_2902 = arith.constant 15 : i32
        %dma_start3A_2903 = arith.constant 0 : i32
        %dma_start3A_2904 = arith.constant 0 : i32
        %dma_start3A_2905 = tpu.memref_slice %arg7[%dma_start3A_2901, %dma_start3A_2902, %dma_start3A_2903, %dma_start3A_2904] : memref<2x16x8x64xf32, #tpu.memory_space<vmem>> -> memref<1x1x8x64xf32, #tpu.memory_space<vmem>>
        %dma_start3A_2906 = tpu.memref_squeeze %dma_start3A_2905 : memref<1x1x8x64xf32, #tpu.memory_space<vmem>> -> memref<8x64xf32, #tpu.memory_space<vmem>>
        %dma_start3A_2907 = arith.constant 0 : i32
        %dma_start3A_2908 = arith.constant 0 : i32
        %dma_start3A_2909 = tpu.memref_slice %arg3[%squeeze3A_2900, %dma_start3A_2907, %dma_start3A_2908] : memref<125000x8x64xf32, #tpu.memory_space<hbm>> -> memref<1x8x64xf32, #tpu.memory_space<hbm>>
        %dma_start3A_2910 = tpu.memref_squeeze %dma_start3A_2909 : memref<1x8x64xf32, #tpu.memory_space<hbm>> -> memref<8x64xf32, #tpu.memory_space<hbm>>
        %dma_start3A_2911 = arith.constant 0 : i32
        %dma_start3A_2912 = arith.constant 0 : i32
        %dma_start3A_2913 = tpu.memref_slice %arg7[%dma_start3A_2901, %dma_start3A_2902, %dma_start3A_2911, %dma_start3A_2912] : memref<2x16x8x64xf32, #tpu.memory_space<vmem>> -> memref<1x1x8x64xf32, #tpu.memory_space<vmem>>
        %dma_start3A_2914 = tpu.memref_squeeze %dma_start3A_2913 : memref<1x1x8x64xf32, #tpu.memory_space<vmem>> -> memref<8x64xf32, #tpu.memory_space<vmem>>
        %dma_start3A_2915 = arith.constant 0 : i32
        %dma_start3A_2916 = arith.constant 0 : i32
        %dma_start3A_2917 = tpu.memref_slice %arg3[%squeeze3A_2900, %dma_start3A_2915, %dma_start3A_2916] : memref<125000x8x64xf32, #tpu.memory_space<hbm>> -> memref<1x8x64xf32, #tpu.memory_space<hbm>>
        %dma_start3A_2918 = tpu.memref_squeeze %dma_start3A_2917 : memref<1x8x64xf32, #tpu.memory_space<hbm>> -> memref<8x64xf32, #tpu.memory_space<hbm>>
        tpu.enqueue_dma source(%dma_start3A_2918 : memref<8x64xf32, #tpu.memory_space<hbm>>) target(%dma_start3A_2914 : memref<8x64xf32, #tpu.memory_space<vmem>>) target_semaphore(%arg9 : memref<!tpu.dma_semaphore, #tpu.memory_space<semaphore_mem>>)
      } else {
      }
      %shift_right_arithmetic3A_1829 = arith.constant 3 : i32
      %shift_right_arithmetic3A_1830 = arith.shrsi %add3A_1788, %shift_right_arithmetic3A_1829 : i32
      %add3A_1831 = arith.constant 0 : i32
      %add3A_1832 = arith.addi %add3A_1831, %shift_right_arithmetic3A_1830 : i32
      %and3A_1833 = arith.constant 7 : i32
      %and3A_1834 = arith.andi %add3A_1788, %and3A_1833 : i32
      %mul3A_1835 = arith.constant 16 : i32
      %mul3A_1836 = arith.muli %and3A_1834, %mul3A_1835 : i32
      %get3A_1837 = arith.index_cast %add3A_1832 : i32 to index
      %get3A_1838 = arith.index_cast %mul3A_1836 : i32 to index
      %get3A_1839 = tpu.vector_load %arg5[%get3A_1837, %get3A_1838] {strides = array<i32>} : memref<8x128xi32, #tpu.memory_space<vmem>>, vector<16xi32>,
      %and3A_1840 = arith.constant 7 : i32
      %and3A_1841 = vector.broadcast %and3A_1840 : i32 to vector<16xi32>
      %and3A_1842 = arith.andi %get3A_1839, %and3A_1841 : vector<16xi32>
      %shift_right_arithmetic3A_1843 = arith.constant 3 : i32
      %shift_right_arithmetic3A_1844 = arith.shrsi %add3A_1788, %shift_right_arithmetic3A_1843 : i32
      %add3A_1845 = arith.constant 4 : i32
      %add3A_1846 = arith.addi %add3A_1845, %shift_right_arithmetic3A_1844 : i32
      %and3A_1847 = arith.constant 7 : i32
      %and3A_1848 = arith.andi %add3A_1788, %and3A_1847 : i32
      %mul3A_1849 = arith.constant 16 : i32
      %mul3A_1850 = arith.muli %and3A_1848, %mul3A_1849 : i32
      %get3A_1851 = arith.index_cast %add3A_1846 : i32 to index
      %get3A_1852 = arith.index_cast %mul3A_1850 : i32 to index
      %get3A_1853 = tpu.vector_load %arg5[%get3A_1851, %get3A_1852] {strides = array<i32>} : memref<8x128xi32, #tpu.memory_space<vmem>>, vector<16xi32>,
      %and3A_1854 = arith.constant 7 : i32
      %and3A_1855 = vector.broadcast %and3A_1854 : i32 to vector<16xi32>
      %and3A_1856 = arith.andi %get3A_1853, %and3A_1855 : vector<16xi32>
      %broadcast_in_dim3A_1857 = arith.constant 1 : i32
      %broadcast_in_dim3A_1858 = vector.broadcast %broadcast_in_dim3A_1857 : i32 to vector<16xi32>
      %broadcast_in_dim3A_1859 = arith.constant 0.000000e+00 : f32
      %broadcast_in_dim3A_1860 = vector.broadcast %broadcast_in_dim3A_1859 : f32 to vector<16xf32>
      %broadcast_in_dim3A_1861 = arith.constant 0 : i32
      %broadcast_in_dim3A_1862 = vector.broadcast %broadcast_in_dim3A_1861 : i32 to vector<16xi32>
      %gather3A_1863 = tpu.vector_load_idx %arg6[%broadcast_in_dim3A_1858, %iota3A, %and3A_1842, %broadcast_in_dim3A_1862] : memref<2x16x8x64xf32, #tpu.memory_space<vmem>>[vector<16xi32>, vector<16xi32>, vector<16xi32>, vector<16xi32>], vector<16xf32>,
      %gather3A_1864 = tpu.vector_load_idx %arg7[%broadcast_in_dim3A_1858, %iota3A, %and3A_1856, %broadcast_in_dim3A_1862] : memref<2x16x8x64xf32, #tpu.memory_space<vmem>>[vector<16xi32>, vector<16xi32>, vector<16xi32>, vector<16xi32>], vector<16xf32>,
      %mul3A_1865 = arith.mulf %gather3A_1863, %gather3A_1864 : vector<16xf32>
      %add3A_1866 = arith.addf %broadcast_in_dim3A_1860, %mul3A_1865 : vector<16xf32>
      %broadcast_in_dim3A_1867 = arith.constant 1 : i32
      %broadcast_in_dim3A_1868 = vector.broadcast %broadcast_in_dim3A_1867 : i32 to vector<16xi32>
      %gather3A_1869 = tpu.vector_load_idx %arg6[%broadcast_in_dim3A_1858, %iota3A, %and3A_1842, %broadcast_in_dim3A_1868] : memref<2x16x8x64xf32, #tpu.memory_space<vmem>>[vector<16xi32>, vector<16xi32>, vector<16xi32>, vector<16xi32>], vector<16xf32>,
      %gather3A_1870 = tpu.vector_load_idx %arg7[%broadcast_in_dim3A_1858, %iota3A, %and3A_1856, %broadcast_in_dim3A_1868] : memref<2x16x8x64xf32, #tpu.memory_space<vmem>>[vector<16xi32>, vector<16xi32>, vector<16xi32>, vector<16xi32>], vector<16xf32>,
      %mul3A_1871 = arith.mulf %gather3A_1869, %gather3A_1870 : vector<16xf32>
      %add3A_1872 = arith.addf %add3A_1866, %mul3A_1871 : vector<16xf32>
      %broadcast_in_dim3A_1873 = arith.constant 2 : i32
      %broadcast_in_dim3A_1874 = vector.broadcast %broadcast_in_dim3A_1873 : i32 to vector<16xi32>
      %gather3A_1875 = tpu.vector_load_idx %arg6[%broadcast_in_dim3A_1858, %iota3A, %and3A_1842, %broadcast_in_dim3A_1874] : memref<2x16x8x64xf32, #tpu.memory_space<vmem>>[vector<16xi32>, vector<16xi32>, vector<16xi32>, vector<16xi32>], vector<16xf32>,
      %gather3A_1876 = tpu.vector_load_idx %arg7[%broadcast_in_dim3A_1858, %iota3A, %and3A_1856, %broadcast_in_dim3A_1874] : memref<2x16x8x64xf32, #tpu.memory_space<vmem>>[vector<16xi32>, vector<16xi32>, vector<16xi32>, vector<16xi32>], vector<16xf32>,
      %mul3A_1877 = arith.mulf %gather3A_1875, %gather3A_1876 : vector<16xf32>
      %add3A_1878 = arith.addf %add3A_1872, %mul3A_1877 : vector<16xf32>
      %broadcast_in_dim3A_1879 = arith.constant 3 : i32
      %broadcast_in_dim3A_1880 = vector.broadcast %broadcast_in_dim3A_1879 : i32 to vector<16xi32>
      %gather3A_1881 = tpu.vector_load_idx %arg6[%broadcast_in_dim3A_1858, %iota3A, %and3A_1842, %broadcast_in_dim3A_1880] : memref<2x16x8x64xf32, #tpu.memory_space<vmem>>[vector<16xi32>, vector<16xi32>, vector<16xi32>, vector<16xi32>], vector<16xf32>,
      %gather3A_1882 = tpu.vector_load_idx %arg7[%broadcast_in_dim3A_1858, %iota3A, %and3A_1856, %broadcast_in_dim3A_1880] : memref<2x16x8x64xf32, #tpu.memory_space<vmem>>[vector<16xi32>, vector<16xi32>, vector<16xi32>, vector<16xi32>], vector<16xf32>,
      %mul3A_1883 = arith.mulf %gather3A_1881, %gather3A_1882 : vector<16xf32>
      %add3A_1884 = arith.addf %add3A_1878, %mul3A_1883 : vector<16xf32>
      %broadcast_in_dim3A_1885 = arith.constant 4 : i32
      %broadcast_in_dim3A_1886 = vector.broadcast %broadcast_in_dim3A_1885 : i32 to vector<16xi32>
      %gather3A_1887 = tpu.vector_load_idx %arg6[%broadcast_in_dim3A_1858, %iota3A, %and3A_1842, %broadcast_in_dim3A_1886] : memref<2x16x8x64xf32, #tpu.memory_space<vmem>>[vector<16xi32>, vector<16xi32>, vector<16xi32>, vector<16xi32>], vector<16xf32>,
      %gather3A_1888 = tpu.vector_load_idx %arg7[%broadcast_in_dim3A_1858, %iota3A, %and3A_1856, %broadcast_in_dim3A_1886] : memref<2x16x8x64xf32, #tpu.memory_space<vmem>>[vector<16xi32>, vector<16xi32>, vector<16xi32>, vector<16xi32>], vector<16xf32>,
      %mul3A_1889 = arith.mulf %gather3A_1887, %gather3A_1888 : vector<16xf32>
      %add3A_1890 = arith.addf %add3A_1884, %mul3A_1889 : vector<16xf32>
      %broadcast_in_dim3A_1891 = arith.constant 5 : i32
      %broadcast_in_dim3A_1892 = vector.broadcast %broadcast_in_dim3A_1891 : i32 to vector<16xi32>
      %gather3A_1893 = tpu.vector_load_idx %arg6[%broadcast_in_dim3A_1858, %iota3A, %and3A_1842, %broadcast_in_dim3A_1892] : memref<2x16x8x64xf32, #tpu.memory_space<vmem>>[vector<16xi32>, vector<16xi32>, vector<16xi32>, vector<16xi32>], vector<16xf32>,
      %gather3A_1894 = tpu.vector_load_idx %arg7[%broadcast_in_dim3A_1858, %iota3A, %and3A_1856, %broadcast_in_dim3A_1892] : memref<2x16x8x64xf32, #tpu.memory_space<vmem>>[vector<16xi32>, vector<16xi32>, vector<16xi32>, vector<16xi32>], vector<16xf32>,
      %mul3A_1895 = arith.mulf %gather3A_1893, %gather3A_1894 : vector<16xf32>
      %add3A_1896 = arith.addf %add3A_1890, %mul3A_1895 : vector<16xf32>
      %broadcast_in_dim3A_1897 = arith.constant 6 : i32
      %broadcast_in_dim3A_1898 = vector.broadcast %broadcast_in_dim3A_1897 : i32 to vector<16xi32>
      %gather3A_1899 = tpu.vector_load_idx %arg6[%broadcast_in_dim3A_1858, %iota3A, %and3A_1842, %broadcast_in_dim3A_1898] : memref<2x16x8x64xf32, #tpu.memory_space<vmem>>[vector<16xi32>, vector<16xi32>, vector<16xi32>, vector<16xi32>], vector<16xf32>,
      %gather3A_1900 = tpu.vector_load_idx %arg7[%broadcast_in_dim3A_1858, %iota3A, %and3A_1856, %broadcast_in_dim3A_1898] : memref<2x16x8x64xf32, #tpu.memory_space<vmem>>[vector<16xi32>, vector<16xi32>, vector<16xi32>, vector<16xi32>], vector<16xf32>,
      %mul3A_1901 = arith.mulf %gather3A_1899, %gather3A_1900 : vector<16xf32>
      %add3A_1902 = arith.addf %add3A_1896, %mul3A_1901 : vector<16xf32>
      %broadcast_in_dim3A_1903 = arith.constant 7 : i32
      %broadcast_in_dim3A_1904 = vector.broadcast %broadcast_in_dim3A_1903 : i32 to vector<16xi32>
      %gather3A_1905 = tpu.vector_load_idx %arg6[%broadcast_in_dim3A_1858, %iota3A, %and3A_1842, %broadcast_in_dim3A_1904] : memref<2x16x8x64xf32, #tpu.memory_space<vmem>>[vector<16xi32>, vector<16xi32>, vector<16xi32>, vector<16xi32>], vector<16xf32>,
      %gather3A_1906 = tpu.vector_load_idx %arg7[%broadcast_in_dim3A_1858, %iota3A, %and3A_1856, %broadcast_in_dim3A_1904] : memref<2x16x8x64xf32, #tpu.memory_space<vmem>>[vector<16xi32>, vector<16xi32>, vector<16xi32>, vector<16xi32>], vector<16xf32>,
      %mul3A_1907 = arith.mulf %gather3A_1905, %gather3A_1906 : vector<16xf32>
      %add3A_1908 = arith.addf %add3A_1902, %mul3A_1907 : vector<16xf32>
      %broadcast_in_dim3A_1909 = arith.constant 8 : i32
      %broadcast_in_dim3A_1910 = vector.broadcast %broadcast_in_dim3A_1909 : i32 to vector<16xi32>
      %gather3A_1911 = tpu.vector_load_idx %arg6[%broadcast_in_dim3A_1858, %iota3A, %and3A_1842, %broadcast_in_dim3A_1910] : memref<2x16x8x64xf32, #tpu.memory_space<vmem>>[vector<16xi32>, vector<16xi32>, vector<16xi32>, vector<16xi32>], vector<16xf32>,
      %gather3A_1912 = tpu.vector_load_idx %arg7[%broadcast_in_dim3A_1858, %iota3A, %and3A_1856, %broadcast_in_dim3A_1910] : memref<2x16x8x64xf32, #tpu.memory_space<vmem>>[vector<16xi32>, vector<16xi32>, vector<16xi32>, vector<16xi32>], vector<16xf32>,
      %mul3A_1913 = arith.mulf %gather3A_1911, %gather3A_1912 : vector<16xf32>
      %add3A_1914 = arith.addf %add3A_1908, %mul3A_1913 : vector<16xf32>
      %broadcast_in_dim3A_1915 = arith.constant 9 : i32
      %broadcast_in_dim3A_1916 = vector.broadcast %broadcast_in_dim3A_1915 : i32 to vector<16xi32>
      %gather3A_1917 = tpu.vector_load_idx %arg6[%broadcast_in_dim3A_1858, %iota3A, %and3A_1842, %broadcast_in_dim3A_1916] : memref<2x16x8x64xf32, #tpu.memory_space<vmem>>[vector<16xi32>, vector<16xi32>, vector<16xi32>, vector<16xi32>], vector<16xf32>,
      %gather3A_1918 = tpu.vector_load_idx %arg7[%broadcast_in_dim3A_1858, %iota3A, %and3A_1856, %broadcast_in_dim3A_1916] : memref<2x16x8x64xf32, #tpu.memory_space<vmem>>[vector<16xi32>, vector<16xi32>, vector<16xi32>, vector<16xi32>], vector<16xf32>,
      %mul3A_1919 = arith.mulf %gather3A_1917, %gather3A_1918 : vector<16xf32>
      %add3A_1920 = arith.addf %add3A_1914, %mul3A_1919 : vector<16xf32>
      %broadcast_in_dim3A_1921 = arith.constant 10 : i32
      %broadcast_in_dim3A_1922 = vector.broadcast %broadcast_in_dim3A_1921 : i32 to vector<16xi32>
      %gather3A_1923 = tpu.vector_load_idx %arg6[%broadcast_in_dim3A_1858, %iota3A, %and3A_1842, %broadcast_in_dim3A_1922] : memref<2x16x8x64xf32, #tpu.memory_space<vmem>>[vector<16xi32>, vector<16xi32>, vector<16xi32>, vector<16xi32>], vector<16xf32>,
      %gather3A_1924 = tpu.vector_load_idx %arg7[%broadcast_in_dim3A_1858, %iota3A, %and3A_1856, %broadcast_in_dim3A_1922] : memref<2x16x8x64xf32, #tpu.memory_space<vmem>>[vector<16xi32>, vector<16xi32>, vector<16xi32>, vector<16xi32>], vector<16xf32>,
      %mul3A_1925 = arith.mulf %gather3A_1923, %gather3A_1924 : vector<16xf32>
      %add3A_1926 = arith.addf %add3A_1920, %mul3A_1925 : vector<16xf32>
      %broadcast_in_dim3A_1927 = arith.constant 11 : i32
      %broadcast_in_dim3A_1928 = vector.broadcast %broadcast_in_dim3A_1927 : i32 to vector<16xi32>
      %gather3A_1929 = tpu.vector_load_idx %arg6[%broadcast_in_dim3A_1858, %iota3A, %and3A_1842, %broadcast_in_dim3A_1928] : memref<2x16x8x64xf32, #tpu.memory_space<vmem>>[vector<16xi32>, vector<16xi32>, vector<16xi32>, vector<16xi32>], vector<16xf32>,
      %gather3A_1930 = tpu.vector_load_idx %arg7[%broadcast_in_dim3A_1858, %iota3A, %and3A_1856, %broadcast_in_dim3A_1928] : memref<2x16x8x64xf32, #tpu.memory_space<vmem>>[vector<16xi32>, vector<16xi32>, vector<16xi32>, vector<16xi32>], vector<16xf32>,
      %mul3A_1931 = arith.mulf %gather3A_1929, %gather3A_1930 : vector<16xf32>
      %add3A_1932 = arith.addf %add3A_1926, %mul3A_1931 : vector<16xf32>
      %broadcast_in_dim3A_1933 = arith.constant 12 : i32
      %broadcast_in_dim3A_1934 = vector.broadcast %broadcast_in_dim3A_1933 : i32 to vector<16xi32>
      %gather3A_1935 = tpu.vector_load_idx %arg6[%broadcast_in_dim3A_1858, %iota3A, %and3A_1842, %broadcast_in_dim3A_1934] : memref<2x16x8x64xf32, #tpu.memory_space<vmem>>[vector<16xi32>, vector<16xi32>, vector<16xi32>, vector<16xi32>], vector<16xf32>,
      %gather3A_1936 = tpu.vector_load_idx %arg7[%broadcast_in_dim3A_1858, %iota3A, %and3A_1856, %broadcast_in_dim3A_1934] : memref<2x16x8x64xf32, #tpu.memory_space<vmem>>[vector<16xi32>, vector<16xi32>, vector<16xi32>, vector<16xi32>], vector<16xf32>,
      %mul3A_1937 = arith.mulf %gather3A_1935, %gather3A_1936 : vector<16xf32>
      %add3A_1938 = arith.addf %add3A_1932, %mul3A_1937 : vector<16xf32>
      %broadcast_in_dim3A_1939 = arith.constant 13 : i32
      %broadcast_in_dim3A_1940 = vector.broadcast %broadcast_in_dim3A_1939 : i32 to vector<16xi32>
      %gather3A_1941 = tpu.vector_load_idx %arg6[%broadcast_in_dim3A_1858, %iota3A, %and3A_1842, %broadcast_in_dim3A_1940] : memref<2x16x8x64xf32, #tpu.memory_space<vmem>>[vector<16xi32>, vector<16xi32>, vector<16xi32>, vector<16xi32>], vector<16xf32>,
      %gather3A_1942 = tpu.vector_load_idx %arg7[%broadcast_in_dim3A_1858, %iota3A, %and3A_1856, %broadcast_in_dim3A_1940] : memref<2x16x8x64xf32, #tpu.memory_space<vmem>>[vector<16xi32>, vector<16xi32>, vector<16xi32>, vector<16xi32>], vector<16xf32>,
      %mul3A_1943 = arith.mulf %gather3A_1941, %gather3A_1942 : vector<16xf32>
      %add3A_1944 = arith.addf %add3A_1938, %mul3A_1943 : vector<16xf32>
      %broadcast_in_dim3A_1945 = arith.constant 14 : i32
      %broadcast_in_dim3A_1946 = vector.broadcast %broadcast_in_dim3A_1945 : i32 to vector<16xi32>
      %gather3A_1947 = tpu.vector_load_idx %arg6[%broadcast_in_dim3A_1858, %iota3A, %and3A_1842, %broadcast_in_dim3A_1946] : memref<2x16x8x64xf32, #tpu.memory_space<vmem>>[vector<16xi32>, vector<16xi32>, vector<16xi32>, vector<16xi32>], vector<16xf32>,
      %gather3A_1948 = tpu.vector_load_idx %arg7[%broadcast_in_dim3A_1858, %iota3A, %and3A_1856, %broadcast_in_dim3A_1946] : memref<2x16x8x64xf32, #tpu.memory_space<vmem>>[vector<16xi32>, vector<16xi32>, vector<16xi32>, vector<16xi32>], vector<16xf32>,
      %mul3A_1949 = arith.mulf %gather3A_1947, %gather3A_1948 : vector<16xf32>
      %add3A_1950 = arith.addf %add3A_1944, %mul3A_1949 : vector<16xf32>
      %broadcast_in_dim3A_1951 = arith.constant 15 : i32
      %broadcast_in_dim3A_1952 = vector.broadcast %broadcast_in_dim3A_1951 : i32 to vector<16xi32>
      %gather3A_1953 = tpu.vector_load_idx %arg6[%broadcast_in_dim3A_1858, %iota3A, %and3A_1842, %broadcast_in_dim3A_1952] : memref<2x16x8x64xf32, #tpu.memory_space<vmem>>[vector<16xi32>, vector<16xi32>, vector<16xi32>, vector<16xi32>], vector<16xf32>,
      %gather3A_1954 = tpu.vector_load_idx %arg7[%broadcast_in_dim3A_1858, %iota3A, %and3A_1856, %broadcast_in_dim3A_1952] : memref<2x16x8x64xf32, #tpu.memory_space<vmem>>[vector<16xi32>, vector<16xi32>, vector<16xi32>, vector<16xi32>], vector<16xf32>,
      %mul3A_1955 = arith.mulf %gather3A_1953, %gather3A_1954 : vector<16xf32>
      %add3A_1956 = arith.addf %add3A_1950, %mul3A_1955 : vector<16xf32>
      %broadcast_in_dim3A_1957 = arith.constant 16 : i32
      %broadcast_in_dim3A_1958 = vector.broadcast %broadcast_in_dim3A_1957 : i32 to vector<16xi32>
      %gather3A_1959 = tpu.vector_load_idx %arg6[%broadcast_in_dim3A_1858, %iota3A, %and3A_1842, %broadcast_in_dim3A_1958] : memref<2x16x8x64xf32, #tpu.memory_space<vmem>>[vector<16xi32>, vector<16xi32>, vector<16xi32>, vector<16xi32>], vector<16xf32>,
      %gather3A_1960 = tpu.vector_load_idx %arg7[%broadcast_in_dim3A_1858, %iota3A, %and3A_1856, %broadcast_in_dim3A_1958] : memref<2x16x8x64xf32, #tpu.memory_space<vmem>>[vector<16xi32>, vector<16xi32>, vector<16xi32>, vector<16xi32>], vector<16xf32>,
      %mul3A_1961 = arith.mulf %gather3A_1959, %gather3A_1960 : vector<16xf32>
      %add3A_1962 = arith.addf %add3A_1956, %mul3A_1961 : vector<16xf32>
      %broadcast_in_dim3A_1963 = arith.constant 17 : i32
      %broadcast_in_dim3A_1964 = vector.broadcast %broadcast_in_dim3A_1963 : i32 to vector<16xi32>
      %gather3A_1965 = tpu.vector_load_idx %arg6[%broadcast_in_dim3A_1858, %iota3A, %and3A_1842, %broadcast_in_dim3A_1964] : memref<2x16x8x64xf32, #tpu.memory_space<vmem>>[vector<16xi32>, vector<16xi32>, vector<16xi32>, vector<16xi32>], vector<16xf32>,
      %gather3A_1966 = tpu.vector_load_idx %arg7[%broadcast_in_dim3A_1858, %iota3A, %and3A_1856, %broadcast_in_dim3A_1964] : memref<2x16x8x64xf32, #tpu.memory_space<vmem>>[vector<16xi32>, vector<16xi32>, vector<16xi32>, vector<16xi32>], vector<16xf32>,
      %mul3A_1967 = arith.mulf %gather3A_1965, %gather3A_1966 : vector<16xf32>
      %add3A_1968 = arith.addf %add3A_1962, %mul3A_1967 : vector<16xf32>
      %broadcast_in_dim3A_1969 = arith.constant 18 : i32
      %broadcast_in_dim3A_1970 = vector.broadcast %broadcast_in_dim3A_1969 : i32 to vector<16xi32>
      %gather3A_1971 = tpu.vector_load_idx %arg6[%broadcast_in_dim3A_1858, %iota3A, %and3A_1842, %broadcast_in_dim3A_1970] : memref<2x16x8x64xf32, #tpu.memory_space<vmem>>[vector<16xi32>, vector<16xi32>, vector<16xi32>, vector<16xi32>], vector<16xf32>,
      %gather3A_1972 = tpu.vector_load_idx %arg7[%broadcast_in_dim3A_1858, %iota3A, %and3A_1856, %broadcast_in_dim3A_1970] : memref<2x16x8x64xf32, #tpu.memory_space<vmem>>[vector<16xi32>, vector<16xi32>, vector<16xi32>, vector<16xi32>], vector<16xf32>,
      %mul3A_1973 = arith.mulf %gather3A_1971, %gather3A_1972 : vector<16xf32>
      %add3A_1974 = arith.addf %add3A_1968, %mul3A_1973 : vector<16xf32>
      %broadcast_in_dim3A_1975 = arith.constant 19 : i32
      %broadcast_in_dim3A_1976 = vector.broadcast %broadcast_in_dim3A_1975 : i32 to vector<16xi32>
      %gather3A_1977 = tpu.vector_load_idx %arg6[%broadcast_in_dim3A_1858, %iota3A, %and3A_1842, %broadcast_in_dim3A_1976] : memref<2x16x8x64xf32, #tpu.memory_space<vmem>>[vector<16xi32>, vector<16xi32>, vector<16xi32>, vector<16xi32>], vector<16xf32>,
      %gather3A_1978 = tpu.vector_load_idx %arg7[%broadcast_in_dim3A_1858, %iota3A, %and3A_1856, %broadcast_in_dim3A_1976] : memref<2x16x8x64xf32, #tpu.memory_space<vmem>>[vector<16xi32>, vector<16xi32>, vector<16xi32>, vector<16xi32>], vector<16xf32>,
      %mul3A_1979 = arith.mulf %gather3A_1977, %gather3A_1978 : vector<16xf32>
      %add3A_1980 = arith.addf %add3A_1974, %mul3A_1979 : vector<16xf32>
      %broadcast_in_dim3A_1981 = arith.constant 20 : i32
      %broadcast_in_dim3A_1982 = vector.broadcast %broadcast_in_dim3A_1981 : i32 to vector<16xi32>
      %gather3A_1983 = tpu.vector_load_idx %arg6[%broadcast_in_dim3A_1858, %iota3A, %and3A_1842, %broadcast_in_dim3A_1982] : memref<2x16x8x64xf32, #tpu.memory_space<vmem>>[vector<16xi32>, vector<16xi32>, vector<16xi32>, vector<16xi32>], vector<16xf32>,
      %gather3A_1984 = tpu.vector_load_idx %arg7[%broadcast_in_dim3A_1858, %iota3A, %and3A_1856, %broadcast_in_dim3A_1982] : memref<2x16x8x64xf32, #tpu.memory_space<vmem>>[vector<16xi32>, vector<16xi32>, vector<16xi32>, vector<16xi32>], vector<16xf32>,
      %mul3A_1985 = arith.mulf %gather3A_1983, %gather3A_1984 : vector<16xf32>
      %add3A_1986 = arith.addf %add3A_1980, %mul3A_1985 : vector<16xf32>
      %broadcast_in_dim3A_1987 = arith.constant 21 : i32
      %broadcast_in_dim3A_1988 = vector.broadcast %broadcast_in_dim3A_1987 : i32 to vector<16xi32>
      %gather3A_1989 = tpu.vector_load_idx %arg6[%broadcast_in_dim3A_1858, %iota3A, %and3A_1842, %broadcast_in_dim3A_1988] : memref<2x16x8x64xf32, #tpu.memory_space<vmem>>[vector<16xi32>, vector<16xi32>, vector<16xi32>, vector<16xi32>], vector<16xf32>,
      %gather3A_1990 = tpu.vector_load_idx %arg7[%broadcast_in_dim3A_1858, %iota3A, %and3A_1856, %broadcast_in_dim3A_1988] : memref<2x16x8x64xf32, #tpu.memory_space<vmem>>[vector<16xi32>, vector<16xi32>, vector<16xi32>, vector<16xi32>], vector<16xf32>,
      %mul3A_1991 = arith.mulf %gather3A_1989, %gather3A_1990 : vector<16xf32>
      %add3A_1992 = arith.addf %add3A_1986, %mul3A_1991 : vector<16xf32>
      %broadcast_in_dim3A_1993 = arith.constant 22 : i32
      %broadcast_in_dim3A_1994 = vector.broadcast %broadcast_in_dim3A_1993 : i32 to vector<16xi32>
      %gather3A_1995 = tpu.vector_load_idx %arg6[%broadcast_in_dim3A_1858, %iota3A, %and3A_1842, %broadcast_in_dim3A_1994] : memref<2x16x8x64xf32, #tpu.memory_space<vmem>>[vector<16xi32>, vector<16xi32>, vector<16xi32>, vector<16xi32>], vector<16xf32>,
      %gather3A_1996 = tpu.vector_load_idx %arg7[%broadcast_in_dim3A_1858, %iota3A, %and3A_1856, %broadcast_in_dim3A_1994] : memref<2x16x8x64xf32, #tpu.memory_space<vmem>>[vector<16xi32>, vector<16xi32>, vector<16xi32>, vector<16xi32>], vector<16xf32>,
      %mul3A_1997 = arith.mulf %gather3A_1995, %gather3A_1996 : vector<16xf32>
      %add3A_1998 = arith.addf %add3A_1992, %mul3A_1997 : vector<16xf32>
      %broadcast_in_dim3A_1999 = arith.constant 23 : i32
      %broadcast_in_dim3A_2000 = vector.broadcast %broadcast_in_dim3A_1999 : i32 to vector<16xi32>
      %gather3A_2001 = tpu.vector_load_idx %arg6[%broadcast_in_dim3A_1858, %iota3A, %and3A_1842, %broadcast_in_dim3A_2000] : memref<2x16x8x64xf32, #tpu.memory_space<vmem>>[vector<16xi32>, vector<16xi32>, vector<16xi32>, vector<16xi32>], vector<16xf32>,
      %gather3A_2002 = tpu.vector_load_idx %arg7[%broadcast_in_dim3A_1858, %iota3A, %and3A_1856, %broadcast_in_dim3A_2000] : memref<2x16x8x64xf32, #tpu.memory_space<vmem>>[vector<16xi32>, vector<16xi32>, vector<16xi32>, vector<16xi32>], vector<16xf32>,
      %mul3A_2003 = arith.mulf %gather3A_2001, %gather3A_2002 : vector<16xf32>
      %add3A_2004 = arith.addf %add3A_1998, %mul3A_2003 : vector<16xf32>
      %broadcast_in_dim3A_2005 = arith.constant 24 : i32
      %broadcast_in_dim3A_2006 = vector.broadcast %broadcast_in_dim3A_2005 : i32 to vector<16xi32>
      %gather3A_2007 = tpu.vector_load_idx %arg6[%broadcast_in_dim3A_1858, %iota3A, %and3A_1842, %broadcast_in_dim3A_2006] : memref<2x16x8x64xf32, #tpu.memory_space<vmem>>[vector<16xi32>, vector<16xi32>, vector<16xi32>, vector<16xi32>], vector<16xf32>,
      %gather3A_2008 = tpu.vector_load_idx %arg7[%broadcast_in_dim3A_1858, %iota3A, %and3A_1856, %broadcast_in_dim3A_2006] : memref<2x16x8x64xf32, #tpu.memory_space<vmem>>[vector<16xi32>, vector<16xi32>, vector<16xi32>, vector<16xi32>], vector<16xf32>,
      %mul3A_2009 = arith.mulf %gather3A_2007, %gather3A_2008 : vector<16xf32>
      %add3A_2010 = arith.addf %add3A_2004, %mul3A_2009 : vector<16xf32>
      %broadcast_in_dim3A_2011 = arith.constant 25 : i32
      %broadcast_in_dim3A_2012 = vector.broadcast %broadcast_in_dim3A_2011 : i32 to vector<16xi32>
      %gather3A_2013 = tpu.vector_load_idx %arg6[%broadcast_in_dim3A_1858, %iota3A, %and3A_1842, %broadcast_in_dim3A_2012] : memref<2x16x8x64xf32, #tpu.memory_space<vmem>>[vector<16xi32>, vector<16xi32>, vector<16xi32>, vector<16xi32>], vector<16xf32>,
      %gather3A_2014 = tpu.vector_load_idx %arg7[%broadcast_in_dim3A_1858, %iota3A, %and3A_1856, %broadcast_in_dim3A_2012] : memref<2x16x8x64xf32, #tpu.memory_space<vmem>>[vector<16xi32>, vector<16xi32>, vector<16xi32>, vector<16xi32>], vector<16xf32>,
      %mul3A_2015 = arith.mulf %gather3A_2013, %gather3A_2014 : vector<16xf32>
      %add3A_2016 = arith.addf %add3A_2010, %mul3A_2015 : vector<16xf32>
      %broadcast_in_dim3A_2017 = arith.constant 26 : i32
      %broadcast_in_dim3A_2018 = vector.broadcast %broadcast_in_dim3A_2017 : i32 to vector<16xi32>
      %gather3A_2019 = tpu.vector_load_idx %arg6[%broadcast_in_dim3A_1858, %iota3A, %and3A_1842, %broadcast_in_dim3A_2018] : memref<2x16x8x64xf32, #tpu.memory_space<vmem>>[vector<16xi32>, vector<16xi32>, vector<16xi32>, vector<16xi32>], vector<16xf32>,
      %gather3A_2020 = tpu.vector_load_idx %arg7[%broadcast_in_dim3A_1858, %iota3A, %and3A_1856, %broadcast_in_dim3A_2018] : memref<2x16x8x64xf32, #tpu.memory_space<vmem>>[vector<16xi32>, vector<16xi32>, vector<16xi32>, vector<16xi32>], vector<16xf32>,
      %mul3A_2021 = arith.mulf %gather3A_2019, %gather3A_2020 : vector<16xf32>
      %add3A_2022 = arith.addf %add3A_2016, %mul3A_2021 : vector<16xf32>
      %broadcast_in_dim3A_2023 = arith.constant 27 : i32
      %broadcast_in_dim3A_2024 = vector.broadcast %broadcast_in_dim3A_2023 : i32 to vector<16xi32>
      %gather3A_2025 = tpu.vector_load_idx %arg6[%broadcast_in_dim3A_1858, %iota3A, %and3A_1842, %broadcast_in_dim3A_2024] : memref<2x16x8x64xf32, #tpu.memory_space<vmem>>[vector<16xi32>, vector<16xi32>, vector<16xi32>, vector<16xi32>], vector<16xf32>,
      %gather3A_2026 = tpu.vector_load_idx %arg7[%broadcast_in_dim3A_1858, %iota3A, %and3A_1856, %broadcast_in_dim3A_2024] : memref<2x16x8x64xf32, #tpu.memory_space<vmem>>[vector<16xi32>, vector<16xi32>, vector<16xi32>, vector<16xi32>], vector<16xf32>,
      %mul3A_2027 = arith.mulf %gather3A_2025, %gather3A_2026 : vector<16xf32>
      %add3A_2028 = arith.addf %add3A_2022, %mul3A_2027 : vector<16xf32>
      %broadcast_in_dim3A_2029 = arith.constant 28 : i32
      %broadcast_in_dim3A_2030 = vector.broadcast %broadcast_in_dim3A_2029 : i32 to vector<16xi32>
      %gather3A_2031 = tpu.vector_load_idx %arg6[%broadcast_in_dim3A_1858, %iota3A, %and3A_1842, %broadcast_in_dim3A_2030] : memref<2x16x8x64xf32, #tpu.memory_space<vmem>>[vector<16xi32>, vector<16xi32>, vector<16xi32>, vector<16xi32>], vector<16xf32>,
      %gather3A_2032 = tpu.vector_load_idx %arg7[%broadcast_in_dim3A_1858, %iota3A, %and3A_1856, %broadcast_in_dim3A_2030] : memref<2x16x8x64xf32, #tpu.memory_space<vmem>>[vector<16xi32>, vector<16xi32>, vector<16xi32>, vector<16xi32>], vector<16xf32>,
      %mul3A_2033 = arith.mulf %gather3A_2031, %gather3A_2032 : vector<16xf32>
      %add3A_2034 = arith.addf %add3A_2028, %mul3A_2033 : vector<16xf32>
      %broadcast_in_dim3A_2035 = arith.constant 29 : i32
      %broadcast_in_dim3A_2036 = vector.broadcast %broadcast_in_dim3A_2035 : i32 to vector<16xi32>
      %gather3A_2037 = tpu.vector_load_idx %arg6[%broadcast_in_dim3A_1858, %iota3A, %and3A_1842, %broadcast_in_dim3A_2036] : memref<2x16x8x64xf32, #tpu.memory_space<vmem>>[vector<16xi32>, vector<16xi32>, vector<16xi32>, vector<16xi32>], vector<16xf32>,
      %gather3A_2038 = tpu.vector_load_idx %arg7[%broadcast_in_dim3A_1858, %iota3A, %and3A_1856, %broadcast_in_dim3A_2036] : memref<2x16x8x64xf32, #tpu.memory_space<vmem>>[vector<16xi32>, vector<16xi32>, vector<16xi32>, vector<16xi32>], vector<16xf32>,
      %mul3A_2039 = arith.mulf %gather3A_2037, %gather3A_2038 : vector<16xf32>
      %add3A_2040 = arith.addf %add3A_2034, %mul3A_2039 : vector<16xf32>
      %broadcast_in_dim3A_2041 = arith.constant 30 : i32
      %broadcast_in_dim3A_2042 = vector.broadcast %broadcast_in_dim3A_2041 : i32 to vector<16xi32>
      %gather3A_2043 = tpu.vector_load_idx %arg6[%broadcast_in_dim3A_1858, %iota3A, %and3A_1842, %broadcast_in_dim3A_2042] : memref<2x16x8x64xf32, #tpu.memory_space<vmem>>[vector<16xi32>, vector<16xi32>, vector<16xi32>, vector<16xi32>], vector<16xf32>,
      %gather3A_2044 = tpu.vector_load_idx %arg7[%broadcast_in_dim3A_1858, %iota3A, %and3A_1856, %broadcast_in_dim3A_2042] : memref<2x16x8x64xf32, #tpu.memory_space<vmem>>[vector<16xi32>, vector<16xi32>, vector<16xi32>, vector<16xi32>], vector<16xf32>,
      %mul3A_2045 = arith.mulf %gather3A_2043, %gather3A_2044 : vector<16xf32>
      %add3A_2046 = arith.addf %add3A_2040, %mul3A_2045 : vector<16xf32>
      %broadcast_in_dim3A_2047 = arith.constant 31 : i32
      %broadcast_in_dim3A_2048 = vector.broadcast %broadcast_in_dim3A_2047 : i32 to vector<16xi32>
      %gather3A_2049 = tpu.vector_load_idx %arg6[%broadcast_in_dim3A_1858, %iota3A, %and3A_1842, %broadcast_in_dim3A_2048] : memref<2x16x8x64xf32, #tpu.memory_space<vmem>>[vector<16xi32>, vector<16xi32>, vector<16xi32>, vector<16xi32>], vector<16xf32>,
      %gather3A_2050 = tpu.vector_load_idx %arg7[%broadcast_in_dim3A_1858, %iota3A, %and3A_1856, %broadcast_in_dim3A_2048] : memref<2x16x8x64xf32, #tpu.memory_space<vmem>>[vector<16xi32>, vector<16xi32>, vector<16xi32>, vector<16xi32>], vector<16xf32>,
      %mul3A_2051 = arith.mulf %gather3A_2049, %gather3A_2050 : vector<16xf32>
      %add3A_2052 = arith.addf %add3A_2046, %mul3A_2051 : vector<16xf32>
      %broadcast_in_dim3A_2053 = arith.constant 32 : i32
      %broadcast_in_dim3A_2054 = vector.broadcast %broadcast_in_dim3A_2053 : i32 to vector<16xi32>
      %gather3A_2055 = tpu.vector_load_idx %arg6[%broadcast_in_dim3A_1858, %iota3A, %and3A_1842, %broadcast_in_dim3A_2054] : memref<2x16x8x64xf32, #tpu.memory_space<vmem>>[vector<16xi32>, vector<16xi32>, vector<16xi32>, vector<16xi32>], vector<16xf32>,
      %gather3A_2056 = tpu.vector_load_idx %arg7[%broadcast_in_dim3A_1858, %iota3A, %and3A_1856, %broadcast_in_dim3A_2054] : memref<2x16x8x64xf32, #tpu.memory_space<vmem>>[vector<16xi32>, vector<16xi32>, vector<16xi32>, vector<16xi32>], vector<16xf32>,
      %mul3A_2057 = arith.mulf %gather3A_2055, %gather3A_2056 : vector<16xf32>
      %add3A_2058 = arith.addf %add3A_2052, %mul3A_2057 : vector<16xf32>
      %broadcast_in_dim3A_2059 = arith.constant 33 : i32
      %broadcast_in_dim3A_2060 = vector.broadcast %broadcast_in_dim3A_2059 : i32 to vector<16xi32>
      %gather3A_2061 = tpu.vector_load_idx %arg6[%broadcast_in_dim3A_1858, %iota3A, %and3A_1842, %broadcast_in_dim3A_2060] : memref<2x16x8x64xf32, #tpu.memory_space<vmem>>[vector<16xi32>, vector<16xi32>, vector<16xi32>, vector<16xi32>], vector<16xf32>,
      %gather3A_2062 = tpu.vector_load_idx %arg7[%broadcast_in_dim3A_1858, %iota3A, %and3A_1856, %broadcast_in_dim3A_2060] : memref<2x16x8x64xf32, #tpu.memory_space<vmem>>[vector<16xi32>, vector<16xi32>, vector<16xi32>, vector<16xi32>], vector<16xf32>,
      %mul3A_2063 = arith.mulf %gather3A_2061, %gather3A_2062 : vector<16xf32>
      %add3A_2064 = arith.addf %add3A_2058, %mul3A_2063 : vector<16xf32>
      %broadcast_in_dim3A_2065 = arith.constant 34 : i32
      %broadcast_in_dim3A_2066 = vector.broadcast %broadcast_in_dim3A_2065 : i32 to vector<16xi32>
      %gather3A_2067 = tpu.vector_load_idx %arg6[%broadcast_in_dim3A_1858, %iota3A, %and3A_1842, %broadcast_in_dim3A_2066] : memref<2x16x8x64xf32, #tpu.memory_space<vmem>>[vector<16xi32>, vector<16xi32>, vector<16xi32>, vector<16xi32>], vector<16xf32>,
      %gather3A_2068 = tpu.vector_load_idx %arg7[%broadcast_in_dim3A_1858, %iota3A, %and3A_1856, %broadcast_in_dim3A_2066] : memref<2x16x8x64xf32, #tpu.memory_space<vmem>>[vector<16xi32>, vector<16xi32>, vector<16xi32>, vector<16xi32>], vector<16xf32>,
      %mul3A_2069 = arith.mulf %gather3A_2067, %gather3A_2068 : vector<16xf32>
      %add3A_2070 = arith.addf %add3A_2064, %mul3A_2069 : vector<16xf32>
      %broadcast_in_dim3A_2071 = arith.constant 35 : i32
      %broadcast_in_dim3A_2072 = vector.broadcast %broadcast_in_dim3A_2071 : i32 to vector<16xi32>
      %gather3A_2073 = tpu.vector_load_idx %arg6[%broadcast_in_dim3A_1858, %iota3A, %and3A_1842, %broadcast_in_dim3A_2072] : memref<2x16x8x64xf32, #tpu.memory_space<vmem>>[vector<16xi32>, vector<16xi32>, vector<16xi32>, vector<16xi32>], vector<16xf32>,
      %gather3A_2074 = tpu.vector_load_idx %arg7[%broadcast_in_dim3A_1858, %iota3A, %and3A_1856, %broadcast_in_dim3A_2072] : memref<2x16x8x64xf32, #tpu.memory_space<vmem>>[vector<16xi32>, vector<16xi32>, vector<16xi32>, vector<16xi32>], vector<16xf32>,
      %mul3A_2075 = arith.mulf %gather3A_2073, %gather3A_2074 : vector<16xf32>
      %add3A_2076 = arith.addf %add3A_2070, %mul3A_2075 : vector<16xf32>
      %broadcast_in_dim3A_2077 = arith.constant 36 : i32
      %broadcast_in_dim3A_2078 = vector.broadcast %broadcast_in_dim3A_2077 : i32 to vector<16xi32>
      %gather3A_2079 = tpu.vector_load_idx %arg6[%broadcast_in_dim3A_1858, %iota3A, %and3A_1842, %broadcast_in_dim3A_2078] : memref<2x16x8x64xf32, #tpu.memory_space<vmem>>[vector<16xi32>, vector<16xi32>, vector<16xi32>, vector<16xi32>], vector<16xf32>,
      %gather3A_2080 = tpu.vector_load_idx %arg7[%broadcast_in_dim3A_1858, %iota3A, %and3A_1856, %broadcast_in_dim3A_2078] : memref<2x16x8x64xf32, #tpu.memory_space<vmem>>[vector<16xi32>, vector<16xi32>, vector<16xi32>, vector<16xi32>], vector<16xf32>,
      %mul3A_2081 = arith.mulf %gather3A_2079, %gather3A_2080 : vector<16xf32>
      %add3A_2082 = arith.addf %add3A_2076, %mul3A_2081 : vector<16xf32>
      %broadcast_in_dim3A_2083 = arith.constant 37 : i32
      %broadcast_in_dim3A_2084 = vector.broadcast %broadcast_in_dim3A_2083 : i32 to vector<16xi32>
      %gather3A_2085 = tpu.vector_load_idx %arg6[%broadcast_in_dim3A_1858, %iota3A, %and3A_1842, %broadcast_in_dim3A_2084] : memref<2x16x8x64xf32, #tpu.memory_space<vmem>>[vector<16xi32>, vector<16xi32>, vector<16xi32>, vector<16xi32>], vector<16xf32>,
      %gather3A_2086 = tpu.vector_load_idx %arg7[%broadcast_in_dim3A_1858, %iota3A, %and3A_1856, %broadcast_in_dim3A_2084] : memref<2x16x8x64xf32, #tpu.memory_space<vmem>>[vector<16xi32>, vector<16xi32>, vector<16xi32>, vector<16xi32>], vector<16xf32>,
      %mul3A_2087 = arith.mulf %gather3A_2085, %gather3A_2086 : vector<16xf32>
      %add3A_2088 = arith.addf %add3A_2082, %mul3A_2087 : vector<16xf32>
      %broadcast_in_dim3A_2089 = arith.constant 38 : i32
      %broadcast_in_dim3A_2090 = vector.broadcast %broadcast_in_dim3A_2089 : i32 to vector<16xi32>
      %gather3A_2091 = tpu.vector_load_idx %arg6[%broadcast_in_dim3A_1858, %iota3A, %and3A_1842, %broadcast_in_dim3A_2090] : memref<2x16x8x64xf32, #tpu.memory_space<vmem>>[vector<16xi32>, vector<16xi32>, vector<16xi32>, vector<16xi32>], vector<16xf32>,
      %gather3A_2092 = tpu.vector_load_idx %arg7[%broadcast_in_dim3A_1858, %iota3A, %and3A_1856, %broadcast_in_dim3A_2090] : memref<2x16x8x64xf32, #tpu.memory_space<vmem>>[vector<16xi32>, vector<16xi32>, vector<16xi32>, vector<16xi32>], vector<16xf32>,
      %mul3A_2093 = arith.mulf %gather3A_2091, %gather3A_2092 : vector<16xf32>
      %add3A_2094 = arith.addf %add3A_2088, %mul3A_2093 : vector<16xf32>
      %broadcast_in_dim3A_2095 = arith.constant 39 : i32
      %broadcast_in_dim3A_2096 = vector.broadcast %broadcast_in_dim3A_2095 : i32 to vector<16xi32>
      %gather3A_2097 = tpu.vector_load_idx %arg6[%broadcast_in_dim3A_1858, %iota3A, %and3A_1842, %broadcast_in_dim3A_2096] : memref<2x16x8x64xf32, #tpu.memory_space<vmem>>[vector<16xi32>, vector<16xi32>, vector<16xi32>, vector<16xi32>], vector<16xf32>,
      %gather3A_2098 = tpu.vector_load_idx %arg7[%broadcast_in_dim3A_1858, %iota3A, %and3A_1856, %broadcast_in_dim3A_2096] : memref<2x16x8x64xf32, #tpu.memory_space<vmem>>[vector<16xi32>, vector<16xi32>, vector<16xi32>, vector<16xi32>], vector<16xf32>,
      %mul3A_2099 = arith.mulf %gather3A_2097, %gather3A_2098 : vector<16xf32>
      %add3A_2100 = arith.addf %add3A_2094, %mul3A_2099 : vector<16xf32>
      %broadcast_in_dim3A_2101 = arith.constant 40 : i32
      %broadcast_in_dim3A_2102 = vector.broadcast %broadcast_in_dim3A_2101 : i32 to vector<16xi32>
      %gather3A_2103 = tpu.vector_load_idx %arg6[%broadcast_in_dim3A_1858, %iota3A, %and3A_1842, %broadcast_in_dim3A_2102] : memref<2x16x8x64xf32, #tpu.memory_space<vmem>>[vector<16xi32>, vector<16xi32>, vector<16xi32>, vector<16xi32>], vector<16xf32>,
      %gather3A_2104 = tpu.vector_load_idx %arg7[%broadcast_in_dim3A_1858, %iota3A, %and3A_1856, %broadcast_in_dim3A_2102] : memref<2x16x8x64xf32, #tpu.memory_space<vmem>>[vector<16xi32>, vector<16xi32>, vector<16xi32>, vector<16xi32>], vector<16xf32>,
      %mul3A_2105 = arith.mulf %gather3A_2103, %gather3A_2104 : vector<16xf32>
      %add3A_2106 = arith.addf %add3A_2100, %mul3A_2105 : vector<16xf32>
      %broadcast_in_dim3A_2107 = arith.constant 41 : i32
      %broadcast_in_dim3A_2108 = vector.broadcast %broadcast_in_dim3A_2107 : i32 to vector<16xi32>
      %gather3A_2109 = tpu.vector_load_idx %arg6[%broadcast_in_dim3A_1858, %iota3A, %and3A_1842, %broadcast_in_dim3A_2108] : memref<2x16x8x64xf32, #tpu.memory_space<vmem>>[vector<16xi32>, vector<16xi32>, vector<16xi32>, vector<16xi32>], vector<16xf32>,
      %gather3A_2110 = tpu.vector_load_idx %arg7[%broadcast_in_dim3A_1858, %iota3A, %and3A_1856, %broadcast_in_dim3A_2108] : memref<2x16x8x64xf32, #tpu.memory_space<vmem>>[vector<16xi32>, vector<16xi32>, vector<16xi32>, vector<16xi32>], vector<16xf32>,
      %mul3A_2111 = arith.mulf %gather3A_2109, %gather3A_2110 : vector<16xf32>
      %add3A_2112 = arith.addf %add3A_2106, %mul3A_2111 : vector<16xf32>
      %broadcast_in_dim3A_2113 = arith.constant 42 : i32
      %broadcast_in_dim3A_2114 = vector.broadcast %broadcast_in_dim3A_2113 : i32 to vector<16xi32>
      %gather3A_2115 = tpu.vector_load_idx %arg6[%broadcast_in_dim3A_1858, %iota3A, %and3A_1842, %broadcast_in_dim3A_2114] : memref<2x16x8x64xf32, #tpu.memory_space<vmem>>[vector<16xi32>, vector<16xi32>, vector<16xi32>, vector<16xi32>], vector<16xf32>,
      %gather3A_2116 = tpu.vector_load_idx %arg7[%broadcast_in_dim3A_1858, %iota3A, %and3A_1856, %broadcast_in_dim3A_2114] : memref<2x16x8x64xf32, #tpu.memory_space<vmem>>[vector<16xi32>, vector<16xi32>, vector<16xi32>, vector<16xi32>], vector<16xf32>,
      %mul3A_2117 = arith.mulf %gather3A_2115, %gather3A_2116 : vector<16xf32>
      %add3A_2118 = arith.addf %add3A_2112, %mul3A_2117 : vector<16xf32>
      %broadcast_in_dim3A_2119 = arith.constant 43 : i32
      %broadcast_in_dim3A_2120 = vector.broadcast %broadcast_in_dim3A_2119 : i32 to vector<16xi32>
      %gather3A_2121 = tpu.vector_load_idx %arg6[%broadcast_in_dim3A_1858, %iota3A, %and3A_1842, %broadcast_in_dim3A_2120] : memref<2x16x8x64xf32, #tpu.memory_space<vmem>>[vector<16xi32>, vector<16xi32>, vector<16xi32>, vector<16xi32>], vector<16xf32>,
      %gather3A_2122 = tpu.vector_load_idx %arg7[%broadcast_in_dim3A_1858, %iota3A, %and3A_1856, %broadcast_in_dim3A_2120] : memref<2x16x8x64xf32, #tpu.memory_space<vmem>>[vector<16xi32>, vector<16xi32>, vector<16xi32>, vector<16xi32>], vector<16xf32>,
      %mul3A_2123 = arith.mulf %gather3A_2121, %gather3A_2122 : vector<16xf32>
      %add3A_2124 = arith.addf %add3A_2118, %mul3A_2123 : vector<16xf32>
      %broadcast_in_dim3A_2125 = arith.constant 44 : i32
      %broadcast_in_dim3A_2126 = vector.broadcast %broadcast_in_dim3A_2125 : i32 to vector<16xi32>
      %gather3A_2127 = tpu.vector_load_idx %arg6[%broadcast_in_dim3A_1858, %iota3A, %and3A_1842, %broadcast_in_dim3A_2126] : memref<2x16x8x64xf32, #tpu.memory_space<vmem>>[vector<16xi32>, vector<16xi32>, vector<16xi32>, vector<16xi32>], vector<16xf32>,
      %gather3A_2128 = tpu.vector_load_idx %arg7[%broadcast_in_dim3A_1858, %iota3A, %and3A_1856, %broadcast_in_dim3A_2126] : memref<2x16x8x64xf32, #tpu.memory_space<vmem>>[vector<16xi32>, vector<16xi32>, vector<16xi32>, vector<16xi32>], vector<16xf32>,
      %mul3A_2129 = arith.mulf %gather3A_2127, %gather3A_2128 : vector<16xf32>
      %add3A_2130 = arith.addf %add3A_2124, %mul3A_2129 : vector<16xf32>
      %broadcast_in_dim3A_2131 = arith.constant 45 : i32
      %broadcast_in_dim3A_2132 = vector.broadcast %broadcast_in_dim3A_2131 : i32 to vector<16xi32>
      %gather3A_2133 = tpu.vector_load_idx %arg6[%broadcast_in_dim3A_1858, %iota3A, %and3A_1842, %broadcast_in_dim3A_2132] : memref<2x16x8x64xf32, #tpu.memory_space<vmem>>[vector<16xi32>, vector<16xi32>, vector<16xi32>, vector<16xi32>], vector<16xf32>,
      %gather3A_2134 = tpu.vector_load_idx %arg7[%broadcast_in_dim3A_1858, %iota3A, %and3A_1856, %broadcast_in_dim3A_2132] : memref<2x16x8x64xf32, #tpu.memory_space<vmem>>[vector<16xi32>, vector<16xi32>, vector<16xi32>, vector<16xi32>], vector<16xf32>,
      %mul3A_2135 = arith.mulf %gather3A_2133, %gather3A_2134 : vector<16xf32>
      %add3A_2136 = arith.addf %add3A_2130, %mul3A_2135 : vector<16xf32>
      %broadcast_in_dim3A_2137 = arith.constant 46 : i32
      %broadcast_in_dim3A_2138 = vector.broadcast %broadcast_in_dim3A_2137 : i32 to vector<16xi32>
      %gather3A_2139 = tpu.vector_load_idx %arg6[%broadcast_in_dim3A_1858, %iota3A, %and3A_1842, %broadcast_in_dim3A_2138] : memref<2x16x8x64xf32, #tpu.memory_space<vmem>>[vector<16xi32>, vector<16xi32>, vector<16xi32>, vector<16xi32>], vector<16xf32>,
      %gather3A_2140 = tpu.vector_load_idx %arg7[%broadcast_in_dim3A_1858, %iota3A, %and3A_1856, %broadcast_in_dim3A_2138] : memref<2x16x8x64xf32, #tpu.memory_space<vmem>>[vector<16xi32>, vector<16xi32>, vector<16xi32>, vector<16xi32>], vector<16xf32>,
      %mul3A_2141 = arith.mulf %gather3A_2139, %gather3A_2140 : vector<16xf32>
      %add3A_2142 = arith.addf %add3A_2136, %mul3A_2141 : vector<16xf32>
      %broadcast_in_dim3A_2143 = arith.constant 47 : i32
      %broadcast_in_dim3A_2144 = vector.broadcast %broadcast_in_dim3A_2143 : i32 to vector<16xi32>
      %gather3A_2145 = tpu.vector_load_idx %arg6[%broadcast_in_dim3A_1858, %iota3A, %and3A_1842, %broadcast_in_dim3A_2144] : memref<2x16x8x64xf32, #tpu.memory_space<vmem>>[vector<16xi32>, vector<16xi32>, vector<16xi32>, vector<16xi32>], vector<16xf32>,
      %gather3A_2146 = tpu.vector_load_idx %arg7[%broadcast_in_dim3A_1858, %iota3A, %and3A_1856, %broadcast_in_dim3A_2144] : memref<2x16x8x64xf32, #tpu.memory_space<vmem>>[vector<16xi32>, vector<16xi32>, vector<16xi32>, vector<16xi32>], vector<16xf32>,
      %mul3A_2147 = arith.mulf %gather3A_2145, %gather3A_2146 : vector<16xf32>
      %add3A_2148 = arith.addf %add3A_2142, %mul3A_2147 : vector<16xf32>
      %broadcast_in_dim3A_2149 = arith.constant 48 : i32
      %broadcast_in_dim3A_2150 = vector.broadcast %broadcast_in_dim3A_2149 : i32 to vector<16xi32>
      %gather3A_2151 = tpu.vector_load_idx %arg6[%broadcast_in_dim3A_1858, %iota3A, %and3A_1842, %broadcast_in_dim3A_2150] : memref<2x16x8x64xf32, #tpu.memory_space<vmem>>[vector<16xi32>, vector<16xi32>, vector<16xi32>, vector<16xi32>], vector<16xf32>,
      %gather3A_2152 = tpu.vector_load_idx %arg7[%broadcast_in_dim3A_1858, %iota3A, %and3A_1856, %broadcast_in_dim3A_2150] : memref<2x16x8x64xf32, #tpu.memory_space<vmem>>[vector<16xi32>, vector<16xi32>, vector<16xi32>, vector<16xi32>], vector<16xf32>,
      %mul3A_2153 = arith.mulf %gather3A_2151, %gather3A_2152 : vector<16xf32>
      %add3A_2154 = arith.addf %add3A_2148, %mul3A_2153 : vector<16xf32>
      %broadcast_in_dim3A_2155 = arith.constant 49 : i32
      %broadcast_in_dim3A_2156 = vector.broadcast %broadcast_in_dim3A_2155 : i32 to vector<16xi32>
      %gather3A_2157 = tpu.vector_load_idx %arg6[%broadcast_in_dim3A_1858, %iota3A, %and3A_1842, %broadcast_in_dim3A_2156] : memref<2x16x8x64xf32, #tpu.memory_space<vmem>>[vector<16xi32>, vector<16xi32>, vector<16xi32>, vector<16xi32>], vector<16xf32>,
      %gather3A_2158 = tpu.vector_load_idx %arg7[%broadcast_in_dim3A_1858, %iota3A, %and3A_1856, %broadcast_in_dim3A_2156] : memref<2x16x8x64xf32, #tpu.memory_space<vmem>>[vector<16xi32>, vector<16xi32>, vector<16xi32>, vector<16xi32>], vector<16xf32>,
      %mul3A_2159 = arith.mulf %gather3A_2157, %gather3A_2158 : vector<16xf32>
      %add3A_2160 = arith.addf %add3A_2154, %mul3A_2159 : vector<16xf32>
      %broadcast_in_dim3A_2161 = arith.constant 50 : i32
      %broadcast_in_dim3A_2162 = vector.broadcast %broadcast_in_dim3A_2161 : i32 to vector<16xi32>
      %gather3A_2163 = tpu.vector_load_idx %arg6[%broadcast_in_dim3A_1858, %iota3A, %and3A_1842, %broadcast_in_dim3A_2162] : memref<2x16x8x64xf32, #tpu.memory_space<vmem>>[vector<16xi32>, vector<16xi32>, vector<16xi32>, vector<16xi32>], vector<16xf32>,
      %gather3A_2164 = tpu.vector_load_idx %arg7[%broadcast_in_dim3A_1858, %iota3A, %and3A_1856, %broadcast_in_dim3A_2162] : memref<2x16x8x64xf32, #tpu.memory_space<vmem>>[vector<16xi32>, vector<16xi32>, vector<16xi32>, vector<16xi32>], vector<16xf32>,
      %mul3A_2165 = arith.mulf %gather3A_2163, %gather3A_2164 : vector<16xf32>
      %add3A_2166 = arith.addf %add3A_2160, %mul3A_2165 : vector<16xf32>
      %broadcast_in_dim3A_2167 = arith.constant 51 : i32
      %broadcast_in_dim3A_2168 = vector.broadcast %broadcast_in_dim3A_2167 : i32 to vector<16xi32>
      %gather3A_2169 = tpu.vector_load_idx %arg6[%broadcast_in_dim3A_1858, %iota3A, %and3A_1842, %broadcast_in_dim3A_2168] : memref<2x16x8x64xf32, #tpu.memory_space<vmem>>[vector<16xi32>, vector<16xi32>, vector<16xi32>, vector<16xi32>], vector<16xf32>,
      %gather3A_2170 = tpu.vector_load_idx %arg7[%broadcast_in_dim3A_1858, %iota3A, %and3A_1856, %broadcast_in_dim3A_2168] : memref<2x16x8x64xf32, #tpu.memory_space<vmem>>[vector<16xi32>, vector<16xi32>, vector<16xi32>, vector<16xi32>], vector<16xf32>,
      %mul3A_2171 = arith.mulf %gather3A_2169, %gather3A_2170 : vector<16xf32>
      %add3A_2172 = arith.addf %add3A_2166, %mul3A_2171 : vector<16xf32>
      %broadcast_in_dim3A_2173 = arith.constant 52 : i32
      %broadcast_in_dim3A_2174 = vector.broadcast %broadcast_in_dim3A_2173 : i32 to vector<16xi32>
      %gather3A_2175 = tpu.vector_load_idx %arg6[%broadcast_in_dim3A_1858, %iota3A, %and3A_1842, %broadcast_in_dim3A_2174] : memref<2x16x8x64xf32, #tpu.memory_space<vmem>>[vector<16xi32>, vector<16xi32>, vector<16xi32>, vector<16xi32>], vector<16xf32>,
      %gather3A_2176 = tpu.vector_load_idx %arg7[%broadcast_in_dim3A_1858, %iota3A, %and3A_1856, %broadcast_in_dim3A_2174] : memref<2x16x8x64xf32, #tpu.memory_space<vmem>>[vector<16xi32>, vector<16xi32>, vector<16xi32>, vector<16xi32>], vector<16xf32>,
      %mul3A_2177 = arith.mulf %gather3A_2175, %gather3A_2176 : vector<16xf32>
      %add3A_2178 = arith.addf %add3A_2172, %mul3A_2177 : vector<16xf32>
      %broadcast_in_dim3A_2179 = arith.constant 53 : i32
      %broadcast_in_dim3A_2180 = vector.broadcast %broadcast_in_dim3A_2179 : i32 to vector<16xi32>
      %gather3A_2181 = tpu.vector_load_idx %arg6[%broadcast_in_dim3A_1858, %iota3A, %and3A_1842, %broadcast_in_dim3A_2180] : memref<2x16x8x64xf32, #tpu.memory_space<vmem>>[vector<16xi32>, vector<16xi32>, vector<16xi32>, vector<16xi32>], vector<16xf32>,
      %gather3A_2182 = tpu.vector_load_idx %arg7[%broadcast_in_dim3A_1858, %iota3A, %and3A_1856, %broadcast_in_dim3A_2180] : memref<2x16x8x64xf32, #tpu.memory_space<vmem>>[vector<16xi32>, vector<16xi32>, vector<16xi32>, vector<16xi32>], vector<16xf32>,
      %mul3A_2183 = arith.mulf %gather3A_2181, %gather3A_2182 : vector<16xf32>
      %add3A_2184 = arith.addf %add3A_2178, %mul3A_2183 : vector<16xf32>
      %broadcast_in_dim3A_2185 = arith.constant 54 : i32
      %broadcast_in_dim3A_2186 = vector.broadcast %broadcast_in_dim3A_2185 : i32 to vector<16xi32>
      %gather3A_2187 = tpu.vector_load_idx %arg6[%broadcast_in_dim3A_1858, %iota3A, %and3A_1842, %broadcast_in_dim3A_2186] : memref<2x16x8x64xf32, #tpu.memory_space<vmem>>[vector<16xi32>, vector<16xi32>, vector<16xi32>, vector<16xi32>], vector<16xf32>,
      %gather3A_2188 = tpu.vector_load_idx %arg7[%broadcast_in_dim3A_1858, %iota3A, %and3A_1856, %broadcast_in_dim3A_2186] : memref<2x16x8x64xf32, #tpu.memory_space<vmem>>[vector<16xi32>, vector<16xi32>, vector<16xi32>, vector<16xi32>], vector<16xf32>,
      %mul3A_2189 = arith.mulf %gather3A_2187, %gather3A_2188 : vector<16xf32>
      %add3A_2190 = arith.addf %add3A_2184, %mul3A_2189 : vector<16xf32>
      %broadcast_in_dim3A_2191 = arith.constant 55 : i32
      %broadcast_in_dim3A_2192 = vector.broadcast %broadcast_in_dim3A_2191 : i32 to vector<16xi32>
      %gather3A_2193 = tpu.vector_load_idx %arg6[%broadcast_in_dim3A_1858, %iota3A, %and3A_1842, %broadcast_in_dim3A_2192] : memref<2x16x8x64xf32, #tpu.memory_space<vmem>>[vector<16xi32>, vector<16xi32>, vector<16xi32>, vector<16xi32>], vector<16xf32>,
      %gather3A_2194 = tpu.vector_load_idx %arg7[%broadcast_in_dim3A_1858, %iota3A, %and3A_1856, %broadcast_in_dim3A_2192] : memref<2x16x8x64xf32, #tpu.memory_space<vmem>>[vector<16xi32>, vector<16xi32>, vector<16xi32>, vector<16xi32>], vector<16xf32>,
      %mul3A_2195 = arith.mulf %gather3A_2193, %gather3A_2194 : vector<16xf32>
      %add3A_2196 = arith.addf %add3A_2190, %mul3A_2195 : vector<16xf32>
      %broadcast_in_dim3A_2197 = arith.constant 56 : i32
      %broadcast_in_dim3A_2198 = vector.broadcast %broadcast_in_dim3A_2197 : i32 to vector<16xi32>
      %gather3A_2199 = tpu.vector_load_idx %arg6[%broadcast_in_dim3A_1858, %iota3A, %and3A_1842, %broadcast_in_dim3A_2198] : memref<2x16x8x64xf32, #tpu.memory_space<vmem>>[vector<16xi32>, vector<16xi32>, vector<16xi32>, vector<16xi32>], vector<16xf32>,
      %gather3A_2200 = tpu.vector_load_idx %arg7[%broadcast_in_dim3A_1858, %iota3A, %and3A_1856, %broadcast_in_dim3A_2198] : memref<2x16x8x64xf32, #tpu.memory_space<vmem>>[vector<16xi32>, vector<16xi32>, vector<16xi32>, vector<16xi32>], vector<16xf32>,
      %mul3A_2201 = arith.mulf %gather3A_2199, %gather3A_2200 : vector<16xf32>
      %add3A_2202 = arith.addf %add3A_2196, %mul3A_2201 : vector<16xf32>
      %broadcast_in_dim3A_2203 = arith.constant 57 : i32
      %broadcast_in_dim3A_2204 = vector.broadcast %broadcast_in_dim3A_2203 : i32 to vector<16xi32>
      %gather3A_2205 = tpu.vector_load_idx %arg6[%broadcast_in_dim3A_1858, %iota3A, %and3A_1842, %broadcast_in_dim3A_2204] : memref<2x16x8x64xf32, #tpu.memory_space<vmem>>[vector<16xi32>, vector<16xi32>, vector<16xi32>, vector<16xi32>], vector<16xf32>,
      %gather3A_2206 = tpu.vector_load_idx %arg7[%broadcast_in_dim3A_1858, %iota3A, %and3A_1856, %broadcast_in_dim3A_2204] : memref<2x16x8x64xf32, #tpu.memory_space<vmem>>[vector<16xi32>, vector<16xi32>, vector<16xi32>, vector<16xi32>], vector<16xf32>,
      %mul3A_2207 = arith.mulf %gather3A_2205, %gather3A_2206 : vector<16xf32>
      %add3A_2208 = arith.addf %add3A_2202, %mul3A_2207 : vector<16xf32>
      %broadcast_in_dim3A_2209 = arith.constant 58 : i32
      %broadcast_in_dim3A_2210 = vector.broadcast %broadcast_in_dim3A_2209 : i32 to vector<16xi32>
      %gather3A_2211 = tpu.vector_load_idx %arg6[%broadcast_in_dim3A_1858, %iota3A, %and3A_1842, %broadcast_in_dim3A_2210] : memref<2x16x8x64xf32, #tpu.memory_space<vmem>>[vector<16xi32>, vector<16xi32>, vector<16xi32>, vector<16xi32>], vector<16xf32>,
      %gather3A_2212 = tpu.vector_load_idx %arg7[%broadcast_in_dim3A_1858, %iota3A, %and3A_1856, %broadcast_in_dim3A_2210] : memref<2x16x8x64xf32, #tpu.memory_space<vmem>>[vector<16xi32>, vector<16xi32>, vector<16xi32>, vector<16xi32>], vector<16xf32>,
      %mul3A_2213 = arith.mulf %gather3A_2211, %gather3A_2212 : vector<16xf32>
      %add3A_2214 = arith.addf %add3A_2208, %mul3A_2213 : vector<16xf32>
      %broadcast_in_dim3A_2215 = arith.constant 59 : i32
      %broadcast_in_dim3A_2216 = vector.broadcast %broadcast_in_dim3A_2215 : i32 to vector<16xi32>
      %gather3A_2217 = tpu.vector_load_idx %arg6[%broadcast_in_dim3A_1858, %iota3A, %and3A_1842, %broadcast_in_dim3A_2216] : memref<2x16x8x64xf32, #tpu.memory_space<vmem>>[vector<16xi32>, vector<16xi32>, vector<16xi32>, vector<16xi32>], vector<16xf32>,
      %gather3A_2218 = tpu.vector_load_idx %arg7[%broadcast_in_dim3A_1858, %iota3A, %and3A_1856, %broadcast_in_dim3A_2216] : memref<2x16x8x64xf32, #tpu.memory_space<vmem>>[vector<16xi32>, vector<16xi32>, vector<16xi32>, vector<16xi32>], vector<16xf32>,
      %mul3A_2219 = arith.mulf %gather3A_2217, %gather3A_2218 : vector<16xf32>
      %add3A_2220 = arith.addf %add3A_2214, %mul3A_2219 : vector<16xf32>
      %broadcast_in_dim3A_2221 = arith.constant 60 : i32
      %broadcast_in_dim3A_2222 = vector.broadcast %broadcast_in_dim3A_2221 : i32 to vector<16xi32>
      %gather3A_2223 = tpu.vector_load_idx %arg6[%broadcast_in_dim3A_1858, %iota3A, %and3A_1842, %broadcast_in_dim3A_2222] : memref<2x16x8x64xf32, #tpu.memory_space<vmem>>[vector<16xi32>, vector<16xi32>, vector<16xi32>, vector<16xi32>], vector<16xf32>,
      %gather3A_2224 = tpu.vector_load_idx %arg7[%broadcast_in_dim3A_1858, %iota3A, %and3A_1856, %broadcast_in_dim3A_2222] : memref<2x16x8x64xf32, #tpu.memory_space<vmem>>[vector<16xi32>, vector<16xi32>, vector<16xi32>, vector<16xi32>], vector<16xf32>,
      %mul3A_2225 = arith.mulf %gather3A_2223, %gather3A_2224 : vector<16xf32>
      %add3A_2226 = arith.addf %add3A_2220, %mul3A_2225 : vector<16xf32>
      %broadcast_in_dim3A_2227 = arith.constant 61 : i32
      %broadcast_in_dim3A_2228 = vector.broadcast %broadcast_in_dim3A_2227 : i32 to vector<16xi32>
      %gather3A_2229 = tpu.vector_load_idx %arg6[%broadcast_in_dim3A_1858, %iota3A, %and3A_1842, %broadcast_in_dim3A_2228] : memref<2x16x8x64xf32, #tpu.memory_space<vmem>>[vector<16xi32>, vector<16xi32>, vector<16xi32>, vector<16xi32>], vector<16xf32>,
      %gather3A_2230 = tpu.vector_load_idx %arg7[%broadcast_in_dim3A_1858, %iota3A, %and3A_1856, %broadcast_in_dim3A_2228] : memref<2x16x8x64xf32, #tpu.memory_space<vmem>>[vector<16xi32>, vector<16xi32>, vector<16xi32>, vector<16xi32>], vector<16xf32>,
      %mul3A_2231 = arith.mulf %gather3A_2229, %gather3A_2230 : vector<16xf32>
      %add3A_2232 = arith.addf %add3A_2226, %mul3A_2231 : vector<16xf32>
      %broadcast_in_dim3A_2233 = arith.constant 62 : i32
      %broadcast_in_dim3A_2234 = vector.broadcast %broadcast_in_dim3A_2233 : i32 to vector<16xi32>
      %gather3A_2235 = tpu.vector_load_idx %arg6[%broadcast_in_dim3A_1858, %iota3A, %and3A_1842, %broadcast_in_dim3A_2234] : memref<2x16x8x64xf32, #tpu.memory_space<vmem>>[vector<16xi32>, vector<16xi32>, vector<16xi32>, vector<16xi32>], vector<16xf32>,
      %gather3A_2236 = tpu.vector_load_idx %arg7[%broadcast_in_dim3A_1858, %iota3A, %and3A_1856, %broadcast_in_dim3A_2234] : memref<2x16x8x64xf32, #tpu.memory_space<vmem>>[vector<16xi32>, vector<16xi32>, vector<16xi32>, vector<16xi32>], vector<16xf32>,
      %mul3A_2237 = arith.mulf %gather3A_2235, %gather3A_2236 : vector<16xf32>
      %add3A_2238 = arith.addf %add3A_2232, %mul3A_2237 : vector<16xf32>
      %broadcast_in_dim3A_2239 = arith.constant 63 : i32
      %broadcast_in_dim3A_2240 = vector.broadcast %broadcast_in_dim3A_2239 : i32 to vector<16xi32>
      %gather3A_2241 = tpu.vector_load_idx %arg6[%broadcast_in_dim3A_1858, %iota3A, %and3A_1842, %broadcast_in_dim3A_2240] : memref<2x16x8x64xf32, #tpu.memory_space<vmem>>[vector<16xi32>, vector<16xi32>, vector<16xi32>, vector<16xi32>], vector<16xf32>,
      %gather3A_2242 = tpu.vector_load_idx %arg7[%broadcast_in_dim3A_1858, %iota3A, %and3A_1856, %broadcast_in_dim3A_2240] : memref<2x16x8x64xf32, #tpu.memory_space<vmem>>[vector<16xi32>, vector<16xi32>, vector<16xi32>, vector<16xi32>], vector<16xf32>,
      %mul3A_2243 = arith.mulf %gather3A_2241, %gather3A_2242 : vector<16xf32>
      %add3A_2244 = arith.addf %add3A_2238, %mul3A_2243 : vector<16xf32>
      %mul3A_2245 = arith.constant 16 : i32
      %mul3A_2246 = arith.muli %add3A_1788, %mul3A_2245 : i32
      %swap3A_2247 = arith.index_cast %mul3A_2246 : i32 to index
      %swap3A_2248 = tpu.vector_load %arg8[%swap3A_2247] {strides = array<i32>} : memref<512xf32, #tpu.memory_space<vmem>>, vector<16xf32>,
      tpu.vector_store %arg8[%swap3A_2247], %add3A_2244 {strides = array<i32>} : memref<512xf32, #tpu.memory_space<vmem>>, vector<16xf32>,
    }
    %scan3A_656 = arith.constant 16 : i32
    "tpu.region"() ({
      %run_scoped3A = tpu.sem_alloc : memref<!tpu.dma_semaphore, #tpu.memory_space<semaphore_mem>>
      %dma_start3A_657 = tpu.memref_slice %arg4[%mul3A_2] : memref<16384xf32, #tpu.memory_space<hbm>> -> memref<512xf32, #tpu.memory_space<hbm>>
      %dma_start3A_658 = tpu.memref_slice %arg4[%mul3A_2] : memref<16384xf32, #tpu.memory_space<hbm>> -> memref<512xf32, #tpu.memory_space<hbm>>
      tpu.enqueue_dma source(%arg8 : memref<512xf32, #tpu.memory_space<vmem>>) target(%dma_start3A_658 : memref<512xf32, #tpu.memory_space<hbm>>) target_semaphore(%run_scoped3A : memref<!tpu.dma_semaphore, #tpu.memory_space<semaphore_mem>>)
      %dma_wait3A = tpu.memref_slice %arg4[%mul3A_2] : memref<16384xf32, #tpu.memory_space<hbm>> -> memref<512xf32, #tpu.memory_space<hbm>>
      %dma_wait3A_659 = tpu.memref_slice %arg4[%mul3A_2] : memref<16384xf32, #tpu.memory_space<hbm>> -> memref<512xf32, #tpu.memory_space<hbm>>
      tpu.wait_dma2 semaphore(%run_scoped3A : memref<!tpu.dma_semaphore, #tpu.memory_space<semaphore_mem>>) src(%arg8 : memref<512xf32, #tpu.memory_space<vmem>>) dst(%dma_wait3A_659 : memref<512xf32, #tpu.memory_space<hbm>>)
      tpu.yield
    }) : () -> ()
    return
  }
}

</mosaic_0001>

<sc_bundles>
// kernel: kernel.3.cloned.1.call-start
scs
__scs_entry_jumppad:
0x0: {  	(pc) =	sbr.rel $0x88, $3  }
0x1: {  	(tag) =	ssettag $0x0;
	lr =	simm.s32 $0x1  }
0x2: {  	[smem:$0x3F9F] =	sst lr;
	_ =	strace $0xD0000000  }
0x3: {  	_ = 	snop  }
0x4: {  	_ = 	snop  }
0x5: {  	_ = 	snop  }
0x6: {  	_ = 	snop  }
0x7: {  	_ = 	snop  }
__scs_overlays_trampoline_lowered:
0x8: {  	[smem:$0x3FAE] =	sst s0  }
0x9: {  	[smem:$0x3FAF] =	sst s1  }
0xa: {  	[smem:$0x3FB0] =	sst s2  }
0xb: {  	[smem:$0x3FB1] =	sst s3  }
0xc: {  	[smem:$0x3FB2] =	sst s4  }
0xd: {  	[smem:$0x3FB3] =	sst s5  }
0xe: {  	[smem:$0x3FB4] =	sst s6  }
0xf: {  	[smem:$0x3FB5] =	sst s7  }
0x10: {  	[smem:$0x3FB6] =	sst s8  }
0x11: {  	[smem:$0x3FB7] =	sst s9;
	s0 =	simm.s32 @!p0 $0x0  }
0x12: {  	s1 =	sld [smem:$0x3F9D];
	s0 =	simm.s32 @p0 $0x1  }
0x13: {  	[smem:$0x3FB8] =	sst s0;
	s0 =	simm.s32 @!p1 $0x0  }
0x14: {  	s2 =	sld [smem:$0x3F9C];
	s0 =	simm.s32 @p1 $0x1  }
0x15: {  	[smem:$0x3FB9] =	sst s0;
	s0 =	simm.s32 @!p2 $0x0  }
0x16: {  	s3 =	sld [smem:$0x3FDB];
	s0 =	simm.s32 @p2 $0x1  }
0x17: {  	s4 =	simm.s32 $0x1BF5;
	[smem:$0x3FBB] =	sst s0  }
0x18: {  	s0 =	sld [smem:$0x3F9E];
	_ =	swait.ge [sflag:s4], $0x0  }
0x19: {  	s7 =	sld [smem:$0x3F9F]  }
0x1a: {  	s8 =	sadd.s32 $0xFFFFE003, lr  }
0x1b: {  	s9 =	sadd.s32 $0xFFFFFEF7, lr;
	s5 =	simm.s32 $0xFFFFFFFF;
	p2 =	slt.u32 s8, $0xFFFFF086  }
0x1c: {  	p1 =	slt.u32 s9, $0xF7A;
	s5 =	simm.s32 @!p2 $0x0  }
0x1d: {  	s5 =	simm.s32 @p1 $0x1;
	p0 =	seq.s32 s7, s2  }
0x1e: {  	s7 =	smul.u32 @!p0 $0xF7A, s2;
	p2 =	seq.s32 @!p0 s5, $0x0  }
0x1f: {  	s9 =	smul.u32 $0xF7A, s1;
	s8 =	simm.s32 @!p0 $0x1BF5;
	p2 =	por !p2, p0  }
0x20: {  	[sflag:s8] =	ssyncset.s32 @!p0 $0xFFFFF086;
	s6 =	sadd.s32 @!p0 s3, s7;
	s7 =	simm.s32 @!p0 $0x108  }
0x21: {  	s3 =	sadd.s32 s3, s9;
	s6 =	sadd.s32 @!p0 $0x88, s6;
	s7 =	simm.s32 @p2 $0x1082  }
0x22: {  	[simem:s7], [sflag:s8] =	dma.local @!p0 [hbm:s6], $0xF7A  }
0x23: {  	s9 =	sor.u32 $0xD0000000, s2;
	s6 =	simm.s32 $0x108;
	_ =	swait.ge @!p0 [sflag:s8], $0x0  }
0x24: {  	s3 =	sadd.s32 $0x88, s3;
	s6 =	simm.s32 @!p1 $0x1082;
	[sflag:s4] =	ssyncset.s32 $0xFFFFF086  }
0x25: {  	[simem:s6], [sflag:s4] =	dma.local [hbm:s3], $0xF7A  }
0x26: {  	[smem:$0x3F9F] =	sst s1;
	(tag) =	ssettag s2;
	_ =	strace s9  }
0x27: {  	s1 =	sld [smem:$0x3FAF]  }
0x28: {  	s2 =	sld [smem:$0x3FB0]  }
0x29: {  	s4 =	sld [smem:$0x3FB2]  }
0x2a: {  	p0 =	seq.s32 s5, $0x0;
	s5 =	sld [smem:$0x3FB3]  }
0x2b: {  	s6 =	sld [smem:$0x3FB4]  }
0x2c: {  	s7 =	sld [smem:$0x3FB5]  }
0x2d: {  	s3 =	simm.s32 $0x108;
	s8 =	sld [smem:$0x3FB6]  }
0x2e: {  	s3 =	simm.s32 @!p0 $0x1082;
	s9 =	sld [smem:$0x3FB7]  }
0x2f: {  	lr =	sadd.s32 s0, s3;
	s0 =	sld [smem:$0x3FAE]  }
0x30: {  	s3 =	sld [smem:$0x3FB1]  }
0x31: {  	[smem:$0x3FBA] =	sst s10  }
0x32: {  	s10 =	sld [smem:$0x3FB8];
	_ =	sdelay $0x3  }
0x33: {  	p0 =	seq.s32 s10, $0x1;
	s10 =	sld [smem:$0x3FBA];
	_ =	sdelay $0x3  }
0x34: {  	[smem:$0x3FBA] =	sst s10  }
0x35: {  	s10 =	sld [smem:$0x3FB9];
	_ =	sdelay $0x3  }
0x36: {  	p1 =	seq.s32 s10, $0x1;
	s10 =	sld [smem:$0x3FBA];
	_ =	sdelay $0x3  }
0x37: {  	[smem:$0x3FBA] =	sst s10  }
0x38: {  	s10 =	sld [smem:$0x3FBB]  }
0x39: {  	_ = 	snop;
	(pc) =	sbr.ind lr, $3  }
0x3a: {  	_ = 	snop  }
0x3b: {  	_ = 	snop  }
0x3c: {  	p2 =	seq.s32 s10, $0x1;
	s10 =	sld [smem:$0x3FBA]  }
0x3d: {  	_ =	shalt  }
0x3e: {  	_ =	shalt  }
0x3f: {  	_ =	shalt  }
0x40: {  	_ =	shalt  }
0x41: {  	_ =	shalt  }
0x42: {  	_ =	shalt  }
0x43: {  	_ =	shalt  }
0x44: {  	_ =	shalt  }
0x45: {  	_ =	shalt  }
0x46: {  	_ =	shalt  }
0x47: {  	_ =	shalt  }
0x48: {  	_ =	shalt  }
0x49: {  	_ =	shalt  }
0x4a: {  	_ =	shalt  }
0x4b: {  	_ =	shalt  }
0x4c: {  	_ =	shalt  }
0x4d: {  	_ =	shalt  }
0x4e: {  	_ =	shalt  }
0x4f: {  	_ =	shalt  }
0x50: {  	_ =	shalt  }
0x51: {  	_ =	shalt  }
0x52: {  	_ =	shalt  }
0x53: {  	_ =	shalt  }
0x54: {  	_ =	shalt  }
0x55: {  	_ =	shalt  }
0x56: {  	_ =	shalt  }
0x57: {  	_ =	shalt  }
0x58: {  	_ =	shalt  }
0x59: {  	_ =	shalt  }
0x5a: {  	_ =	shalt  }
0x5b: {  	_ =	shalt  }
0x5c: {  	_ =	shalt  }
0x5d: {  	_ =	shalt  }
0x5e: {  	_ =	shalt  }
0x5f: {  	_ =	shalt  }
0x60: {  	_ =	shalt  }
0x61: {  	_ =	shalt  }
0x62: {  	_ =	shalt  }
0x63: {  	_ =	shalt  }
0x64: {  	_ =	shalt  }
0x65: {  	_ =	shalt  }
0x66: {  	_ =	shalt  }
0x67: {  	_ =	shalt  }
0x68: {  	_ =	shalt  }
0x69: {  	_ =	shalt  }
0x6a: {  	_ =	shalt  }
0x6b: {  	_ =	shalt  }
0x6c: {  	_ =	shalt  }
0x6d: {  	_ =	shalt  }
0x6e: {  	_ =	shalt  }
0x6f: {  	_ =	shalt  }
0x70: {  	_ =	shalt  }
0x71: {  	_ =	shalt  }
0x72: {  	_ =	shalt  }
0x73: {  	_ =	shalt  }
0x74: {  	_ =	shalt  }
0x75: {  	_ =	shalt  }
0x76: {  	_ =	shalt  }
0x77: {  	_ =	shalt  }
0x78: {  	_ =	shalt  }
0x79: {  	_ =	shalt  }
0x7a: {  	_ =	shalt  }
0x7b: {  	_ =	shalt  }
0x7c: {  	_ =	shalt  }
0x7d: {  	_ =	shalt  }
0x7e: {  	_ =	shalt  }
0x7f: {  	_ =	shalt  }
0x80: {  	_ =	shalt  }
0x81: {  	_ =	shalt  }
0x82: {  	_ =	shalt  }
0x83: {  	_ =	shalt  }
0x84: {  	_ =	shalt  }
0x85: {  	_ =	shalt  }
0x86: {  	_ =	shalt  }
0x87: {  	_ =	shalt  }
.Lfunc_end0:
.L_simem_size_0:
called_computation_lowered:
.L_overlay_start_0:
0x88: {  	s2 =	sld [smem:$0x3FD9]  }
0x89: {  	s3 =	sld [smem:$0x3FFE];
	_ =	sdelay $0x1  }
0x8a: {  	s1 =	srdreg.scid  }
0x8b: {  	s0 =	sand.u32 $0x1, s1  }
0x8c: {  	s17 =	sshll.u32 s0, $0xA;
	s2 =	sadd.s32 s3, s2  }
0x8d: {  	s2 =	sadd.s32 s2, s17  }
0x8e: {  	[smem:$0x3FC6] =	sst s2  }
0x8f: {  	_ = 	snop  }
0x90: {  	s2 =	sld [smem:$0x3FD0];
	(tm) =	ssettm $0x1  }
0x91: {  	s18 =	sld [smem:$0x3FFB];
	_ =	sdelay $0x3  }
0x92: {  	_ =	strace s18  }
0x93: {  	s3 =	sld [smem:$0x3FFC];
	_ =	sdelay $0x3  }
0x94: {  	_ =	strace s3  }
0x95: {  	s3 =	sld [smem:$0x3FFD];
	_ =	sdelay $0x3  }
0x96: {  	_ =	strace s3  }
0x97: {  	_ =	strace $0x8FFFFFFF  }
0x98: {  	s19 =	sld [smem:$0x3FDB];
	_ =	sdelay $0x1  }
0x99: {  	s4 =	simm.s32 $_scs_section_size  }
0x9a: {  	s5 =	simm.s32 $_size__tile_overlayer_lowered;
	s6 =	simm.s32 $_tile_overlayer_lowered  }
0x9b: {  	s22 =	simm.s32 $0x1BFF;
	s21 =	sshll.u32 s6, $0x1;
	s3 =	sadd.s32 s4, s19  }
0x9c: {  	s7 =	simm.s32 $0x0;
	s20 =	sshll.u32 s5, $0x1;
	s5 =	sadd.s32 s21, s3  }
0x9d: {  	[timem:s7], [sflag:s22] =	dma.local [hbm:s5], s20  }
0x9e: {  	_ =	swait.ge [sflag:s22], s20  }
0x9f: {  	s4 =	ssub.s32 $0x0, s20;
	[sflag:s22] =	ssyncset.done $0x0  }
0xa0: {  	[sflag:s22] =	ssyncadd.s32 s4;
	_ =	sdelay $0x1  }
0xa1: {  	s23 =	simm.s32 $0x1B8B  }
0xa2: {  	_ =	swait.ge [sflag:s23], $0x1  }
0xa3: {  	[sflag:s23] =	ssyncset.done $0x0  }
0xa4: {  	s25 =	simm.s32 $0x1B8E;
	s24 =	sld [smem:$0x3FFE];
	[sflag:s23] =	ssyncadd.s32 $0xFFFFFFFF  }
0xa5: {  	s26 =	simm.s32 $execute0_lowered;
	[smem:$0x3FD2] =	sst s25  }
0xa6: {  	s5 =	sshll.u32 s26, $0x1;
	_ =	strace $0x80000046;
	[dreg:$0x1] =	wrdreg $0xFFFFFFFF  }
0xa7: {  	s28 =	simm.s32 $_size_execute0_lowered;
	s3 =	sadd.s32 s3, s5;
	[dreg:$0x0] =	wrdreg $0x0  }
0xa8: {  	s5 =	sshll.u32 s28, $0x1;
	[dreg:$0x2] =	wrdreg s3  }
0xa9: {  	[dreg:$0x3] =	wrdreg s5  }
0xaa: {  	[dreg:$0x4] =	wrdreg $0xC0  }
0xab: {  	_ =	task [dreg:s7], $0x5FFFF  }
0xac: {  	[dreg:$0x1] =	wrdreg $0xFFFFFFFF  }
0xad: {  	[dreg:$0x0] =	wrdreg $0x60  }
0xae: {  	[dreg:$0x2] =	wrdreg s24  }
0xaf: {  	[dreg:$0x3] =	wrdreg s2  }
0xb0: {  	[dreg:$0x4] =	wrdreg $0x9  }
0xb1: {  	_ =	task.clear_ibuf [dreg:s7], $0x5FFFF;
	_ =	strace $0x90000046  }
0xb2: {  	s29 =	simm.s32 $0x9;
	_ =	strace $0x80000048  }
0xb3: {  	_ =	swait.ge [sflag:s29], $0x1  }
0xb4: {  	[sflag:s29] =	ssyncadd.s32 $0xFFFFFFFF  }
0xb5: {  	_ =	strace $0x90000048  }
0xb6: {  	_ =	sfence  }
0xb7: {  	s30 =	sld [smem:$0x0];
	_ =	sdelay $0x2  }
0xb8: {  	s31 =	sshll.u32 s1, $0xD;
	s1 =	sshrl.u32 s1, $0x2  }
0xb9: {  	s3 =	sand.u32 $0x4000, s31;
	s1 =	sadd.s32 s1, s30  }
0xba: {  	s0 =	sor.u32 s3, s0;
	s1 =	sshll.u32 s1, $0x11  }
0xbb: {  	s0 =	sor.u32 s1, s0  }
0xbc: {  	s0 =	sadd.s32 $0x8F2B, s0  }
0xbd: {  	[sflag:s0] =	ssyncadd.remote.s32 $0x1  }
0xbe: {  	_ =	sfence.sel $0xFFFF  }
0xbf: {  	[dreg:$0x0] =	wrdreg $0xFFFFFFFF;
	(pc) =	sbr.abs _section_cstart, $3  }
0xc0: {  	[dreg:$0x1] =	wrdreg $0xFFFFFFFF  }
0xc1: {  	_ =	task.clear_ibuf [dreg:s7], $0x2FFFF;
	_ =	strace $0x9FFFFFFF  }
0xc2: {  	(tm) =	ssettm $0x7FFFFFFF  }
0xc3: {  	_ =	shalt  }
tec
execute0_lowered:
.L_overlay_start_1:
0x0: {  	(tag) =	ssettag $0x1  }
0x1: {  	v0 =	vlaneseq.u32  }
0x2: {  	v0 =	vmul.u32 $0x400, v0;
	_ =	sdelay $0x1  }
0x3: {  	v1 =	vor.u32 $0x1, v0;
	v15 =	vor.u32 $0xF, v0  }
0x4: {  	v16 =	vor.u32 $0x10, v0;
	v17 =	vor.u32 $0x11, v0;
	v18 =	vor.u32 $0x12, v0  }
0x5: {  	v19 =	vor.u32 $0x13, v0;
	v20 =	vor.u32 $0x14, v0;
	v21 =	vor.u32 $0x15, v0  }
0x6: {  	v22 =	vor.u32 $0x16, v0;
	v23 =	vor.u32 $0x17, v0;
	v24 =	vor.u32 $0x18, v0  }
0x7: {  	s2 =	stileid.u32;
	v25 =	vor.u32 $0x19, v0;
	v26 =	vor.u32 $0x1A, v0;
	v27 =	vor.u32 $0x1B, v0  }
0x8: {  	s0 =	rddreg [dreg:$0x0];
	s3 =	sshll.u32 s2, $0x1;
	s2 =	simm.s32 $0x0;
	v28 =	vor.u32 $0x1C, v0;
	v29 =	vor.u32 $0x1D, v0;
	v30 =	vor.u32 $0x1E, v0  }
0x9: {  	[smem:$0x7FF] =	sst s2;
	v31 =	vor.u32 $0x1F, v0;
	v32 =	vor.u32 $0x20, v0;
	v33 =	vor.u32 $0x21, v0  }
0xa: {  	s1 =	srdreg.scid;
	s4 =	rddreg [dreg:$0x1];
	_ =	strace $0x80000047;
	v34 =	vor.u32 $0x22, v0;
	v35 =	vor.u32 $0x23, v0;
	[tilespmem:$0x1FF20] =	vst v1;
	v1 =	vor.u32 $0x2, v0  }
0xb: {  	s22 =	simm.s32 $0x3;
	s8 =	simm.s32 $0x400;
	s9 =	simm.s32 $0x8400;
	v36 =	vor.u32 $0x24, v0;
	v37 =	vor.u32 $0x25, v0;
	[tilespmem:$0x1FF30] =	vst v1;
	v1 =	vor.u32 $0x3, v0  }
0xc: {  	s13 =	simm.s32 $0x1;
	s30 =	simm.s32 $0xE000;
	s31 =	simm.s32 $0x6400;
	v38 =	vor.u32 $0x26, v0;
	v39 =	vor.u32 $0x27, v0;
	[tilespmem:$0x1FF40] =	vst v1;
	v1 =	vor.u32 $0x4, v0  }
0xd: {  	s10 =	simm.s32 $0xF000;
	s11 =	simm.s32 $0x7400;
	s12 =	simm.s32 $0xF400;
	v40 =	vor.u32 $0x28, v0;
	v41 =	vor.u32 $0x29, v0;
	[tilespmem:$0x1FF50] =	vst v1;
	v1 =	vor.u32 $0x5, v0  }
0xe: {  	s14 =	simm.s32 $0x7800;
	s15 =	simm.s32 $0xF800;
	s16 =	simm.s32 $0x7C00;
	v42 =	vor.u32 $0x2A, v0;
	v43 =	vor.u32 $0x2B, v0;
	[tilespmem:$0x1FF60] =	vst v1;
	v1 =	vor.u32 $0x6, v0  }
0xf: {  	s17 =	simm.s32 $0xFC00;
	s18 =	simm.s32 $0x8000;
	s1 =	sand.u32 $0x1, s1;
	v44 =	vor.u32 $0x2C, v0;
	v45 =	vor.u32 $0x2D, v0;
	[tilespmem:$0x1FF70] =	vst v1;
	v1 =	vor.u32 $0x7, v0  }
0x10: {  	s19 =	simm.s32 $0x10000;
	s20 =	simm.s32 $0x2;
	s5 =	sor.u32 s1, s3;
	v46 =	vor.u32 $0x2E, v0;
	v47 =	vor.u32 $0x2F, v0;
	[tilespmem:$0x1FF80] =	vst v1;
	v1 =	vor.u32 $0x8, v0  }
0x11: {  	s23 =	simm.s32 $0x0;
	s1 =	ssub.s32 $0x2, s1;
	s3 =	sshll.u32 s5, $0x7;
	v48 =	vor.u32 $0x30, v0;
	v49 =	vor.u32 $0x31, v0;
	[tilespmem:$0x1FF90] =	vst v1;
	v1 =	vor.u32 $0x9, v0  }
0x12: {  	s7 =	sshrl.u32 s1, $0x1;
	s28 =	sshll.u32 s5, $0x6;
	s5 =	simm.s32 $0x6C00;
	v50 =	vor.u32 $0x32, v0;
	v51 =	vor.u32 $0x33, v0;
	[tilespmem:$0x1FFA0] =	vst v1;
	v1 =	vor.u32 $0xA, v0  }
.Ltmp0:
0x13: {  	v52 =	vor.u32 $0x34, v0;
	v53 =	vor.u32 $0x35, v0;
	s6 =	sadd.s32 s3, s0;
	s3 =	sadd.s32 $0xA00, s0;
	[tilespmem:$0x1FFB0] =	vst v1;
	v1 =	vor.u32 $0xB, v0;
	(pc) =	sbr.rel .LBB2_1-.Ltmp0, $4  }
0x14: {  	v54 =	vor.u32 $0x36, v0;
	v55 =	vor.u32 $0x37, v0;
	s26 =	ssub.s32 s1, s7;
	s1 =	sadd.s32 s4, s28;
	s4 =	simm.s32 $0xE800;
	[tilespmem:$0x1FFC0] =	vst v1;
	v1 =	vor.u32 $0xC, v0  }
0x15: {  	v56 =	vor.u32 $0x38, v0;
	s7 =	simm.s32 $0x7000;
	s29 =	sadd.s32 $0xF42E00, s6;
	[dreg:$0x4] =	wrdreg s1;
	[tilespmem:$0x1FFD0] =	vst v1;
	v1 =	vor.u32 $0xD, v0  }
0x16: {  	v57 =	vor.u32 $0x39, v0;
	v58 =	vor.u32 $0x3A, v0;
	s0 =	smax.u32 s26, $0x1;
	s1 =	simm.s32 $0xE400;
	[dreg:$0x3] =	wrdreg s29;
	[tilespmem:$0x1FFE0] =	vst v1;
	v1 =	vor.u32 $0xE, v0  }
0x17: {  	v59 =	vor.u32 $0x3B, v0;
	v60 =	vor.u32 $0x3C, v0;
	v61 =	vor.u32 $0x3D, v0;
	s6 =	simm.s32 $0xEC00;
	[dreg:$0x5] =	wrdreg s0;
	s0 =	simm.s32 $0x6800;
	[tilespmem:$0x1FFF0] =	vst v1  }
.LBB2_5:
0x18: {  	s21 =	rddreg [dreg:$0x4];
	s22 =	simm.s32 $0x10400  }
0x19: {  	[hbm4b:s21+s2] =	stream.linear.scatter [tilespmem:s22], [sflag:$0x3], $0x200, $0x38;
	[tilespmem:$0x10600] =	vst v63  }
0x1a: {  	s22 =	simm.s32 $0x3  }
0x1b: {  	_ =	swait.ge [sflag:s22], $0x200  }
0x1c: {  	s23 =	rddreg [dreg:$0x6]  }
0x1d: {  	s29 =	rddreg [dreg:$0x5];
	s23 =	sadd.s32 $0x1, s23  }
0x1e: {  	p0 =	sne.s32 s23, s29  }
.Ltmp1:
0x1f: {  	_ = 	snop;
	(pc) =	sbr.rel @!p0 .LBB2_6-.Ltmp1, $3  }
0x20: {  	_ =	sdelay $0x1  }
0x21: {  	[sflag:s22] =	ssyncset.done $0x0  }
0x22: {  	[sflag:s22] =	ssyncadd.s32 $0xFFFFFE00  }
.LBB2_1:
0x23: {  	[dreg:$0x6] =	wrdreg s23  }
0x24: {  	s21 =	rddreg [dreg:$0x3]  }
0x25: {  	[tilespmem:s2], [sflag:$0x3] =	stream.linear.gather [hbm4b:s21+s2], $0x400, $0x38;
	[tilespmem:$0x10600] =	vst v63  }
0x26: {  	_ =	swait.ge [sflag:s22], $0x400  }
0x27: {  	[sflag:s22] =	ssyncset.done $0x0  }
0x28: {  	[sflag:s22] =	ssyncadd.s32 $0xFFFFFC00  }
0x29: {  	v62 =	vld [tilespmem:$0x0]  }
0x2a: {  	v1 =	vld [tilespmem:$0x200];
	_ =	sdelay $0x3  }
0x2b: {  	v62 =	vshrl.u32 v62, $0x3  }
0x2c: {  	v1 =	vshrl.u32 v1, $0x3;
	v63 =	vshll.u32 v62, $0x7  }
0x2d: {  	v11 =	vshll.u32 v1, $0x7;
	(v2sf) =	vpush v63, $0x0  }
0x2e: {  	(v2sf) =	vpush v11, $0x0;
	_ =	sdelay $0x6  }
0x2f: {  	(v2sf) =	vpush v63, $0x1  }
0x30: {  	(v2sf) =	vpush v11, $0x1;
	_ =	sdelay $0x5  }
0x31: {  	s29 =	spop (v2sf);
	(v2sf) =	vpush v63, $0x2  }
0x32: {  	s22 =	spop (v2sf);
	(v2sf) =	vpush v11, $0x2;
	_ =	sdelay $0x5  }
0x33: {  	(v2sf) =	vpush v63, $0x3  }
0x34: {  	s23 =	spop (v2sf)  }
0x35: {  	s21 =	sand.u32 $0x1FFFFF80, s29;
	s25 =	spop (v2sf);
	(v2sf) =	vpush v11, $0x3  }
0x36: {  	s21 =	sadd.s32 s3, s21  }
0x37: {  	[tilespmem:s8], [sflag:$0x1] =	stream.linear.gather [hbm4b:s21+s2], $0x400, $0x38;
	[tilespmem:$0x10600] =	vst v63  }
0x38: {  	s21 =	sand.u32 $0x1FFFFF80, s22  }
0x39: {  	s21 =	sadd.s32 s3, s21  }
0x3a: {  	[tilespmem:s9], [sflag:$0x1] =	stream.linear.gather [hbm4b:s21+s2], $0x400, $0x38;
	[tilespmem:$0x10600] =	vst v63  }
0x3b: {  	s28 =	spop (v2sf);
	(v2sf) =	vpush v63, $0x4  }
0x3c: {  	s21 =	sand.u32 $0x1FFFFF80, s23;
	s23 =	spop (v2sf);
	(v2sf) =	vpush v11, $0x4;
	_ =	sdelay $0x2  }
0x3d: {  	s24 =	simm.s32 $0x800;
	s21 =	sadd.s32 s3, s21  }
0x3e: {  	[tilespmem:s24], [sflag:$0x1] =	stream.linear.gather [hbm4b:s21+s2], $0x400, $0x38;
	[tilespmem:$0x10600] =	vst v63  }
0x3f: {  	s21 =	sand.u32 $0x1FFFFF80, s25  }
0x40: {  	s26 =	simm.s32 $0x8800;
	s21 =	sadd.s32 s3, s21;
	s25 =	spop (v2sf);
	(v2sf) =	vpush v63, $0x5  }
0x41: {  	[tilespmem:s26], [sflag:$0x1] =	stream.linear.gather [hbm4b:s21+s2], $0x400, $0x38;
	[tilespmem:$0x10600] =	vst v63  }
0x42: {  	s21 =	sand.u32 $0x1FFFFF80, s28;
	s28 =	spop (v2sf);
	(v2sf) =	vpush v11, $0x5  }
0x43: {  	s29 =	simm.s32 $0xC00;
	s21 =	sadd.s32 s3, s21  }
0x44: {  	[tilespmem:s29], [sflag:$0x1] =	stream.linear.gather [hbm4b:s21+s2], $0x400, $0x38;
	[tilespmem:$0x10600] =	vst v63  }
0x45: {  	s21 =	sand.u32 $0x1FFFFF80, s23  }
0x46: {  	s24 =	simm.s32 $0x8C00;
	s21 =	sadd.s32 s3, s21  }
0x47: {  	[tilespmem:s24], [sflag:$0x1] =	stream.linear.gather [hbm4b:s21+s2], $0x400, $0x38;
	[tilespmem:$0x10600] =	vst v63  }
0x48: {  	s23 =	spop (v2sf);
	(v2sf) =	vpush v63, $0x6  }
0x49: {  	s21 =	sand.u32 $0x1FFFFF80, s25;
	s25 =	spop (v2sf);
	(v2sf) =	vpush v11, $0x6;
	_ =	sdelay $0x2  }
0x4a: {  	s26 =	simm.s32 $0x1000;
	s21 =	sadd.s32 s3, s21  }
0x4b: {  	[tilespmem:s26], [sflag:$0x1] =	stream.linear.gather [hbm4b:s21+s2], $0x400, $0x38;
	[tilespmem:$0x10600] =	vst v63  }
0x4c: {  	s21 =	sand.u32 $0x1FFFFF80, s28  }
0x4d: {  	s29 =	simm.s32 $0x9000;
	s21 =	sadd.s32 s3, s21;
	s28 =	spop (v2sf);
	(v2sf) =	vpush v63, $0x7  }
0x4e: {  	[tilespmem:s29], [sflag:$0x1] =	stream.linear.gather [hbm4b:s21+s2], $0x400, $0x38;
	[tilespmem:$0x10600] =	vst v63  }
0x4f: {  	s21 =	sand.u32 $0x1FFFFF80, s23;
	s23 =	spop (v2sf);
	(v2sf) =	vpush v11, $0x7  }
0x50: {  	s24 =	simm.s32 $0x1400;
	s21 =	sadd.s32 s3, s21  }
0x51: {  	[tilespmem:s24], [sflag:$0x1] =	stream.linear.gather [hbm4b:s21+s2], $0x400, $0x38;
	[tilespmem:$0x10600] =	vst v63  }
0x52: {  	s21 =	sand.u32 $0x1FFFFF80, s25  }
0x53: {  	s26 =	simm.s32 $0x9400;
	s21 =	sadd.s32 s3, s21  }
0x54: {  	[tilespmem:s26], [sflag:$0x1] =	stream.linear.gather [hbm4b:s21+s2], $0x400, $0x38;
	[tilespmem:$0x10600] =	vst v63  }
0x55: {  	s25 =	spop (v2sf);
	(v2sf) =	vpush v63, $0x8  }
0x56: {  	s21 =	sand.u32 $0x1FFFFF80, s28;
	s28 =	spop (v2sf);
	(v2sf) =	vpush v11, $0x8;
	_ =	sdelay $0x2  }
0x57: {  	s29 =	simm.s32 $0x1800;
	s21 =	sadd.s32 s3, s21  }
0x58: {  	[tilespmem:s29], [sflag:$0x1] =	stream.linear.gather [hbm4b:s21+s2], $0x400, $0x38;
	[tilespmem:$0x10600] =	vst v63  }
0x59: {  	s21 =	sand.u32 $0x1FFFFF80, s23  }
0x5a: {  	s24 =	simm.s32 $0x9800;
	s21 =	sadd.s32 s3, s21;
	s23 =	spop (v2sf);
	(v2sf) =	vpush v63, $0x9  }
0x5b: {  	[tilespmem:s24], [sflag:$0x1] =	stream.linear.gather [hbm4b:s21+s2], $0x400, $0x38;
	[tilespmem:$0x10600] =	vst v63  }
0x5c: {  	s21 =	sand.u32 $0x1FFFFF80, s25;
	s25 =	spop (v2sf);
	(v2sf) =	vpush v11, $0x9  }
0x5d: {  	s26 =	simm.s32 $0x1C00;
	s21 =	sadd.s32 s3, s21  }
0x5e: {  	[tilespmem:s26], [sflag:$0x1] =	stream.linear.gather [hbm4b:s21+s2], $0x400, $0x38;
	[tilespmem:$0x10600] =	vst v63  }
0x5f: {  	s21 =	sand.u32 $0x1FFFFF80, s28  }
0x60: {  	s29 =	simm.s32 $0x9C00;
	s21 =	sadd.s32 s3, s21  }
0x61: {  	[tilespmem:s29], [sflag:$0x1] =	stream.linear.gather [hbm4b:s21+s2], $0x400, $0x38;
	[tilespmem:$0x10600] =	vst v63  }
0x62: {  	s21 =	sand.u32 $0x1FFFFF80, s23;
	s28 =	spop (v2sf);
	(v2sf) =	vpush v63, $0xA  }
0x63: {  	s24 =	simm.s32 $0x2000;
	s21 =	sadd.s32 s3, s21;
	s23 =	spop (v2sf);
	(v2sf) =	vpush v11, $0xA  }
0x64: {  	[tilespmem:s24], [sflag:$0x1] =	stream.linear.gather [hbm4b:s21+s2], $0x400, $0x38;
	[tilespmem:$0x10600] =	vst v63  }
0x65: {  	s21 =	sand.u32 $0x1FFFFF80, s25  }
0x66: {  	s26 =	simm.s32 $0xA000;
	s21 =	sadd.s32 s3, s21  }
0x67: {  	[tilespmem:s26], [sflag:$0x1] =	stream.linear.gather [hbm4b:s21+s2], $0x400, $0x38;
	[tilespmem:$0x10600] =	vst v63  }
0x68: {  	s21 =	sand.u32 $0x1FFFFF80, s28  }
0x69: {  	s29 =	simm.s32 $0x2400;
	s21 =	sadd.s32 s3, s21;
	s25 =	spop (v2sf);
	(v2sf) =	vpush v63, $0xB  }
0x6a: {  	[tilespmem:s29], [sflag:$0x1] =	stream.linear.gather [hbm4b:s21+s2], $0x400, $0x38;
	[tilespmem:$0x10600] =	vst v63  }
0x6b: {  	s21 =	sand.u32 $0x1FFFFF80, s23;
	s28 =	spop (v2sf);
	(v2sf) =	vpush v11, $0xB  }
0x6c: {  	s24 =	simm.s32 $0xA400;
	s21 =	sadd.s32 s3, s21  }
0x6d: {  	[tilespmem:s24], [sflag:$0x1] =	stream.linear.gather [hbm4b:s21+s2], $0x400, $0x38;
	[tilespmem:$0x10600] =	vst v63  }
0x6e: {  	s21 =	sand.u32 $0x1FFFFF80, s25  }
0x6f: {  	s26 =	simm.s32 $0x2800;
	s21 =	sadd.s32 s3, s21  }
0x70: {  	[tilespmem:s26], [sflag:$0x1] =	stream.linear.gather [hbm4b:s21+s2], $0x400, $0x38;
	[tilespmem:$0x10600] =	vst v63  }
0x71: {  	s21 =	sand.u32 $0x1FFFFF80, s28;
	s23 =	spop (v2sf);
	(v2sf) =	vpush v63, $0xC  }
0x72: {  	s29 =	simm.s32 $0xA800;
	s21 =	sadd.s32 s3, s21;
	s25 =	spop (v2sf);
	(v2sf) =	vpush v11, $0xC  }
0x73: {  	[tilespmem:s29], [sflag:$0x1] =	stream.linear.gather [hbm4b:s21+s2], $0x400, $0x38;
	[tilespmem:$0x10600] =	vst v63  }
0x74: {  	s21 =	sand.u32 $0x1FFFFF80, s23  }
0x75: {  	s24 =	simm.s32 $0x2C00;
	s21 =	sadd.s32 s3, s21  }
0x76: {  	[tilespmem:s24], [sflag:$0x1] =	stream.linear.gather [hbm4b:s21+s2], $0x400, $0x38;
	[tilespmem:$0x10600] =	vst v63  }
0x77: {  	(v2sf) =	vpush v63, $0xD;
	s21 =	sand.u32 $0x1FFFFF80, s25  }
0x78: {  	s26 =	simm.s32 $0xAC00;
	s28 =	spop (v2sf);
	s21 =	sadd.s32 s3, s21  }
0x79: {  	(v2sf) =	vpush v11, $0xD;
	[tilespmem:s26], [sflag:$0x1] =	stream.linear.gather [hbm4b:s21+s2], $0x400, $0x38;
	[tilespmem:$0x10600] =	vst v63  }
0x7a: {  	s23 =	spop (v2sf);
	(v2sf) =	vpush v63, $0xE;
	s21 =	sand.u32 $0x1FFFFF80, s28  }
0x7b: {  	s29 =	simm.s32 $0x3000;
	s21 =	sadd.s32 s3, s21  }
0x7c: {  	[tilespmem:s29], [sflag:$0x1] =	stream.linear.gather [hbm4b:s21+s2], $0x400, $0x38;
	[tilespmem:$0x10600] =	vst v63  }
0x7d: {  	s21 =	sand.u32 $0x1FFFFF80, s23  }
0x7e: {  	s24 =	simm.s32 $0xB000;
	s21 =	sadd.s32 s3, s21  }
0x7f: {  	[tilespmem:s24], [sflag:$0x1] =	stream.linear.gather [hbm4b:s21+s2], $0x400, $0x38;
	[tilespmem:$0x10600] =	vst v63  }
0x80: {  	s25 =	spop (v2sf);
	(v2sf) =	vpush v11, $0xE  }
0x81: {  	s28 =	spop (v2sf);
	(v2sf) =	vpush v63, $0xF  }
0x82: {  	s21 =	sand.u32 $0x1FFFFF80, s25  }
0x83: {  	s26 =	simm.s32 $0x3400;
	s21 =	sadd.s32 s3, s21  }
0x84: {  	[tilespmem:s26], [sflag:$0x1] =	stream.linear.gather [hbm4b:s21+s2], $0x400, $0x38;
	[tilespmem:$0x10600] =	vst v63  }
0x85: {  	s21 =	sand.u32 $0x1FFFFF80, s28  }
0x86: {  	s29 =	simm.s32 $0xB400;
	s23 =	spop (v2sf);
	(v2sf) =	vpush v11, $0xF;
	s21 =	sadd.s32 s3, s21  }
0x87: {  	[tilespmem:s29], [sflag:$0x1] =	stream.linear.gather [hbm4b:s21+s2], $0x400, $0x38;
	[tilespmem:$0x10600] =	vst v63  }
0x88: {  	s25 =	simm.s32 $0x3800;
	s24 =	spop (v2sf);
	s21 =	sand.u32 $0x1FFFFF80, s23  }
0x89: {  	s26 =	sand.u32 $0x1FFFFF80, s24;
	s28 =	spop (v2sf);
	s21 =	sadd.s32 s3, s21  }
0x8a: {  	[tilespmem:s25], [sflag:$0x1] =	stream.linear.gather [hbm4b:s21+s2], $0x400, $0x38;
	[tilespmem:$0x10600] =	vst v63  }
0x8b: {  	s29 =	simm.s32 $0xB800;
	s24 =	sand.u32 $0x1FFFFF80, s28;
	s21 =	sadd.s32 s3, s26  }
0x8c: {  	[tilespmem:s29], [sflag:$0x1] =	stream.linear.gather [hbm4b:s21+s2], $0x400, $0x38;
	[tilespmem:$0x10600] =	vst v63  }
0x8d: {  	s26 =	simm.s32 $0x3C00;
	s21 =	sadd.s32 s3, s24  }
0x8e: {  	[tilespmem:s26], [sflag:$0x1] =	stream.linear.gather [hbm4b:s21+s2], $0x400, $0x38;
	[tilespmem:$0x10600] =	vst v63  }
0x8f: {  	s25 =	spop (v2sf)  }
0x90: {  	s28 =	sand.u32 $0x1FFFFF80, s25;
	s29 =	spop (v2sf)  }
0x91: {  	s24 =	simm.s32 $0xBC00;
	s21 =	sadd.s32 s3, s28;
	s25 =	sand.u32 $0x1FFFFF80, s29  }
0x92: {  	[tilespmem:s24], [sflag:$0x1] =	stream.linear.gather [hbm4b:s21+s2], $0x400, $0x38;
	[tilespmem:$0x10600] =	vst v63  }
0x93: {  	s26 =	simm.s32 $0x4000;
	s21 =	sadd.s32 s3, s25  }
0x94: {  	[tilespmem:s26], [sflag:$0x1] =	stream.linear.gather [hbm4b:s21+s2], $0x400, $0x38;
	[tilespmem:$0x10600] =	vst v63  }
.Ltmp2:
0x95: {  	s28 =	spop (v2sf);
	(pc) =	sbr.rel .LBB2_2-.Ltmp2, $4  }
0x96: {  	s21 =	sand.u32 $0x1FFFFF80, s28  }
0x97: {  	s29 =	simm.s32 $0xC000;
	s21 =	sadd.s32 s3, s21  }
0x98: {  	[tilespmem:s29], [sflag:$0x1] =	stream.linear.gather [hbm4b:s21+s2], $0x400, $0x38;
	[tilespmem:$0x10600] =	vst v63  }
0x99: {  	s22 =	simm.s32 $0x0;
	s21 =	simm.s32 $0x0  }
.LBB2_4:
0x9a: {  	v1 =	vld [tilespmem:s23+$0x0]  }
0x9b: {  	v2 =	vld [tilespmem:s24+$0x0];
	_ =	sdelay $0x3  }
0x9c: {  	v1 =	vshll.u32 v1, $0x7  }
0x9d: {  	v2 =	vshll.u32 v2, $0x7;
	v62 =	vand.u32 $0x380, v1;
	v1 =	vor.u32 $0x4000, v0  }
0x9e: {  	v63 =	vand.u32 $0x380, v2;
	v3 =	vor.u32 v1, v62  }
0x9f: {  	v2 =	vor.u32 $0x4001, v0;
	v1 =	vor.u32 v1, v63  }
0xa0: {  	v4 =	vor.u32 v2, v62  }
0xa1: {  	v5 =	vor.u32 $0x4002, v0;
	v2 =	vor.u32 v2, v63  }
0xa2: {  	v7 =	vor.u32 $0x4003, v0;
	v6 =	vor.u32 v5, v62  }
0xa3: {  	v8 =	vor.u32 v7, v62;
	v3 =	vld.idx.msk [tilespmem:v3+s8+$0x0], $0xffff  }
0xa4: {  	v5 =	vor.u32 v5, v63;
	v1 =	vld.idx.msk [tilespmem:v1+s9+$0x0], $0xffff  }
0xa5: {  	v9 =	vor.u32 $0x4004, v0;
	v7 =	vor.u32 v7, v63;
	v4 =	vld.idx.msk [tilespmem:v4+s8+$0x0], $0xffff  }
0xa6: {  	v10 =	vor.u32 v9, v62;
	v2 =	vld.idx.msk [tilespmem:v2+s9+$0x0], $0xffff  }
0xa7: {  	v6 =	vld.idx.msk [tilespmem:v6+s8+$0x0], $0xffff  }
0xa8: {  	v11 =	vor.u32 $0x4005, v0;
	v9 =	vor.u32 v9, v63;
	v8 =	vld.idx.msk [tilespmem:v8+s8+$0x0], $0xffff  }
0xa9: {  	v1 =	vmul.f32 v1, v3;
	v3 =	vld.idx.msk [tilespmem:v5+s9+$0x0], $0xffff;
	v5 =	vor.u32 v11, v62  }
0xaa: {  	v12 =	vor.u32 $0x4006, v0;
	v7 =	vld.idx.msk [tilespmem:v7+s9+$0x0], $0xffff;
	v11 =	vor.u32 v11, v63  }
0xab: {  	v2 =	vmul.f32 v2, v4;
	v4 =	vld.idx.msk [tilespmem:v10+s8+$0x0], $0xffff;
	v10 =	vor.u32 v12, v63  }
0xac: {  	v13 =	vor.u32 v12, v62;
	v12 =	vor.u32 $0x4007, v0;
	v1 =	vadd.f32 $0.0e+00, v1  }
0xad: {  	v9 =	vld.idx.msk [tilespmem:v9+s9+$0x0], $0xffff;
	v14 =	vor.u32 v12, v62  }
0xae: {  	v1 =	vadd.f32 v2, v1;
	v2 =	vmul.f32 v3, v6;
	v3 =	vld.idx.msk [tilespmem:v5+s8+$0x0], $0xffff;
	v5 =	vor.u32 v12, v63  }
0xaf: {  	v6 =	vld.idx.msk [tilespmem:v11+s9+$0x0], $0xffff;
	v11 =	vor.u32 $0x4008, v0  }
0xb0: {  	v10 =	vld.idx.msk [tilespmem:v10+s9+$0x0], $0xffff;
	v1 =	vadd.f32 v2, v1;
	v2 =	vmul.f32 v7, v8;
	v8 =	vor.u32 v11, v62  }
0xb1: {  	v12 =	vor.u32 $0x4009, v0;
	v7 =	vld.idx.msk [tilespmem:v13+s8+$0x0], $0xffff;
	v11 =	vor.u32 v11, v63  }
0xb2: {  	v1 =	vadd.f32 v2, v1;
	v2 =	vmul.f32 v9, v4;
	v4 =	vld.idx.msk [tilespmem:v14+s8+$0x0], $0xffff;
	v9 =	vor.u32 v12, v62  }
0xb3: {  	v13 =	vor.u32 $0x400A, v0;
	v12 =	vor.u32 v12, v63;
	v5 =	vld.idx.msk [tilespmem:v5+s9+$0x0], $0xffff  }
0xb4: {  	v1 =	vadd.f32 v2, v1;
	v2 =	vmul.f32 v6, v3;
	v3 =	vor.u32 v13, v62  }
0xb5: {  	v6 =	vld.idx.msk [tilespmem:v8+s8+$0x0], $0xffff;
	v8 =	vor.u32 v13, v63;
	v13 =	vor.u32 $0x400B, v0  }
0xb6: {  	v1 =	vadd.f32 v2, v1;
	v2 =	vmul.f32 v10, v7;
	v7 =	vld.idx.msk [tilespmem:v11+s9+$0x0], $0xffff;
	v10 =	vor.u32 v13, v62  }
0xb7: {  	v11 =	vor.u32 v13, v63;
	v13 =	vor.u32 $0x400C, v0;
	v9 =	vld.idx.msk [tilespmem:v9+s8+$0x0], $0xffff  }
0xb8: {  	v1 =	vadd.f32 v2, v1;
	v2 =	vmul.f32 v5, v4;
	v4 =	vld.idx.msk [tilespmem:v12+s9+$0x0], $0xffff;
	v5 =	vor.u32 v13, v62  }
0xb9: {  	v12 =	vor.u32 v13, v63;
	v13 =	vor.u32 $0x400D, v0;
	v3 =	vld.idx.msk [tilespmem:v3+s8+$0x0], $0xffff  }
0xba: {  	v1 =	vadd.f32 v2, v1;
	v2 =	vld.idx.msk [tilespmem:v8+s9+$0x0], $0xffff;
	v8 =	vor.u32 v13, v62  }
0xbb: {  	v6 =	vmul.f32 v7, v6;
	v7 =	vld.idx.msk [tilespmem:v10+s8+$0x0], $0xffff;
	v10 =	vor.u32 v13, v63;
	v13 =	vor.u32 $0x400E, v0  }
0xbc: {  	v11 =	vld.idx.msk [tilespmem:v11+s9+$0x0], $0xffff;
	v14 =	vor.u32 v13, v62  }
0xbd: {  	v1 =	vadd.f32 v6, v1;
	v4 =	vmul.f32 v4, v9;
	v5 =	vld.idx.msk [tilespmem:v5+s8+$0x0], $0xffff;
	v6 =	vor.u32 v13, v63  }
0xbe: {  	v9 =	vld.idx.msk [tilespmem:v12+s9+$0x0], $0xffff;
	v12 =	vor.u32 $0x400F, v0  }
0xbf: {  	v1 =	vadd.f32 v4, v1;
	v2 =	vmul.f32 v2, v3;
	v3 =	vld.idx.msk [tilespmem:v8+s8+$0x0], $0xffff;
	v4 =	vor.u32 v12, v62  }
0xc0: {  	v8 =	vld.idx.msk [tilespmem:v10+s9+$0x0], $0xffff;
	v10 =	vor.u32 v12, v63;
	v12 =	vor.u32 $0x4010, v0  }
0xc1: {  	v1 =	vadd.f32 v2, v1;
	v2 =	vmul.f32 v11, v7;
	v7 =	vld.idx.msk [tilespmem:v14+s8+$0x0], $0xffff;
	v11 =	vor.u32 v12, v62  }
0xc2: {  	v13 =	vor.u32 $0x4011, v0;
	v12 =	vor.u32 v12, v63;
	v6 =	vld.idx.msk [tilespmem:v6+s9+$0x0], $0xffff  }
0xc3: {  	v1 =	vadd.f32 v2, v1;
	v2 =	vmul.f32 v9, v5;
	v5 =	vor.u32 v13, v62  }
0xc4: {  	v9 =	vor.u32 v13, v63;
	v13 =	vor.u32 $0x4012, v0;
	v4 =	vld.idx.msk [tilespmem:v4+s8+$0x0], $0xffff  }
0xc5: {  	v1 =	vadd.f32 v2, v1;
	v2 =	vmul.f32 v8, v3;
	v3 =	vld.idx.msk [tilespmem:v10+s9+$0x0], $0xffff;
	v8 =	vor.u32 v13, v62  }
0xc6: {  	v10 =	vld.idx.msk [tilespmem:v11+s8+$0x0], $0xffff;
	v11 =	vor.u32 v13, v63;
	v13 =	vor.u32 $0x4013, v0  }
0xc7: {  	v1 =	vadd.f32 v2, v1;
	v2 =	vmul.f32 v6, v7;
	v6 =	vld.idx.msk [tilespmem:v12+s9+$0x0], $0xffff;
	v7 =	vor.u32 v13, v62  }
0xc8: {  	v12 =	vor.u32 v13, v63;
	v13 =	vor.u32 $0x4014, v0;
	v5 =	vld.idx.msk [tilespmem:v5+s8+$0x0], $0xffff  }
0xc9: {  	v1 =	vadd.f32 v2, v1;
	v2 =	vld.idx.msk [tilespmem:v9+s9+$0x0], $0xffff;
	v9 =	vor.u32 v13, v62  }
0xca: {  	v3 =	vmul.f32 v3, v4;
	v4 =	vld.idx.msk [tilespmem:v8+s8+$0x0], $0xffff;
	v8 =	vor.u32 v13, v63;
	v13 =	vor.u32 $0x4015, v0  }
0xcb: {  	v11 =	vld.idx.msk [tilespmem:v11+s9+$0x0], $0xffff;
	v14 =	vor.u32 v13, v62  }
0xcc: {  	v1 =	vadd.f32 v3, v1;
	v3 =	vmul.f32 v6, v10;
	v6 =	vld.idx.msk [tilespmem:v7+s8+$0x0], $0xffff;
	v7 =	vor.u32 v13, v63  }
0xcd: {  	v10 =	vld.idx.msk [tilespmem:v12+s9+$0x0], $0xffff;
	v12 =	vor.u32 $0x4016, v0  }
0xce: {  	v1 =	vadd.f32 v3, v1;
	v2 =	vmul.f32 v2, v5;
	v3 =	vld.idx.msk [tilespmem:v9+s8+$0x0], $0xffff;
	v5 =	vor.u32 v12, v62  }
0xcf: {  	v9 =	vor.u32 v12, v63;
	v12 =	vor.u32 $0x4017, v0;
	v8 =	vld.idx.msk [tilespmem:v8+s9+$0x0], $0xffff  }
0xd0: {  	v1 =	vadd.f32 v2, v1;
	v2 =	vmul.f32 v11, v4;
	v4 =	vld.idx.msk [tilespmem:v14+s8+$0x0], $0xffff;
	v11 =	vor.u32 v12, v62  }
0xd1: {  	v13 =	vor.u32 $0x4018, v0;
	v12 =	vor.u32 v12, v63;
	v7 =	vld.idx.msk [tilespmem:v7+s9+$0x0], $0xffff  }
0xd2: {  	v1 =	vadd.f32 v2, v1;
	v2 =	vmul.f32 v10, v6;
	v6 =	vor.u32 v13, v62  }
0xd3: {  	v10 =	vor.u32 v13, v63;
	v13 =	vor.u32 $0x4019, v0;
	v5 =	vld.idx.msk [tilespmem:v5+s8+$0x0], $0xffff  }
0xd4: {  	v1 =	vadd.f32 v2, v1;
	v2 =	vmul.f32 v8, v3;
	v3 =	vld.idx.msk [tilespmem:v9+s9+$0x0], $0xffff;
	v8 =	vor.u32 v13, v62  }
0xd5: {  	v9 =	vld.idx.msk [tilespmem:v11+s8+$0x0], $0xffff;
	v11 =	vor.u32 v13, v63;
	v13 =	vor.u32 $0x401A, v0  }
0xd6: {  	v1 =	vadd.f32 v2, v1;
	v2 =	vmul.f32 v7, v4;
	v4 =	vld.idx.msk [tilespmem:v12+s9+$0x0], $0xffff;
	v7 =	vor.u32 v13, v62  }
0xd7: {  	v12 =	vor.u32 v13, v63;
	v13 =	vor.u32 $0x401B, v0;
	v6 =	vld.idx.msk [tilespmem:v6+s8+$0x0], $0xffff  }
0xd8: {  	v1 =	vadd.f32 v2, v1;
	v2 =	vld.idx.msk [tilespmem:v10+s9+$0x0], $0xffff;
	v10 =	vor.u32 v13, v62  }
0xd9: {  	v3 =	vmul.f32 v3, v5;
	v5 =	vld.idx.msk [tilespmem:v8+s8+$0x0], $0xffff;
	v8 =	vor.u32 v13, v63;
	v13 =	vor.u32 $0x401C, v0  }
0xda: {  	v11 =	vld.idx.msk [tilespmem:v11+s9+$0x0], $0xffff;
	v14 =	vor.u32 v13, v62  }
0xdb: {  	v1 =	vadd.f32 v3, v1;
	v3 =	vmul.f32 v4, v9;
	v4 =	vld.idx.msk [tilespmem:v7+s8+$0x0], $0xffff;
	v7 =	vor.u32 v13, v63  }
0xdc: {  	v9 =	vld.idx.msk [tilespmem:v12+s9+$0x0], $0xffff;
	v12 =	vor.u32 $0x401D, v0  }
0xdd: {  	v1 =	vadd.f32 v3, v1;
	v2 =	vmul.f32 v2, v6;
	v3 =	vld.idx.msk [tilespmem:v10+s8+$0x0], $0xffff;
	v6 =	vor.u32 v12, v62  }
0xde: {  	v10 =	vor.u32 v12, v63;
	v12 =	vor.u32 $0x401E, v0;
	v8 =	vld.idx.msk [tilespmem:v8+s9+$0x0], $0xffff  }
0xdf: {  	v1 =	vadd.f32 v2, v1;
	v2 =	vmul.f32 v11, v5;
	v5 =	vld.idx.msk [tilespmem:v14+s8+$0x0], $0xffff;
	v11 =	vor.u32 v12, v62  }
0xe0: {  	v13 =	vor.u32 $0x401F, v0;
	v12 =	vor.u32 v12, v63;
	v7 =	vld.idx.msk [tilespmem:v7+s9+$0x0], $0xffff  }
0xe1: {  	v1 =	vadd.f32 v2, v1;
	v2 =	vmul.f32 v9, v4;
	v4 =	vor.u32 v13, v62  }
0xe2: {  	v9 =	vor.u32 v13, v63;
	v13 =	vor.u32 $0x4020, v0;
	v6 =	vld.idx.msk [tilespmem:v6+s8+$0x0], $0xffff  }
0xe3: {  	v1 =	vadd.f32 v2, v1;
	v2 =	vmul.f32 v8, v3;
	v3 =	vld.idx.msk [tilespmem:v10+s9+$0x0], $0xffff;
	v8 =	vor.u32 v13, v62  }
0xe4: {  	v10 =	vld.idx.msk [tilespmem:v11+s8+$0x0], $0xffff;
	v11 =	vor.u32 v13, v63;
	v13 =	vor.u32 $0x4021, v0  }
0xe5: {  	v1 =	vadd.f32 v2, v1;
	v2 =	vmul.f32 v7, v5;
	v5 =	vld.idx.msk [tilespmem:v12+s9+$0x0], $0xffff;
	v7 =	vor.u32 v13, v62  }
0xe6: {  	v12 =	vor.u32 v13, v63;
	v13 =	vor.u32 $0x4022, v0;
	v4 =	vld.idx.msk [tilespmem:v4+s8+$0x0], $0xffff  }
0xe7: {  	v1 =	vadd.f32 v2, v1;
	v2 =	vld.idx.msk [tilespmem:v9+s9+$0x0], $0xffff;
	v9 =	vor.u32 v13, v62  }
0xe8: {  	v3 =	vmul.f32 v3, v6;
	v6 =	vld.idx.msk [tilespmem:v8+s8+$0x0], $0xffff;
	v8 =	vor.u32 v13, v63;
	v13 =	vor.u32 $0x4023, v0  }
0xe9: {  	v11 =	vld.idx.msk [tilespmem:v11+s9+$0x0], $0xffff;
	v14 =	vor.u32 v13, v62  }
0xea: {  	v1 =	vadd.f32 v3, v1;
	v3 =	vmul.f32 v5, v10;
	v5 =	vld.idx.msk [tilespmem:v7+s8+$0x0], $0xffff;
	v7 =	vor.u32 v13, v63  }
0xeb: {  	v10 =	vld.idx.msk [tilespmem:v12+s9+$0x0], $0xffff;
	v12 =	vor.u32 $0x4024, v0  }
0xec: {  	v1 =	vadd.f32 v3, v1;
	v2 =	vmul.f32 v2, v4;
	v3 =	vld.idx.msk [tilespmem:v9+s8+$0x0], $0xffff;
	v4 =	vor.u32 v12, v62  }
0xed: {  	v9 =	vor.u32 v12, v63;
	v12 =	vor.u32 $0x4025, v0;
	v8 =	vld.idx.msk [tilespmem:v8+s9+$0x0], $0xffff  }
0xee: {  	v1 =	vadd.f32 v2, v1;
	v2 =	vmul.f32 v11, v6;
	v6 =	vld.idx.msk [tilespmem:v14+s8+$0x0], $0xffff;
	v11 =	vor.u32 v12, v62  }
0xef: {  	v13 =	vor.u32 $0x4026, v0;
	v12 =	vor.u32 v12, v63;
	v7 =	vld.idx.msk [tilespmem:v7+s9+$0x0], $0xffff  }
0xf0: {  	v1 =	vadd.f32 v2, v1;
	v2 =	vmul.f32 v10, v5;
	v5 =	vor.u32 v13, v62  }
0xf1: {  	v10 =	vor.u32 v13, v63;
	v13 =	vor.u32 $0x4027, v0;
	v4 =	vld.idx.msk [tilespmem:v4+s8+$0x0], $0xffff  }
0xf2: {  	v1 =	vadd.f32 v2, v1;
	v2 =	vmul.f32 v8, v3;
	v3 =	vld.idx.msk [tilespmem:v9+s9+$0x0], $0xffff;
	v8 =	vor.u32 v13, v62  }
0xf3: {  	v9 =	vld.idx.msk [tilespmem:v11+s8+$0x0], $0xffff;
	v11 =	vor.u32 v13, v63;
	v13 =	vor.u32 $0x4028, v0  }
0xf4: {  	v1 =	vadd.f32 v2, v1;
	v2 =	vmul.f32 v7, v6;
	v6 =	vld.idx.msk [tilespmem:v12+s9+$0x0], $0xffff;
	v7 =	vor.u32 v13, v62  }
0xf5: {  	v12 =	vor.u32 v13, v63;
	v13 =	vor.u32 $0x4029, v0;
	v5 =	vld.idx.msk [tilespmem:v5+s8+$0x0], $0xffff  }
0xf6: {  	v1 =	vadd.f32 v2, v1;
	v2 =	vld.idx.msk [tilespmem:v10+s9+$0x0], $0xffff;
	v10 =	vor.u32 v13, v62  }
0xf7: {  	v3 =	vmul.f32 v3, v4;
	v4 =	vld.idx.msk [tilespmem:v8+s8+$0x0], $0xffff;
	v8 =	vor.u32 v13, v63;
	v13 =	vor.u32 $0x402A, v0  }
0xf8: {  	v11 =	vld.idx.msk [tilespmem:v11+s9+$0x0], $0xffff;
	v14 =	vor.u32 v13, v62  }
0xf9: {  	v1 =	vadd.f32 v3, v1;
	v3 =	vmul.f32 v6, v9;
	v6 =	vld.idx.msk [tilespmem:v7+s8+$0x0], $0xffff;
	v7 =	vor.u32 v13, v63  }
0xfa: {  	v9 =	vld.idx.msk [tilespmem:v12+s9+$0x0], $0xffff;
	v12 =	vor.u32 $0x402B, v0  }
0xfb: {  	v1 =	vadd.f32 v3, v1;
	v2 =	vmul.f32 v2, v5;
	v3 =	vld.idx.msk [tilespmem:v10+s8+$0x0], $0xffff;
	v5 =	vor.u32 v12, v62  }
0xfc: {  	v10 =	vor.u32 v12, v63;
	v12 =	vor.u32 $0x402C, v0;
	v8 =	vld.idx.msk [tilespmem:v8+s9+$0x0], $0xffff  }
0xfd: {  	v1 =	vadd.f32 v2, v1;
	v2 =	vmul.f32 v11, v4;
	v4 =	vld.idx.msk [tilespmem:v14+s8+$0x0], $0xffff;
	v11 =	vor.u32 v12, v62  }
0xfe: {  	v13 =	vor.u32 $0x402D, v0;
	v12 =	vor.u32 v12, v63;
	v7 =	vld.idx.msk [tilespmem:v7+s9+$0x0], $0xffff  }
0xff: {  	v1 =	vadd.f32 v2, v1;
	v2 =	vmul.f32 v9, v6;
	v6 =	vor.u32 v13, v62  }
0x100: {  	v9 =	vor.u32 v13, v63;
	v13 =	vor.u32 $0x402E, v0;
	v5 =	vld.idx.msk [tilespmem:v5+s8+$0x0], $0xffff  }
0x101: {  	v1 =	vadd.f32 v2, v1;
	v2 =	vmul.f32 v8, v3;
	v3 =	vld.idx.msk [tilespmem:v10+s9+$0x0], $0xffff;
	v8 =	vor.u32 v13, v62  }
0x102: {  	v10 =	vld.idx.msk [tilespmem:v11+s8+$0x0], $0xffff;
	v11 =	vor.u32 v13, v63;
	v13 =	vor.u32 $0x402F, v0  }
0x103: {  	v1 =	vadd.f32 v2, v1;
	v2 =	vmul.f32 v7, v4;
	v4 =	vld.idx.msk [tilespmem:v12+s9+$0x0], $0xffff;
	v7 =	vor.u32 v13, v62  }
0x104: {  	v12 =	vor.u32 v13, v63;
	v13 =	vor.u32 $0x4030, v0;
	v6 =	vld.idx.msk [tilespmem:v6+s8+$0x0], $0xffff  }
0x105: {  	v1 =	vadd.f32 v2, v1;
	v2 =	vld.idx.msk [tilespmem:v9+s9+$0x0], $0xffff;
	v9 =	vor.u32 v13, v62  }
0x106: {  	v3 =	vmul.f32 v3, v5;
	v5 =	vld.idx.msk [tilespmem:v8+s8+$0x0], $0xffff;
	v8 =	vor.u32 v13, v63;
	v13 =	vor.u32 $0x4031, v0  }
0x107: {  	v11 =	vld.idx.msk [tilespmem:v11+s9+$0x0], $0xffff;
	v14 =	vor.u32 v13, v62  }
0x108: {  	v1 =	vadd.f32 v3, v1;
	v3 =	vmul.f32 v4, v10;
	v4 =	vld.idx.msk [tilespmem:v7+s8+$0x0], $0xffff;
	v7 =	vor.u32 v13, v63  }
0x109: {  	v10 =	vld.idx.msk [tilespmem:v12+s9+$0x0], $0xffff;
	v12 =	vor.u32 $0x4032, v0  }
0x10a: {  	v1 =	vadd.f32 v3, v1;
	v2 =	vmul.f32 v2, v6;
	v3 =	vld.idx.msk [tilespmem:v9+s8+$0x0], $0xffff;
	v6 =	vor.u32 v12, v62  }
0x10b: {  	v9 =	vor.u32 v12, v63;
	v12 =	vor.u32 $0x4033, v0;
	v8 =	vld.idx.msk [tilespmem:v8+s9+$0x0], $0xffff  }
0x10c: {  	v1 =	vadd.f32 v2, v1;
	v2 =	vmul.f32 v11, v5;
	v5 =	vld.idx.msk [tilespmem:v14+s8+$0x0], $0xffff;
	v11 =	vor.u32 v12, v62  }
0x10d: {  	v13 =	vor.u32 $0x4034, v0;
	v12 =	vor.u32 v12, v63;
	v7 =	vld.idx.msk [tilespmem:v7+s9+$0x0], $0xffff  }
0x10e: {  	v1 =	vadd.f32 v2, v1;
	v2 =	vmul.f32 v10, v4;
	v4 =	vor.u32 v13, v62  }
0x10f: {  	v10 =	vor.u32 v13, v63;
	v13 =	vor.u32 $0x4035, v0;
	v6 =	vld.idx.msk [tilespmem:v6+s8+$0x0], $0xffff  }
0x110: {  	v1 =	vadd.f32 v2, v1;
	v2 =	vmul.f32 v8, v3;
	v3 =	vld.idx.msk [tilespmem:v9+s9+$0x0], $0xffff;
	v8 =	vor.u32 v13, v62  }
0x111: {  	v9 =	vld.idx.msk [tilespmem:v11+s8+$0x0], $0xffff;
	v11 =	vor.u32 v13, v63;
	v13 =	vor.u32 $0x4036, v0  }
0x112: {  	v1 =	vadd.f32 v2, v1;
	v2 =	vmul.f32 v7, v5;
	v5 =	vld.idx.msk [tilespmem:v12+s9+$0x0], $0xffff;
	v7 =	vor.u32 v13, v62  }
0x113: {  	v12 =	vor.u32 v13, v63;
	v13 =	vor.u32 $0x4037, v0;
	v4 =	vld.idx.msk [tilespmem:v4+s8+$0x0], $0xffff  }
0x114: {  	v1 =	vadd.f32 v2, v1;
	v2 =	vld.idx.msk [tilespmem:v10+s9+$0x0], $0xffff;
	v10 =	vor.u32 v13, v62  }
0x115: {  	v3 =	vmul.f32 v3, v6;
	v6 =	vld.idx.msk [tilespmem:v8+s8+$0x0], $0xffff;
	v8 =	vor.u32 v13, v63;
	v13 =	vor.u32 $0x4038, v0  }
0x116: {  	v11 =	vld.idx.msk [tilespmem:v11+s9+$0x0], $0xffff;
	v14 =	vor.u32 v13, v62  }
0x117: {  	v1 =	vadd.f32 v3, v1;
	v3 =	vmul.f32 v5, v9;
	v5 =	vld.idx.msk [tilespmem:v7+s8+$0x0], $0xffff;
	v7 =	vor.u32 v13, v63  }
0x118: {  	v9 =	vld.idx.msk [tilespmem:v12+s9+$0x0], $0xffff;
	v12 =	vor.u32 $0x4039, v0  }
0x119: {  	v1 =	vadd.f32 v3, v1;
	v2 =	vmul.f32 v2, v4;
	v3 =	vld.idx.msk [tilespmem:v10+s8+$0x0], $0xffff;
	v4 =	vor.u32 v12, v62  }
0x11a: {  	v10 =	vor.u32 v12, v63;
	v12 =	vor.u32 $0x403A, v0;
	v8 =	vld.idx.msk [tilespmem:v8+s9+$0x0], $0xffff  }
0x11b: {  	v1 =	vadd.f32 v2, v1;
	v2 =	vmul.f32 v11, v6;
	v6 =	vld.idx.msk [tilespmem:v14+s8+$0x0], $0xffff;
	v11 =	vor.u32 v12, v62  }
0x11c: {  	v13 =	vor.u32 $0x403B, v0;
	v12 =	vor.u32 v12, v63;
	v7 =	vld.idx.msk [tilespmem:v7+s9+$0x0], $0xffff  }
0x11d: {  	v1 =	vadd.f32 v2, v1;
	v2 =	vmul.f32 v9, v5;
	v5 =	vor.u32 v13, v62  }
0x11e: {  	v9 =	vor.u32 v13, v63;
	v13 =	vor.u32 $0x403C, v0;
	v4 =	vld.idx.msk [tilespmem:v4+s8+$0x0], $0xffff  }
0x11f: {  	v1 =	vadd.f32 v2, v1;
	v2 =	vmul.f32 v8, v3;
	v3 =	vld.idx.msk [tilespmem:v10+s9+$0x0], $0xffff;
	v8 =	vor.u32 v13, v62  }
0x120: {  	v10 =	vld.idx.msk [tilespmem:v11+s8+$0x0], $0xffff;
	v11 =	vor.u32 v13, v63;
	v13 =	vor.u32 $0x403D, v0  }
0x121: {  	v1 =	vadd.f32 v2, v1;
	v2 =	vmul.f32 v7, v6;
	v6 =	vld.idx.msk [tilespmem:v12+s9+$0x0], $0xffff;
	v7 =	vor.u32 v13, v62  }
0x122: {  	v12 =	vor.u32 v13, v63;
	v13 =	vor.u32 $0x403E, v0;
	v5 =	vld.idx.msk [tilespmem:v5+s8+$0x0], $0xffff  }
0x123: {  	v1 =	vadd.f32 v2, v1;
	v2 =	vld.idx.msk [tilespmem:v9+s9+$0x0], $0xffff;
	v9 =	vor.u32 v13, v62  }
0x124: {  	v3 =	vmul.f32 v3, v4;
	v4 =	vld.idx.msk [tilespmem:v8+s8+$0x0], $0xffff;
	v8 =	vor.u32 v13, v63;
	v13 =	vor.u32 $0x403F, v0  }
0x125: {  	v11 =	vld.idx.msk [tilespmem:v11+s9+$0x0], $0xffff;
	v14 =	vor.u32 v13, v62  }
0x126: {  	v1 =	vadd.f32 v3, v1;
	v3 =	vmul.f32 v6, v10;
	v6 =	vor.u32 v13, v63;
	v7 =	vld.idx.msk [tilespmem:v7+s8+$0x0], $0xffff  }
0x127: {  	v10 =	vld.idx.msk [tilespmem:v12+s9+$0x0], $0xffff  }
0x128: {  	v1 =	vadd.f32 v3, v1;
	v2 =	vmul.f32 v2, v5;
	v3 =	vld.idx.msk [tilespmem:v9+s8+$0x0], $0xffff  }
0x129: {  	v62 =	vld.idx.msk [tilespmem:v8+s9+$0x0], $0xffff  }
0x12a: {  	v1 =	vadd.f32 v2, v1;
	v2 =	vmul.f32 v11, v4;
	v63 =	vld.idx.msk [tilespmem:v14+s8+$0x0], $0xffff  }
0x12b: {  	v6 =	vld.idx.msk [tilespmem:v6+s9+$0x0], $0xffff  }
0x12c: {  	v1 =	vadd.f32 v2, v1;
	v2 =	vmul.f32 v10, v7;
	_ =	sdelay $0x1  }
0x12d: {  	s22 =	sadd.s32 $0x20, s22;
	v1 =	vadd.f32 v2, v1;
	v2 =	vmul.f32 v62, v3  }
0x12e: {  	p0 =	sne.s32 s22, $0x200  }
.Ltmp3:
0x12f: {  	v1 =	vadd.f32 v2, v1;
	v2 =	vmul.f32 v6, v63;
	(pc) =	sbr.rel @!p0 .LBB2_5-.Ltmp3, $3  }
0x130: {  	_ = 	snop  }
0x131: {  	v1 =	vadd.f32 v2, v1;
	_ =	sdelay $0x1  }
0x132: {  	s21 =	sadd.s32 $0x80, s21;
	[tilespmem:s25+$0x10410] =	vst v1  }
.LBB2_2:
0x133: {  	_ =	swait.ge [sflag:s13], $0x4000  }
0x134: {  	[sflag:s13] =	ssyncset.done $0x0  }
0x135: {  	[sflag:s13] =	ssyncadd.s32 $0xFFFFC000  }
0x136: {  	s23 =	sadd.s32 $0x10, s22;
	s24 =	sshrl.u32 s21, $0x2;
	_ =	swait.ge [sflag:s13], $0x4000  }
0x137: {  	s28 =	sand.u32 $0x70, s23;
	s25 =	sand.u32 $0x180, s24;
	[sflag:s13] =	ssyncset.done $0x0  }
0x138: {  	s23 =	sor.u32 s28, s25;
	[sflag:s13] =	ssyncadd.s32 $0xFFFFC000  }
0x139: {  	v1 =	vld [tilespmem:s23+$0x0];
	_ =	sdelay $0x1  }
0x13a: {  	s26 =	sor.u32 $0x200, s25  }
0x13b: {  	s24 =	sor.u32 s28, s26  }
0x13c: {  	v62 =	vld [tilespmem:s24+$0x0]  }
0x13d: {  	v1 =	vshrl.u32 v1, $0x3  }
0x13e: {  	v63 =	vshll.u32 v1, $0x7  }
0x13f: {  	(v2sf) =	vpush v63, $0x0;
	_ =	sdelay $0x1  }
0x140: {  	v1 =	vshrl.u32 v62, $0x3  }
0x141: {  	v62 =	vshll.u32 v1, $0x7  }
0x142: {  	(v2sf) =	vpush v62, $0x0;
	_ =	sdelay $0x3  }
0x143: {  	(v2sf) =	vpush v63, $0x1;
	_ =	sdelay $0x3  }
0x144: {  	(v2sf) =	vpush v62, $0x1;
	_ =	sdelay $0x2  }
0x145: {  	s29 =	spop (v2sf)  }
0x146: {  	(v2sf) =	vpush v63, $0x2;
	s28 =	sand.u32 $0x1FFFFF80, s29  }
0x147: {  	s29 =	simm.s32 $0x4400;
	s28 =	sadd.s32 s3, s28  }
0x148: {  	[tilespmem:s29], [sflag:$0x2] =	stream.linear.gather [hbm4b:s28+s2], $0x400, $0x38;
	[tilespmem:$0x10600] =	vst v63  }
0x149: {  	s29 =	spop (v2sf)  }
0x14a: {  	(v2sf) =	vpush v62, $0x2;
	s28 =	sand.u32 $0x1FFFFF80, s29  }
0x14b: {  	s29 =	simm.s32 $0xC400;
	s28 =	sadd.s32 s3, s28  }
0x14c: {  	[tilespmem:s29], [sflag:$0x2] =	stream.linear.gather [hbm4b:s28+s2], $0x400, $0x38;
	[tilespmem:$0x10600] =	vst v63  }
0x14d: {  	s29 =	spop (v2sf)  }
0x14e: {  	(v2sf) =	vpush v63, $0x3;
	s28 =	sand.u32 $0x1FFFFF80, s29  }
0x14f: {  	s29 =	simm.s32 $0x4800;
	s28 =	sadd.s32 s3, s28  }
0x150: {  	[tilespmem:s29], [sflag:$0x2] =	stream.linear.gather [hbm4b:s28+s2], $0x400, $0x38;
	[tilespmem:$0x10600] =	vst v63  }
0x151: {  	s29 =	spop (v2sf)  }
0x152: {  	(v2sf) =	vpush v62, $0x3;
	s28 =	sand.u32 $0x1FFFFF80, s29  }
0x153: {  	s29 =	simm.s32 $0xC800;
	s28 =	sadd.s32 s3, s28  }
0x154: {  	[tilespmem:s29], [sflag:$0x2] =	stream.linear.gather [hbm4b:s28+s2], $0x400, $0x38;
	[tilespmem:$0x10600] =	vst v63  }
0x155: {  	s29 =	spop (v2sf)  }
0x156: {  	(v2sf) =	vpush v63, $0x4;
	s28 =	sand.u32 $0x1FFFFF80, s29  }
0x157: {  	s29 =	simm.s32 $0x4C00;
	s28 =	sadd.s32 s3, s28  }
0x158: {  	[tilespmem:s29], [sflag:$0x2] =	stream.linear.gather [hbm4b:s28+s2], $0x400, $0x38;
	[tilespmem:$0x10600] =	vst v63  }
0x159: {  	s29 =	spop (v2sf)  }
0x15a: {  	(v2sf) =	vpush v62, $0x4;
	s28 =	sand.u32 $0x1FFFFF80, s29  }
0x15b: {  	s29 =	simm.s32 $0xCC00;
	s28 =	sadd.s32 s3, s28  }
0x15c: {  	[tilespmem:s29], [sflag:$0x2] =	stream.linear.gather [hbm4b:s28+s2], $0x400, $0x38;
	[tilespmem:$0x10600] =	vst v63  }
0x15d: {  	s29 =	spop (v2sf)  }
0x15e: {  	(v2sf) =	vpush v63, $0x5;
	s28 =	sand.u32 $0x1FFFFF80, s29  }
0x15f: {  	s29 =	simm.s32 $0x5000;
	s28 =	sadd.s32 s3, s28  }
0x160: {  	[tilespmem:s29], [sflag:$0x2] =	stream.linear.gather [hbm4b:s28+s2], $0x400, $0x38;
	[tilespmem:$0x10600] =	vst v63  }
0x161: {  	s29 =	spop (v2sf)  }
0x162: {  	(v2sf) =	vpush v62, $0x5;
	s28 =	sand.u32 $0x1FFFFF80, s29  }
0x163: {  	s29 =	simm.s32 $0xD000;
	s28 =	sadd.s32 s3, s28  }
0x164: {  	[tilespmem:s29], [sflag:$0x2] =	stream.linear.gather [hbm4b:s28+s2], $0x400, $0x38;
	[tilespmem:$0x10600] =	vst v63  }
0x165: {  	s29 =	spop (v2sf)  }
0x166: {  	(v2sf) =	vpush v63, $0x6;
	s28 =	sand.u32 $0x1FFFFF80, s29  }
0x167: {  	s29 =	simm.s32 $0x5400;
	s28 =	sadd.s32 s3, s28  }
0x168: {  	[tilespmem:s29], [sflag:$0x2] =	stream.linear.gather [hbm4b:s28+s2], $0x400, $0x38;
	[tilespmem:$0x10600] =	vst v63  }
0x169: {  	s29 =	spop (v2sf)  }
0x16a: {  	(v2sf) =	vpush v62, $0x6;
	s28 =	sand.u32 $0x1FFFFF80, s29  }
0x16b: {  	s29 =	simm.s32 $0xD400;
	s28 =	sadd.s32 s3, s28  }
0x16c: {  	[tilespmem:s29], [sflag:$0x2] =	stream.linear.gather [hbm4b:s28+s2], $0x400, $0x38;
	[tilespmem:$0x10600] =	vst v63  }
0x16d: {  	s29 =	spop (v2sf)  }
0x16e: {  	(v2sf) =	vpush v63, $0x7;
	s28 =	sand.u32 $0x1FFFFF80, s29  }
0x16f: {  	s29 =	simm.s32 $0x5800;
	s28 =	sadd.s32 s3, s28  }
0x170: {  	[tilespmem:s29], [sflag:$0x2] =	stream.linear.gather [hbm4b:s28+s2], $0x400, $0x38;
	[tilespmem:$0x10600] =	vst v63  }
0x171: {  	s29 =	spop (v2sf)  }
0x172: {  	(v2sf) =	vpush v62, $0x7;
	s28 =	sand.u32 $0x1FFFFF80, s29  }
0x173: {  	s29 =	simm.s32 $0xD800;
	s28 =	sadd.s32 s3, s28  }
0x174: {  	[tilespmem:s29], [sflag:$0x2] =	stream.linear.gather [hbm4b:s28+s2], $0x400, $0x38;
	[tilespmem:$0x10600] =	vst v63  }
0x175: {  	s29 =	spop (v2sf)  }
0x176: {  	(v2sf) =	vpush v63, $0x8;
	s28 =	sand.u32 $0x1FFFFF80, s29  }
0x177: {  	s29 =	simm.s32 $0x5C00;
	s28 =	sadd.s32 s3, s28  }
0x178: {  	[tilespmem:s29], [sflag:$0x2] =	stream.linear.gather [hbm4b:s28+s2], $0x400, $0x38;
	[tilespmem:$0x10600] =	vst v63  }
0x179: {  	s29 =	spop (v2sf)  }
0x17a: {  	(v2sf) =	vpush v62, $0x8;
	s28 =	sand.u32 $0x1FFFFF80, s29  }
0x17b: {  	s29 =	simm.s32 $0xDC00;
	s28 =	sadd.s32 s3, s28  }
0x17c: {  	[tilespmem:s29], [sflag:$0x2] =	stream.linear.gather [hbm4b:s28+s2], $0x400, $0x38;
	[tilespmem:$0x10600] =	vst v63  }
0x17d: {  	s29 =	spop (v2sf)  }
0x17e: {  	(v2sf) =	vpush v63, $0x9;
	s28 =	sand.u32 $0x1FFFFF80, s29  }
0x17f: {  	s29 =	simm.s32 $0x6000;
	s28 =	sadd.s32 s3, s28  }
0x180: {  	[tilespmem:s29], [sflag:$0x2] =	stream.linear.gather [hbm4b:s28+s2], $0x400, $0x38;
	[tilespmem:$0x10600] =	vst v63  }
0x181: {  	s29 =	spop (v2sf)  }
0x182: {  	(v2sf) =	vpush v62, $0x9;
	s28 =	sand.u32 $0x1FFFFF80, s29  }
0x183: {  	s28 =	sadd.s32 s3, s28  }
0x184: {  	[tilespmem:s30], [sflag:$0x2] =	stream.linear.gather [hbm4b:s28+s2], $0x400, $0x38;
	[tilespmem:$0x10600] =	vst v63  }
0x185: {  	s29 =	spop (v2sf)  }
0x186: {  	(v2sf) =	vpush v63, $0xA;
	s28 =	sand.u32 $0x1FFFFF80, s29  }
0x187: {  	s28 =	sadd.s32 s3, s28  }
0x188: {  	[tilespmem:s31], [sflag:$0x2] =	stream.linear.gather [hbm4b:s28+s2], $0x400, $0x38;
	[tilespmem:$0x10600] =	vst v63  }
0x189: {  	s29 =	spop (v2sf)  }
0x18a: {  	(v2sf) =	vpush v62, $0xA;
	s28 =	sand.u32 $0x1FFFFF80, s29  }
0x18b: {  	s28 =	sadd.s32 s3, s28  }
0x18c: {  	[tilespmem:s1], [sflag:$0x2] =	stream.linear.gather [hbm4b:s28+s2], $0x400, $0x38;
	[tilespmem:$0x10600] =	vst v63  }
0x18d: {  	s29 =	spop (v2sf)  }
0x18e: {  	(v2sf) =	vpush v63, $0xB;
	s28 =	sand.u32 $0x1FFFFF80, s29  }
0x18f: {  	s28 =	sadd.s32 s3, s28  }
0x190: {  	[tilespmem:s0], [sflag:$0x2] =	stream.linear.gather [hbm4b:s28+s2], $0x400, $0x38;
	[tilespmem:$0x10600] =	vst v63  }
0x191: {  	s29 =	spop (v2sf)  }
0x192: {  	(v2sf) =	vpush v62, $0xB;
	s28 =	sand.u32 $0x1FFFFF80, s29  }
0x193: {  	s28 =	sadd.s32 s3, s28  }
0x194: {  	[tilespmem:s4], [sflag:$0x2] =	stream.linear.gather [hbm4b:s28+s2], $0x400, $0x38;
	[tilespmem:$0x10600] =	vst v63  }
0x195: {  	s29 =	spop (v2sf)  }
0x196: {  	(v2sf) =	vpush v63, $0xC;
	s28 =	sand.u32 $0x1FFFFF80, s29  }
0x197: {  	s28 =	sadd.s32 s3, s28  }
0x198: {  	[tilespmem:s5], [sflag:$0x2] =	stream.linear.gather [hbm4b:s28+s2], $0x400, $0x38;
	[tilespmem:$0x10600] =	vst v63  }
0x199: {  	s29 =	spop (v2sf)  }
0x19a: {  	(v2sf) =	vpush v62, $0xC;
	s28 =	sand.u32 $0x1FFFFF80, s29  }
0x19b: {  	s28 =	sadd.s32 s3, s28  }
0x19c: {  	[tilespmem:s6], [sflag:$0x2] =	stream.linear.gather [hbm4b:s28+s2], $0x400, $0x38;
	[tilespmem:$0x10600] =	vst v63  }
0x19d: {  	s29 =	spop (v2sf)  }
0x19e: {  	(v2sf) =	vpush v63, $0xD;
	s28 =	sand.u32 $0x1FFFFF80, s29  }
0x19f: {  	s28 =	sadd.s32 s3, s28  }
0x1a0: {  	[tilespmem:s7], [sflag:$0x2] =	stream.linear.gather [hbm4b:s28+s2], $0x400, $0x38;
	[tilespmem:$0x10600] =	vst v63  }
0x1a1: {  	s29 =	spop (v2sf)  }
0x1a2: {  	(v2sf) =	vpush v62, $0xD;
	s28 =	sand.u32 $0x1FFFFF80, s29  }
0x1a3: {  	s28 =	sadd.s32 s3, s28  }
0x1a4: {  	[tilespmem:s10], [sflag:$0x2] =	stream.linear.gather [hbm4b:s28+s2], $0x400, $0x38;
	[tilespmem:$0x10600] =	vst v63  }
0x1a5: {  	s29 =	spop (v2sf)  }
0x1a6: {  	(v2sf) =	vpush v63, $0xE;
	s28 =	sand.u32 $0x1FFFFF80, s29  }
0x1a7: {  	s28 =	sadd.s32 s3, s28  }
0x1a8: {  	[tilespmem:s11], [sflag:$0x2] =	stream.linear.gather [hbm4b:s28+s2], $0x400, $0x38;
	[tilespmem:$0x10600] =	vst v63  }
0x1a9: {  	s29 =	spop (v2sf)  }
0x1aa: {  	(v2sf) =	vpush v62, $0xE;
	s28 =	sand.u32 $0x1FFFFF80, s29  }
0x1ab: {  	s28 =	sadd.s32 s3, s28  }
0x1ac: {  	[tilespmem:s12], [sflag:$0x2] =	stream.linear.gather [hbm4b:s28+s2], $0x400, $0x38;
	[tilespmem:$0x10600] =	vst v63  }
0x1ad: {  	s29 =	spop (v2sf)  }
0x1ae: {  	(v2sf) =	vpush v63, $0xF;
	s28 =	sand.u32 $0x1FFFFF80, s29  }
0x1af: {  	s28 =	sadd.s32 s3, s28  }
0x1b0: {  	[tilespmem:s14], [sflag:$0x2] =	stream.linear.gather [hbm4b:s28+s2], $0x400, $0x38;
	[tilespmem:$0x10600] =	vst v63  }
0x1b1: {  	s29 =	spop (v2sf)  }
0x1b2: {  	(v2sf) =	vpush v62, $0xF;
	s28 =	sand.u32 $0x1FFFFF80, s29  }
0x1b3: {  	s28 =	sadd.s32 s3, s28  }
0x1b4: {  	[tilespmem:s15], [sflag:$0x2] =	stream.linear.gather [hbm4b:s28+s2], $0x400, $0x38;
	[tilespmem:$0x10600] =	vst v63  }
0x1b5: {  	s29 =	spop (v2sf)  }
0x1b6: {  	s28 =	sand.u32 $0x1FFFFF80, s29  }
0x1b7: {  	s28 =	sadd.s32 s3, s28  }
0x1b8: {  	[tilespmem:s16], [sflag:$0x2] =	stream.linear.gather [hbm4b:s28+s2], $0x400, $0x38;
	[tilespmem:$0x10600] =	vst v63  }
0x1b9: {  	s29 =	spop (v2sf)  }
0x1ba: {  	s28 =	sand.u32 $0x1FFFFF80, s29  }
0x1bb: {  	s28 =	sadd.s32 s3, s28  }
0x1bc: {  	[tilespmem:s17], [sflag:$0x2] =	stream.linear.gather [hbm4b:s28+s2], $0x400, $0x38;
	[tilespmem:$0x10600] =	vst v63  }
0x1bd: {  	s29 =	spop (v2sf)  }
0x1be: {  	s28 =	sand.u32 $0x1FFFFF80, s29  }
0x1bf: {  	s28 =	sadd.s32 s3, s28  }
0x1c0: {  	[tilespmem:s18], [sflag:$0x2] =	stream.linear.gather [hbm4b:s28+s2], $0x400, $0x38;
	[tilespmem:$0x10600] =	vst v63  }
0x1c1: {  	s29 =	spop (v2sf)  }
0x1c2: {  	s28 =	sand.u32 $0x1FFFFF80, s29;
	s29 =	sand.u32 $0x60, s22  }
0x1c3: {  	s28 =	sadd.s32 s3, s28;
	s25 =	sor.u32 s29, s25  }
0x1c4: {  	[tilespmem:s19], [sflag:$0x2] =	stream.linear.gather [hbm4b:s28+s2], $0x400, $0x38;
	[tilespmem:$0x10600] =	vst v63  }
0x1c5: {  	s29 =	sor.u32 s29, s26;
	v1 =	vld [tilespmem:s25+$0x0]  }
0x1c6: {  	v10 =	vld [tilespmem:s29+$0x0];
	_ =	sdelay $0x2  }
0x1c7: {  	v4 =	vld [tilespmem:$0x1FF20]  }
0x1c8: {  	v1 =	vshll.u32 v1, $0x7  }
0x1c9: {  	v6 =	vld [tilespmem:$0x1FF30];
	v62 =	vand.u32 $0x380, v1;
	v1 =	vshll.u32 v10, $0x7  }
0x1ca: {  	v8 =	vld [tilespmem:$0x1FF40];
	v2 =	vor.u32 v0, v62;
	v63 =	vand.u32 $0x380, v1  }
0x1cb: {  	v12 =	vld [tilespmem:$0x1FF60];
	v1 =	vor.u32 v0, v63  }
0x1cc: {  	v13 =	vld [tilespmem:$0x1FF70];
	v3 =	vor.u32 v4, v62  }
0x1cd: {  	v14 =	vld [tilespmem:$0x1FF80];
	v4 =	vor.u32 v4, v63  }
0x1ce: {  	v10 =	vld [tilespmem:$0x1FF50];
	v5 =	vor.u32 v6, v62  }
0x1cf: {  	v6 =	vor.u32 v6, v63;
	v2 =	vld.idx.msk [tilespmem:v2+s8+$0x0], $0xffff  }
0x1d0: {  	v1 =	vld.idx.msk [tilespmem:v1+s9+$0x0], $0xffff  }
0x1d1: {  	v7 =	vor.u32 v8, v62;
	v8 =	vor.u32 v8, v63;
	v3 =	vld.idx.msk [tilespmem:v3+s8+$0x0], $0xffff  }
0x1d2: {  	v4 =	vld.idx.msk [tilespmem:v4+s9+$0x0], $0xffff  }
0x1d3: {  	v9 =	vor.u32 v10, v62;
	v5 =	vld.idx.msk [tilespmem:v5+s8+$0x0], $0xffff  }
0x1d4: {  	v6 =	vld.idx.msk [tilespmem:v6+s9+$0x0], $0xffff  }
0x1d5: {  	v1 =	vmul.f32 v1, v2  }
0x1d6: {  	v11 =	vor.u32 v12, v62;
	v10 =	vor.u32 v10, v63;
	v8 =	vld.idx.msk [tilespmem:v8+s9+$0x0], $0xffff  }
0x1d7: {  	v2 =	vld.idx.msk [tilespmem:v7+s8+$0x0], $0xffff;
	v7 =	vor.u32 v12, v63;
	v3 =	vmul.f32 v4, v3;
	v1 =	vadd.f32 $0.0e+00, v1  }
0x1d8: {  	v12 =	vor.u32 v13, v62;
	v4 =	vld.idx.msk [tilespmem:v9+s8+$0x0], $0xffff;
	v9 =	vor.u32 v13, v63;
	v13 =	vor.u32 v14, v62  }
0x1d9: {  	v1 =	vadd.f32 v3, v1;
	v3 =	vmul.f32 v6, v5;
	v6 =	vor.u32 v14, v63;
	v14 =	vld [tilespmem:$0x1FF90];
	_ =	sdelay $0x2  }
0x1da: {  	v10 =	vld.idx.msk [tilespmem:v10+s9+$0x0], $0xffff  }
0x1db: {  	v5 =	vld.idx.msk [tilespmem:v11+s8+$0x0], $0xffff  }
0x1dc: {  	v2 =	vmul.f32 v8, v2;
	v11 =	vor.u32 v14, v62;
	v8 =	vor.u32 v14, v63;
	v14 =	vld [tilespmem:$0x1FFA0];
	_ =	sdelay $0x1  }
0x1dd: {  	v1 =	vadd.f32 v3, v1  }
0x1de: {  	v7 =	vld.idx.msk [tilespmem:v7+s9+$0x0], $0xffff  }
0x1df: {  	v3 =	vld.idx.msk [tilespmem:v12+s8+$0x0], $0xffff;
	v1 =	vadd.f32 v2, v1  }
0x1e0: {  	v2 =	vmul.f32 v10, v4;
	v12 =	vor.u32 v14, v62;
	v10 =	vor.u32 v14, v63;
	v14 =	vld [tilespmem:$0x1FFB0];
	_ =	sdelay $0x2  }
0x1e1: {  	v9 =	vld.idx.msk [tilespmem:v9+s9+$0x0], $0xffff  }
0x1e2: {  	v4 =	vld.idx.msk [tilespmem:v13+s8+$0x0], $0xffff;
	v1 =	vadd.f32 v2, v1  }
0x1e3: {  	v2 =	vmul.f32 v7, v5;
	v13 =	vor.u32 v14, v62;
	v7 =	vor.u32 v14, v63;
	v14 =	vld [tilespmem:$0x1FFC0];
	_ =	sdelay $0x2  }
0x1e4: {  	v6 =	vld.idx.msk [tilespmem:v6+s9+$0x0], $0xffff  }
0x1e5: {  	v1 =	vadd.f32 v2, v1;
	v5 =	vld.idx.msk [tilespmem:v11+s8+$0x0], $0xffff  }
0x1e6: {  	v2 =	vmul.f32 v9, v3;
	v11 =	vor.u32 v14, v62;
	v9 =	vor.u32 v14, v63;
	v14 =	vld [tilespmem:$0x1FFD0];
	_ =	sdelay $0x2  }
0x1e7: {  	v8 =	vld.idx.msk [tilespmem:v8+s9+$0x0], $0xffff  }
0x1e8: {  	v1 =	vadd.f32 v2, v1;
	v3 =	vld.idx.msk [tilespmem:v12+s8+$0x0], $0xffff  }
0x1e9: {  	v2 =	vmul.f32 v6, v4;
	v12 =	vor.u32 v14, v62;
	v6 =	vor.u32 v14, v63;
	v14 =	vld [tilespmem:$0x1FFE0];
	_ =	sdelay $0x2  }
0x1ea: {  	v10 =	vld.idx.msk [tilespmem:v10+s9+$0x0], $0xffff  }
0x1eb: {  	v1 =	vadd.f32 v2, v1;
	v4 =	vld.idx.msk [tilespmem:v13+s8+$0x0], $0xffff  }
0x1ec: {  	v2 =	vmul.f32 v8, v5;
	v13 =	vor.u32 v14, v62;
	v8 =	vor.u32 v14, v63;
	v14 =	vld [tilespmem:$0x1FFF0];
	_ =	sdelay $0x1  }
0x1ed: {  	v7 =	vld.idx.msk [tilespmem:v7+s9+$0x0], $0xffff  }
0x1ee: {  	v5 =	vld.idx.msk [tilespmem:v11+s8+$0x0], $0xffff  }
0x1ef: {  	v9 =	vld.idx.msk [tilespmem:v9+s9+$0x0], $0xffff  }
0x1f0: {  	v1 =	vadd.f32 v2, v1;
	v2 =	vmul.f32 v10, v3;
	v3 =	vld.idx.msk [tilespmem:v12+s8+$0x0], $0xffff;
	v11 =	vor.u32 v14, v62  }
0x1f1: {  	v6 =	vld.idx.msk [tilespmem:v6+s9+$0x0], $0xffff;
	v10 =	vor.u32 v14, v63  }
0x1f2: {  	v1 =	vadd.f32 v2, v1;
	v2 =	vmul.f32 v7, v4;
	v7 =	vor.u32 v15, v63;
	v4 =	vld.idx.msk [tilespmem:v13+s8+$0x0], $0xffff  }
0x1f3: {  	v12 =	vor.u32 v15, v62;
	v8 =	vld.idx.msk [tilespmem:v8+s9+$0x0], $0xffff  }
0x1f4: {  	v1 =	vadd.f32 v2, v1;
	v2 =	vmul.f32 v9, v5;
	v9 =	vor.u32 v16, v63  }
0x1f5: {  	v13 =	vor.u32 v16, v62;
	v5 =	vld.idx.msk [tilespmem:v11+s8+$0x0], $0xffff  }
0x1f6: {  	v1 =	vadd.f32 v2, v1;
	v2 =	vmul.f32 v6, v3;
	v6 =	vor.u32 v17, v63;
	v10 =	vld.idx.msk [tilespmem:v10+s9+$0x0], $0xffff  }
0x1f7: {  	v7 =	vld.idx.msk [tilespmem:v7+s9+$0x0], $0xffff;
	v11 =	vor.u32 v17, v62  }
0x1f8: {  	v3 =	vld.idx.msk [tilespmem:v12+s8+$0x0], $0xffff;
	v1 =	vadd.f32 v2, v1;
	v2 =	vmul.f32 v8, v4;
	v8 =	vor.u32 v18, v63  }
0x1f9: {  	v12 =	vor.u32 v18, v62;
	v9 =	vld.idx.msk [tilespmem:v9+s9+$0x0], $0xffff  }
0x1fa: {  	v4 =	vld.idx.msk [tilespmem:v13+s8+$0x0], $0xffff;
	v13 =	vor.u32 v19, v62  }
0x1fb: {  	v6 =	vld.idx.msk [tilespmem:v6+s9+$0x0], $0xffff;
	v1 =	vadd.f32 v2, v1;
	v2 =	vmul.f32 v10, v5;
	v10 =	vor.u32 v19, v63  }
0x1fc: {  	v5 =	vld.idx.msk [tilespmem:v11+s8+$0x0], $0xffff;
	v11 =	vor.u32 v20, v62  }
0x1fd: {  	v8 =	vld.idx.msk [tilespmem:v8+s9+$0x0], $0xffff;
	v1 =	vadd.f32 v2, v1;
	v2 =	vmul.f32 v7, v3;
	v7 =	vor.u32 v20, v63  }
0x1fe: {  	v3 =	vld.idx.msk [tilespmem:v12+s8+$0x0], $0xffff;
	v12 =	vor.u32 v21, v62  }
0x1ff: {  	v1 =	vadd.f32 v2, v1;
	v2 =	vmul.f32 v9, v4;
	v4 =	vld.idx.msk [tilespmem:v13+s8+$0x0], $0xffff;
	v9 =	vor.u32 v21, v63  }
0x200: {  	v13 =	vor.u32 v22, v62;
	v10 =	vld.idx.msk [tilespmem:v10+s9+$0x0], $0xffff  }
0x201: {  	v1 =	vadd.f32 v2, v1;
	v2 =	vmul.f32 v6, v5;
	v5 =	vld.idx.msk [tilespmem:v11+s8+$0x0], $0xffff;
	v6 =	vor.u32 v22, v63  }
0x202: {  	v11 =	vor.u32 v23, v62;
	v7 =	vld.idx.msk [tilespmem:v7+s9+$0x0], $0xffff  }
0x203: {  	v1 =	vadd.f32 v2, v1;
	v2 =	vmul.f32 v8, v3;
	v3 =	vld.idx.msk [tilespmem:v12+s8+$0x0], $0xffff;
	v8 =	vor.u32 v23, v63  }
0x204: {  	v12 =	vor.u32 v24, v62;
	v9 =	vld.idx.msk [tilespmem:v9+s9+$0x0], $0xffff  }
0x205: {  	v1 =	vadd.f32 v2, v1;
	v2 =	vmul.f32 v10, v4;
	v4 =	vld.idx.msk [tilespmem:v13+s8+$0x0], $0xffff;
	v10 =	vor.u32 v24, v63  }
0x206: {  	v13 =	vor.u32 v25, v62;
	v6 =	vld.idx.msk [tilespmem:v6+s9+$0x0], $0xffff  }
0x207: {  	v1 =	vadd.f32 v2, v1;
	v2 =	vmul.f32 v7, v5;
	v5 =	vld.idx.msk [tilespmem:v11+s8+$0x0], $0xffff;
	v7 =	vor.u32 v25, v63  }
0x208: {  	v11 =	vor.u32 v26, v62;
	v8 =	vld.idx.msk [tilespmem:v8+s9+$0x0], $0xffff  }
0x209: {  	v1 =	vadd.f32 v2, v1;
	v2 =	vmul.f32 v9, v3;
	v3 =	vld.idx.msk [tilespmem:v12+s8+$0x0], $0xffff;
	v9 =	vor.u32 v26, v63  }
0x20a: {  	v12 =	vor.u32 v27, v62;
	v10 =	vld.idx.msk [tilespmem:v10+s9+$0x0], $0xffff  }
0x20b: {  	v1 =	vadd.f32 v2, v1;
	v2 =	vmul.f32 v6, v4;
	v4 =	vld.idx.msk [tilespmem:v13+s8+$0x0], $0xffff;
	v6 =	vor.u32 v27, v63  }
0x20c: {  	v13 =	vor.u32 v28, v62;
	v7 =	vld.idx.msk [tilespmem:v7+s9+$0x0], $0xffff  }
0x20d: {  	v1 =	vadd.f32 v2, v1;
	v2 =	vmul.f32 v8, v5;
	v5 =	vld.idx.msk [tilespmem:v11+s8+$0x0], $0xffff;
	v8 =	vor.u32 v28, v63  }
0x20e: {  	v11 =	vor.u32 v29, v62;
	v9 =	vld.idx.msk [tilespmem:v9+s9+$0x0], $0xffff  }
0x20f: {  	v1 =	vadd.f32 v2, v1;
	v2 =	vmul.f32 v10, v3;
	v3 =	vld.idx.msk [tilespmem:v12+s8+$0x0], $0xffff;
	v10 =	vor.u32 v29, v63  }
0x210: {  	v12 =	vor.u32 v30, v62;
	v6 =	vld.idx.msk [tilespmem:v6+s9+$0x0], $0xffff  }
0x211: {  	v1 =	vadd.f32 v2, v1;
	v2 =	vmul.f32 v7, v4;
	v4 =	vld.idx.msk [tilespmem:v13+s8+$0x0], $0xffff;
	v7 =	vor.u32 v30, v63  }
0x212: {  	v13 =	vor.u32 v31, v62;
	v8 =	vld.idx.msk [tilespmem:v8+s9+$0x0], $0xffff  }
0x213: {  	v1 =	vadd.f32 v2, v1;
	v2 =	vmul.f32 v9, v5;
	v5 =	vld.idx.msk [tilespmem:v11+s8+$0x0], $0xffff;
	v9 =	vor.u32 v31, v63  }
0x214: {  	v11 =	vor.u32 v32, v62;
	v10 =	vld.idx.msk [tilespmem:v10+s9+$0x0], $0xffff  }
0x215: {  	v1 =	vadd.f32 v2, v1;
	v2 =	vmul.f32 v6, v3;
	v3 =	vld.idx.msk [tilespmem:v12+s8+$0x0], $0xffff;
	v6 =	vor.u32 v32, v63  }
0x216: {  	v12 =	vor.u32 v33, v62;
	v7 =	vld.idx.msk [tilespmem:v7+s9+$0x0], $0xffff  }
0x217: {  	v1 =	vadd.f32 v2, v1;
	v2 =	vmul.f32 v8, v4;
	v4 =	vld.idx.msk [tilespmem:v13+s8+$0x0], $0xffff;
	v8 =	vor.u32 v33, v63  }
0x218: {  	v13 =	vor.u32 v34, v62;
	v9 =	vld.idx.msk [tilespmem:v9+s9+$0x0], $0xffff  }
0x219: {  	v1 =	vadd.f32 v2, v1;
	v2 =	vmul.f32 v10, v5;
	v5 =	vld.idx.msk [tilespmem:v11+s8+$0x0], $0xffff;
	v10 =	vor.u32 v34, v63  }
0x21a: {  	v11 =	vor.u32 v35, v62;
	v6 =	vld.idx.msk [tilespmem:v6+s9+$0x0], $0xffff  }
0x21b: {  	v1 =	vadd.f32 v2, v1;
	v2 =	vmul.f32 v7, v3;
	v3 =	vld.idx.msk [tilespmem:v12+s8+$0x0], $0xffff;
	v7 =	vor.u32 v35, v63  }
0x21c: {  	v12 =	vor.u32 v36, v62;
	v8 =	vld.idx.msk [tilespmem:v8+s9+$0x0], $0xffff  }
0x21d: {  	v1 =	vadd.f32 v2, v1;
	v2 =	vmul.f32 v9, v4;
	v4 =	vld.idx.msk [tilespmem:v13+s8+$0x0], $0xffff;
	v9 =	vor.u32 v36, v63  }
0x21e: {  	v13 =	vor.u32 v37, v62;
	v10 =	vld.idx.msk [tilespmem:v10+s9+$0x0], $0xffff  }
0x21f: {  	v1 =	vadd.f32 v2, v1;
	v2 =	vmul.f32 v6, v5;
	v5 =	vld.idx.msk [tilespmem:v11+s8+$0x0], $0xffff;
	v6 =	vor.u32 v37, v63  }
0x220: {  	v11 =	vor.u32 v38, v62;
	v7 =	vld.idx.msk [tilespmem:v7+s9+$0x0], $0xffff  }
0x221: {  	v1 =	vadd.f32 v2, v1;
	v2 =	vmul.f32 v8, v3;
	v3 =	vld.idx.msk [tilespmem:v12+s8+$0x0], $0xffff;
	v8 =	vor.u32 v38, v63  }
0x222: {  	v12 =	vor.u32 v39, v62;
	v9 =	vld.idx.msk [tilespmem:v9+s9+$0x0], $0xffff  }
0x223: {  	v1 =	vadd.f32 v2, v1;
	v2 =	vmul.f32 v10, v4;
	v4 =	vld.idx.msk [tilespmem:v13+s8+$0x0], $0xffff;
	v10 =	vor.u32 v39, v63  }
0x224: {  	v13 =	vor.u32 v40, v62;
	v6 =	vld.idx.msk [tilespmem:v6+s9+$0x0], $0xffff  }
0x225: {  	v1 =	vadd.f32 v2, v1;
	v2 =	vmul.f32 v7, v5;
	v5 =	vld.idx.msk [tilespmem:v11+s8+$0x0], $0xffff;
	v7 =	vor.u32 v40, v63  }
0x226: {  	v11 =	vor.u32 v41, v62;
	v8 =	vld.idx.msk [tilespmem:v8+s9+$0x0], $0xffff  }
0x227: {  	v1 =	vadd.f32 v2, v1;
	v2 =	vmul.f32 v9, v3;
	v3 =	vld.idx.msk [tilespmem:v12+s8+$0x0], $0xffff;
	v9 =	vor.u32 v41, v63  }
0x228: {  	v12 =	vor.u32 v42, v62;
	v10 =	vld.idx.msk [tilespmem:v10+s9+$0x0], $0xffff  }
0x229: {  	v1 =	vadd.f32 v2, v1;
	v2 =	vmul.f32 v6, v4;
	v4 =	vld.idx.msk [tilespmem:v13+s8+$0x0], $0xffff;
	v6 =	vor.u32 v42, v63  }
0x22a: {  	v13 =	vor.u32 v43, v62;
	v7 =	vld.idx.msk [tilespmem:v7+s9+$0x0], $0xffff  }
0x22b: {  	v1 =	vadd.f32 v2, v1;
	v2 =	vmul.f32 v8, v5;
	v5 =	vld.idx.msk [tilespmem:v11+s8+$0x0], $0xffff;
	v8 =	vor.u32 v43, v63  }
0x22c: {  	v11 =	vor.u32 v44, v62;
	v9 =	vld.idx.msk [tilespmem:v9+s9+$0x0], $0xffff  }
0x22d: {  	v1 =	vadd.f32 v2, v1;
	v2 =	vmul.f32 v10, v3;
	v3 =	vld.idx.msk [tilespmem:v12+s8+$0x0], $0xffff;
	v10 =	vor.u32 v44, v63  }
0x22e: {  	v12 =	vor.u32 v45, v62;
	v6 =	vld.idx.msk [tilespmem:v6+s9+$0x0], $0xffff  }
0x22f: {  	v1 =	vadd.f32 v2, v1;
	v2 =	vmul.f32 v7, v4;
	v4 =	vld.idx.msk [tilespmem:v13+s8+$0x0], $0xffff;
	v7 =	vor.u32 v45, v63  }
0x230: {  	v13 =	vor.u32 v46, v62;
	v8 =	vld.idx.msk [tilespmem:v8+s9+$0x0], $0xffff  }
0x231: {  	v1 =	vadd.f32 v2, v1;
	v2 =	vmul.f32 v9, v5;
	v5 =	vld.idx.msk [tilespmem:v11+s8+$0x0], $0xffff;
	v9 =	vor.u32 v46, v63  }
0x232: {  	v11 =	vor.u32 v47, v62;
	v10 =	vld.idx.msk [tilespmem:v10+s9+$0x0], $0xffff  }
0x233: {  	v1 =	vadd.f32 v2, v1;
	v2 =	vmul.f32 v6, v3;
	v3 =	vld.idx.msk [tilespmem:v12+s8+$0x0], $0xffff;
	v6 =	vor.u32 v47, v63  }
0x234: {  	v12 =	vor.u32 v48, v62;
	v7 =	vld.idx.msk [tilespmem:v7+s9+$0x0], $0xffff  }
0x235: {  	v1 =	vadd.f32 v2, v1;
	v2 =	vmul.f32 v8, v4;
	v4 =	vld.idx.msk [tilespmem:v13+s8+$0x0], $0xffff;
	v8 =	vor.u32 v48, v63  }
0x236: {  	v13 =	vor.u32 v49, v62;
	v9 =	vld.idx.msk [tilespmem:v9+s9+$0x0], $0xffff  }
0x237: {  	v1 =	vadd.f32 v2, v1;
	v2 =	vmul.f32 v10, v5;
	v5 =	vld.idx.msk [tilespmem:v11+s8+$0x0], $0xffff;
	v10 =	vor.u32 v49, v63  }
0x238: {  	v11 =	vor.u32 v50, v62;
	v6 =	vld.idx.msk [tilespmem:v6+s9+$0x0], $0xffff  }
0x239: {  	v1 =	vadd.f32 v2, v1;
	v2 =	vmul.f32 v7, v3;
	v3 =	vld.idx.msk [tilespmem:v12+s8+$0x0], $0xffff;
	v7 =	vor.u32 v50, v63  }
0x23a: {  	v12 =	vor.u32 v51, v62;
	v8 =	vld.idx.msk [tilespmem:v8+s9+$0x0], $0xffff  }
0x23b: {  	v1 =	vadd.f32 v2, v1;
	v2 =	vmul.f32 v9, v4;
	v4 =	vld.idx.msk [tilespmem:v13+s8+$0x0], $0xffff;
	v9 =	vor.u32 v51, v63  }
0x23c: {  	v13 =	vor.u32 v52, v62;
	v10 =	vld.idx.msk [tilespmem:v10+s9+$0x0], $0xffff  }
0x23d: {  	v1 =	vadd.f32 v2, v1;
	v2 =	vmul.f32 v6, v5;
	v5 =	vld.idx.msk [tilespmem:v11+s8+$0x0], $0xffff;
	v6 =	vor.u32 v52, v63  }
0x23e: {  	v11 =	vor.u32 v53, v62;
	v7 =	vld.idx.msk [tilespmem:v7+s9+$0x0], $0xffff  }
0x23f: {  	v1 =	vadd.f32 v2, v1;
	v2 =	vmul.f32 v8, v3;
	v3 =	vld.idx.msk [tilespmem:v12+s8+$0x0], $0xffff;
	v8 =	vor.u32 v53, v63  }
0x240: {  	v12 =	vor.u32 v54, v62;
	v9 =	vld.idx.msk [tilespmem:v9+s9+$0x0], $0xffff  }
0x241: {  	v1 =	vadd.f32 v2, v1;
	v2 =	vmul.f32 v10, v4;
	v4 =	vld.idx.msk [tilespmem:v13+s8+$0x0], $0xffff;
	v10 =	vor.u32 v54, v63  }
0x242: {  	v13 =	vor.u32 v55, v62;
	v6 =	vld.idx.msk [tilespmem:v6+s9+$0x0], $0xffff  }
0x243: {  	v1 =	vadd.f32 v2, v1;
	v2 =	vmul.f32 v7, v5;
	v5 =	vld.idx.msk [tilespmem:v11+s8+$0x0], $0xffff;
	v7 =	vor.u32 v55, v63  }
0x244: {  	v11 =	vor.u32 v56, v62;
	v8 =	vld.idx.msk [tilespmem:v8+s9+$0x0], $0xffff  }
0x245: {  	v1 =	vadd.f32 v2, v1;
	v2 =	vmul.f32 v9, v3;
	v3 =	vld.idx.msk [tilespmem:v12+s8+$0x0], $0xffff;
	v9 =	vor.u32 v56, v63  }
0x246: {  	v10 =	vld.idx.msk [tilespmem:v10+s9+$0x0], $0xffff  }
0x247: {  	v1 =	vadd.f32 v2, v1;
	v2 =	vmul.f32 v6, v4;
	v4 =	vld.idx.msk [tilespmem:v13+s8+$0x0], $0xffff;
	v6 =	vor.u32 v57, v62  }
0x248: {  	v12 =	vor.u32 v57, v63;
	v7 =	vld.idx.msk [tilespmem:v7+s9+$0x0], $0xffff  }
0x249: {  	v1 =	vadd.f32 v2, v1;
	v2 =	vmul.f32 v8, v5;
	v5 =	vld.idx.msk [tilespmem:v11+s8+$0x0], $0xffff;
	v8 =	vor.u32 v58, v62  }
0x24a: {  	v11 =	vor.u32 v58, v63;
	v9 =	vld.idx.msk [tilespmem:v9+s9+$0x0], $0xffff  }
0x24b: {  	v1 =	vadd.f32 v2, v1;
	v2 =	vmul.f32 v10, v3;
	v3 =	vor.u32 v59, v62  }
0x24c: {  	v10 =	vor.u32 v59, v63;
	v6 =	vld.idx.msk [tilespmem:v6+s8+$0x0], $0xffff  }
0x24d: {  	v1 =	vadd.f32 v2, v1;
	v2 =	vmul.f32 v7, v4;
	v4 =	vld.idx.msk [tilespmem:v12+s9+$0x0], $0xffff;
	v7 =	vor.u32 v60, v62  }
0x24e: {  	v12 =	vor.u32 v60, v63;
	v8 =	vld.idx.msk [tilespmem:v8+s8+$0x0], $0xffff  }
0x24f: {  	v1 =	vadd.f32 v2, v1;
	v2 =	vmul.f32 v9, v5;
	v5 =	vld.idx.msk [tilespmem:v11+s9+$0x0], $0xffff;
	v9 =	vor.u32 v61, v62  }
0x250: {  	v13 =	vor.u32 $0x3E, v0;
	v11 =	vor.u32 v61, v63;
	v3 =	vld.idx.msk [tilespmem:v3+s8+$0x0], $0xffff  }
0x251: {  	v1 =	vadd.f32 v2, v1;
	v2 =	vld.idx.msk [tilespmem:v10+s9+$0x0], $0xffff;
	v10 =	vor.u32 v13, v62  }
0x252: {  	v4 =	vmul.f32 v4, v6;
	v6 =	vld.idx.msk [tilespmem:v7+s8+$0x0], $0xffff;
	v7 =	vor.u32 v13, v63;
	v13 =	vor.u32 $0x3F, v0  }
0x253: {  	v12 =	vld.idx.msk [tilespmem:v12+s9+$0x0], $0xffff;
	v62 =	vor.u32 v13, v62  }
0x254: {  	v1 =	vadd.f32 v4, v1;
	v4 =	vmul.f32 v5, v8;
	v5 =	vor.u32 v13, v63;
	v8 =	vld.idx.msk [tilespmem:v9+s8+$0x0], $0xffff  }
0x255: {  	v9 =	vld.idx.msk [tilespmem:v11+s9+$0x0], $0xffff  }
0x256: {  	v1 =	vadd.f32 v4, v1;
	v2 =	vmul.f32 v2, v3;
	v3 =	vld.idx.msk [tilespmem:v10+s8+$0x0], $0xffff  }
0x257: {  	v11 =	vld.idx.msk [tilespmem:v7+s9+$0x0], $0xffff  }
0x258: {  	v1 =	vadd.f32 v2, v1;
	v2 =	vmul.f32 v12, v6;
	v63 =	vld.idx.msk [tilespmem:v62+s8+$0x0], $0xffff  }
0x259: {  	v5 =	vld.idx.msk [tilespmem:v5+s9+$0x0], $0xffff  }
0x25a: {  	v1 =	vadd.f32 v2, v1;
	v2 =	vmul.f32 v9, v8;
	_ =	sdelay $0x1  }
0x25b: {  	v1 =	vadd.f32 v2, v1;
	v2 =	vmul.f32 v11, v3;
	_ =	sdelay $0x1  }
0x25c: {  	v1 =	vadd.f32 v2, v1;
	v2 =	vmul.f32 v5, v63;
	_ =	sdelay $0x1  }
0x25d: {  	v1 =	vadd.f32 v2, v1  }
0x25e: {  	s25 =	sshra.s32 s21, $0x2  }
0x25f: {  	[tilespmem:s25+$0x10400] =	vst v1  }
0x260: {  	p0 =	seq.s32 s22, $0x1E0;
	_ =	swait.ge [sflag:s20], $0x4000  }
.Ltmp4:
0x261: {  	[sflag:s20] =	ssyncset.done $0x0;
	(pc) =	sbr.rel @p0 .LBB2_4-.Ltmp4, $4  }
0x262: {  	[sflag:s20] =	ssyncadd.s32 $0xFFFFC000  }
0x263: {  	_ =	swait.ge [sflag:s20], $0x4000  }
0x264: {  	[sflag:s20] =	ssyncset.done $0x0  }
0x265: {  	[sflag:s20] =	ssyncadd.s32 $0xFFFFC000  }
0x266: {  	s26 =	sadd.s32 $0x80, s21  }
0x267: {  	s28 =	sadd.s32 $0x20, s22;
	s26 =	sand.u32 $0xE00, s26  }
0x268: {  	s28 =	sand.u32 $0x60, s28;
	s26 =	sshrl.u32 s26, $0x2  }
0x269: {  	s26 =	sor.u32 s28, s26  }
0x26a: {  	v1 =	vld [tilespmem:s26+$0x0];
	_ =	sdelay $0x1  }
0x26b: {  	v2 =	vld [tilespmem:s26+$0x200];
	_ =	sdelay $0x2  }
0x26c: {  	v1 =	vshrl.u32 v1, $0x3  }
0x26d: {  	v63 =	vshll.u32 v1, $0x7  }
0x26e: {  	v1 =	vshrl.u32 v2, $0x3;
	(v2sf) =	vpush v63, $0x0  }
0x26f: {  	v62 =	vshll.u32 v1, $0x7  }
0x270: {  	(v2sf) =	vpush v62, $0x0;
	_ =	sdelay $0x2  }
0x271: {  	(v2sf) =	vpush v63, $0x1;
	_ =	sdelay $0x2  }
0x272: {  	(v2sf) =	vpush v62, $0x1;
	_ =	sdelay $0x6  }
0x273: {  	s28 =	spop (v2sf);
	(v2sf) =	vpush v63, $0x2;
	_ =	sdelay $0x1  }
0x274: {  	s26 =	sand.u32 $0x1FFFFF80, s28;
	s29 =	spop (v2sf);
	(v2sf) =	vpush v62, $0x2  }
0x275: {  	s26 =	sadd.s32 s3, s26  }
0x276: {  	[tilespmem:s8], [sflag:$0x1] =	stream.linear.gather [hbm4b:s26+s2], $0x400, $0x38;
	[tilespmem:$0x10600] =	vst v63  }
0x277: {  	s28 =	spop (v2sf);
	(v2sf) =	vpush v63, $0x3;
	s26 =	sand.u32 $0x1FFFFF80, s29  }
0x278: {  	s26 =	sadd.s32 s3, s26  }
0x279: {  	[tilespmem:s9], [sflag:$0x1] =	stream.linear.gather [hbm4b:s26+s2], $0x400, $0x38;
	[tilespmem:$0x10600] =	vst v63  }
0x27a: {  	s26 =	sand.u32 $0x1FFFFF80, s28;
	s28 =	spop (v2sf);
	(v2sf) =	vpush v62, $0x3;
	_ =	sdelay $0x3  }
0x27b: {  	s29 =	simm.s32 $0x800;
	s26 =	sadd.s32 s3, s26  }
0x27c: {  	[tilespmem:s29], [sflag:$0x1] =	stream.linear.gather [hbm4b:s26+s2], $0x400, $0x38;
	[tilespmem:$0x10600] =	vst v63  }
0x27d: {  	s26 =	sand.u32 $0x1FFFFF80, s28  }
0x27e: {  	s29 =	simm.s32 $0x8800;
	s26 =	sadd.s32 s3, s26;
	s28 =	spop (v2sf);
	(v2sf) =	vpush v63, $0x4  }
0x27f: {  	[tilespmem:s29], [sflag:$0x1] =	stream.linear.gather [hbm4b:s26+s2], $0x400, $0x38;
	[tilespmem:$0x10600] =	vst v63  }
0x280: {  	s26 =	sand.u32 $0x1FFFFF80, s28;
	s28 =	spop (v2sf);
	(v2sf) =	vpush v62, $0x4  }
0x281: {  	s29 =	simm.s32 $0xC00;
	s26 =	sadd.s32 s3, s26  }
0x282: {  	[tilespmem:s29], [sflag:$0x1] =	stream.linear.gather [hbm4b:s26+s2], $0x400, $0x38;
	[tilespmem:$0x10600] =	vst v63  }
0x283: {  	s26 =	sand.u32 $0x1FFFFF80, s28;
	s28 =	spop (v2sf);
	(v2sf) =	vpush v63, $0x5  }
0x284: {  	s29 =	simm.s32 $0x8C00;
	s26 =	sadd.s32 s3, s26  }
0x285: {  	[tilespmem:s29], [sflag:$0x1] =	stream.linear.gather [hbm4b:s26+s2], $0x400, $0x38;
	[tilespmem:$0x10600] =	vst v63  }
0x286: {  	s26 =	sand.u32 $0x1FFFFF80, s28;
	s28 =	spop (v2sf);
	(v2sf) =	vpush v62, $0x5;
	_ =	sdelay $0x3  }
0x287: {  	s29 =	simm.s32 $0x1000;
	s26 =	sadd.s32 s3, s26  }
0x288: {  	[tilespmem:s29], [sflag:$0x1] =	stream.linear.gather [hbm4b:s26+s2], $0x400, $0x38;
	[tilespmem:$0x10600] =	vst v63  }
0x289: {  	s26 =	sand.u32 $0x1FFFFF80, s28  }
0x28a: {  	s29 =	simm.s32 $0x9000;
	s26 =	sadd.s32 s3, s26;
	s28 =	spop (v2sf);
	(v2sf) =	vpush v63, $0x6  }
0x28b: {  	[tilespmem:s29], [sflag:$0x1] =	stream.linear.gather [hbm4b:s26+s2], $0x400, $0x38;
	[tilespmem:$0x10600] =	vst v63  }
0x28c: {  	s26 =	sand.u32 $0x1FFFFF80, s28;
	s28 =	spop (v2sf);
	(v2sf) =	vpush v62, $0x6  }
0x28d: {  	s29 =	simm.s32 $0x1400;
	s26 =	sadd.s32 s3, s26  }
0x28e: {  	[tilespmem:s29], [sflag:$0x1] =	stream.linear.gather [hbm4b:s26+s2], $0x400, $0x38;
	[tilespmem:$0x10600] =	vst v63  }
0x28f: {  	s26 =	sand.u32 $0x1FFFFF80, s28;
	s28 =	spop (v2sf);
	(v2sf) =	vpush v63, $0x7  }
0x290: {  	s29 =	simm.s32 $0x9400;
	s26 =	sadd.s32 s3, s26  }
0x291: {  	[tilespmem:s29], [sflag:$0x1] =	stream.linear.gather [hbm4b:s26+s2], $0x400, $0x38;
	[tilespmem:$0x10600] =	vst v63  }
0x292: {  	s26 =	sand.u32 $0x1FFFFF80, s28;
	s28 =	spop (v2sf);
	(v2sf) =	vpush v62, $0x7;
	_ =	sdelay $0x3  }
0x293: {  	s29 =	simm.s32 $0x1800;
	s26 =	sadd.s32 s3, s26  }
0x294: {  	[tilespmem:s29], [sflag:$0x1] =	stream.linear.gather [hbm4b:s26+s2], $0x400, $0x38;
	[tilespmem:$0x10600] =	vst v63  }
0x295: {  	s26 =	sand.u32 $0x1FFFFF80, s28  }
0x296: {  	s29 =	simm.s32 $0x9800;
	s26 =	sadd.s32 s3, s26;
	s28 =	spop (v2sf);
	(v2sf) =	vpush v63, $0x8  }
0x297: {  	[tilespmem:s29], [sflag:$0x1] =	stream.linear.gather [hbm4b:s26+s2], $0x400, $0x38;
	[tilespmem:$0x10600] =	vst v63  }
0x298: {  	s26 =	sand.u32 $0x1FFFFF80, s28;
	s28 =	spop (v2sf);
	(v2sf) =	vpush v62, $0x8  }
0x299: {  	s29 =	simm.s32 $0x1C00;
	s26 =	sadd.s32 s3, s26  }
0x29a: {  	[tilespmem:s29], [sflag:$0x1] =	stream.linear.gather [hbm4b:s26+s2], $0x400, $0x38;
	[tilespmem:$0x10600] =	vst v63  }
0x29b: {  	s26 =	sand.u32 $0x1FFFFF80, s28;
	s28 =	spop (v2sf);
	(v2sf) =	vpush v63, $0x9  }
0x29c: {  	s29 =	simm.s32 $0x9C00;
	s26 =	sadd.s32 s3, s26  }
0x29d: {  	[tilespmem:s29], [sflag:$0x1] =	stream.linear.gather [hbm4b:s26+s2], $0x400, $0x38;
	[tilespmem:$0x10600] =	vst v63  }
0x29e: {  	s26 =	sand.u32 $0x1FFFFF80, s28;
	s28 =	spop (v2sf);
	(v2sf) =	vpush v62, $0x9;
	_ =	sdelay $0x3  }
0x29f: {  	s29 =	simm.s32 $0x2000;
	s26 =	sadd.s32 s3, s26  }
0x2a0: {  	[tilespmem:s29], [sflag:$0x1] =	stream.linear.gather [hbm4b:s26+s2], $0x400, $0x38;
	[tilespmem:$0x10600] =	vst v63  }
0x2a1: {  	s26 =	sand.u32 $0x1FFFFF80, s28  }
0x2a2: {  	s29 =	simm.s32 $0xA000;
	s26 =	sadd.s32 s3, s26;
	s28 =	spop (v2sf);
	(v2sf) =	vpush v63, $0xA  }
0x2a3: {  	[tilespmem:s29], [sflag:$0x1] =	stream.linear.gather [hbm4b:s26+s2], $0x400, $0x38;
	[tilespmem:$0x10600] =	vst v63  }
0x2a4: {  	s26 =	sand.u32 $0x1FFFFF80, s28;
	s28 =	spop (v2sf);
	(v2sf) =	vpush v62, $0xA  }
0x2a5: {  	s29 =	simm.s32 $0x2400;
	s26 =	sadd.s32 s3, s26  }
0x2a6: {  	[tilespmem:s29], [sflag:$0x1] =	stream.linear.gather [hbm4b:s26+s2], $0x400, $0x38;
	[tilespmem:$0x10600] =	vst v63  }
0x2a7: {  	s26 =	sand.u32 $0x1FFFFF80, s28;
	s28 =	spop (v2sf);
	(v2sf) =	vpush v63, $0xB  }
0x2a8: {  	s29 =	simm.s32 $0xA400;
	s26 =	sadd.s32 s3, s26  }
0x2a9: {  	[tilespmem:s29], [sflag:$0x1] =	stream.linear.gather [hbm4b:s26+s2], $0x400, $0x38;
	[tilespmem:$0x10600] =	vst v63  }
0x2aa: {  	s26 =	sand.u32 $0x1FFFFF80, s28;
	s28 =	spop (v2sf);
	(v2sf) =	vpush v62, $0xB;
	_ =	sdelay $0x3  }
0x2ab: {  	s29 =	simm.s32 $0x2800;
	s26 =	sadd.s32 s3, s26  }
0x2ac: {  	[tilespmem:s29], [sflag:$0x1] =	stream.linear.gather [hbm4b:s26+s2], $0x400, $0x38;
	[tilespmem:$0x10600] =	vst v63  }
0x2ad: {  	s26 =	sand.u32 $0x1FFFFF80, s28  }
0x2ae: {  	s29 =	simm.s32 $0xA800;
	s26 =	sadd.s32 s3, s26;
	s28 =	spop (v2sf);
	(v2sf) =	vpush v63, $0xC  }
0x2af: {  	[tilespmem:s29], [sflag:$0x1] =	stream.linear.gather [hbm4b:s26+s2], $0x400, $0x38;
	[tilespmem:$0x10600] =	vst v63  }
0x2b0: {  	s26 =	sand.u32 $0x1FFFFF80, s28;
	s28 =	spop (v2sf);
	(v2sf) =	vpush v62, $0xC  }
0x2b1: {  	s29 =	simm.s32 $0x2C00;
	s26 =	sadd.s32 s3, s26  }
0x2b2: {  	[tilespmem:s29], [sflag:$0x1] =	stream.linear.gather [hbm4b:s26+s2], $0x400, $0x38;
	[tilespmem:$0x10600] =	vst v63  }
0x2b3: {  	s26 =	sand.u32 $0x1FFFFF80, s28;
	s28 =	spop (v2sf);
	(v2sf) =	vpush v63, $0xD  }
0x2b4: {  	s29 =	simm.s32 $0xAC00;
	s26 =	sadd.s32 s3, s26  }
0x2b5: {  	[tilespmem:s29], [sflag:$0x1] =	stream.linear.gather [hbm4b:s26+s2], $0x400, $0x38;
	[tilespmem:$0x10600] =	vst v63  }
0x2b6: {  	s26 =	sand.u32 $0x1FFFFF80, s28;
	s28 =	spop (v2sf);
	(v2sf) =	vpush v62, $0xD;
	_ =	sdelay $0x3  }
0x2b7: {  	s29 =	simm.s32 $0x3000;
	s26 =	sadd.s32 s3, s26  }
0x2b8: {  	[tilespmem:s29], [sflag:$0x1] =	stream.linear.gather [hbm4b:s26+s2], $0x400, $0x38;
	[tilespmem:$0x10600] =	vst v63  }
0x2b9: {  	s26 =	sand.u32 $0x1FFFFF80, s28  }
0x2ba: {  	s29 =	simm.s32 $0xB000;
	s26 =	sadd.s32 s3, s26;
	s28 =	spop (v2sf);
	(v2sf) =	vpush v63, $0xE  }
0x2bb: {  	[tilespmem:s29], [sflag:$0x1] =	stream.linear.gather [hbm4b:s26+s2], $0x400, $0x38;
	[tilespmem:$0x10600] =	vst v63  }
0x2bc: {  	s26 =	sand.u32 $0x1FFFFF80, s28;
	s28 =	spop (v2sf);
	(v2sf) =	vpush v62, $0xE  }
0x2bd: {  	s29 =	simm.s32 $0x3400;
	s26 =	sadd.s32 s3, s26  }
0x2be: {  	[tilespmem:s29], [sflag:$0x1] =	stream.linear.gather [hbm4b:s26+s2], $0x400, $0x38;
	[tilespmem:$0x10600] =	vst v63  }
0x2bf: {  	s26 =	sand.u32 $0x1FFFFF80, s28;
	s28 =	spop (v2sf);
	(v2sf) =	vpush v63, $0xF  }
0x2c0: {  	s29 =	simm.s32 $0xB400;
	s26 =	sadd.s32 s3, s26  }
0x2c1: {  	[tilespmem:s29], [sflag:$0x1] =	stream.linear.gather [hbm4b:s26+s2], $0x400, $0x38;
	[tilespmem:$0x10600] =	vst v63  }
0x2c2: {  	s26 =	sand.u32 $0x1FFFFF80, s28;
	s28 =	spop (v2sf);
	(v2sf) =	vpush v62, $0xF;
	_ =	sdelay $0x1  }
0x2c3: {  	s29 =	simm.s32 $0x3800;
	s26 =	sadd.s32 s3, s26  }
0x2c4: {  	[tilespmem:s29], [sflag:$0x1] =	stream.linear.gather [hbm4b:s26+s2], $0x400, $0x38;
	[tilespmem:$0x10600] =	vst v63  }
0x2c5: {  	s26 =	sand.u32 $0x1FFFFF80, s28  }
0x2c6: {  	s29 =	simm.s32 $0xB800;
	s26 =	sadd.s32 s3, s26  }
0x2c7: {  	[tilespmem:s29], [sflag:$0x1] =	stream.linear.gather [hbm4b:s26+s2], $0x400, $0x38;
	[tilespmem:$0x10600] =	vst v63  }
0x2c8: {  	s28 =	spop (v2sf)  }
0x2c9: {  	s26 =	sand.u32 $0x1FFFFF80, s28  }
0x2ca: {  	s29 =	simm.s32 $0x3C00;
	s28 =	spop (v2sf);
	s26 =	sadd.s32 s3, s26  }
0x2cb: {  	[tilespmem:s29], [sflag:$0x1] =	stream.linear.gather [hbm4b:s26+s2], $0x400, $0x38;
	[tilespmem:$0x10600] =	vst v63  }
0x2cc: {  	s26 =	sand.u32 $0x1FFFFF80, s28  }
0x2cd: {  	s29 =	simm.s32 $0xBC00;
	s28 =	spop (v2sf);
	s26 =	sadd.s32 s3, s26  }
0x2ce: {  	[tilespmem:s29], [sflag:$0x1] =	stream.linear.gather [hbm4b:s26+s2], $0x400, $0x38;
	[tilespmem:$0x10600] =	vst v63  }
0x2cf: {  	s26 =	sand.u32 $0x1FFFFF80, s28;
	s29 =	simm.s32 $0x4000  }
.Ltmp5:
0x2d0: {  	s28 =	spop (v2sf);
	s26 =	sadd.s32 s3, s26;
	(pc) =	sbr.rel .LBB2_4-.Ltmp5, $4  }
0x2d1: {  	[tilespmem:s29], [sflag:$0x1] =	stream.linear.gather [hbm4b:s26+s2], $0x400, $0x38;
	[tilespmem:$0x10600] =	vst v63  }
0x2d2: {  	s26 =	sand.u32 $0x1FFFFF80, s28  }
0x2d3: {  	s29 =	simm.s32 $0xC000;
	s26 =	sadd.s32 s3, s26  }
0x2d4: {  	[tilespmem:s29], [sflag:$0x1] =	stream.linear.gather [hbm4b:s26+s2], $0x400, $0x38;
	[tilespmem:$0x10600] =	vst v63  }
.LBB2_6:
0x2d5: {  	_ =	sfence.sel $0x180000  }
0x2d6: {  	[bflag:$0x0] =	sbarrier.arrive $0xFFFF  }
0x2d7: {  	_ =	strace $0x90000047  }
0x2d8: {  	s0 =	stileid.u32;
	[bflag:$0x2] =	sbarrier.arrive $0xFFFF  }
0x2d9: {  	p0 =	sne.s32 s0, $0x0;
	s0 =	rddreg [dreg:$0x2]  }
0x2da: {  	s0 =	sadd.s32 @!p0 $0x100000, s0  }
0x2db: {  	[sflag:s0] =	ssyncadd.tile.s32 @!p0 $0x1;
	_ =	shalt  }
.Lfunc_end2:
_tile_overlayer_lowered:
.L_overlay_start_2:
0x2dc: {  	(tag) =	ssettag $0x2  }
0x2dd: {  	s0 =	rddreg [dreg:$0x0];
	s2 =	stileid.u32  }
0x2de: {  	s1 =	rddreg [dreg:$0x1];
	p0 =	sne.s32 s2, $0x0  }
0x2df: {  	s3 =	rddreg [dreg:$0x2];
	[bflag:$0x3] =	sbarrier.arrive $0xFFFF;
	s2 =	simm.s32 @!p0 $0x1C03  }
0x2e0: {  	[timem:s3], [sflag:s2] =	dma.local @!p0 [hbm:s0], s1  }
0x2e1: {  	s0 =	simm.s32 @!p0 $0x3  }
0x2e2: {  	_ =	swait.ge @!p0 [sflag:s0], s1  }
0x2e3: {  	s1 =	ssub.s32 @!p0 $0x0, s1;
	[sflag:s0] =	ssyncset.done @!p0 $0x0  }
0x2e4: {  	[sflag:s0] =	ssyncadd.s32 @!p0 s1  }
0x2e5: {  	[bflag:$0x3] =	sbarrier.arrive $0xFFFF  }
0x2e6: {  	_ =	shalt  }

</sc_bundles>
